<compile_context>
chip_gen: v7x
topology: tpu7x:2x2x1
jax: 0.10.2.dev20260603
libtpu: 0.0.44.dev20260713+nightly
codegen_flags: <defaults>
</compile_context>

<pallas_src>
import functools

import jax
import jax.numpy as jnp
from jax import lax
from jax.experimental import pallas as pl
from jax.experimental.pallas import tpu as pltpu
from jax.experimental.pallas import tpu_sc as plsc

N_NODES = 10000
N_PAD = 10240
D = 128
N_GRAPHS = 32
N_CLS = 10
N_EDGES = 320000

NC = 2
NS = 16
L = 16
NW = NC * NS
EPT = N_EDGES // NW
KB = 80
NB = EPT // KB
RPT = N_PAD // NS


DEG_Q = 25


def _deg_body(row1d, out, slab, ones_v, zb, acc, semd):
    c = lax.axis_index("c")
    s = lax.axis_index("s")
    wid = c * NS + s

    ones_v[...] = jnp.ones((L,), jnp.float32)
    zero16 = jnp.zeros((L,), jnp.float32)

    def fill_zero(i, carry):
        zb[pl.ds(i * L, L)] = zero16
        return carry

    lax.fori_loop(0, RPT // L, fill_zero, 0)
    pltpu.sync_copy(zb, acc.at[pl.ds(s * RPT, RPT)])
    pltpu.sync_copy(row1d.at[pl.ds(wid * EPT, EPT)], slab)
    plsc.subcore_barrier()

    def scat(i, carry):
        descs = []
        for u in range(DEG_Q):
            idx = slab[pl.ds((i * DEG_Q + u) * L, L)]
            descs.append(pltpu.async_copy(ones_v, acc.at[idx], semd, add=True))
        for dd in descs:
            dd.wait()
        return carry

    lax.fori_loop(0, EPT // (L * DEG_Q), scat, 0)
    plsc.subcore_barrier()
    pltpu.sync_copy(acc.at[pl.ds(s * RPT, RPT)], zb)
    pltpu.sync_copy(zb, out.at[c, pl.ds(s * RPT, RPT)])


@functools.cache
def _deg_call():
    return pl.kernel(
        _deg_body,
        out_type=jax.ShapeDtypeStruct((NC, N_PAD), jnp.float32),
        mesh=plsc.VectorSubcoreMesh(core_axis_name="c", subcore_axis_name="s"),
        scratch_types=[
            pltpu.VMEM((EPT,), jnp.int32),
            pltpu.VMEM((L,), jnp.float32),
            pltpu.VMEM((RPT,), jnp.float32),
            pltpu.VMEM_SHARED((N_PAD,), jnp.float32),
            pltpu.SemaphoreType.DMA,
        ],
    )


NB_MAIN = (NB - 1) // 2 * 2


def _agg_body(col1d, row1d, ys, zeros_hbm, out,
              rslab, cbuf0, cbuf1, buf0, buf1, acc, semg0, semg1, sems):
    c = lax.axis_index("c")
    s = lax.axis_index("s")
    wid = c * NS + s
    base = wid * EPT

    pltpu.sync_copy(zeros_hbm, buf0)
    zdescs = [
        pltpu.async_copy(buf0, acc.at[pl.ds(s * RPT + k * KB, KB)], sems)
        for k in range(RPT // KB)
    ]
    for dd in zdescs:
        dd.wait()
    pltpu.sync_copy(row1d.at[pl.ds(base, EPT)], rslab)
    plsc.subcore_barrier()

    def load_idx(j, cb):
        pltpu.sync_copy(col1d.at[pl.ds(base + j * KB, KB)], cb)

    def scatter(buf, j):
        descs = []
        for t in range(KB // L):
            idx = rslab[pl.ds(j * KB + t * L, L)]
            descs.append(
                pltpu.async_copy(buf.at[pl.ds(t * L, L)], acc.at[idx], sems,
                                 add=True))
        for dd in descs:
            dd.wait()

    load_idx(0, cbuf0)
    pltpu.async_copy(ys.at[cbuf0], buf0, semg0)
    load_idx(1, cbuf1)

    def body(i, carry):
        j = i * 2
        pltpu.async_copy(ys.at[cbuf1], buf1, semg1)
        pltpu.make_async_copy(ys.at[pl.ds(0, KB)], buf0, semg0).wait()
        scatter(buf0, j)
        load_idx(j + 2, cbuf0)
        pltpu.async_copy(ys.at[cbuf0], buf0, semg0)
        pltpu.make_async_copy(ys.at[pl.ds(0, KB)], buf1, semg1).wait()
        scatter(buf1, j + 1)
        load_idx(j + 3, cbuf1)
        return carry

    lax.fori_loop(0, NB_MAIN // 2, body, 0)
    pltpu.make_async_copy(ys.at[pl.ds(0, KB)], buf0, semg0).wait()
    scatter(buf0, NB_MAIN)
    for jj in range(NB_MAIN + 1, NB):
        load_idx(jj, cbuf0)
        pltpu.async_copy(ys.at[cbuf0], buf0, semg0).wait()
        scatter(buf0, jj)
    plsc.subcore_barrier()

    wdescs = [None, None]
    for k in range(RPT // KB):
        b, sg = (buf0, semg0) if k % 2 == 0 else (buf1, semg1)
        if wdescs[k % 2] is not None:
            wdescs[k % 2].wait()
        pltpu.sync_copy(acc.at[pl.ds(s * RPT + k * KB, KB)], b)
        wdescs[k % 2] = pltpu.async_copy(
            b, out.at[c, pl.ds(s * RPT + k * KB, KB)], sg)
    wdescs[0].wait()
    wdescs[1].wait()


@functools.cache
def _agg_call():
    return pl.kernel(
        _agg_body,
        out_type=jax.ShapeDtypeStruct((NC, N_PAD, D), jnp.float32),
        mesh=plsc.VectorSubcoreMesh(core_axis_name="c", subcore_axis_name="s"),
        scratch_types=[
            pltpu.VMEM((EPT,), jnp.int32),
            pltpu.VMEM((KB,), jnp.int32),
            pltpu.VMEM((KB,), jnp.int32),
            pltpu.VMEM((KB, D), jnp.float32),
            pltpu.VMEM((KB, D), jnp.float32),
            pltpu.VMEM_SHARED((N_PAD, D), jnp.float32),
            pltpu.SemaphoreType.DMA,
            pltpu.SemaphoreType.DMA,
            pltpu.SemaphoreType.DMA,
        ],
    )


def _mm_body(x_ref, w1_ref, y_ref):
    y_ref[...] = lax.dot_general(
        x_ref[...], w1_ref[...], (((1,), (1,)), ((), ())),
        preferred_element_type=jnp.float32, precision=lax.Precision.HIGHEST,
    )


_mm_call = pl.pallas_call(
    _mm_body,
    out_shape=jax.ShapeDtypeStruct((N_NODES, D), jnp.float32),
)


def _pre_body(parts_ref, y_ref, ys_ref, dis_ref):
    p = parts_ref[...]
    d = p[0] + p[1]
    dis = lax.rsqrt(d)[:N_NODES]
    ys_ref[...] = y_ref[...] * dis
    dis_ref[...] = dis


_pre_call = pl.pallas_call(
    _pre_body,
    out_shape=[
        jax.ShapeDtypeStruct((N_NODES, D), jnp.float32),
        jax.ShapeDtypeStruct((N_NODES, 1), jnp.float32),
    ],
)


NBLK = N_NODES // 8


def _post_body(parts_ref, ys_ref, dis_ref, b1_ref, batch_ref, bblk_ref,
               kse_ref, w2_ref, b2_ref, out_ref, h_ref):
    p = parts_ref[...]
    agg = p[0, :N_NODES] + p[1, :N_NODES]
    total = (agg + ys_ref[...]) * dis_ref[...] + b1_ref[...]
    h = jnp.maximum(total, 0.0)
    h_ref[...] = h
    neg = jnp.float32(-jnp.inf)
    blk = jnp.max(h.reshape(NBLK, 8, D), axis=1)
    bblk = bblk_ref[...]
    g0 = bblk[:, :1]
    pure = g0 == bblk[:, 7:8]
    rows = []
    for g in range(N_GRAPHS):
        m = pure & (g0 == g)
        vg = jnp.max(jnp.where(m, blk, neg), axis=0, keepdims=True)
        for e in range(2):
            k8 = kse_ref[e, g] * 8
            hb = h_ref[pl.ds(k8, 8), :]
            bb = batch_ref[pl.ds(k8, 8), :]
            vb = jnp.max(jnp.where(bb == g, hb, neg), axis=0, keepdims=True)
            vg = jnp.maximum(vg, vb)
        rows.append(vg)
    pooled = jnp.concatenate(rows, axis=0)
    logits = lax.dot_general(
        pooled, w2_ref[...], (((1,), (1,)), ((), ())),
        preferred_element_type=jnp.float32, precision=lax.Precision.HIGHEST,
    )
    out_ref[...] = logits + b2_ref[...]


_post_call = pl.pallas_call(
    _post_body,
    in_specs=[
        pl.BlockSpec(memory_space=pltpu.MemorySpace.VMEM),
        pl.BlockSpec(memory_space=pltpu.MemorySpace.VMEM),
        pl.BlockSpec(memory_space=pltpu.MemorySpace.VMEM),
        pl.BlockSpec(memory_space=pltpu.MemorySpace.VMEM),
        pl.BlockSpec(memory_space=pltpu.MemorySpace.VMEM),
        pl.BlockSpec(memory_space=pltpu.MemorySpace.VMEM),
        pl.BlockSpec(memory_space=pltpu.MemorySpace.SMEM),
        pl.BlockSpec(memory_space=pltpu.MemorySpace.VMEM),
        pl.BlockSpec(memory_space=pltpu.MemorySpace.VMEM),
    ],
    out_shape=jax.ShapeDtypeStruct((N_GRAPHS, N_CLS), jnp.float32),
    scratch_shapes=[pltpu.VMEM((N_NODES, D), jnp.float32)],
)


def kernel(x, edge_index, batch, W1, b1, W2, b2):
    hbm = lambda a: pltpu.with_memory_space_constraint(a, pltpu.MemorySpace.HBM)
    row1d = hbm(edge_index[0])
    col1d = hbm(edge_index[1])
    y = _mm_call(x, W1)
    deg_parts = _deg_call()(row1d)
    ys, dis = _pre_call(deg_parts.reshape(NC, N_PAD, 1), y)
    agg_parts = _agg_call()(col1d, row1d, hbm(ys),
                            hbm(jnp.zeros((KB, D), jnp.float32)))
    gids = jnp.arange(N_GRAPHS, dtype=jnp.int32)
    ks = jnp.clip(jnp.searchsorted(batch, gids, side="left") // 8, 0, NBLK - 1)
    ke = jnp.clip((jnp.searchsorted(batch, gids, side="right") - 1) // 8,
                  0, NBLK - 1)
    kse = jnp.stack([ks, ke]).astype(jnp.int32)
    return _post_call(agg_parts, ys, dis, b1.reshape(1, D),
                      batch.reshape(N_NODES, 1), batch.reshape(NBLK, 8),
                      kse, W2, b2.reshape(1, N_CLS))

# --- scband reference (transcript-rebuilt; emitter-appended) ---
"""Pipeline reference for scband-gcnmodel-53377853554878 (READ-ONLY COPY).

The authoritative reference and input builder live on the scoring server;
editing this copy changes nothing except your own understanding.
"""

import jax, jax.numpy as jnp
import numpy as np

N_NODES = 10000
N_EDGES = 320000
D_IN = 128
HID = 128
N_CLS = 10
N_GRAPHS = 32


def setup_inputs(seed: int = 0) -> dict:
    key = jax.random.key(seed)
    k1, k2, k3, k4, k5, k6, k7 = jax.random.split(key, 7)
    x = jax.random.normal(k1, (N_NODES, D_IN), dtype=jnp.float32)
    edge_index = jax.random.randint(k2, (2, N_EDGES), 0, N_NODES, dtype=jnp.int32)
    batch = jnp.sort(jax.random.randint(k3, (N_NODES,), 0, N_GRAPHS, dtype=jnp.int32))
    # GCNLayer.proj: Linear(in=128, out=128)
    W1 = jax.random.normal(k4, (HID, D_IN), dtype=jnp.float32) * 0.05
    b1 = jax.random.normal(k5, (HID,), dtype=jnp.float32) * 0.05
    # lin: Linear(hidden=128, num_class=10)
    W2 = jax.random.normal(k6, (N_CLS, HID), dtype=jnp.float32) * 0.05
    b2 = jax.random.normal(k7, (N_CLS,), dtype=jnp.float32) * 0.05
    return {"x": x, "edge_index": edge_index, "batch": batch,
            "W1": W1, "b1": b1, "W2": W2, "b2": b2}


def reference(x, edge_index, batch, W1, b1, W2, b2):
    num_nodes = x.shape[0]
    # --- GCNLayer.forward ---
    # add_self_loops
    loops = jnp.arange(num_nodes, dtype=edge_index.dtype)
    ei = jnp.concatenate([edge_index, jnp.stack([loops, loops])], axis=1)
    # degree(edge_index[0]) on ORIGINAL edges (no self loops), then ^-0.5
    deg = jnp.zeros((num_nodes,), dtype=x.dtype).at[edge_index[0]].add(1.0)
    d_inv_sqrt = jnp.power(deg, -0.5)
    # D^{-1/2} A D^{-1/2} x  via gather + scatter-add over edges (incl. self loops)
    row, col = ei[0], ei[1]
    msg = x[col] * d_inv_sqrt[col][:, None]
    agg = jnp.zeros((num_nodes, x.shape[1]), dtype=x.dtype).at[row].add(msg)
    node_level = agg * d_inv_sqrt[:, None]
    out1 = jax.nn.relu(node_level @ W1.T + b1)
    # --- global_max_pool over graph ids ---
    pooled = jax.ops.segment_max(out1, batch, num_segments=N_GRAPHS)
    final_out = pooled @ W2.T + b2
    # torch .squeeze(1): no-op since num_class=10 > 1
    return final_out

if __name__ == "__main__":
    import jax
    _d = setup_inputs()
    print(jax.jit(kernel)(*tuple(_d.values())))

</pallas_src>

<mosaic_0001>
#map = affine_map<(d0, d1) -> (0)>
#map1 = affine_map<(d0, d1) -> (0, 0)>
module attributes {stable_mosaic.version = 14 : i64} {
  func.func @_deg_body(%arg0: i32, %arg1: i32, %arg2: memref<320000xi32, #tpu.memory_space<hbm>>, %arg3: memref<2x10240xf32, #tpu.memory_space<hbm>>, %arg4: memref<10000xi32, #tpu.memory_space<vmem>>, %arg5: memref<16xf32, #tpu.memory_space<vmem>>, %arg6: memref<640xf32, #tpu.memory_space<vmem>>, %arg7: memref<10240xf32, #tpu.memory_space<vmem_shared>>, %arg8: memref<!tpu.dma_semaphore, #tpu.memory_space<semaphore_mem>>) attributes {dimension_semantics = [#tpu.dimension_semantics<core_parallel>, #tpu.dimension_semantics<subcore_parallel>], iteration_bounds = array<i64: 2, 16>, scalar_prefetch = 0 : i64, scratch_operands = 5 : i64, tpu.core_type = #tpu.core_type<sc_vector_subcore>, window_params = [{transform_indices = #map}, {transform_indices = #map1}]} {
    %mul3A = arith.constant 16 : i32
    %mul3A_0 = arith.muli %arg0, %mul3A : i32
    %add3A = arith.addi %mul3A_0, %arg1 : i32
    %broadcast_in_dim3A = arith.constant 1.000000e+00 : f32
    %broadcast_in_dim3A_1 = vector.broadcast %broadcast_in_dim3A : f32 to vector<16xf32>
    %swap3A = arith.constant 0 : index
    %swap3A_2 = tpu.vector_load %arg5[%swap3A] {strides = array<i32>} : memref<16xf32, #tpu.memory_space<vmem>>, vector<16xf32>,
    %swap3A_3 = vector.shape_cast %swap3A_2 : vector<16xf32> to vector<16xf32>
    %swap3A_4 = vector.shape_cast %broadcast_in_dim3A_1 : vector<16xf32> to vector<16xf32>
    tpu.vector_store %arg5[%swap3A], %swap3A_4 {strides = array<i32>} : memref<16xf32, #tpu.memory_space<vmem>>, vector<16xf32>,
    %broadcast_in_dim3A_5 = arith.constant 0.000000e+00 : f32
    %broadcast_in_dim3A_6 = vector.broadcast %broadcast_in_dim3A_5 : f32 to vector<16xf32>
    %scan3A = arith.constant 0 : i32
    %scan3A_7 = arith.constant 0 : i32
    %scan3A_8 = arith.constant 40 : i32
    %scan3A_9 = arith.addi %scan3A_7, %scan3A_8 : i32
    %scan3A_10 = arith.constant 1 : i32
    scf.for %scan3A_27 = %scan3A_7 to %scan3A_9 step %scan3A_10  : i32 {
      %mul3A_28 = arith.constant 16 : i32
      %mul3A_29 = arith.muli %scan3A_27, %mul3A_28 : i32
      %swap3A_30 = arith.index_cast %mul3A_29 : i32 to index
      %swap3A_31 = tpu.vector_load %arg6[%swap3A_30] {strides = array<i32>} : memref<640xf32, #tpu.memory_space<vmem>>, vector<16xf32>,
      %swap3A_32 = vector.shape_cast %swap3A_31 : vector<16xf32> to vector<16xf32>
      %swap3A_33 = vector.shape_cast %broadcast_in_dim3A_6 : vector<16xf32> to vector<16xf32>
      tpu.vector_store %arg6[%swap3A_30], %swap3A_33 {strides = array<i32>} : memref<640xf32, #tpu.memory_space<vmem>>, vector<16xf32>,
    }
    %scan3A_11 = arith.constant 40 : i32
    %mul3A_12 = arith.constant 640 : i32
    %mul3A_13 = arith.muli %arg1, %mul3A_12 : i32
    "tpu.region"() ({
      %run_scoped3A = tpu.sem_alloc : memref<!tpu.dma_semaphore, #tpu.memory_space<semaphore_mem>>
      %dma_start3A = tpu.memref_slice %arg7[%mul3A_13] : memref<10240xf32, #tpu.memory_space<vmem_shared>> -> memref<640xf32, #tpu.memory_space<vmem_shared>>
      %dma_start3A_27 = tpu.memref_slice %arg7[%mul3A_13] : memref<10240xf32, #tpu.memory_space<vmem_shared>> -> memref<640xf32, #tpu.memory_space<vmem_shared>>
      tpu.enqueue_dma source(%arg6 : memref<640xf32, #tpu.memory_space<vmem>>) target(%dma_start3A_27 : memref<640xf32, #tpu.memory_space<vmem_shared>>) target_semaphore(%run_scoped3A : memref<!tpu.dma_semaphore, #tpu.memory_space<semaphore_mem>>)
      %dma_wait3A = tpu.memref_slice %arg7[%mul3A_13] : memref<10240xf32, #tpu.memory_space<vmem_shared>> -> memref<640xf32, #tpu.memory_space<vmem_shared>>
      %dma_wait3A_28 = tpu.memref_slice %arg7[%mul3A_13] : memref<10240xf32, #tpu.memory_space<vmem_shared>> -> memref<640xf32, #tpu.memory_space<vmem_shared>>
      tpu.wait_dma2 semaphore(%run_scoped3A : memref<!tpu.dma_semaphore, #tpu.memory_space<semaphore_mem>>) src(%arg6 : memref<640xf32, #tpu.memory_space<vmem>>) dst(%dma_wait3A_28 : memref<640xf32, #tpu.memory_space<vmem_shared>>)
      tpu.yield
    }) : () -> ()
    %mul3A_14 = arith.constant 10000 : i32
    %mul3A_15 = arith.muli %add3A, %mul3A_14 : i32
    "tpu.region"() ({
      %run_scoped3A = tpu.sem_alloc : memref<!tpu.dma_semaphore, #tpu.memory_space<semaphore_mem>>
      %dma_start3A = tpu.memref_slice %arg2[%mul3A_15] : memref<320000xi32, #tpu.memory_space<hbm>> -> memref<10000xi32, #tpu.memory_space<hbm>>
      %dma_start3A_27 = tpu.memref_slice %arg2[%mul3A_15] : memref<320000xi32, #tpu.memory_space<hbm>> -> memref<10000xi32, #tpu.memory_space<hbm>>
      tpu.enqueue_dma source(%dma_start3A_27 : memref<10000xi32, #tpu.memory_space<hbm>>) target(%arg4 : memref<10000xi32, #tpu.memory_space<vmem>>) target_semaphore(%run_scoped3A : memref<!tpu.dma_semaphore, #tpu.memory_space<semaphore_mem>>)
      %dma_wait3A = tpu.memref_slice %arg2[%mul3A_15] : memref<320000xi32, #tpu.memory_space<hbm>> -> memref<10000xi32, #tpu.memory_space<hbm>>
      %dma_wait3A_28 = tpu.memref_slice %arg2[%mul3A_15] : memref<320000xi32, #tpu.memory_space<hbm>> -> memref<10000xi32, #tpu.memory_space<hbm>>
      tpu.wait_dma2 semaphore(%run_scoped3A : memref<!tpu.dma_semaphore, #tpu.memory_space<semaphore_mem>>) src(%dma_wait3A_28 : memref<10000xi32, #tpu.memory_space<hbm>>) dst(%arg4 : memref<10000xi32, #tpu.memory_space<vmem>>)
      tpu.yield
    }) : () -> ()
    %barrier3A = arith.constant 0 : index
    tpu.barrier barrier_id(%barrier3A)
    %scan3A_16 = arith.constant 0 : i32
    %scan3A_17 = arith.constant 0 : i32
    %scan3A_18 = arith.constant 25 : i32
    %scan3A_19 = arith.addi %scan3A_17, %scan3A_18 : i32
    %scan3A_20 = arith.constant 1 : i32
    scf.for %scan3A_27 = %scan3A_17 to %scan3A_19 step %scan3A_20  : i32 {
      %mul3A_28 = arith.constant 25 : i32
      %mul3A_29 = arith.muli %scan3A_27, %mul3A_28 : i32
      %add3A_30 = arith.constant 0 : i32
      %add3A_31 = arith.addi %mul3A_29, %add3A_30 : i32
      %mul3A_32 = arith.constant 16 : i32
      %mul3A_33 = arith.muli %add3A_31, %mul3A_32 : i32
      %get3A = arith.index_cast %mul3A_33 : i32 to index
      %get3A_34 = tpu.vector_load %arg4[%get3A] {strides = array<i32>} : memref<10000xi32, #tpu.memory_space<vmem>>, vector<16xi32>,
      %get3A_35 = vector.shape_cast %get3A_34 : vector<16xi32> to vector<16xi32>
      %dma_start3A = arith.constant 0 : i32
      %dma_start3A_36 = tpu.memref_slice %arg7[%dma_start3A] : memref<10240xf32, #tpu.memory_space<vmem_shared>> -> memref<10240xf32, #tpu.memory_space<vmem_shared>>
      tpu.enqueue_indirect_dma source(%arg5 : memref<16xf32, #tpu.memory_space<vmem>>) target(%dma_start3A_36 : memref<10240xf32, #tpu.memory_space<vmem_shared>>) offsets(%get3A_35 : vector<16xi32>) semaphore(%arg8 : memref<!tpu.dma_semaphore, #tpu.memory_space<semaphore_mem>>) {add = true}
      %mul3A_37 = arith.constant 25 : i32
      %mul3A_38 = arith.muli %scan3A_27, %mul3A_37 : i32
      %add3A_39 = arith.constant 1 : i32
      %add3A_40 = arith.addi %mul3A_38, %add3A_39 : i32
      %mul3A_41 = arith.constant 16 : i32
      %mul3A_42 = arith.muli %add3A_40, %mul3A_41 : i32
      %get3A_43 = arith.index_cast %mul3A_42 : i32 to index
      %get3A_44 = tpu.vector_load %arg4[%get3A_43] {strides = array<i32>} : memref<10000xi32, #tpu.memory_space<vmem>>, vector<16xi32>,
      %get3A_45 = vector.shape_cast %get3A_44 : vector<16xi32> to vector<16xi32>
      %dma_start3A_46 = arith.constant 0 : i32
      %dma_start3A_47 = tpu.memref_slice %arg7[%dma_start3A_46] : memref<10240xf32, #tpu.memory_space<vmem_shared>> -> memref<10240xf32, #tpu.memory_space<vmem_shared>>
      tpu.enqueue_indirect_dma source(%arg5 : memref<16xf32, #tpu.memory_space<vmem>>) target(%dma_start3A_47 : memref<10240xf32, #tpu.memory_space<vmem_shared>>) offsets(%get3A_45 : vector<16xi32>) semaphore(%arg8 : memref<!tpu.dma_semaphore, #tpu.memory_space<semaphore_mem>>) {add = true}
      %mul3A_48 = arith.constant 25 : i32
      %mul3A_49 = arith.muli %scan3A_27, %mul3A_48 : i32
      %add3A_50 = arith.constant 2 : i32
      %add3A_51 = arith.addi %mul3A_49, %add3A_50 : i32
      %mul3A_52 = arith.constant 16 : i32
      %mul3A_53 = arith.muli %add3A_51, %mul3A_52 : i32
      %get3A_54 = arith.index_cast %mul3A_53 : i32 to index
      %get3A_55 = tpu.vector_load %arg4[%get3A_54] {strides = array<i32>} : memref<10000xi32, #tpu.memory_space<vmem>>, vector<16xi32>,
      %get3A_56 = vector.shape_cast %get3A_55 : vector<16xi32> to vector<16xi32>
      %dma_start3A_57 = arith.constant 0 : i32
      %dma_start3A_58 = tpu.memref_slice %arg7[%dma_start3A_57] : memref<10240xf32, #tpu.memory_space<vmem_shared>> -> memref<10240xf32, #tpu.memory_space<vmem_shared>>
      tpu.enqueue_indirect_dma source(%arg5 : memref<16xf32, #tpu.memory_space<vmem>>) target(%dma_start3A_58 : memref<10240xf32, #tpu.memory_space<vmem_shared>>) offsets(%get3A_56 : vector<16xi32>) semaphore(%arg8 : memref<!tpu.dma_semaphore, #tpu.memory_space<semaphore_mem>>) {add = true}
      %mul3A_59 = arith.constant 25 : i32
      %mul3A_60 = arith.muli %scan3A_27, %mul3A_59 : i32
      %add3A_61 = arith.constant 3 : i32
      %add3A_62 = arith.addi %mul3A_60, %add3A_61 : i32
      %mul3A_63 = arith.constant 16 : i32
      %mul3A_64 = arith.muli %add3A_62, %mul3A_63 : i32
      %get3A_65 = arith.index_cast %mul3A_64 : i32 to index
      %get3A_66 = tpu.vector_load %arg4[%get3A_65] {strides = array<i32>} : memref<10000xi32, #tpu.memory_space<vmem>>, vector<16xi32>,
      %get3A_67 = vector.shape_cast %get3A_66 : vector<16xi32> to vector<16xi32>
      %dma_start3A_68 = arith.constant 0 : i32
      %dma_start3A_69 = tpu.memref_slice %arg7[%dma_start3A_68] : memref<10240xf32, #tpu.memory_space<vmem_shared>> -> memref<10240xf32, #tpu.memory_space<vmem_shared>>
      tpu.enqueue_indirect_dma source(%arg5 : memref<16xf32, #tpu.memory_space<vmem>>) target(%dma_start3A_69 : memref<10240xf32, #tpu.memory_space<vmem_shared>>) offsets(%get3A_67 : vector<16xi32>) semaphore(%arg8 : memref<!tpu.dma_semaphore, #tpu.memory_space<semaphore_mem>>) {add = true}
      %mul3A_70 = arith.constant 25 : i32
      %mul3A_71 = arith.muli %scan3A_27, %mul3A_70 : i32
      %add3A_72 = arith.constant 4 : i32
      %add3A_73 = arith.addi %mul3A_71, %add3A_72 : i32
      %mul3A_74 = arith.constant 16 : i32
      %mul3A_75 = arith.muli %add3A_73, %mul3A_74 : i32
      %get3A_76 = arith.index_cast %mul3A_75 : i32 to index
      %get3A_77 = tpu.vector_load %arg4[%get3A_76] {strides = array<i32>} : memref<10000xi32, #tpu.memory_space<vmem>>, vector<16xi32>,
      %get3A_78 = vector.shape_cast %get3A_77 : vector<16xi32> to vector<16xi32>
      %dma_start3A_79 = arith.constant 0 : i32
      %dma_start3A_80 = tpu.memref_slice %arg7[%dma_start3A_79] : memref<10240xf32, #tpu.memory_space<vmem_shared>> -> memref<10240xf32, #tpu.memory_space<vmem_shared>>
      tpu.enqueue_indirect_dma source(%arg5 : memref<16xf32, #tpu.memory_space<vmem>>) target(%dma_start3A_80 : memref<10240xf32, #tpu.memory_space<vmem_shared>>) offsets(%get3A_78 : vector<16xi32>) semaphore(%arg8 : memref<!tpu.dma_semaphore, #tpu.memory_space<semaphore_mem>>) {add = true}
      %mul3A_81 = arith.constant 25 : i32
      %mul3A_82 = arith.muli %scan3A_27, %mul3A_81 : i32
      %add3A_83 = arith.constant 5 : i32
      %add3A_84 = arith.addi %mul3A_82, %add3A_83 : i32
      %mul3A_85 = arith.constant 16 : i32
      %mul3A_86 = arith.muli %add3A_84, %mul3A_85 : i32
      %get3A_87 = arith.index_cast %mul3A_86 : i32 to index
      %get3A_88 = tpu.vector_load %arg4[%get3A_87] {strides = array<i32>} : memref<10000xi32, #tpu.memory_space<vmem>>, vector<16xi32>,
      %get3A_89 = vector.shape_cast %get3A_88 : vector<16xi32> to vector<16xi32>
      %dma_start3A_90 = arith.constant 0 : i32
      %dma_start3A_91 = tpu.memref_slice %arg7[%dma_start3A_90] : memref<10240xf32, #tpu.memory_space<vmem_shared>> -> memref<10240xf32, #tpu.memory_space<vmem_shared>>
      tpu.enqueue_indirect_dma source(%arg5 : memref<16xf32, #tpu.memory_space<vmem>>) target(%dma_start3A_91 : memref<10240xf32, #tpu.memory_space<vmem_shared>>) offsets(%get3A_89 : vector<16xi32>) semaphore(%arg8 : memref<!tpu.dma_semaphore, #tpu.memory_space<semaphore_mem>>) {add = true}
      %mul3A_92 = arith.constant 25 : i32
      %mul3A_93 = arith.muli %scan3A_27, %mul3A_92 : i32
      %add3A_94 = arith.constant 6 : i32
      %add3A_95 = arith.addi %mul3A_93, %add3A_94 : i32
      %mul3A_96 = arith.constant 16 : i32
      %mul3A_97 = arith.muli %add3A_95, %mul3A_96 : i32
      %get3A_98 = arith.index_cast %mul3A_97 : i32 to index
      %get3A_99 = tpu.vector_load %arg4[%get3A_98] {strides = array<i32>} : memref<10000xi32, #tpu.memory_space<vmem>>, vector<16xi32>,
      %get3A_100 = vector.shape_cast %get3A_99 : vector<16xi32> to vector<16xi32>
      %dma_start3A_101 = arith.constant 0 : i32
      %dma_start3A_102 = tpu.memref_slice %arg7[%dma_start3A_101] : memref<10240xf32, #tpu.memory_space<vmem_shared>> -> memref<10240xf32, #tpu.memory_space<vmem_shared>>
      tpu.enqueue_indirect_dma source(%arg5 : memref<16xf32, #tpu.memory_space<vmem>>) target(%dma_start3A_102 : memref<10240xf32, #tpu.memory_space<vmem_shared>>) offsets(%get3A_100 : vector<16xi32>) semaphore(%arg8 : memref<!tpu.dma_semaphore, #tpu.memory_space<semaphore_mem>>) {add = true}
      %mul3A_103 = arith.constant 25 : i32
      %mul3A_104 = arith.muli %scan3A_27, %mul3A_103 : i32
      %add3A_105 = arith.constant 7 : i32
      %add3A_106 = arith.addi %mul3A_104, %add3A_105 : i32
      %mul3A_107 = arith.constant 16 : i32
      %mul3A_108 = arith.muli %add3A_106, %mul3A_107 : i32
      %get3A_109 = arith.index_cast %mul3A_108 : i32 to index
      %get3A_110 = tpu.vector_load %arg4[%get3A_109] {strides = array<i32>} : memref<10000xi32, #tpu.memory_space<vmem>>, vector<16xi32>,
      %get3A_111 = vector.shape_cast %get3A_110 : vector<16xi32> to vector<16xi32>
      %dma_start3A_112 = arith.constant 0 : i32
      %dma_start3A_113 = tpu.memref_slice %arg7[%dma_start3A_112] : memref<10240xf32, #tpu.memory_space<vmem_shared>> -> memref<10240xf32, #tpu.memory_space<vmem_shared>>
      tpu.enqueue_indirect_dma source(%arg5 : memref<16xf32, #tpu.memory_space<vmem>>) target(%dma_start3A_113 : memref<10240xf32, #tpu.memory_space<vmem_shared>>) offsets(%get3A_111 : vector<16xi32>) semaphore(%arg8 : memref<!tpu.dma_semaphore, #tpu.memory_space<semaphore_mem>>) {add = true}
      %mul3A_114 = arith.constant 25 : i32
      %mul3A_115 = arith.muli %scan3A_27, %mul3A_114 : i32
      %add3A_116 = arith.constant 8 : i32
      %add3A_117 = arith.addi %mul3A_115, %add3A_116 : i32
      %mul3A_118 = arith.constant 16 : i32
      %mul3A_119 = arith.muli %add3A_117, %mul3A_118 : i32
      %get3A_120 = arith.index_cast %mul3A_119 : i32 to index
      %get3A_121 = tpu.vector_load %arg4[%get3A_120] {strides = array<i32>} : memref<10000xi32, #tpu.memory_space<vmem>>, vector<16xi32>,
      %get3A_122 = vector.shape_cast %get3A_121 : vector<16xi32> to vector<16xi32>
      %dma_start3A_123 = arith.constant 0 : i32
      %dma_start3A_124 = tpu.memref_slice %arg7[%dma_start3A_123] : memref<10240xf32, #tpu.memory_space<vmem_shared>> -> memref<10240xf32, #tpu.memory_space<vmem_shared>>
      tpu.enqueue_indirect_dma source(%arg5 : memref<16xf32, #tpu.memory_space<vmem>>) target(%dma_start3A_124 : memref<10240xf32, #tpu.memory_space<vmem_shared>>) offsets(%get3A_122 : vector<16xi32>) semaphore(%arg8 : memref<!tpu.dma_semaphore, #tpu.memory_space<semaphore_mem>>) {add = true}
      %mul3A_125 = arith.constant 25 : i32
      %mul3A_126 = arith.muli %scan3A_27, %mul3A_125 : i32
      %add3A_127 = arith.constant 9 : i32
      %add3A_128 = arith.addi %mul3A_126, %add3A_127 : i32
      %mul3A_129 = arith.constant 16 : i32
      %mul3A_130 = arith.muli %add3A_128, %mul3A_129 : i32
      %get3A_131 = arith.index_cast %mul3A_130 : i32 to index
      %get3A_132 = tpu.vector_load %arg4[%get3A_131] {strides = array<i32>} : memref<10000xi32, #tpu.memory_space<vmem>>, vector<16xi32>,
      %get3A_133 = vector.shape_cast %get3A_132 : vector<16xi32> to vector<16xi32>
      %dma_start3A_134 = arith.constant 0 : i32
      %dma_start3A_135 = tpu.memref_slice %arg7[%dma_start3A_134] : memref<10240xf32, #tpu.memory_space<vmem_shared>> -> memref<10240xf32, #tpu.memory_space<vmem_shared>>
      tpu.enqueue_indirect_dma source(%arg5 : memref<16xf32, #tpu.memory_space<vmem>>) target(%dma_start3A_135 : memref<10240xf32, #tpu.memory_space<vmem_shared>>) offsets(%get3A_133 : vector<16xi32>) semaphore(%arg8 : memref<!tpu.dma_semaphore, #tpu.memory_space<semaphore_mem>>) {add = true}
      %mul3A_136 = arith.constant 25 : i32
      %mul3A_137 = arith.muli %scan3A_27, %mul3A_136 : i32
      %add3A_138 = arith.constant 10 : i32
      %add3A_139 = arith.addi %mul3A_137, %add3A_138 : i32
      %mul3A_140 = arith.constant 16 : i32
      %mul3A_141 = arith.muli %add3A_139, %mul3A_140 : i32
      %get3A_142 = arith.index_cast %mul3A_141 : i32 to index
      %get3A_143 = tpu.vector_load %arg4[%get3A_142] {strides = array<i32>} : memref<10000xi32, #tpu.memory_space<vmem>>, vector<16xi32>,
      %get3A_144 = vector.shape_cast %get3A_143 : vector<16xi32> to vector<16xi32>
      %dma_start3A_145 = arith.constant 0 : i32
      %dma_start3A_146 = tpu.memref_slice %arg7[%dma_start3A_145] : memref<10240xf32, #tpu.memory_space<vmem_shared>> -> memref<10240xf32, #tpu.memory_space<vmem_shared>>
      tpu.enqueue_indirect_dma source(%arg5 : memref<16xf32, #tpu.memory_space<vmem>>) target(%dma_start3A_146 : memref<10240xf32, #tpu.memory_space<vmem_shared>>) offsets(%get3A_144 : vector<16xi32>) semaphore(%arg8 : memref<!tpu.dma_semaphore, #tpu.memory_space<semaphore_mem>>) {add = true}
      %mul3A_147 = arith.constant 25 : i32
      %mul3A_148 = arith.muli %scan3A_27, %mul3A_147 : i32
      %add3A_149 = arith.constant 11 : i32
      %add3A_150 = arith.addi %mul3A_148, %add3A_149 : i32
      %mul3A_151 = arith.constant 16 : i32
      %mul3A_152 = arith.muli %add3A_150, %mul3A_151 : i32
      %get3A_153 = arith.index_cast %mul3A_152 : i32 to index
      %get3A_154 = tpu.vector_load %arg4[%get3A_153] {strides = array<i32>} : memref<10000xi32, #tpu.memory_space<vmem>>, vector<16xi32>,
      %get3A_155 = vector.shape_cast %get3A_154 : vector<16xi32> to vector<16xi32>
      %dma_start3A_156 = arith.constant 0 : i32
      %dma_start3A_157 = tpu.memref_slice %arg7[%dma_start3A_156] : memref<10240xf32, #tpu.memory_space<vmem_shared>> -> memref<10240xf32, #tpu.memory_space<vmem_shared>>
      tpu.enqueue_indirect_dma source(%arg5 : memref<16xf32, #tpu.memory_space<vmem>>) target(%dma_start3A_157 : memref<10240xf32, #tpu.memory_space<vmem_shared>>) offsets(%get3A_155 : vector<16xi32>) semaphore(%arg8 : memref<!tpu.dma_semaphore, #tpu.memory_space<semaphore_mem>>) {add = true}
      %mul3A_158 = arith.constant 25 : i32
      %mul3A_159 = arith.muli %scan3A_27, %mul3A_158 : i32
      %add3A_160 = arith.constant 12 : i32
      %add3A_161 = arith.addi %mul3A_159, %add3A_160 : i32
      %mul3A_162 = arith.constant 16 : i32
      %mul3A_163 = arith.muli %add3A_161, %mul3A_162 : i32
      %get3A_164 = arith.index_cast %mul3A_163 : i32 to index
      %get3A_165 = tpu.vector_load %arg4[%get3A_164] {strides = array<i32>} : memref<10000xi32, #tpu.memory_space<vmem>>, vector<16xi32>,
      %get3A_166 = vector.shape_cast %get3A_165 : vector<16xi32> to vector<16xi32>
      %dma_start3A_167 = arith.constant 0 : i32
      %dma_start3A_168 = tpu.memref_slice %arg7[%dma_start3A_167] : memref<10240xf32, #tpu.memory_space<vmem_shared>> -> memref<10240xf32, #tpu.memory_space<vmem_shared>>
      tpu.enqueue_indirect_dma source(%arg5 : memref<16xf32, #tpu.memory_space<vmem>>) target(%dma_start3A_168 : memref<10240xf32, #tpu.memory_space<vmem_shared>>) offsets(%get3A_166 : vector<16xi32>) semaphore(%arg8 : memref<!tpu.dma_semaphore, #tpu.memory_space<semaphore_mem>>) {add = true}
      %mul3A_169 = arith.constant 25 : i32
      %mul3A_170 = arith.muli %scan3A_27, %mul3A_169 : i32
      %add3A_171 = arith.constant 13 : i32
      %add3A_172 = arith.addi %mul3A_170, %add3A_171 : i32
      %mul3A_173 = arith.constant 16 : i32
      %mul3A_174 = arith.muli %add3A_172, %mul3A_173 : i32
      %get3A_175 = arith.index_cast %mul3A_174 : i32 to index
      %get3A_176 = tpu.vector_load %arg4[%get3A_175] {strides = array<i32>} : memref<10000xi32, #tpu.memory_space<vmem>>, vector<16xi32>,
      %get3A_177 = vector.shape_cast %get3A_176 : vector<16xi32> to vector<16xi32>
      %dma_start3A_178 = arith.constant 0 : i32
      %dma_start3A_179 = tpu.memref_slice %arg7[%dma_start3A_178] : memref<10240xf32, #tpu.memory_space<vmem_shared>> -> memref<10240xf32, #tpu.memory_space<vmem_shared>>
      tpu.enqueue_indirect_dma source(%arg5 : memref<16xf32, #tpu.memory_space<vmem>>) target(%dma_start3A_179 : memref<10240xf32, #tpu.memory_space<vmem_shared>>) offsets(%get3A_177 : vector<16xi32>) semaphore(%arg8 : memref<!tpu.dma_semaphore, #tpu.memory_space<semaphore_mem>>) {add = true}
      %mul3A_180 = arith.constant 25 : i32
      %mul3A_181 = arith.muli %scan3A_27, %mul3A_180 : i32
      %add3A_182 = arith.constant 14 : i32
      %add3A_183 = arith.addi %mul3A_181, %add3A_182 : i32
      %mul3A_184 = arith.constant 16 : i32
      %mul3A_185 = arith.muli %add3A_183, %mul3A_184 : i32
      %get3A_186 = arith.index_cast %mul3A_185 : i32 to index
      %get3A_187 = tpu.vector_load %arg4[%get3A_186] {strides = array<i32>} : memref<10000xi32, #tpu.memory_space<vmem>>, vector<16xi32>,
      %get3A_188 = vector.shape_cast %get3A_187 : vector<16xi32> to vector<16xi32>
      %dma_start3A_189 = arith.constant 0 : i32
      %dma_start3A_190 = tpu.memref_slice %arg7[%dma_start3A_189] : memref<10240xf32, #tpu.memory_space<vmem_shared>> -> memref<10240xf32, #tpu.memory_space<vmem_shared>>
      tpu.enqueue_indirect_dma source(%arg5 : memref<16xf32, #tpu.memory_space<vmem>>) target(%dma_start3A_190 : memref<10240xf32, #tpu.memory_space<vmem_shared>>) offsets(%get3A_188 : vector<16xi32>) semaphore(%arg8 : memref<!tpu.dma_semaphore, #tpu.memory_space<semaphore_mem>>) {add = true}
      %mul3A_191 = arith.constant 25 : i32
      %mul3A_192 = arith.muli %scan3A_27, %mul3A_191 : i32
      %add3A_193 = arith.constant 15 : i32
      %add3A_194 = arith.addi %mul3A_192, %add3A_193 : i32
      %mul3A_195 = arith.constant 16 : i32
      %mul3A_196 = arith.muli %add3A_194, %mul3A_195 : i32
      %get3A_197 = arith.index_cast %mul3A_196 : i32 to index
      %get3A_198 = tpu.vector_load %arg4[%get3A_197] {strides = array<i32>} : memref<10000xi32, #tpu.memory_space<vmem>>, vector<16xi32>,
      %get3A_199 = vector.shape_cast %get3A_198 : vector<16xi32> to vector<16xi32>
      %dma_start3A_200 = arith.constant 0 : i32
      %dma_start3A_201 = tpu.memref_slice %arg7[%dma_start3A_200] : memref<10240xf32, #tpu.memory_space<vmem_shared>> -> memref<10240xf32, #tpu.memory_space<vmem_shared>>
      tpu.enqueue_indirect_dma source(%arg5 : memref<16xf32, #tpu.memory_space<vmem>>) target(%dma_start3A_201 : memref<10240xf32, #tpu.memory_space<vmem_shared>>) offsets(%get3A_199 : vector<16xi32>) semaphore(%arg8 : memref<!tpu.dma_semaphore, #tpu.memory_space<semaphore_mem>>) {add = true}
      %mul3A_202 = arith.constant 25 : i32
      %mul3A_203 = arith.muli %scan3A_27, %mul3A_202 : i32
      %add3A_204 = arith.constant 16 : i32
      %add3A_205 = arith.addi %mul3A_203, %add3A_204 : i32
      %mul3A_206 = arith.constant 16 : i32
      %mul3A_207 = arith.muli %add3A_205, %mul3A_206 : i32
      %get3A_208 = arith.index_cast %mul3A_207 : i32 to index
      %get3A_209 = tpu.vector_load %arg4[%get3A_208] {strides = array<i32>} : memref<10000xi32, #tpu.memory_space<vmem>>, vector<16xi32>,
      %get3A_210 = vector.shape_cast %get3A_209 : vector<16xi32> to vector<16xi32>
      %dma_start3A_211 = arith.constant 0 : i32
      %dma_start3A_212 = tpu.memref_slice %arg7[%dma_start3A_211] : memref<10240xf32, #tpu.memory_space<vmem_shared>> -> memref<10240xf32, #tpu.memory_space<vmem_shared>>
      tpu.enqueue_indirect_dma source(%arg5 : memref<16xf32, #tpu.memory_space<vmem>>) target(%dma_start3A_212 : memref<10240xf32, #tpu.memory_space<vmem_shared>>) offsets(%get3A_210 : vector<16xi32>) semaphore(%arg8 : memref<!tpu.dma_semaphore, #tpu.memory_space<semaphore_mem>>) {add = true}
      %mul3A_213 = arith.constant 25 : i32
      %mul3A_214 = arith.muli %scan3A_27, %mul3A_213 : i32
      %add3A_215 = arith.constant 17 : i32
      %add3A_216 = arith.addi %mul3A_214, %add3A_215 : i32
      %mul3A_217 = arith.constant 16 : i32
      %mul3A_218 = arith.muli %add3A_216, %mul3A_217 : i32
      %get3A_219 = arith.index_cast %mul3A_218 : i32 to index
      %get3A_220 = tpu.vector_load %arg4[%get3A_219] {strides = array<i32>} : memref<10000xi32, #tpu.memory_space<vmem>>, vector<16xi32>,
      %get3A_221 = vector.shape_cast %get3A_220 : vector<16xi32> to vector<16xi32>
      %dma_start3A_222 = arith.constant 0 : i32
      %dma_start3A_223 = tpu.memref_slice %arg7[%dma_start3A_222] : memref<10240xf32, #tpu.memory_space<vmem_shared>> -> memref<10240xf32, #tpu.memory_space<vmem_shared>>
      tpu.enqueue_indirect_dma source(%arg5 : memref<16xf32, #tpu.memory_space<vmem>>) target(%dma_start3A_223 : memref<10240xf32, #tpu.memory_space<vmem_shared>>) offsets(%get3A_221 : vector<16xi32>) semaphore(%arg8 : memref<!tpu.dma_semaphore, #tpu.memory_space<semaphore_mem>>) {add = true}
      %mul3A_224 = arith.constant 25 : i32
      %mul3A_225 = arith.muli %scan3A_27, %mul3A_224 : i32
      %add3A_226 = arith.constant 18 : i32
      %add3A_227 = arith.addi %mul3A_225, %add3A_226 : i32
      %mul3A_228 = arith.constant 16 : i32
      %mul3A_229 = arith.muli %add3A_227, %mul3A_228 : i32
      %get3A_230 = arith.index_cast %mul3A_229 : i32 to index
      %get3A_231 = tpu.vector_load %arg4[%get3A_230] {strides = array<i32>} : memref<10000xi32, #tpu.memory_space<vmem>>, vector<16xi32>,
      %get3A_232 = vector.shape_cast %get3A_231 : vector<16xi32> to vector<16xi32>
      %dma_start3A_233 = arith.constant 0 : i32
      %dma_start3A_234 = tpu.memref_slice %arg7[%dma_start3A_233] : memref<10240xf32, #tpu.memory_space<vmem_shared>> -> memref<10240xf32, #tpu.memory_space<vmem_shared>>
      tpu.enqueue_indirect_dma source(%arg5 : memref<16xf32, #tpu.memory_space<vmem>>) target(%dma_start3A_234 : memref<10240xf32, #tpu.memory_space<vmem_shared>>) offsets(%get3A_232 : vector<16xi32>) semaphore(%arg8 : memref<!tpu.dma_semaphore, #tpu.memory_space<semaphore_mem>>) {add = true}
      %mul3A_235 = arith.constant 25 : i32
      %mul3A_236 = arith.muli %scan3A_27, %mul3A_235 : i32
      %add3A_237 = arith.constant 19 : i32
      %add3A_238 = arith.addi %mul3A_236, %add3A_237 : i32
      %mul3A_239 = arith.constant 16 : i32
      %mul3A_240 = arith.muli %add3A_238, %mul3A_239 : i32
      %get3A_241 = arith.index_cast %mul3A_240 : i32 to index
      %get3A_242 = tpu.vector_load %arg4[%get3A_241] {strides = array<i32>} : memref<10000xi32, #tpu.memory_space<vmem>>, vector<16xi32>,
      %get3A_243 = vector.shape_cast %get3A_242 : vector<16xi32> to vector<16xi32>
      %dma_start3A_244 = arith.constant 0 : i32
      %dma_start3A_245 = tpu.memref_slice %arg7[%dma_start3A_244] : memref<10240xf32, #tpu.memory_space<vmem_shared>> -> memref<10240xf32, #tpu.memory_space<vmem_shared>>
      tpu.enqueue_indirect_dma source(%arg5 : memref<16xf32, #tpu.memory_space<vmem>>) target(%dma_start3A_245 : memref<10240xf32, #tpu.memory_space<vmem_shared>>) offsets(%get3A_243 : vector<16xi32>) semaphore(%arg8 : memref<!tpu.dma_semaphore, #tpu.memory_space<semaphore_mem>>) {add = true}
      %mul3A_246 = arith.constant 25 : i32
      %mul3A_247 = arith.muli %scan3A_27, %mul3A_246 : i32
      %add3A_248 = arith.constant 20 : i32
      %add3A_249 = arith.addi %mul3A_247, %add3A_248 : i32
      %mul3A_250 = arith.constant 16 : i32
      %mul3A_251 = arith.muli %add3A_249, %mul3A_250 : i32
      %get3A_252 = arith.index_cast %mul3A_251 : i32 to index
      %get3A_253 = tpu.vector_load %arg4[%get3A_252] {strides = array<i32>} : memref<10000xi32, #tpu.memory_space<vmem>>, vector<16xi32>,
      %get3A_254 = vector.shape_cast %get3A_253 : vector<16xi32> to vector<16xi32>
      %dma_start3A_255 = arith.constant 0 : i32
      %dma_start3A_256 = tpu.memref_slice %arg7[%dma_start3A_255] : memref<10240xf32, #tpu.memory_space<vmem_shared>> -> memref<10240xf32, #tpu.memory_space<vmem_shared>>
      tpu.enqueue_indirect_dma source(%arg5 : memref<16xf32, #tpu.memory_space<vmem>>) target(%dma_start3A_256 : memref<10240xf32, #tpu.memory_space<vmem_shared>>) offsets(%get3A_254 : vector<16xi32>) semaphore(%arg8 : memref<!tpu.dma_semaphore, #tpu.memory_space<semaphore_mem>>) {add = true}
      %mul3A_257 = arith.constant 25 : i32
      %mul3A_258 = arith.muli %scan3A_27, %mul3A_257 : i32
      %add3A_259 = arith.constant 21 : i32
      %add3A_260 = arith.addi %mul3A_258, %add3A_259 : i32
      %mul3A_261 = arith.constant 16 : i32
      %mul3A_262 = arith.muli %add3A_260, %mul3A_261 : i32
      %get3A_263 = arith.index_cast %mul3A_262 : i32 to index
      %get3A_264 = tpu.vector_load %arg4[%get3A_263] {strides = array<i32>} : memref<10000xi32, #tpu.memory_space<vmem>>, vector<16xi32>,
      %get3A_265 = vector.shape_cast %get3A_264 : vector<16xi32> to vector<16xi32>
      %dma_start3A_266 = arith.constant 0 : i32
      %dma_start3A_267 = tpu.memref_slice %arg7[%dma_start3A_266] : memref<10240xf32, #tpu.memory_space<vmem_shared>> -> memref<10240xf32, #tpu.memory_space<vmem_shared>>
      tpu.enqueue_indirect_dma source(%arg5 : memref<16xf32, #tpu.memory_space<vmem>>) target(%dma_start3A_267 : memref<10240xf32, #tpu.memory_space<vmem_shared>>) offsets(%get3A_265 : vector<16xi32>) semaphore(%arg8 : memref<!tpu.dma_semaphore, #tpu.memory_space<semaphore_mem>>) {add = true}
      %mul3A_268 = arith.constant 25 : i32
      %mul3A_269 = arith.muli %scan3A_27, %mul3A_268 : i32
      %add3A_270 = arith.constant 22 : i32
      %add3A_271 = arith.addi %mul3A_269, %add3A_270 : i32
      %mul3A_272 = arith.constant 16 : i32
      %mul3A_273 = arith.muli %add3A_271, %mul3A_272 : i32
      %get3A_274 = arith.index_cast %mul3A_273 : i32 to index
      %get3A_275 = tpu.vector_load %arg4[%get3A_274] {strides = array<i32>} : memref<10000xi32, #tpu.memory_space<vmem>>, vector<16xi32>,
      %get3A_276 = vector.shape_cast %get3A_275 : vector<16xi32> to vector<16xi32>
      %dma_start3A_277 = arith.constant 0 : i32
      %dma_start3A_278 = tpu.memref_slice %arg7[%dma_start3A_277] : memref<10240xf32, #tpu.memory_space<vmem_shared>> -> memref<10240xf32, #tpu.memory_space<vmem_shared>>
      tpu.enqueue_indirect_dma source(%arg5 : memref<16xf32, #tpu.memory_space<vmem>>) target(%dma_start3A_278 : memref<10240xf32, #tpu.memory_space<vmem_shared>>) offsets(%get3A_276 : vector<16xi32>) semaphore(%arg8 : memref<!tpu.dma_semaphore, #tpu.memory_space<semaphore_mem>>) {add = true}
      %mul3A_279 = arith.constant 25 : i32
      %mul3A_280 = arith.muli %scan3A_27, %mul3A_279 : i32
      %add3A_281 = arith.constant 23 : i32
      %add3A_282 = arith.addi %mul3A_280, %add3A_281 : i32
      %mul3A_283 = arith.constant 16 : i32
      %mul3A_284 = arith.muli %add3A_282, %mul3A_283 : i32
      %get3A_285 = arith.index_cast %mul3A_284 : i32 to index
      %get3A_286 = tpu.vector_load %arg4[%get3A_285] {strides = array<i32>} : memref<10000xi32, #tpu.memory_space<vmem>>, vector<16xi32>,
      %get3A_287 = vector.shape_cast %get3A_286 : vector<16xi32> to vector<16xi32>
      %dma_start3A_288 = arith.constant 0 : i32
      %dma_start3A_289 = tpu.memref_slice %arg7[%dma_start3A_288] : memref<10240xf32, #tpu.memory_space<vmem_shared>> -> memref<10240xf32, #tpu.memory_space<vmem_shared>>
      tpu.enqueue_indirect_dma source(%arg5 : memref<16xf32, #tpu.memory_space<vmem>>) target(%dma_start3A_289 : memref<10240xf32, #tpu.memory_space<vmem_shared>>) offsets(%get3A_287 : vector<16xi32>) semaphore(%arg8 : memref<!tpu.dma_semaphore, #tpu.memory_space<semaphore_mem>>) {add = true}
      %mul3A_290 = arith.constant 25 : i32
      %mul3A_291 = arith.muli %scan3A_27, %mul3A_290 : i32
      %add3A_292 = arith.constant 24 : i32
      %add3A_293 = arith.addi %mul3A_291, %add3A_292 : i32
      %mul3A_294 = arith.constant 16 : i32
      %mul3A_295 = arith.muli %add3A_293, %mul3A_294 : i32
      %get3A_296 = arith.index_cast %mul3A_295 : i32 to index
      %get3A_297 = tpu.vector_load %arg4[%get3A_296] {strides = array<i32>} : memref<10000xi32, #tpu.memory_space<vmem>>, vector<16xi32>,
      %get3A_298 = vector.shape_cast %get3A_297 : vector<16xi32> to vector<16xi32>
      %dma_start3A_299 = arith.constant 0 : i32
      %dma_start3A_300 = tpu.memref_slice %arg7[%dma_start3A_299] : memref<10240xf32, #tpu.memory_space<vmem_shared>> -> memref<10240xf32, #tpu.memory_space<vmem_shared>>
      tpu.enqueue_indirect_dma source(%arg5 : memref<16xf32, #tpu.memory_space<vmem>>) target(%dma_start3A_300 : memref<10240xf32, #tpu.memory_space<vmem_shared>>) offsets(%get3A_298 : vector<16xi32>) semaphore(%arg8 : memref<!tpu.dma_semaphore, #tpu.memory_space<semaphore_mem>>) {add = true}
      %dma_wait3A = arith.constant 0 : i32
      %dma_wait3A_301 = tpu.memref_slice %arg7[%dma_wait3A] : memref<10240xf32, #tpu.memory_space<vmem_shared>> -> memref<10240xf32, #tpu.memory_space<vmem_shared>>
      tpu.wait_indirect_dma semaphore(%arg8 : memref<!tpu.dma_semaphore, #tpu.memory_space<semaphore_mem>>) src(%arg5 : memref<16xf32, #tpu.memory_space<vmem>>) dst(%dma_wait3A_301 : memref<10240xf32, #tpu.memory_space<vmem_shared>>)
      %dma_wait3A_302 = arith.constant 0 : i32
      %dma_wait3A_303 = tpu.memref_slice %arg7[%dma_wait3A_302] : memref<10240xf32, #tpu.memory_space<vmem_shared>> -> memref<10240xf32, #tpu.memory_space<vmem_shared>>
      tpu.wait_indirect_dma semaphore(%arg8 : memref<!tpu.dma_semaphore, #tpu.memory_space<semaphore_mem>>) src(%arg5 : memref<16xf32, #tpu.memory_space<vmem>>) dst(%dma_wait3A_303 : memref<10240xf32, #tpu.memory_space<vmem_shared>>)
      %dma_wait3A_304 = arith.constant 0 : i32
      %dma_wait3A_305 = tpu.memref_slice %arg7[%dma_wait3A_304] : memref<10240xf32, #tpu.memory_space<vmem_shared>> -> memref<10240xf32, #tpu.memory_space<vmem_shared>>
      tpu.wait_indirect_dma semaphore(%arg8 : memref<!tpu.dma_semaphore, #tpu.memory_space<semaphore_mem>>) src(%arg5 : memref<16xf32, #tpu.memory_space<vmem>>) dst(%dma_wait3A_305 : memref<10240xf32, #tpu.memory_space<vmem_shared>>)
      %dma_wait3A_306 = arith.constant 0 : i32
      %dma_wait3A_307 = tpu.memref_slice %arg7[%dma_wait3A_306] : memref<10240xf32, #tpu.memory_space<vmem_shared>> -> memref<10240xf32, #tpu.memory_space<vmem_shared>>
      tpu.wait_indirect_dma semaphore(%arg8 : memref<!tpu.dma_semaphore, #tpu.memory_space<semaphore_mem>>) src(%arg5 : memref<16xf32, #tpu.memory_space<vmem>>) dst(%dma_wait3A_307 : memref<10240xf32, #tpu.memory_space<vmem_shared>>)
      %dma_wait3A_308 = arith.constant 0 : i32
      %dma_wait3A_309 = tpu.memref_slice %arg7[%dma_wait3A_308] : memref<10240xf32, #tpu.memory_space<vmem_shared>> -> memref<10240xf32, #tpu.memory_space<vmem_shared>>
      tpu.wait_indirect_dma semaphore(%arg8 : memref<!tpu.dma_semaphore, #tpu.memory_space<semaphore_mem>>) src(%arg5 : memref<16xf32, #tpu.memory_space<vmem>>) dst(%dma_wait3A_309 : memref<10240xf32, #tpu.memory_space<vmem_shared>>)
      %dma_wait3A_310 = arith.constant 0 : i32
      %dma_wait3A_311 = tpu.memref_slice %arg7[%dma_wait3A_310] : memref<10240xf32, #tpu.memory_space<vmem_shared>> -> memref<10240xf32, #tpu.memory_space<vmem_shared>>
      tpu.wait_indirect_dma semaphore(%arg8 : memref<!tpu.dma_semaphore, #tpu.memory_space<semaphore_mem>>) src(%arg5 : memref<16xf32, #tpu.memory_space<vmem>>) dst(%dma_wait3A_311 : memref<10240xf32, #tpu.memory_space<vmem_shared>>)
      %dma_wait3A_312 = arith.constant 0 : i32
      %dma_wait3A_313 = tpu.memref_slice %arg7[%dma_wait3A_312] : memref<10240xf32, #tpu.memory_space<vmem_shared>> -> memref<10240xf32, #tpu.memory_space<vmem_shared>>
      tpu.wait_indirect_dma semaphore(%arg8 : memref<!tpu.dma_semaphore, #tpu.memory_space<semaphore_mem>>) src(%arg5 : memref<16xf32, #tpu.memory_space<vmem>>) dst(%dma_wait3A_313 : memref<10240xf32, #tpu.memory_space<vmem_shared>>)
      %dma_wait3A_314 = arith.constant 0 : i32
      %dma_wait3A_315 = tpu.memref_slice %arg7[%dma_wait3A_314] : memref<10240xf32, #tpu.memory_space<vmem_shared>> -> memref<10240xf32, #tpu.memory_space<vmem_shared>>
      tpu.wait_indirect_dma semaphore(%arg8 : memref<!tpu.dma_semaphore, #tpu.memory_space<semaphore_mem>>) src(%arg5 : memref<16xf32, #tpu.memory_space<vmem>>) dst(%dma_wait3A_315 : memref<10240xf32, #tpu.memory_space<vmem_shared>>)
      %dma_wait3A_316 = arith.constant 0 : i32
      %dma_wait3A_317 = tpu.memref_slice %arg7[%dma_wait3A_316] : memref<10240xf32, #tpu.memory_space<vmem_shared>> -> memref<10240xf32, #tpu.memory_space<vmem_shared>>
      tpu.wait_indirect_dma semaphore(%arg8 : memref<!tpu.dma_semaphore, #tpu.memory_space<semaphore_mem>>) src(%arg5 : memref<16xf32, #tpu.memory_space<vmem>>) dst(%dma_wait3A_317 : memref<10240xf32, #tpu.memory_space<vmem_shared>>)
      %dma_wait3A_318 = arith.constant 0 : i32
      %dma_wait3A_319 = tpu.memref_slice %arg7[%dma_wait3A_318] : memref<10240xf32, #tpu.memory_space<vmem_shared>> -> memref<10240xf32, #tpu.memory_space<vmem_shared>>
      tpu.wait_indirect_dma semaphore(%arg8 : memref<!tpu.dma_semaphore, #tpu.memory_space<semaphore_mem>>) src(%arg5 : memref<16xf32, #tpu.memory_space<vmem>>) dst(%dma_wait3A_319 : memref<10240xf32, #tpu.memory_space<vmem_shared>>)
      %dma_wait3A_320 = arith.constant 0 : i32
      %dma_wait3A_321 = tpu.memref_slice %arg7[%dma_wait3A_320] : memref<10240xf32, #tpu.memory_space<vmem_shared>> -> memref<10240xf32, #tpu.memory_space<vmem_shared>>
      tpu.wait_indirect_dma semaphore(%arg8 : memref<!tpu.dma_semaphore, #tpu.memory_space<semaphore_mem>>) src(%arg5 : memref<16xf32, #tpu.memory_space<vmem>>) dst(%dma_wait3A_321 : memref<10240xf32, #tpu.memory_space<vmem_shared>>)
      %dma_wait3A_322 = arith.constant 0 : i32
      %dma_wait3A_323 = tpu.memref_slice %arg7[%dma_wait3A_322] : memref<10240xf32, #tpu.memory_space<vmem_shared>> -> memref<10240xf32, #tpu.memory_space<vmem_shared>>
      tpu.wait_indirect_dma semaphore(%arg8 : memref<!tpu.dma_semaphore, #tpu.memory_space<semaphore_mem>>) src(%arg5 : memref<16xf32, #tpu.memory_space<vmem>>) dst(%dma_wait3A_323 : memref<10240xf32, #tpu.memory_space<vmem_shared>>)
      %dma_wait3A_324 = arith.constant 0 : i32
      %dma_wait3A_325 = tpu.memref_slice %arg7[%dma_wait3A_324] : memref<10240xf32, #tpu.memory_space<vmem_shared>> -> memref<10240xf32, #tpu.memory_space<vmem_shared>>
      tpu.wait_indirect_dma semaphore(%arg8 : memref<!tpu.dma_semaphore, #tpu.memory_space<semaphore_mem>>) src(%arg5 : memref<16xf32, #tpu.memory_space<vmem>>) dst(%dma_wait3A_325 : memref<10240xf32, #tpu.memory_space<vmem_shared>>)
      %dma_wait3A_326 = arith.constant 0 : i32
      %dma_wait3A_327 = tpu.memref_slice %arg7[%dma_wait3A_326] : memref<10240xf32, #tpu.memory_space<vmem_shared>> -> memref<10240xf32, #tpu.memory_space<vmem_shared>>
      tpu.wait_indirect_dma semaphore(%arg8 : memref<!tpu.dma_semaphore, #tpu.memory_space<semaphore_mem>>) src(%arg5 : memref<16xf32, #tpu.memory_space<vmem>>) dst(%dma_wait3A_327 : memref<10240xf32, #tpu.memory_space<vmem_shared>>)
      %dma_wait3A_328 = arith.constant 0 : i32
      %dma_wait3A_329 = tpu.memref_slice %arg7[%dma_wait3A_328] : memref<10240xf32, #tpu.memory_space<vmem_shared>> -> memref<10240xf32, #tpu.memory_space<vmem_shared>>
      tpu.wait_indirect_dma semaphore(%arg8 : memref<!tpu.dma_semaphore, #tpu.memory_space<semaphore_mem>>) src(%arg5 : memref<16xf32, #tpu.memory_space<vmem>>) dst(%dma_wait3A_329 : memref<10240xf32, #tpu.memory_space<vmem_shared>>)
      %dma_wait3A_330 = arith.constant 0 : i32
      %dma_wait3A_331 = tpu.memref_slice %arg7[%dma_wait3A_330] : memref<10240xf32, #tpu.memory_space<vmem_shared>> -> memref<10240xf32, #tpu.memory_space<vmem_shared>>
      tpu.wait_indirect_dma semaphore(%arg8 : memref<!tpu.dma_semaphore, #tpu.memory_space<semaphore_mem>>) src(%arg5 : memref<16xf32, #tpu.memory_space<vmem>>) dst(%dma_wait3A_331 : memref<10240xf32, #tpu.memory_space<vmem_shared>>)
      %dma_wait3A_332 = arith.constant 0 : i32
      %dma_wait3A_333 = tpu.memref_slice %arg7[%dma_wait3A_332] : memref<10240xf32, #tpu.memory_space<vmem_shared>> -> memref<10240xf32, #tpu.memory_space<vmem_shared>>
      tpu.wait_indirect_dma semaphore(%arg8 : memref<!tpu.dma_semaphore, #tpu.memory_space<semaphore_mem>>) src(%arg5 : memref<16xf32, #tpu.memory_space<vmem>>) dst(%dma_wait3A_333 : memref<10240xf32, #tpu.memory_space<vmem_shared>>)
      %dma_wait3A_334 = arith.constant 0 : i32
      %dma_wait3A_335 = tpu.memref_slice %arg7[%dma_wait3A_334] : memref<10240xf32, #tpu.memory_space<vmem_shared>> -> memref<10240xf32, #tpu.memory_space<vmem_shared>>
      tpu.wait_indirect_dma semaphore(%arg8 : memref<!tpu.dma_semaphore, #tpu.memory_space<semaphore_mem>>) src(%arg5 : memref<16xf32, #tpu.memory_space<vmem>>) dst(%dma_wait3A_335 : memref<10240xf32, #tpu.memory_space<vmem_shared>>)
      %dma_wait3A_336 = arith.constant 0 : i32
      %dma_wait3A_337 = tpu.memref_slice %arg7[%dma_wait3A_336] : memref<10240xf32, #tpu.memory_space<vmem_shared>> -> memref<10240xf32, #tpu.memory_space<vmem_shared>>
      tpu.wait_indirect_dma semaphore(%arg8 : memref<!tpu.dma_semaphore, #tpu.memory_space<semaphore_mem>>) src(%arg5 : memref<16xf32, #tpu.memory_space<vmem>>) dst(%dma_wait3A_337 : memref<10240xf32, #tpu.memory_space<vmem_shared>>)
      %dma_wait3A_338 = arith.constant 0 : i32
      %dma_wait3A_339 = tpu.memref_slice %arg7[%dma_wait3A_338] : memref<10240xf32, #tpu.memory_space<vmem_shared>> -> memref<10240xf32, #tpu.memory_space<vmem_shared>>
      tpu.wait_indirect_dma semaphore(%arg8 : memref<!tpu.dma_semaphore, #tpu.memory_space<semaphore_mem>>) src(%arg5 : memref<16xf32, #tpu.memory_space<vmem>>) dst(%dma_wait3A_339 : memref<10240xf32, #tpu.memory_space<vmem_shared>>)
      %dma_wait3A_340 = arith.constant 0 : i32
      %dma_wait3A_341 = tpu.memref_slice %arg7[%dma_wait3A_340] : memref<10240xf32, #tpu.memory_space<vmem_shared>> -> memref<10240xf32, #tpu.memory_space<vmem_shared>>
      tpu.wait_indirect_dma semaphore(%arg8 : memref<!tpu.dma_semaphore, #tpu.memory_space<semaphore_mem>>) src(%arg5 : memref<16xf32, #tpu.memory_space<vmem>>) dst(%dma_wait3A_341 : memref<10240xf32, #tpu.memory_space<vmem_shared>>)
      %dma_wait3A_342 = arith.constant 0 : i32
      %dma_wait3A_343 = tpu.memref_slice %arg7[%dma_wait3A_342] : memref<10240xf32, #tpu.memory_space<vmem_shared>> -> memref<10240xf32, #tpu.memory_space<vmem_shared>>
      tpu.wait_indirect_dma semaphore(%arg8 : memref<!tpu.dma_semaphore, #tpu.memory_space<semaphore_mem>>) src(%arg5 : memref<16xf32, #tpu.memory_space<vmem>>) dst(%dma_wait3A_343 : memref<10240xf32, #tpu.memory_space<vmem_shared>>)
      %dma_wait3A_344 = arith.constant 0 : i32
      %dma_wait3A_345 = tpu.memref_slice %arg7[%dma_wait3A_344] : memref<10240xf32, #tpu.memory_space<vmem_shared>> -> memref<10240xf32, #tpu.memory_space<vmem_shared>>
      tpu.wait_indirect_dma semaphore(%arg8 : memref<!tpu.dma_semaphore, #tpu.memory_space<semaphore_mem>>) src(%arg5 : memref<16xf32, #tpu.memory_space<vmem>>) dst(%dma_wait3A_345 : memref<10240xf32, #tpu.memory_space<vmem_shared>>)
      %dma_wait3A_346 = arith.constant 0 : i32
      %dma_wait3A_347 = tpu.memref_slice %arg7[%dma_wait3A_346] : memref<10240xf32, #tpu.memory_space<vmem_shared>> -> memref<10240xf32, #tpu.memory_space<vmem_shared>>
      tpu.wait_indirect_dma semaphore(%arg8 : memref<!tpu.dma_semaphore, #tpu.memory_space<semaphore_mem>>) src(%arg5 : memref<16xf32, #tpu.memory_space<vmem>>) dst(%dma_wait3A_347 : memref<10240xf32, #tpu.memory_space<vmem_shared>>)
      %dma_wait3A_348 = arith.constant 0 : i32
      %dma_wait3A_349 = tpu.memref_slice %arg7[%dma_wait3A_348] : memref<10240xf32, #tpu.memory_space<vmem_shared>> -> memref<10240xf32, #tpu.memory_space<vmem_shared>>
      tpu.wait_indirect_dma semaphore(%arg8 : memref<!tpu.dma_semaphore, #tpu.memory_space<semaphore_mem>>) src(%arg5 : memref<16xf32, #tpu.memory_space<vmem>>) dst(%dma_wait3A_349 : memref<10240xf32, #tpu.memory_space<vmem_shared>>)
    }
    %scan3A_21 = arith.constant 25 : i32
    %barrier3A_22 = arith.constant 0 : index
    tpu.barrier barrier_id(%barrier3A_22)
    %mul3A_23 = arith.constant 640 : i32
    %mul3A_24 = arith.muli %arg1, %mul3A_23 : i32
    "tpu.region"() ({
      %run_scoped3A = tpu.sem_alloc : memref<!tpu.dma_semaphore, #tpu.memory_space<semaphore_mem>>
      %dma_start3A = tpu.memref_slice %arg7[%mul3A_24] : memref<10240xf32, #tpu.memory_space<vmem_shared>> -> memref<640xf32, #tpu.memory_space<vmem_shared>>
      %dma_start3A_27 = tpu.memref_slice %arg7[%mul3A_24] : memref<10240xf32, #tpu.memory_space<vmem_shared>> -> memref<640xf32, #tpu.memory_space<vmem_shared>>
      tpu.enqueue_dma source(%dma_start3A_27 : memref<640xf32, #tpu.memory_space<vmem_shared>>) target(%arg6 : memref<640xf32, #tpu.memory_space<vmem>>) target_semaphore(%run_scoped3A : memref<!tpu.dma_semaphore, #tpu.memory_space<semaphore_mem>>)
      %dma_wait3A = tpu.memref_slice %arg7[%mul3A_24] : memref<10240xf32, #tpu.memory_space<vmem_shared>> -> memref<640xf32, #tpu.memory_space<vmem_shared>>
      %dma_wait3A_28 = tpu.memref_slice %arg7[%mul3A_24] : memref<10240xf32, #tpu.memory_space<vmem_shared>> -> memref<640xf32, #tpu.memory_space<vmem_shared>>
      tpu.wait_dma2 semaphore(%run_scoped3A : memref<!tpu.dma_semaphore, #tpu.memory_space<semaphore_mem>>) src(%dma_wait3A_28 : memref<640xf32, #tpu.memory_space<vmem_shared>>) dst(%arg6 : memref<640xf32, #tpu.memory_space<vmem>>)
      tpu.yield
    }) : () -> ()
    %mul3A_25 = arith.constant 640 : i32
    %mul3A_26 = arith.muli %arg1, %mul3A_25 : i32
    "tpu.region"() ({
      %run_scoped3A = tpu.sem_alloc : memref<!tpu.dma_semaphore, #tpu.memory_space<semaphore_mem>>
      %dma_start3A = tpu.memref_slice %arg3[%arg0, %mul3A_26] : memref<2x10240xf32, #tpu.memory_space<hbm>> -> memref<1x640xf32, #tpu.memory_space<hbm>>
      %dma_start3A_27 = tpu.memref_squeeze %dma_start3A : memref<1x640xf32, #tpu.memory_space<hbm>> -> memref<640xf32, #tpu.memory_space<hbm>>
      %dma_start3A_28 = tpu.memref_slice %arg3[%arg0, %mul3A_26] : memref<2x10240xf32, #tpu.memory_space<hbm>> -> memref<1x640xf32, #tpu.memory_space<hbm>>
      %dma_start3A_29 = tpu.memref_squeeze %dma_start3A_28 : memref<1x640xf32, #tpu.memory_space<hbm>> -> memref<640xf32, #tpu.memory_space<hbm>>
      tpu.enqueue_dma source(%arg6 : memref<640xf32, #tpu.memory_space<vmem>>) target(%dma_start3A_29 : memref<640xf32, #tpu.memory_space<hbm>>) target_semaphore(%run_scoped3A : memref<!tpu.dma_semaphore, #tpu.memory_space<semaphore_mem>>)
      %dma_wait3A = tpu.memref_slice %arg3[%arg0, %mul3A_26] : memref<2x10240xf32, #tpu.memory_space<hbm>> -> memref<1x640xf32, #tpu.memory_space<hbm>>
      %dma_wait3A_30 = tpu.memref_squeeze %dma_wait3A : memref<1x640xf32, #tpu.memory_space<hbm>> -> memref<640xf32, #tpu.memory_space<hbm>>
      %dma_wait3A_31 = tpu.memref_slice %arg3[%arg0, %mul3A_26] : memref<2x10240xf32, #tpu.memory_space<hbm>> -> memref<1x640xf32, #tpu.memory_space<hbm>>
      %dma_wait3A_32 = tpu.memref_squeeze %dma_wait3A_31 : memref<1x640xf32, #tpu.memory_space<hbm>> -> memref<640xf32, #tpu.memory_space<hbm>>
      tpu.wait_dma2 semaphore(%run_scoped3A : memref<!tpu.dma_semaphore, #tpu.memory_space<semaphore_mem>>) src(%arg6 : memref<640xf32, #tpu.memory_space<vmem>>) dst(%dma_wait3A_32 : memref<640xf32, #tpu.memory_space<hbm>>)
      tpu.yield
    }) : () -> ()
    return
  }
}

#map = affine_map<(d0, d1) -> (0)>
#map1 = affine_map<(d0, d1) -> (0, 0)>
#map2 = affine_map<(d0, d1) -> (0, 0, 0)>
module attributes {stable_mosaic.version = 14 : i64} {
  func.func @_agg_body(%arg0: i32, %arg1: i32, %arg2: memref<320000xi32, #tpu.memory_space<hbm>>, %arg3: memref<320000xi32, #tpu.memory_space<hbm>>, %arg4: memref<10000x128xf32, #tpu.memory_space<hbm>>, %arg5: memref<80x128xf32, #tpu.memory_space<hbm>>, %arg6: memref<2x10240x128xf32, #tpu.memory_space<hbm>>, %arg7: memref<10000xi32, #tpu.memory_space<vmem>>, %arg8: memref<80xi32, #tpu.memory_space<vmem>>, %arg9: memref<80xi32, #tpu.memory_space<vmem>>, %arg10: memref<80x128xf32, #tpu.memory_space<vmem>>, %arg11: memref<80x128xf32, #tpu.memory_space<vmem>>, %arg12: memref<10240x128xf32, #tpu.memory_space<vmem_shared>>, %arg13: memref<!tpu.dma_semaphore, #tpu.memory_space<semaphore_mem>>, %arg14: memref<!tpu.dma_semaphore, #tpu.memory_space<semaphore_mem>>, %arg15: memref<!tpu.dma_semaphore, #tpu.memory_space<semaphore_mem>>) attributes {dimension_semantics = [#tpu.dimension_semantics<core_parallel>, #tpu.dimension_semantics<subcore_parallel>], iteration_bounds = array<i64: 2, 16>, scalar_prefetch = 0 : i64, scratch_operands = 9 : i64, tpu.core_type = #tpu.core_type<sc_vector_subcore>, window_params = [{transform_indices = #map}, {transform_indices = #map}, {transform_indices = #map1}, {transform_indices = #map1}, {transform_indices = #map2}]} {
    %mul3A = arith.constant 16 : i32
    %mul3A_0 = arith.muli %arg0, %mul3A : i32
    %add3A = arith.addi %mul3A_0, %arg1 : i32
    %mul3A_1 = arith.constant 10000 : i32
    %mul3A_2 = arith.muli %add3A, %mul3A_1 : i32
    "tpu.region"() ({
      %run_scoped3A = tpu.sem_alloc : memref<!tpu.dma_semaphore, #tpu.memory_space<semaphore_mem>>
      tpu.enqueue_dma source(%arg5 : memref<80x128xf32, #tpu.memory_space<hbm>>) target(%arg10 : memref<80x128xf32, #tpu.memory_space<vmem>>) target_semaphore(%run_scoped3A : memref<!tpu.dma_semaphore, #tpu.memory_space<semaphore_mem>>)
      tpu.wait_dma2 semaphore(%run_scoped3A : memref<!tpu.dma_semaphore, #tpu.memory_space<semaphore_mem>>) src(%arg5 : memref<80x128xf32, #tpu.memory_space<hbm>>) dst(%arg10 : memref<80x128xf32, #tpu.memory_space<vmem>>)
      tpu.yield
    }) : () -> ()
    %mul3A_3 = arith.constant 640 : i32
    %mul3A_4 = arith.muli %arg1, %mul3A_3 : i32
    %add3A_5 = arith.constant 0 : i32
    %add3A_6 = arith.addi %mul3A_4, %add3A_5 : i32
    %dma_start3A = arith.constant 0 : i32
    %dma_start3A_7 = tpu.memref_slice %arg12[%add3A_6, %dma_start3A] : memref<10240x128xf32, #tpu.memory_space<vmem_shared>> -> memref<80x128xf32, #tpu.memory_space<vmem_shared>>
    %dma_start3A_8 = arith.constant 0 : i32
    %dma_start3A_9 = tpu.memref_slice %arg12[%add3A_6, %dma_start3A_8] : memref<10240x128xf32, #tpu.memory_space<vmem_shared>> -> memref<80x128xf32, #tpu.memory_space<vmem_shared>>
    tpu.enqueue_dma source(%arg10 : memref<80x128xf32, #tpu.memory_space<vmem>>) target(%dma_start3A_9 : memref<80x128xf32, #tpu.memory_space<vmem_shared>>) target_semaphore(%arg15 : memref<!tpu.dma_semaphore, #tpu.memory_space<semaphore_mem>>)
    %mul3A_10 = arith.constant 640 : i32
    %mul3A_11 = arith.muli %arg1, %mul3A_10 : i32
    %add3A_12 = arith.constant 80 : i32
    %add3A_13 = arith.addi %mul3A_11, %add3A_12 : i32
    %dma_start3A_14 = arith.constant 0 : i32
    %dma_start3A_15 = tpu.memref_slice %arg12[%add3A_13, %dma_start3A_14] : memref<10240x128xf32, #tpu.memory_space<vmem_shared>> -> memref<80x128xf32, #tpu.memory_space<vmem_shared>>
    %dma_start3A_16 = arith.constant 0 : i32
    %dma_start3A_17 = tpu.memref_slice %arg12[%add3A_13, %dma_start3A_16] : memref<10240x128xf32, #tpu.memory_space<vmem_shared>> -> memref<80x128xf32, #tpu.memory_space<vmem_shared>>
    tpu.enqueue_dma source(%arg10 : memref<80x128xf32, #tpu.memory_space<vmem>>) target(%dma_start3A_17 : memref<80x128xf32, #tpu.memory_space<vmem_shared>>) target_semaphore(%arg15 : memref<!tpu.dma_semaphore, #tpu.memory_space<semaphore_mem>>)
    %mul3A_18 = arith.constant 640 : i32
    %mul3A_19 = arith.muli %arg1, %mul3A_18 : i32
    %add3A_20 = arith.constant 160 : i32
    %add3A_21 = arith.addi %mul3A_19, %add3A_20 : i32
    %dma_start3A_22 = arith.constant 0 : i32
    %dma_start3A_23 = tpu.memref_slice %arg12[%add3A_21, %dma_start3A_22] : memref<10240x128xf32, #tpu.memory_space<vmem_shared>> -> memref<80x128xf32, #tpu.memory_space<vmem_shared>>
    %dma_start3A_24 = arith.constant 0 : i32
    %dma_start3A_25 = tpu.memref_slice %arg12[%add3A_21, %dma_start3A_24] : memref<10240x128xf32, #tpu.memory_space<vmem_shared>> -> memref<80x128xf32, #tpu.memory_space<vmem_shared>>
    tpu.enqueue_dma source(%arg10 : memref<80x128xf32, #tpu.memory_space<vmem>>) target(%dma_start3A_25 : memref<80x128xf32, #tpu.memory_space<vmem_shared>>) target_semaphore(%arg15 : memref<!tpu.dma_semaphore, #tpu.memory_space<semaphore_mem>>)
    %mul3A_26 = arith.constant 640 : i32
    %mul3A_27 = arith.muli %arg1, %mul3A_26 : i32
    %add3A_28 = arith.constant 240 : i32
    %add3A_29 = arith.addi %mul3A_27, %add3A_28 : i32
    %dma_start3A_30 = arith.constant 0 : i32
    %dma_start3A_31 = tpu.memref_slice %arg12[%add3A_29, %dma_start3A_30] : memref<10240x128xf32, #tpu.memory_space<vmem_shared>> -> memref<80x128xf32, #tpu.memory_space<vmem_shared>>
    %dma_start3A_32 = arith.constant 0 : i32
    %dma_start3A_33 = tpu.memref_slice %arg12[%add3A_29, %dma_start3A_32] : memref<10240x128xf32, #tpu.memory_space<vmem_shared>> -> memref<80x128xf32, #tpu.memory_space<vmem_shared>>
    tpu.enqueue_dma source(%arg10 : memref<80x128xf32, #tpu.memory_space<vmem>>) target(%dma_start3A_33 : memref<80x128xf32, #tpu.memory_space<vmem_shared>>) target_semaphore(%arg15 : memref<!tpu.dma_semaphore, #tpu.memory_space<semaphore_mem>>)
    %mul3A_34 = arith.constant 640 : i32
    %mul3A_35 = arith.muli %arg1, %mul3A_34 : i32
    %add3A_36 = arith.constant 320 : i32
    %add3A_37 = arith.addi %mul3A_35, %add3A_36 : i32
    %dma_start3A_38 = arith.constant 0 : i32
    %dma_start3A_39 = tpu.memref_slice %arg12[%add3A_37, %dma_start3A_38] : memref<10240x128xf32, #tpu.memory_space<vmem_shared>> -> memref<80x128xf32, #tpu.memory_space<vmem_shared>>
    %dma_start3A_40 = arith.constant 0 : i32
    %dma_start3A_41 = tpu.memref_slice %arg12[%add3A_37, %dma_start3A_40] : memref<10240x128xf32, #tpu.memory_space<vmem_shared>> -> memref<80x128xf32, #tpu.memory_space<vmem_shared>>
    tpu.enqueue_dma source(%arg10 : memref<80x128xf32, #tpu.memory_space<vmem>>) target(%dma_start3A_41 : memref<80x128xf32, #tpu.memory_space<vmem_shared>>) target_semaphore(%arg15 : memref<!tpu.dma_semaphore, #tpu.memory_space<semaphore_mem>>)
    %mul3A_42 = arith.constant 640 : i32
    %mul3A_43 = arith.muli %arg1, %mul3A_42 : i32
    %add3A_44 = arith.constant 400 : i32
    %add3A_45 = arith.addi %mul3A_43, %add3A_44 : i32
    %dma_start3A_46 = arith.constant 0 : i32
    %dma_start3A_47 = tpu.memref_slice %arg12[%add3A_45, %dma_start3A_46] : memref<10240x128xf32, #tpu.memory_space<vmem_shared>> -> memref<80x128xf32, #tpu.memory_space<vmem_shared>>
    %dma_start3A_48 = arith.constant 0 : i32
    %dma_start3A_49 = tpu.memref_slice %arg12[%add3A_45, %dma_start3A_48] : memref<10240x128xf32, #tpu.memory_space<vmem_shared>> -> memref<80x128xf32, #tpu.memory_space<vmem_shared>>
    tpu.enqueue_dma source(%arg10 : memref<80x128xf32, #tpu.memory_space<vmem>>) target(%dma_start3A_49 : memref<80x128xf32, #tpu.memory_space<vmem_shared>>) target_semaphore(%arg15 : memref<!tpu.dma_semaphore, #tpu.memory_space<semaphore_mem>>)
    %mul3A_50 = arith.constant 640 : i32
    %mul3A_51 = arith.muli %arg1, %mul3A_50 : i32
    %add3A_52 = arith.constant 480 : i32
    %add3A_53 = arith.addi %mul3A_51, %add3A_52 : i32
    %dma_start3A_54 = arith.constant 0 : i32
    %dma_start3A_55 = tpu.memref_slice %arg12[%add3A_53, %dma_start3A_54] : memref<10240x128xf32, #tpu.memory_space<vmem_shared>> -> memref<80x128xf32, #tpu.memory_space<vmem_shared>>
    %dma_start3A_56 = arith.constant 0 : i32
    %dma_start3A_57 = tpu.memref_slice %arg12[%add3A_53, %dma_start3A_56] : memref<10240x128xf32, #tpu.memory_space<vmem_shared>> -> memref<80x128xf32, #tpu.memory_space<vmem_shared>>
    tpu.enqueue_dma source(%arg10 : memref<80x128xf32, #tpu.memory_space<vmem>>) target(%dma_start3A_57 : memref<80x128xf32, #tpu.memory_space<vmem_shared>>) target_semaphore(%arg15 : memref<!tpu.dma_semaphore, #tpu.memory_space<semaphore_mem>>)
    %mul3A_58 = arith.constant 640 : i32
    %mul3A_59 = arith.muli %arg1, %mul3A_58 : i32
    %add3A_60 = arith.constant 560 : i32
    %add3A_61 = arith.addi %mul3A_59, %add3A_60 : i32
    %dma_start3A_62 = arith.constant 0 : i32
    %dma_start3A_63 = tpu.memref_slice %arg12[%add3A_61, %dma_start3A_62] : memref<10240x128xf32, #tpu.memory_space<vmem_shared>> -> memref<80x128xf32, #tpu.memory_space<vmem_shared>>
    %dma_start3A_64 = arith.constant 0 : i32
    %dma_start3A_65 = tpu.memref_slice %arg12[%add3A_61, %dma_start3A_64] : memref<10240x128xf32, #tpu.memory_space<vmem_shared>> -> memref<80x128xf32, #tpu.memory_space<vmem_shared>>
    tpu.enqueue_dma source(%arg10 : memref<80x128xf32, #tpu.memory_space<vmem>>) target(%dma_start3A_65 : memref<80x128xf32, #tpu.memory_space<vmem_shared>>) target_semaphore(%arg15 : memref<!tpu.dma_semaphore, #tpu.memory_space<semaphore_mem>>)
    %dma_wait3A = arith.constant 0 : i32
    %dma_wait3A_66 = tpu.memref_slice %arg12[%add3A_6, %dma_wait3A] : memref<10240x128xf32, #tpu.memory_space<vmem_shared>> -> memref<80x128xf32, #tpu.memory_space<vmem_shared>>
    %dma_wait3A_67 = arith.constant 0 : i32
    %dma_wait3A_68 = tpu.memref_slice %arg12[%add3A_6, %dma_wait3A_67] : memref<10240x128xf32, #tpu.memory_space<vmem_shared>> -> memref<80x128xf32, #tpu.memory_space<vmem_shared>>
    tpu.wait_dma2 semaphore(%arg15 : memref<!tpu.dma_semaphore, #tpu.memory_space<semaphore_mem>>) src(%arg10 : memref<80x128xf32, #tpu.memory_space<vmem>>) dst(%dma_wait3A_68 : memref<80x128xf32, #tpu.memory_space<vmem_shared>>)
    %dma_wait3A_69 = arith.constant 0 : i32
    %dma_wait3A_70 = tpu.memref_slice %arg12[%add3A_13, %dma_wait3A_69] : memref<10240x128xf32, #tpu.memory_space<vmem_shared>> -> memref<80x128xf32, #tpu.memory_space<vmem_shared>>
    %dma_wait3A_71 = arith.constant 0 : i32
    %dma_wait3A_72 = tpu.memref_slice %arg12[%add3A_13, %dma_wait3A_71] : memref<10240x128xf32, #tpu.memory_space<vmem_shared>> -> memref<80x128xf32, #tpu.memory_space<vmem_shared>>
    tpu.wait_dma2 semaphore(%arg15 : memref<!tpu.dma_semaphore, #tpu.memory_space<semaphore_mem>>) src(%arg10 : memref<80x128xf32, #tpu.memory_space<vmem>>) dst(%dma_wait3A_72 : memref<80x128xf32, #tpu.memory_space<vmem_shared>>)
    %dma_wait3A_73 = arith.constant 0 : i32
    %dma_wait3A_74 = tpu.memref_slice %arg12[%add3A_21, %dma_wait3A_73] : memref<10240x128xf32, #tpu.memory_space<vmem_shared>> -> memref<80x128xf32, #tpu.memory_space<vmem_shared>>
    %dma_wait3A_75 = arith.constant 0 : i32
    %dma_wait3A_76 = tpu.memref_slice %arg12[%add3A_21, %dma_wait3A_75] : memref<10240x128xf32, #tpu.memory_space<vmem_shared>> -> memref<80x128xf32, #tpu.memory_space<vmem_shared>>
    tpu.wait_dma2 semaphore(%arg15 : memref<!tpu.dma_semaphore, #tpu.memory_space<semaphore_mem>>) src(%arg10 : memref<80x128xf32, #tpu.memory_space<vmem>>) dst(%dma_wait3A_76 : memref<80x128xf32, #tpu.memory_space<vmem_shared>>)
    %dma_wait3A_77 = arith.constant 0 : i32
    %dma_wait3A_78 = tpu.memref_slice %arg12[%add3A_29, %dma_wait3A_77] : memref<10240x128xf32, #tpu.memory_space<vmem_shared>> -> memref<80x128xf32, #tpu.memory_space<vmem_shared>>
    %dma_wait3A_79 = arith.constant 0 : i32
    %dma_wait3A_80 = tpu.memref_slice %arg12[%add3A_29, %dma_wait3A_79] : memref<10240x128xf32, #tpu.memory_space<vmem_shared>> -> memref<80x128xf32, #tpu.memory_space<vmem_shared>>
    tpu.wait_dma2 semaphore(%arg15 : memref<!tpu.dma_semaphore, #tpu.memory_space<semaphore_mem>>) src(%arg10 : memref<80x128xf32, #tpu.memory_space<vmem>>) dst(%dma_wait3A_80 : memref<80x128xf32, #tpu.memory_space<vmem_shared>>)
    %dma_wait3A_81 = arith.constant 0 : i32
    %dma_wait3A_82 = tpu.memref_slice %arg12[%add3A_37, %dma_wait3A_81] : memref<10240x128xf32, #tpu.memory_space<vmem_shared>> -> memref<80x128xf32, #tpu.memory_space<vmem_shared>>
    %dma_wait3A_83 = arith.constant 0 : i32
    %dma_wait3A_84 = tpu.memref_slice %arg12[%add3A_37, %dma_wait3A_83] : memref<10240x128xf32, #tpu.memory_space<vmem_shared>> -> memref<80x128xf32, #tpu.memory_space<vmem_shared>>
    tpu.wait_dma2 semaphore(%arg15 : memref<!tpu.dma_semaphore, #tpu.memory_space<semaphore_mem>>) src(%arg10 : memref<80x128xf32, #tpu.memory_space<vmem>>) dst(%dma_wait3A_84 : memref<80x128xf32, #tpu.memory_space<vmem_shared>>)
    %dma_wait3A_85 = arith.constant 0 : i32
    %dma_wait3A_86 = tpu.memref_slice %arg12[%add3A_45, %dma_wait3A_85] : memref<10240x128xf32, #tpu.memory_space<vmem_shared>> -> memref<80x128xf32, #tpu.memory_space<vmem_shared>>
    %dma_wait3A_87 = arith.constant 0 : i32
    %dma_wait3A_88 = tpu.memref_slice %arg12[%add3A_45, %dma_wait3A_87] : memref<10240x128xf32, #tpu.memory_space<vmem_shared>> -> memref<80x128xf32, #tpu.memory_space<vmem_shared>>
    tpu.wait_dma2 semaphore(%arg15 : memref<!tpu.dma_semaphore, #tpu.memory_space<semaphore_mem>>) src(%arg10 : memref<80x128xf32, #tpu.memory_space<vmem>>) dst(%dma_wait3A_88 : memref<80x128xf32, #tpu.memory_space<vmem_shared>>)
    %dma_wait3A_89 = arith.constant 0 : i32
    %dma_wait3A_90 = tpu.memref_slice %arg12[%add3A_53, %dma_wait3A_89] : memref<10240x128xf32, #tpu.memory_space<vmem_shared>> -> memref<80x128xf32, #tpu.memory_space<vmem_shared>>
    %dma_wait3A_91 = arith.constant 0 : i32
    %dma_wait3A_92 = tpu.memref_slice %arg12[%add3A_53, %dma_wait3A_91] : memref<10240x128xf32, #tpu.memory_space<vmem_shared>> -> memref<80x128xf32, #tpu.memory_space<vmem_shared>>
    tpu.wait_dma2 semaphore(%arg15 : memref<!tpu.dma_semaphore, #tpu.memory_space<semaphore_mem>>) src(%arg10 : memref<80x128xf32, #tpu.memory_space<vmem>>) dst(%dma_wait3A_92 : memref<80x128xf32, #tpu.memory_space<vmem_shared>>)
    %dma_wait3A_93 = arith.constant 0 : i32
    %dma_wait3A_94 = tpu.memref_slice %arg12[%add3A_61, %dma_wait3A_93] : memref<10240x128xf32, #tpu.memory_space<vmem_shared>> -> memref<80x128xf32, #tpu.memory_space<vmem_shared>>
    %dma_wait3A_95 = arith.constant 0 : i32
    %dma_wait3A_96 = tpu.memref_slice %arg12[%add3A_61, %dma_wait3A_95] : memref<10240x128xf32, #tpu.memory_space<vmem_shared>> -> memref<80x128xf32, #tpu.memory_space<vmem_shared>>
    tpu.wait_dma2 semaphore(%arg15 : memref<!tpu.dma_semaphore, #tpu.memory_space<semaphore_mem>>) src(%arg10 : memref<80x128xf32, #tpu.memory_space<vmem>>) dst(%dma_wait3A_96 : memref<80x128xf32, #tpu.memory_space<vmem_shared>>)
    "tpu.region"() ({
      %run_scoped3A = tpu.sem_alloc : memref<!tpu.dma_semaphore, #tpu.memory_space<semaphore_mem>>
      %dma_start3A_350 = tpu.memref_slice %arg3[%mul3A_2] : memref<320000xi32, #tpu.memory_space<hbm>> -> memref<10000xi32, #tpu.memory_space<hbm>>
      %dma_start3A_351 = tpu.memref_slice %arg3[%mul3A_2] : memref<320000xi32, #tpu.memory_space<hbm>> -> memref<10000xi32, #tpu.memory_space<hbm>>
      tpu.enqueue_dma source(%dma_start3A_351 : memref<10000xi32, #tpu.memory_space<hbm>>) target(%arg7 : memref<10000xi32, #tpu.memory_space<vmem>>) target_semaphore(%run_scoped3A : memref<!tpu.dma_semaphore, #tpu.memory_space<semaphore_mem>>)
      %dma_wait3A_352 = tpu.memref_slice %arg3[%mul3A_2] : memref<320000xi32, #tpu.memory_space<hbm>> -> memref<10000xi32, #tpu.memory_space<hbm>>
      %dma_wait3A_353 = tpu.memref_slice %arg3[%mul3A_2] : memref<320000xi32, #tpu.memory_space<hbm>> -> memref<10000xi32, #tpu.memory_space<hbm>>
      tpu.wait_dma2 semaphore(%run_scoped3A : memref<!tpu.dma_semaphore, #tpu.memory_space<semaphore_mem>>) src(%dma_wait3A_353 : memref<10000xi32, #tpu.memory_space<hbm>>) dst(%arg7 : memref<10000xi32, #tpu.memory_space<vmem>>)
      tpu.yield
    }) : () -> ()
    %barrier3A = arith.constant 0 : index
    tpu.barrier barrier_id(%barrier3A)
    %add3A_97 = arith.constant 0 : i32
    %add3A_98 = arith.addi %mul3A_2, %add3A_97 : i32
    "tpu.region"() ({
      %run_scoped3A = tpu.sem_alloc : memref<!tpu.dma_semaphore, #tpu.memory_space<semaphore_mem>>
      %dma_start3A_350 = tpu.memref_slice %arg2[%add3A_98] : memref<320000xi32, #tpu.memory_space<hbm>> -> memref<80xi32, #tpu.memory_space<hbm>>
      %dma_start3A_351 = tpu.memref_slice %arg2[%add3A_98] : memref<320000xi32, #tpu.memory_space<hbm>> -> memref<80xi32, #tpu.memory_space<hbm>>
      tpu.enqueue_dma source(%dma_start3A_351 : memref<80xi32, #tpu.memory_space<hbm>>) target(%arg8 : memref<80xi32, #tpu.memory_space<vmem>>) target_semaphore(%run_scoped3A : memref<!tpu.dma_semaphore, #tpu.memory_space<semaphore_mem>>)
      %dma_wait3A_352 = tpu.memref_slice %arg2[%add3A_98] : memref<320000xi32, #tpu.memory_space<hbm>> -> memref<80xi32, #tpu.memory_space<hbm>>
      %dma_wait3A_353 = tpu.memref_slice %arg2[%add3A_98] : memref<320000xi32, #tpu.memory_space<hbm>> -> memref<80xi32, #tpu.memory_space<hbm>>
      tpu.wait_dma2 semaphore(%run_scoped3A : memref<!tpu.dma_semaphore, #tpu.memory_space<semaphore_mem>>) src(%dma_wait3A_353 : memref<80xi32, #tpu.memory_space<hbm>>) dst(%arg8 : memref<80xi32, #tpu.memory_space<vmem>>)
      tpu.yield
    }) : () -> ()
    %dma_start3A_99 = arith.constant 0 : i32
    %dma_start3A_100 = arith.constant 0 : i32
    %dma_start3A_101 = tpu.memref_slice %arg4[%dma_start3A_99, %dma_start3A_100] : memref<10000x128xf32, #tpu.memory_space<hbm>> -> memref<10000x128xf32, #tpu.memory_space<hbm>>
    tpu.enqueue_indirect_dma source(%dma_start3A_101 : memref<10000x128xf32, #tpu.memory_space<hbm>>) target(%arg10 : memref<80x128xf32, #tpu.memory_space<vmem>>) offsets(%arg8 : memref<80xi32, #tpu.memory_space<vmem>>) semaphore(%arg13 : memref<!tpu.dma_semaphore, #tpu.memory_space<semaphore_mem>>)
    %add3A_102 = arith.constant 80 : i32
    %add3A_103 = arith.addi %mul3A_2, %add3A_102 : i32
    "tpu.region"() ({
      %run_scoped3A = tpu.sem_alloc : memref<!tpu.dma_semaphore, #tpu.memory_space<semaphore_mem>>
      %dma_start3A_350 = tpu.memref_slice %arg2[%add3A_103] : memref<320000xi32, #tpu.memory_space<hbm>> -> memref<80xi32, #tpu.memory_space<hbm>>
      %dma_start3A_351 = tpu.memref_slice %arg2[%add3A_103] : memref<320000xi32, #tpu.memory_space<hbm>> -> memref<80xi32, #tpu.memory_space<hbm>>
      tpu.enqueue_dma source(%dma_start3A_351 : memref<80xi32, #tpu.memory_space<hbm>>) target(%arg9 : memref<80xi32, #tpu.memory_space<vmem>>) target_semaphore(%run_scoped3A : memref<!tpu.dma_semaphore, #tpu.memory_space<semaphore_mem>>)
      %dma_wait3A_352 = tpu.memref_slice %arg2[%add3A_103] : memref<320000xi32, #tpu.memory_space<hbm>> -> memref<80xi32, #tpu.memory_space<hbm>>
      %dma_wait3A_353 = tpu.memref_slice %arg2[%add3A_103] : memref<320000xi32, #tpu.memory_space<hbm>> -> memref<80xi32, #tpu.memory_space<hbm>>
      tpu.wait_dma2 semaphore(%run_scoped3A : memref<!tpu.dma_semaphore, #tpu.memory_space<semaphore_mem>>) src(%dma_wait3A_353 : memref<80xi32, #tpu.memory_space<hbm>>) dst(%arg9 : memref<80xi32, #tpu.memory_space<vmem>>)
      tpu.yield
    }) : () -> ()
    %scan3A = arith.constant 0 : i32
    %scan3A_104 = arith.constant 0 : i32
    %scan3A_105 = arith.constant 62 : i32
    %scan3A_106 = arith.addi %scan3A_104, %scan3A_105 : i32
    %scan3A_107 = arith.constant 1 : i32
    scf.for %scan3A_350 = %scan3A_104 to %scan3A_106 step %scan3A_107  : i32 {
      %mul3A_351 = arith.constant 2 : i32
      %mul3A_352 = arith.muli %scan3A_350, %mul3A_351 : i32
      %dma_start3A_353 = arith.constant 0 : i32
      %dma_start3A_354 = arith.constant 0 : i32
      %dma_start3A_355 = tpu.memref_slice %arg4[%dma_start3A_353, %dma_start3A_354] : memref<10000x128xf32, #tpu.memory_space<hbm>> -> memref<10000x128xf32, #tpu.memory_space<hbm>>
      tpu.enqueue_indirect_dma source(%dma_start3A_355 : memref<10000x128xf32, #tpu.memory_space<hbm>>) target(%arg11 : memref<80x128xf32, #tpu.memory_space<vmem>>) offsets(%arg9 : memref<80xi32, #tpu.memory_space<vmem>>) semaphore(%arg14 : memref<!tpu.dma_semaphore, #tpu.memory_space<semaphore_mem>>)
      %dma_wait3A_356 = arith.constant 0 : i32
      %dma_wait3A_357 = arith.constant 0 : i32
      %dma_wait3A_358 = tpu.memref_slice %arg4[%dma_wait3A_356, %dma_wait3A_357] : memref<10000x128xf32, #tpu.memory_space<hbm>> -> memref<80x128xf32, #tpu.memory_space<hbm>>
      %dma_wait3A_359 = arith.constant 0 : i32
      %dma_wait3A_360 = arith.constant 0 : i32
      %dma_wait3A_361 = tpu.memref_slice %arg4[%dma_wait3A_359, %dma_wait3A_360] : memref<10000x128xf32, #tpu.memory_space<hbm>> -> memref<80x128xf32, #tpu.memory_space<hbm>>
      tpu.wait_dma2 semaphore(%arg13 : memref<!tpu.dma_semaphore, #tpu.memory_space<semaphore_mem>>) src(%dma_wait3A_361 : memref<80x128xf32, #tpu.memory_space<hbm>>) dst(%arg10 : memref<80x128xf32, #tpu.memory_space<vmem>>)
      %mul3A_362 = arith.constant 80 : i32
      %mul3A_363 = arith.muli %mul3A_352, %mul3A_362 : i32
      %add3A_364 = arith.constant 0 : i32
      %add3A_365 = arith.addi %mul3A_363, %add3A_364 : i32
      %get3A_366 = arith.index_cast %add3A_365 : i32 to index
      %get3A_367 = tpu.vector_load %arg7[%get3A_366] {strides = array<i32>} : memref<10000xi32, #tpu.memory_space<vmem>>, vector<16xi32>,
      %get3A_368 = vector.shape_cast %get3A_367 : vector<16xi32> to vector<16xi32>
      %dma_start3A_369 = arith.constant 0 : i32
      %dma_start3A_370 = arith.constant 0 : i32
      %dma_start3A_371 = tpu.memref_slice %arg10[%dma_start3A_369, %dma_start3A_370] : memref<80x128xf32, #tpu.memory_space<vmem>> -> memref<16x128xf32, #tpu.memory_space<vmem>>
      %dma_start3A_372 = arith.constant 0 : i32
      %dma_start3A_373 = arith.constant 0 : i32
      %dma_start3A_374 = tpu.memref_slice %arg12[%dma_start3A_372, %dma_start3A_373] : memref<10240x128xf32, #tpu.memory_space<vmem_shared>> -> memref<10240x128xf32, #tpu.memory_space<vmem_shared>>
      tpu.enqueue_indirect_dma source(%dma_start3A_371 : memref<16x128xf32, #tpu.memory_space<vmem>>) target(%dma_start3A_374 : memref<10240x128xf32, #tpu.memory_space<vmem_shared>>) offsets(%get3A_368 : vector<16xi32>) semaphore(%arg15 : memref<!tpu.dma_semaphore, #tpu.memory_space<semaphore_mem>>) {add = true}
      %mul3A_375 = arith.constant 80 : i32
      %mul3A_376 = arith.muli %mul3A_352, %mul3A_375 : i32
      %add3A_377 = arith.constant 16 : i32
      %add3A_378 = arith.addi %mul3A_376, %add3A_377 : i32
      %get3A_379 = arith.index_cast %add3A_378 : i32 to index
      %get3A_380 = tpu.vector_load %arg7[%get3A_379] {strides = array<i32>} : memref<10000xi32, #tpu.memory_space<vmem>>, vector<16xi32>,
      %get3A_381 = vector.shape_cast %get3A_380 : vector<16xi32> to vector<16xi32>
      %dma_start3A_382 = arith.constant 16 : i32
      %dma_start3A_383 = arith.constant 0 : i32
      %dma_start3A_384 = tpu.memref_slice %arg10[%dma_start3A_382, %dma_start3A_383] : memref<80x128xf32, #tpu.memory_space<vmem>> -> memref<16x128xf32, #tpu.memory_space<vmem>>
      %dma_start3A_385 = arith.constant 0 : i32
      %dma_start3A_386 = arith.constant 0 : i32
      %dma_start3A_387 = tpu.memref_slice %arg12[%dma_start3A_385, %dma_start3A_386] : memref<10240x128xf32, #tpu.memory_space<vmem_shared>> -> memref<10240x128xf32, #tpu.memory_space<vmem_shared>>
      tpu.enqueue_indirect_dma source(%dma_start3A_384 : memref<16x128xf32, #tpu.memory_space<vmem>>) target(%dma_start3A_387 : memref<10240x128xf32, #tpu.memory_space<vmem_shared>>) offsets(%get3A_381 : vector<16xi32>) semaphore(%arg15 : memref<!tpu.dma_semaphore, #tpu.memory_space<semaphore_mem>>) {add = true}
      %mul3A_388 = arith.constant 80 : i32
      %mul3A_389 = arith.muli %mul3A_352, %mul3A_388 : i32
      %add3A_390 = arith.constant 32 : i32
      %add3A_391 = arith.addi %mul3A_389, %add3A_390 : i32
      %get3A_392 = arith.index_cast %add3A_391 : i32 to index
      %get3A_393 = tpu.vector_load %arg7[%get3A_392] {strides = array<i32>} : memref<10000xi32, #tpu.memory_space<vmem>>, vector<16xi32>,
      %get3A_394 = vector.shape_cast %get3A_393 : vector<16xi32> to vector<16xi32>
      %dma_start3A_395 = arith.constant 32 : i32
      %dma_start3A_396 = arith.constant 0 : i32
      %dma_start3A_397 = tpu.memref_slice %arg10[%dma_start3A_395, %dma_start3A_396] : memref<80x128xf32, #tpu.memory_space<vmem>> -> memref<16x128xf32, #tpu.memory_space<vmem>>
      %dma_start3A_398 = arith.constant 0 : i32
      %dma_start3A_399 = arith.constant 0 : i32
      %dma_start3A_400 = tpu.memref_slice %arg12[%dma_start3A_398, %dma_start3A_399] : memref<10240x128xf32, #tpu.memory_space<vmem_shared>> -> memref<10240x128xf32, #tpu.memory_space<vmem_shared>>
      tpu.enqueue_indirect_dma source(%dma_start3A_397 : memref<16x128xf32, #tpu.memory_space<vmem>>) target(%dma_start3A_400 : memref<10240x128xf32, #tpu.memory_space<vmem_shared>>) offsets(%get3A_394 : vector<16xi32>) semaphore(%arg15 : memref<!tpu.dma_semaphore, #tpu.memory_space<semaphore_mem>>) {add = true}
      %mul3A_401 = arith.constant 80 : i32
      %mul3A_402 = arith.muli %mul3A_352, %mul3A_401 : i32
      %add3A_403 = arith.constant 48 : i32
      %add3A_404 = arith.addi %mul3A_402, %add3A_403 : i32
      %get3A_405 = arith.index_cast %add3A_404 : i32 to index
      %get3A_406 = tpu.vector_load %arg7[%get3A_405] {strides = array<i32>} : memref<10000xi32, #tpu.memory_space<vmem>>, vector<16xi32>,
      %get3A_407 = vector.shape_cast %get3A_406 : vector<16xi32> to vector<16xi32>
      %dma_start3A_408 = arith.constant 48 : i32
      %dma_start3A_409 = arith.constant 0 : i32
      %dma_start3A_410 = tpu.memref_slice %arg10[%dma_start3A_408, %dma_start3A_409] : memref<80x128xf32, #tpu.memory_space<vmem>> -> memref<16x128xf32, #tpu.memory_space<vmem>>
      %dma_start3A_411 = arith.constant 0 : i32
      %dma_start3A_412 = arith.constant 0 : i32
      %dma_start3A_413 = tpu.memref_slice %arg12[%dma_start3A_411, %dma_start3A_412] : memref<10240x128xf32, #tpu.memory_space<vmem_shared>> -> memref<10240x128xf32, #tpu.memory_space<vmem_shared>>
      tpu.enqueue_indirect_dma source(%dma_start3A_410 : memref<16x128xf32, #tpu.memory_space<vmem>>) target(%dma_start3A_413 : memref<10240x128xf32, #tpu.memory_space<vmem_shared>>) offsets(%get3A_407 : vector<16xi32>) semaphore(%arg15 : memref<!tpu.dma_semaphore, #tpu.memory_space<semaphore_mem>>) {add = true}
      %mul3A_414 = arith.constant 80 : i32
      %mul3A_415 = arith.muli %mul3A_352, %mul3A_414 : i32
      %add3A_416 = arith.constant 64 : i32
      %add3A_417 = arith.addi %mul3A_415, %add3A_416 : i32
      %get3A_418 = arith.index_cast %add3A_417 : i32 to index
      %get3A_419 = tpu.vector_load %arg7[%get3A_418] {strides = array<i32>} : memref<10000xi32, #tpu.memory_space<vmem>>, vector<16xi32>,
      %get3A_420 = vector.shape_cast %get3A_419 : vector<16xi32> to vector<16xi32>
      %dma_start3A_421 = arith.constant 64 : i32
      %dma_start3A_422 = arith.constant 0 : i32
      %dma_start3A_423 = tpu.memref_slice %arg10[%dma_start3A_421, %dma_start3A_422] : memref<80x128xf32, #tpu.memory_space<vmem>> -> memref<16x128xf32, #tpu.memory_space<vmem>>
      %dma_start3A_424 = arith.constant 0 : i32
      %dma_start3A_425 = arith.constant 0 : i32
      %dma_start3A_426 = tpu.memref_slice %arg12[%dma_start3A_424, %dma_start3A_425] : memref<10240x128xf32, #tpu.memory_space<vmem_shared>> -> memref<10240x128xf32, #tpu.memory_space<vmem_shared>>
      tpu.enqueue_indirect_dma source(%dma_start3A_423 : memref<16x128xf32, #tpu.memory_space<vmem>>) target(%dma_start3A_426 : memref<10240x128xf32, #tpu.memory_space<vmem_shared>>) offsets(%get3A_420 : vector<16xi32>) semaphore(%arg15 : memref<!tpu.dma_semaphore, #tpu.memory_space<semaphore_mem>>) {add = true}
      %dma_wait3A_427 = arith.constant 0 : i32
      %dma_wait3A_428 = arith.constant 0 : i32
      %dma_wait3A_429 = tpu.memref_slice %arg10[%dma_wait3A_427, %dma_wait3A_428] : memref<80x128xf32, #tpu.memory_space<vmem>> -> memref<16x128xf32, #tpu.memory_space<vmem>>
      %dma_wait3A_430 = arith.constant 0 : i32
      %dma_wait3A_431 = arith.constant 0 : i32
      %dma_wait3A_432 = tpu.memref_slice %arg12[%dma_wait3A_430, %dma_wait3A_431] : memref<10240x128xf32, #tpu.memory_space<vmem_shared>> -> memref<10240x128xf32, #tpu.memory_space<vmem_shared>>
      tpu.wait_indirect_dma semaphore(%arg15 : memref<!tpu.dma_semaphore, #tpu.memory_space<semaphore_mem>>) src(%dma_wait3A_429 : memref<16x128xf32, #tpu.memory_space<vmem>>) dst(%dma_wait3A_432 : memref<10240x128xf32, #tpu.memory_space<vmem_shared>>)
      %dma_wait3A_433 = arith.constant 16 : i32
      %dma_wait3A_434 = arith.constant 0 : i32
      %dma_wait3A_435 = tpu.memref_slice %arg10[%dma_wait3A_433, %dma_wait3A_434] : memref<80x128xf32, #tpu.memory_space<vmem>> -> memref<16x128xf32, #tpu.memory_space<vmem>>
      %dma_wait3A_436 = arith.constant 0 : i32
      %dma_wait3A_437 = arith.constant 0 : i32
      %dma_wait3A_438 = tpu.memref_slice %arg12[%dma_wait3A_436, %dma_wait3A_437] : memref<10240x128xf32, #tpu.memory_space<vmem_shared>> -> memref<10240x128xf32, #tpu.memory_space<vmem_shared>>
      tpu.wait_indirect_dma semaphore(%arg15 : memref<!tpu.dma_semaphore, #tpu.memory_space<semaphore_mem>>) src(%dma_wait3A_435 : memref<16x128xf32, #tpu.memory_space<vmem>>) dst(%dma_wait3A_438 : memref<10240x128xf32, #tpu.memory_space<vmem_shared>>)
      %dma_wait3A_439 = arith.constant 32 : i32
      %dma_wait3A_440 = arith.constant 0 : i32
      %dma_wait3A_441 = tpu.memref_slice %arg10[%dma_wait3A_439, %dma_wait3A_440] : memref<80x128xf32, #tpu.memory_space<vmem>> -> memref<16x128xf32, #tpu.memory_space<vmem>>
      %dma_wait3A_442 = arith.constant 0 : i32
      %dma_wait3A_443 = arith.constant 0 : i32
      %dma_wait3A_444 = tpu.memref_slice %arg12[%dma_wait3A_442, %dma_wait3A_443] : memref<10240x128xf32, #tpu.memory_space<vmem_shared>> -> memref<10240x128xf32, #tpu.memory_space<vmem_shared>>
      tpu.wait_indirect_dma semaphore(%arg15 : memref<!tpu.dma_semaphore, #tpu.memory_space<semaphore_mem>>) src(%dma_wait3A_441 : memref<16x128xf32, #tpu.memory_space<vmem>>) dst(%dma_wait3A_444 : memref<10240x128xf32, #tpu.memory_space<vmem_shared>>)
      %dma_wait3A_445 = arith.constant 48 : i32
      %dma_wait3A_446 = arith.constant 0 : i32
      %dma_wait3A_447 = tpu.memref_slice %arg10[%dma_wait3A_445, %dma_wait3A_446] : memref<80x128xf32, #tpu.memory_space<vmem>> -> memref<16x128xf32, #tpu.memory_space<vmem>>
      %dma_wait3A_448 = arith.constant 0 : i32
      %dma_wait3A_449 = arith.constant 0 : i32
      %dma_wait3A_450 = tpu.memref_slice %arg12[%dma_wait3A_448, %dma_wait3A_449] : memref<10240x128xf32, #tpu.memory_space<vmem_shared>> -> memref<10240x128xf32, #tpu.memory_space<vmem_shared>>
      tpu.wait_indirect_dma semaphore(%arg15 : memref<!tpu.dma_semaphore, #tpu.memory_space<semaphore_mem>>) src(%dma_wait3A_447 : memref<16x128xf32, #tpu.memory_space<vmem>>) dst(%dma_wait3A_450 : memref<10240x128xf32, #tpu.memory_space<vmem_shared>>)
      %dma_wait3A_451 = arith.constant 64 : i32
      %dma_wait3A_452 = arith.constant 0 : i32
      %dma_wait3A_453 = tpu.memref_slice %arg10[%dma_wait3A_451, %dma_wait3A_452] : memref<80x128xf32, #tpu.memory_space<vmem>> -> memref<16x128xf32, #tpu.memory_space<vmem>>
      %dma_wait3A_454 = arith.constant 0 : i32
      %dma_wait3A_455 = arith.constant 0 : i32
      %dma_wait3A_456 = tpu.memref_slice %arg12[%dma_wait3A_454, %dma_wait3A_455] : memref<10240x128xf32, #tpu.memory_space<vmem_shared>> -> memref<10240x128xf32, #tpu.memory_space<vmem_shared>>
      tpu.wait_indirect_dma semaphore(%arg15 : memref<!tpu.dma_semaphore, #tpu.memory_space<semaphore_mem>>) src(%dma_wait3A_453 : memref<16x128xf32, #tpu.memory_space<vmem>>) dst(%dma_wait3A_456 : memref<10240x128xf32, #tpu.memory_space<vmem_shared>>)
      %add3A_457 = arith.constant 2 : i32
      %add3A_458 = arith.addi %mul3A_352, %add3A_457 : i32
      %mul3A_459 = arith.constant 80 : i32
      %mul3A_460 = arith.muli %add3A_458, %mul3A_459 : i32
      %add3A_461 = arith.addi %mul3A_2, %mul3A_460 : i32
      "tpu.region"() ({
        %run_scoped3A = tpu.sem_alloc : memref<!tpu.dma_semaphore, #tpu.memory_space<semaphore_mem>>
        %dma_start3A_573 = tpu.memref_slice %arg2[%add3A_461] : memref<320000xi32, #tpu.memory_space<hbm>> -> memref<80xi32, #tpu.memory_space<hbm>>
        %dma_start3A_574 = tpu.memref_slice %arg2[%add3A_461] : memref<320000xi32, #tpu.memory_space<hbm>> -> memref<80xi32, #tpu.memory_space<hbm>>
        tpu.enqueue_dma source(%dma_start3A_574 : memref<80xi32, #tpu.memory_space<hbm>>) target(%arg8 : memref<80xi32, #tpu.memory_space<vmem>>) target_semaphore(%run_scoped3A : memref<!tpu.dma_semaphore, #tpu.memory_space<semaphore_mem>>)
        %dma_wait3A_575 = tpu.memref_slice %arg2[%add3A_461] : memref<320000xi32, #tpu.memory_space<hbm>> -> memref<80xi32, #tpu.memory_space<hbm>>
        %dma_wait3A_576 = tpu.memref_slice %arg2[%add3A_461] : memref<320000xi32, #tpu.memory_space<hbm>> -> memref<80xi32, #tpu.memory_space<hbm>>
        tpu.wait_dma2 semaphore(%run_scoped3A : memref<!tpu.dma_semaphore, #tpu.memory_space<semaphore_mem>>) src(%dma_wait3A_576 : memref<80xi32, #tpu.memory_space<hbm>>) dst(%arg8 : memref<80xi32, #tpu.memory_space<vmem>>)
        tpu.yield
      }) : () -> ()
      %dma_start3A_462 = arith.constant 0 : i32
      %dma_start3A_463 = arith.constant 0 : i32
      %dma_start3A_464 = tpu.memref_slice %arg4[%dma_start3A_462, %dma_start3A_463] : memref<10000x128xf32, #tpu.memory_space<hbm>> -> memref<10000x128xf32, #tpu.memory_space<hbm>>
      tpu.enqueue_indirect_dma source(%dma_start3A_464 : memref<10000x128xf32, #tpu.memory_space<hbm>>) target(%arg10 : memref<80x128xf32, #tpu.memory_space<vmem>>) offsets(%arg8 : memref<80xi32, #tpu.memory_space<vmem>>) semaphore(%arg13 : memref<!tpu.dma_semaphore, #tpu.memory_space<semaphore_mem>>)
      %dma_wait3A_465 = arith.constant 0 : i32
      %dma_wait3A_466 = arith.constant 0 : i32
      %dma_wait3A_467 = tpu.memref_slice %arg4[%dma_wait3A_465, %dma_wait3A_466] : memref<10000x128xf32, #tpu.memory_space<hbm>> -> memref<80x128xf32, #tpu.memory_space<hbm>>
      %dma_wait3A_468 = arith.constant 0 : i32
      %dma_wait3A_469 = arith.constant 0 : i32
      %dma_wait3A_470 = tpu.memref_slice %arg4[%dma_wait3A_468, %dma_wait3A_469] : memref<10000x128xf32, #tpu.memory_space<hbm>> -> memref<80x128xf32, #tpu.memory_space<hbm>>
      tpu.wait_dma2 semaphore(%arg14 : memref<!tpu.dma_semaphore, #tpu.memory_space<semaphore_mem>>) src(%dma_wait3A_470 : memref<80x128xf32, #tpu.memory_space<hbm>>) dst(%arg11 : memref<80x128xf32, #tpu.memory_space<vmem>>)
      %add3A_471 = arith.constant 1 : i32
      %add3A_472 = arith.addi %mul3A_352, %add3A_471 : i32
      %mul3A_473 = arith.constant 80 : i32
      %mul3A_474 = arith.muli %add3A_472, %mul3A_473 : i32
      %add3A_475 = arith.constant 0 : i32
      %add3A_476 = arith.addi %mul3A_474, %add3A_475 : i32
      %get3A_477 = arith.index_cast %add3A_476 : i32 to index
      %get3A_478 = tpu.vector_load %arg7[%get3A_477] {strides = array<i32>} : memref<10000xi32, #tpu.memory_space<vmem>>, vector<16xi32>,
      %get3A_479 = vector.shape_cast %get3A_478 : vector<16xi32> to vector<16xi32>
      %dma_start3A_480 = arith.constant 0 : i32
      %dma_start3A_481 = arith.constant 0 : i32
      %dma_start3A_482 = tpu.memref_slice %arg11[%dma_start3A_480, %dma_start3A_481] : memref<80x128xf32, #tpu.memory_space<vmem>> -> memref<16x128xf32, #tpu.memory_space<vmem>>
      %dma_start3A_483 = arith.constant 0 : i32
      %dma_start3A_484 = arith.constant 0 : i32
      %dma_start3A_485 = tpu.memref_slice %arg12[%dma_start3A_483, %dma_start3A_484] : memref<10240x128xf32, #tpu.memory_space<vmem_shared>> -> memref<10240x128xf32, #tpu.memory_space<vmem_shared>>
      tpu.enqueue_indirect_dma source(%dma_start3A_482 : memref<16x128xf32, #tpu.memory_space<vmem>>) target(%dma_start3A_485 : memref<10240x128xf32, #tpu.memory_space<vmem_shared>>) offsets(%get3A_479 : vector<16xi32>) semaphore(%arg15 : memref<!tpu.dma_semaphore, #tpu.memory_space<semaphore_mem>>) {add = true}
      %mul3A_486 = arith.constant 80 : i32
      %mul3A_487 = arith.muli %add3A_472, %mul3A_486 : i32
      %add3A_488 = arith.constant 16 : i32
      %add3A_489 = arith.addi %mul3A_487, %add3A_488 : i32
      %get3A_490 = arith.index_cast %add3A_489 : i32 to index
      %get3A_491 = tpu.vector_load %arg7[%get3A_490] {strides = array<i32>} : memref<10000xi32, #tpu.memory_space<vmem>>, vector<16xi32>,
      %get3A_492 = vector.shape_cast %get3A_491 : vector<16xi32> to vector<16xi32>
      %dma_start3A_493 = arith.constant 16 : i32
      %dma_start3A_494 = arith.constant 0 : i32
      %dma_start3A_495 = tpu.memref_slice %arg11[%dma_start3A_493, %dma_start3A_494] : memref<80x128xf32, #tpu.memory_space<vmem>> -> memref<16x128xf32, #tpu.memory_space<vmem>>
      %dma_start3A_496 = arith.constant 0 : i32
      %dma_start3A_497 = arith.constant 0 : i32
      %dma_start3A_498 = tpu.memref_slice %arg12[%dma_start3A_496, %dma_start3A_497] : memref<10240x128xf32, #tpu.memory_space<vmem_shared>> -> memref<10240x128xf32, #tpu.memory_space<vmem_shared>>
      tpu.enqueue_indirect_dma source(%dma_start3A_495 : memref<16x128xf32, #tpu.memory_space<vmem>>) target(%dma_start3A_498 : memref<10240x128xf32, #tpu.memory_space<vmem_shared>>) offsets(%get3A_492 : vector<16xi32>) semaphore(%arg15 : memref<!tpu.dma_semaphore, #tpu.memory_space<semaphore_mem>>) {add = true}
      %mul3A_499 = arith.constant 80 : i32
      %mul3A_500 = arith.muli %add3A_472, %mul3A_499 : i32
      %add3A_501 = arith.constant 32 : i32
      %add3A_502 = arith.addi %mul3A_500, %add3A_501 : i32
      %get3A_503 = arith.index_cast %add3A_502 : i32 to index
      %get3A_504 = tpu.vector_load %arg7[%get3A_503] {strides = array<i32>} : memref<10000xi32, #tpu.memory_space<vmem>>, vector<16xi32>,
      %get3A_505 = vector.shape_cast %get3A_504 : vector<16xi32> to vector<16xi32>
      %dma_start3A_506 = arith.constant 32 : i32
      %dma_start3A_507 = arith.constant 0 : i32
      %dma_start3A_508 = tpu.memref_slice %arg11[%dma_start3A_506, %dma_start3A_507] : memref<80x128xf32, #tpu.memory_space<vmem>> -> memref<16x128xf32, #tpu.memory_space<vmem>>
      %dma_start3A_509 = arith.constant 0 : i32
      %dma_start3A_510 = arith.constant 0 : i32
      %dma_start3A_511 = tpu.memref_slice %arg12[%dma_start3A_509, %dma_start3A_510] : memref<10240x128xf32, #tpu.memory_space<vmem_shared>> -> memref<10240x128xf32, #tpu.memory_space<vmem_shared>>
      tpu.enqueue_indirect_dma source(%dma_start3A_508 : memref<16x128xf32, #tpu.memory_space<vmem>>) target(%dma_start3A_511 : memref<10240x128xf32, #tpu.memory_space<vmem_shared>>) offsets(%get3A_505 : vector<16xi32>) semaphore(%arg15 : memref<!tpu.dma_semaphore, #tpu.memory_space<semaphore_mem>>) {add = true}
      %mul3A_512 = arith.constant 80 : i32
      %mul3A_513 = arith.muli %add3A_472, %mul3A_512 : i32
      %add3A_514 = arith.constant 48 : i32
      %add3A_515 = arith.addi %mul3A_513, %add3A_514 : i32
      %get3A_516 = arith.index_cast %add3A_515 : i32 to index
      %get3A_517 = tpu.vector_load %arg7[%get3A_516] {strides = array<i32>} : memref<10000xi32, #tpu.memory_space<vmem>>, vector<16xi32>,
      %get3A_518 = vector.shape_cast %get3A_517 : vector<16xi32> to vector<16xi32>
      %dma_start3A_519 = arith.constant 48 : i32
      %dma_start3A_520 = arith.constant 0 : i32
      %dma_start3A_521 = tpu.memref_slice %arg11[%dma_start3A_519, %dma_start3A_520] : memref<80x128xf32, #tpu.memory_space<vmem>> -> memref<16x128xf32, #tpu.memory_space<vmem>>
      %dma_start3A_522 = arith.constant 0 : i32
      %dma_start3A_523 = arith.constant 0 : i32
      %dma_start3A_524 = tpu.memref_slice %arg12[%dma_start3A_522, %dma_start3A_523] : memref<10240x128xf32, #tpu.memory_space<vmem_shared>> -> memref<10240x128xf32, #tpu.memory_space<vmem_shared>>
      tpu.enqueue_indirect_dma source(%dma_start3A_521 : memref<16x128xf32, #tpu.memory_space<vmem>>) target(%dma_start3A_524 : memref<10240x128xf32, #tpu.memory_space<vmem_shared>>) offsets(%get3A_518 : vector<16xi32>) semaphore(%arg15 : memref<!tpu.dma_semaphore, #tpu.memory_space<semaphore_mem>>) {add = true}
      %mul3A_525 = arith.constant 80 : i32
      %mul3A_526 = arith.muli %add3A_472, %mul3A_525 : i32
      %add3A_527 = arith.constant 64 : i32
      %add3A_528 = arith.addi %mul3A_526, %add3A_527 : i32
      %get3A_529 = arith.index_cast %add3A_528 : i32 to index
      %get3A_530 = tpu.vector_load %arg7[%get3A_529] {strides = array<i32>} : memref<10000xi32, #tpu.memory_space<vmem>>, vector<16xi32>,
      %get3A_531 = vector.shape_cast %get3A_530 : vector<16xi32> to vector<16xi32>
      %dma_start3A_532 = arith.constant 64 : i32
      %dma_start3A_533 = arith.constant 0 : i32
      %dma_start3A_534 = tpu.memref_slice %arg11[%dma_start3A_532, %dma_start3A_533] : memref<80x128xf32, #tpu.memory_space<vmem>> -> memref<16x128xf32, #tpu.memory_space<vmem>>
      %dma_start3A_535 = arith.constant 0 : i32
      %dma_start3A_536 = arith.constant 0 : i32
      %dma_start3A_537 = tpu.memref_slice %arg12[%dma_start3A_535, %dma_start3A_536] : memref<10240x128xf32, #tpu.memory_space<vmem_shared>> -> memref<10240x128xf32, #tpu.memory_space<vmem_shared>>
      tpu.enqueue_indirect_dma source(%dma_start3A_534 : memref<16x128xf32, #tpu.memory_space<vmem>>) target(%dma_start3A_537 : memref<10240x128xf32, #tpu.memory_space<vmem_shared>>) offsets(%get3A_531 : vector<16xi32>) semaphore(%arg15 : memref<!tpu.dma_semaphore, #tpu.memory_space<semaphore_mem>>) {add = true}
      %dma_wait3A_538 = arith.constant 0 : i32
      %dma_wait3A_539 = arith.constant 0 : i32
      %dma_wait3A_540 = tpu.memref_slice %arg11[%dma_wait3A_538, %dma_wait3A_539] : memref<80x128xf32, #tpu.memory_space<vmem>> -> memref<16x128xf32, #tpu.memory_space<vmem>>
      %dma_wait3A_541 = arith.constant 0 : i32
      %dma_wait3A_542 = arith.constant 0 : i32
      %dma_wait3A_543 = tpu.memref_slice %arg12[%dma_wait3A_541, %dma_wait3A_542] : memref<10240x128xf32, #tpu.memory_space<vmem_shared>> -> memref<10240x128xf32, #tpu.memory_space<vmem_shared>>
      tpu.wait_indirect_dma semaphore(%arg15 : memref<!tpu.dma_semaphore, #tpu.memory_space<semaphore_mem>>) src(%dma_wait3A_540 : memref<16x128xf32, #tpu.memory_space<vmem>>) dst(%dma_wait3A_543 : memref<10240x128xf32, #tpu.memory_space<vmem_shared>>)
      %dma_wait3A_544 = arith.constant 16 : i32
      %dma_wait3A_545 = arith.constant 0 : i32
      %dma_wait3A_546 = tpu.memref_slice %arg11[%dma_wait3A_544, %dma_wait3A_545] : memref<80x128xf32, #tpu.memory_space<vmem>> -> memref<16x128xf32, #tpu.memory_space<vmem>>
      %dma_wait3A_547 = arith.constant 0 : i32
      %dma_wait3A_548 = arith.constant 0 : i32
      %dma_wait3A_549 = tpu.memref_slice %arg12[%dma_wait3A_547, %dma_wait3A_548] : memref<10240x128xf32, #tpu.memory_space<vmem_shared>> -> memref<10240x128xf32, #tpu.memory_space<vmem_shared>>
      tpu.wait_indirect_dma semaphore(%arg15 : memref<!tpu.dma_semaphore, #tpu.memory_space<semaphore_mem>>) src(%dma_wait3A_546 : memref<16x128xf32, #tpu.memory_space<vmem>>) dst(%dma_wait3A_549 : memref<10240x128xf32, #tpu.memory_space<vmem_shared>>)
      %dma_wait3A_550 = arith.constant 32 : i32
      %dma_wait3A_551 = arith.constant 0 : i32
      %dma_wait3A_552 = tpu.memref_slice %arg11[%dma_wait3A_550, %dma_wait3A_551] : memref<80x128xf32, #tpu.memory_space<vmem>> -> memref<16x128xf32, #tpu.memory_space<vmem>>
      %dma_wait3A_553 = arith.constant 0 : i32
      %dma_wait3A_554 = arith.constant 0 : i32
      %dma_wait3A_555 = tpu.memref_slice %arg12[%dma_wait3A_553, %dma_wait3A_554] : memref<10240x128xf32, #tpu.memory_space<vmem_shared>> -> memref<10240x128xf32, #tpu.memory_space<vmem_shared>>
      tpu.wait_indirect_dma semaphore(%arg15 : memref<!tpu.dma_semaphore, #tpu.memory_space<semaphore_mem>>) src(%dma_wait3A_552 : memref<16x128xf32, #tpu.memory_space<vmem>>) dst(%dma_wait3A_555 : memref<10240x128xf32, #tpu.memory_space<vmem_shared>>)
      %dma_wait3A_556 = arith.constant 48 : i32
      %dma_wait3A_557 = arith.constant 0 : i32
      %dma_wait3A_558 = tpu.memref_slice %arg11[%dma_wait3A_556, %dma_wait3A_557] : memref<80x128xf32, #tpu.memory_space<vmem>> -> memref<16x128xf32, #tpu.memory_space<vmem>>
      %dma_wait3A_559 = arith.constant 0 : i32
      %dma_wait3A_560 = arith.constant 0 : i32
      %dma_wait3A_561 = tpu.memref_slice %arg12[%dma_wait3A_559, %dma_wait3A_560] : memref<10240x128xf32, #tpu.memory_space<vmem_shared>> -> memref<10240x128xf32, #tpu.memory_space<vmem_shared>>
      tpu.wait_indirect_dma semaphore(%arg15 : memref<!tpu.dma_semaphore, #tpu.memory_space<semaphore_mem>>) src(%dma_wait3A_558 : memref<16x128xf32, #tpu.memory_space<vmem>>) dst(%dma_wait3A_561 : memref<10240x128xf32, #tpu.memory_space<vmem_shared>>)
      %dma_wait3A_562 = arith.constant 64 : i32
      %dma_wait3A_563 = arith.constant 0 : i32
      %dma_wait3A_564 = tpu.memref_slice %arg11[%dma_wait3A_562, %dma_wait3A_563] : memref<80x128xf32, #tpu.memory_space<vmem>> -> memref<16x128xf32, #tpu.memory_space<vmem>>
      %dma_wait3A_565 = arith.constant 0 : i32
      %dma_wait3A_566 = arith.constant 0 : i32
      %dma_wait3A_567 = tpu.memref_slice %arg12[%dma_wait3A_565, %dma_wait3A_566] : memref<10240x128xf32, #tpu.memory_space<vmem_shared>> -> memref<10240x128xf32, #tpu.memory_space<vmem_shared>>
      tpu.wait_indirect_dma semaphore(%arg15 : memref<!tpu.dma_semaphore, #tpu.memory_space<semaphore_mem>>) src(%dma_wait3A_564 : memref<16x128xf32, #tpu.memory_space<vmem>>) dst(%dma_wait3A_567 : memref<10240x128xf32, #tpu.memory_space<vmem_shared>>)
      %add3A_568 = arith.constant 3 : i32
      %add3A_569 = arith.addi %mul3A_352, %add3A_568 : i32
      %mul3A_570 = arith.constant 80 : i32
      %mul3A_571 = arith.muli %add3A_569, %mul3A_570 : i32
      %add3A_572 = arith.addi %mul3A_2, %mul3A_571 : i32
      "tpu.region"() ({
        %run_scoped3A = tpu.sem_alloc : memref<!tpu.dma_semaphore, #tpu.memory_space<semaphore_mem>>
        %dma_start3A_573 = tpu.memref_slice %arg2[%add3A_572] : memref<320000xi32, #tpu.memory_space<hbm>> -> memref<80xi32, #tpu.memory_space<hbm>>
        %dma_start3A_574 = tpu.memref_slice %arg2[%add3A_572] : memref<320000xi32, #tpu.memory_space<hbm>> -> memref<80xi32, #tpu.memory_space<hbm>>
        tpu.enqueue_dma source(%dma_start3A_574 : memref<80xi32, #tpu.memory_space<hbm>>) target(%arg9 : memref<80xi32, #tpu.memory_space<vmem>>) target_semaphore(%run_scoped3A : memref<!tpu.dma_semaphore, #tpu.memory_space<semaphore_mem>>)
        %dma_wait3A_575 = tpu.memref_slice %arg2[%add3A_572] : memref<320000xi32, #tpu.memory_space<hbm>> -> memref<80xi32, #tpu.memory_space<hbm>>
        %dma_wait3A_576 = tpu.memref_slice %arg2[%add3A_572] : memref<320000xi32, #tpu.memory_space<hbm>> -> memref<80xi32, #tpu.memory_space<hbm>>
        tpu.wait_dma2 semaphore(%run_scoped3A : memref<!tpu.dma_semaphore, #tpu.memory_space<semaphore_mem>>) src(%dma_wait3A_576 : memref<80xi32, #tpu.memory_space<hbm>>) dst(%arg9 : memref<80xi32, #tpu.memory_space<vmem>>)
        tpu.yield
      }) : () -> ()
    }
    %scan3A_108 = arith.constant 62 : i32
    %dma_wait3A_109 = arith.constant 0 : i32
    %dma_wait3A_110 = arith.constant 0 : i32
    %dma_wait3A_111 = tpu.memref_slice %arg4[%dma_wait3A_109, %dma_wait3A_110] : memref<10000x128xf32, #tpu.memory_space<hbm>> -> memref<80x128xf32, #tpu.memory_space<hbm>>
    %dma_wait3A_112 = arith.constant 0 : i32
    %dma_wait3A_113 = arith.constant 0 : i32
    %dma_wait3A_114 = tpu.memref_slice %arg4[%dma_wait3A_112, %dma_wait3A_113] : memref<10000x128xf32, #tpu.memory_space<hbm>> -> memref<80x128xf32, #tpu.memory_space<hbm>>
    tpu.wait_dma2 semaphore(%arg13 : memref<!tpu.dma_semaphore, #tpu.memory_space<semaphore_mem>>) src(%dma_wait3A_114 : memref<80x128xf32, #tpu.memory_space<hbm>>) dst(%arg10 : memref<80x128xf32, #tpu.memory_space<vmem>>)
    %get3A = arith.constant 9920 : index
    %get3A_115 = tpu.vector_load %arg7[%get3A] {strides = array<i32>} : memref<10000xi32, #tpu.memory_space<vmem>>, vector<16xi32>,
    %get3A_116 = vector.shape_cast %get3A_115 : vector<16xi32> to vector<16xi32>
    %dma_start3A_117 = arith.constant 0 : i32
    %dma_start3A_118 = arith.constant 0 : i32
    %dma_start3A_119 = tpu.memref_slice %arg10[%dma_start3A_117, %dma_start3A_118] : memref<80x128xf32, #tpu.memory_space<vmem>> -> memref<16x128xf32, #tpu.memory_space<vmem>>
    %dma_start3A_120 = arith.constant 0 : i32
    %dma_start3A_121 = arith.constant 0 : i32
    %dma_start3A_122 = tpu.memref_slice %arg12[%dma_start3A_120, %dma_start3A_121] : memref<10240x128xf32, #tpu.memory_space<vmem_shared>> -> memref<10240x128xf32, #tpu.memory_space<vmem_shared>>
    tpu.enqueue_indirect_dma source(%dma_start3A_119 : memref<16x128xf32, #tpu.memory_space<vmem>>) target(%dma_start3A_122 : memref<10240x128xf32, #tpu.memory_space<vmem_shared>>) offsets(%get3A_116 : vector<16xi32>) semaphore(%arg15 : memref<!tpu.dma_semaphore, #tpu.memory_space<semaphore_mem>>) {add = true}
    %get3A_123 = arith.constant 9936 : index
    %get3A_124 = tpu.vector_load %arg7[%get3A_123] {strides = array<i32>} : memref<10000xi32, #tpu.memory_space<vmem>>, vector<16xi32>,
    %get3A_125 = vector.shape_cast %get3A_124 : vector<16xi32> to vector<16xi32>
    %dma_start3A_126 = arith.constant 16 : i32
    %dma_start3A_127 = arith.constant 0 : i32
    %dma_start3A_128 = tpu.memref_slice %arg10[%dma_start3A_126, %dma_start3A_127] : memref<80x128xf32, #tpu.memory_space<vmem>> -> memref<16x128xf32, #tpu.memory_space<vmem>>
    %dma_start3A_129 = arith.constant 0 : i32
    %dma_start3A_130 = arith.constant 0 : i32
    %dma_start3A_131 = tpu.memref_slice %arg12[%dma_start3A_129, %dma_start3A_130] : memref<10240x128xf32, #tpu.memory_space<vmem_shared>> -> memref<10240x128xf32, #tpu.memory_space<vmem_shared>>
    tpu.enqueue_indirect_dma source(%dma_start3A_128 : memref<16x128xf32, #tpu.memory_space<vmem>>) target(%dma_start3A_131 : memref<10240x128xf32, #tpu.memory_space<vmem_shared>>) offsets(%get3A_125 : vector<16xi32>) semaphore(%arg15 : memref<!tpu.dma_semaphore, #tpu.memory_space<semaphore_mem>>) {add = true}
    %get3A_132 = arith.constant 9952 : index
    %get3A_133 = tpu.vector_load %arg7[%get3A_132] {strides = array<i32>} : memref<10000xi32, #tpu.memory_space<vmem>>, vector<16xi32>,
    %get3A_134 = vector.shape_cast %get3A_133 : vector<16xi32> to vector<16xi32>
    %dma_start3A_135 = arith.constant 32 : i32
    %dma_start3A_136 = arith.constant 0 : i32
    %dma_start3A_137 = tpu.memref_slice %arg10[%dma_start3A_135, %dma_start3A_136] : memref<80x128xf32, #tpu.memory_space<vmem>> -> memref<16x128xf32, #tpu.memory_space<vmem>>
    %dma_start3A_138 = arith.constant 0 : i32
    %dma_start3A_139 = arith.constant 0 : i32
    %dma_start3A_140 = tpu.memref_slice %arg12[%dma_start3A_138, %dma_start3A_139] : memref<10240x128xf32, #tpu.memory_space<vmem_shared>> -> memref<10240x128xf32, #tpu.memory_space<vmem_shared>>
    tpu.enqueue_indirect_dma source(%dma_start3A_137 : memref<16x128xf32, #tpu.memory_space<vmem>>) target(%dma_start3A_140 : memref<10240x128xf32, #tpu.memory_space<vmem_shared>>) offsets(%get3A_134 : vector<16xi32>) semaphore(%arg15 : memref<!tpu.dma_semaphore, #tpu.memory_space<semaphore_mem>>) {add = true}
    %get3A_141 = arith.constant 9968 : index
    %get3A_142 = tpu.vector_load %arg7[%get3A_141] {strides = array<i32>} : memref<10000xi32, #tpu.memory_space<vmem>>, vector<16xi32>,
    %get3A_143 = vector.shape_cast %get3A_142 : vector<16xi32> to vector<16xi32>
    %dma_start3A_144 = arith.constant 48 : i32
    %dma_start3A_145 = arith.constant 0 : i32
    %dma_start3A_146 = tpu.memref_slice %arg10[%dma_start3A_144, %dma_start3A_145] : memref<80x128xf32, #tpu.memory_space<vmem>> -> memref<16x128xf32, #tpu.memory_space<vmem>>
    %dma_start3A_147 = arith.constant 0 : i32
    %dma_start3A_148 = arith.constant 0 : i32
    %dma_start3A_149 = tpu.memref_slice %arg12[%dma_start3A_147, %dma_start3A_148] : memref<10240x128xf32, #tpu.memory_space<vmem_shared>> -> memref<10240x128xf32, #tpu.memory_space<vmem_shared>>
    tpu.enqueue_indirect_dma source(%dma_start3A_146 : memref<16x128xf32, #tpu.memory_space<vmem>>) target(%dma_start3A_149 : memref<10240x128xf32, #tpu.memory_space<vmem_shared>>) offsets(%get3A_143 : vector<16xi32>) semaphore(%arg15 : memref<!tpu.dma_semaphore, #tpu.memory_space<semaphore_mem>>) {add = true}
    %get3A_150 = arith.constant 9984 : index
    %get3A_151 = tpu.vector_load %arg7[%get3A_150] {strides = array<i32>} : memref<10000xi32, #tpu.memory_space<vmem>>, vector<16xi32>,
    %get3A_152 = vector.shape_cast %get3A_151 : vector<16xi32> to vector<16xi32>
    %dma_start3A_153 = arith.constant 64 : i32
    %dma_start3A_154 = arith.constant 0 : i32
    %dma_start3A_155 = tpu.memref_slice %arg10[%dma_start3A_153, %dma_start3A_154] : memref<80x128xf32, #tpu.memory_space<vmem>> -> memref<16x128xf32, #tpu.memory_space<vmem>>
    %dma_start3A_156 = arith.constant 0 : i32
    %dma_start3A_157 = arith.constant 0 : i32
    %dma_start3A_158 = tpu.memref_slice %arg12[%dma_start3A_156, %dma_start3A_157] : memref<10240x128xf32, #tpu.memory_space<vmem_shared>> -> memref<10240x128xf32, #tpu.memory_space<vmem_shared>>
    tpu.enqueue_indirect_dma source(%dma_start3A_155 : memref<16x128xf32, #tpu.memory_space<vmem>>) target(%dma_start3A_158 : memref<10240x128xf32, #tpu.memory_space<vmem_shared>>) offsets(%get3A_152 : vector<16xi32>) semaphore(%arg15 : memref<!tpu.dma_semaphore, #tpu.memory_space<semaphore_mem>>) {add = true}
    %dma_wait3A_159 = arith.constant 0 : i32
    %dma_wait3A_160 = arith.constant 0 : i32
    %dma_wait3A_161 = tpu.memref_slice %arg10[%dma_wait3A_159, %dma_wait3A_160] : memref<80x128xf32, #tpu.memory_space<vmem>> -> memref<16x128xf32, #tpu.memory_space<vmem>>
    %dma_wait3A_162 = arith.constant 0 : i32
    %dma_wait3A_163 = arith.constant 0 : i32
    %dma_wait3A_164 = tpu.memref_slice %arg12[%dma_wait3A_162, %dma_wait3A_163] : memref<10240x128xf32, #tpu.memory_space<vmem_shared>> -> memref<10240x128xf32, #tpu.memory_space<vmem_shared>>
    tpu.wait_indirect_dma semaphore(%arg15 : memref<!tpu.dma_semaphore, #tpu.memory_space<semaphore_mem>>) src(%dma_wait3A_161 : memref<16x128xf32, #tpu.memory_space<vmem>>) dst(%dma_wait3A_164 : memref<10240x128xf32, #tpu.memory_space<vmem_shared>>)
    %dma_wait3A_165 = arith.constant 16 : i32
    %dma_wait3A_166 = arith.constant 0 : i32
    %dma_wait3A_167 = tpu.memref_slice %arg10[%dma_wait3A_165, %dma_wait3A_166] : memref<80x128xf32, #tpu.memory_space<vmem>> -> memref<16x128xf32, #tpu.memory_space<vmem>>
    %dma_wait3A_168 = arith.constant 0 : i32
    %dma_wait3A_169 = arith.constant 0 : i32
    %dma_wait3A_170 = tpu.memref_slice %arg12[%dma_wait3A_168, %dma_wait3A_169] : memref<10240x128xf32, #tpu.memory_space<vmem_shared>> -> memref<10240x128xf32, #tpu.memory_space<vmem_shared>>
    tpu.wait_indirect_dma semaphore(%arg15 : memref<!tpu.dma_semaphore, #tpu.memory_space<semaphore_mem>>) src(%dma_wait3A_167 : memref<16x128xf32, #tpu.memory_space<vmem>>) dst(%dma_wait3A_170 : memref<10240x128xf32, #tpu.memory_space<vmem_shared>>)
    %dma_wait3A_171 = arith.constant 32 : i32
    %dma_wait3A_172 = arith.constant 0 : i32
    %dma_wait3A_173 = tpu.memref_slice %arg10[%dma_wait3A_171, %dma_wait3A_172] : memref<80x128xf32, #tpu.memory_space<vmem>> -> memref<16x128xf32, #tpu.memory_space<vmem>>
    %dma_wait3A_174 = arith.constant 0 : i32
    %dma_wait3A_175 = arith.constant 0 : i32
    %dma_wait3A_176 = tpu.memref_slice %arg12[%dma_wait3A_174, %dma_wait3A_175] : memref<10240x128xf32, #tpu.memory_space<vmem_shared>> -> memref<10240x128xf32, #tpu.memory_space<vmem_shared>>
    tpu.wait_indirect_dma semaphore(%arg15 : memref<!tpu.dma_semaphore, #tpu.memory_space<semaphore_mem>>) src(%dma_wait3A_173 : memref<16x128xf32, #tpu.memory_space<vmem>>) dst(%dma_wait3A_176 : memref<10240x128xf32, #tpu.memory_space<vmem_shared>>)
    %dma_wait3A_177 = arith.constant 48 : i32
    %dma_wait3A_178 = arith.constant 0 : i32
    %dma_wait3A_179 = tpu.memref_slice %arg10[%dma_wait3A_177, %dma_wait3A_178] : memref<80x128xf32, #tpu.memory_space<vmem>> -> memref<16x128xf32, #tpu.memory_space<vmem>>
    %dma_wait3A_180 = arith.constant 0 : i32
    %dma_wait3A_181 = arith.constant 0 : i32
    %dma_wait3A_182 = tpu.memref_slice %arg12[%dma_wait3A_180, %dma_wait3A_181] : memref<10240x128xf32, #tpu.memory_space<vmem_shared>> -> memref<10240x128xf32, #tpu.memory_space<vmem_shared>>
    tpu.wait_indirect_dma semaphore(%arg15 : memref<!tpu.dma_semaphore, #tpu.memory_space<semaphore_mem>>) src(%dma_wait3A_179 : memref<16x128xf32, #tpu.memory_space<vmem>>) dst(%dma_wait3A_182 : memref<10240x128xf32, #tpu.memory_space<vmem_shared>>)
    %dma_wait3A_183 = arith.constant 64 : i32
    %dma_wait3A_184 = arith.constant 0 : i32
    %dma_wait3A_185 = tpu.memref_slice %arg10[%dma_wait3A_183, %dma_wait3A_184] : memref<80x128xf32, #tpu.memory_space<vmem>> -> memref<16x128xf32, #tpu.memory_space<vmem>>
    %dma_wait3A_186 = arith.constant 0 : i32
    %dma_wait3A_187 = arith.constant 0 : i32
    %dma_wait3A_188 = tpu.memref_slice %arg12[%dma_wait3A_186, %dma_wait3A_187] : memref<10240x128xf32, #tpu.memory_space<vmem_shared>> -> memref<10240x128xf32, #tpu.memory_space<vmem_shared>>
    tpu.wait_indirect_dma semaphore(%arg15 : memref<!tpu.dma_semaphore, #tpu.memory_space<semaphore_mem>>) src(%dma_wait3A_185 : memref<16x128xf32, #tpu.memory_space<vmem>>) dst(%dma_wait3A_188 : memref<10240x128xf32, #tpu.memory_space<vmem_shared>>)
    %barrier3A_189 = arith.constant 0 : index
    tpu.barrier barrier_id(%barrier3A_189)
    %mul3A_190 = arith.constant 640 : i32
    %mul3A_191 = arith.muli %arg1, %mul3A_190 : i32
    %add3A_192 = arith.constant 0 : i32
    %add3A_193 = arith.addi %mul3A_191, %add3A_192 : i32
    "tpu.region"() ({
      %run_scoped3A = tpu.sem_alloc : memref<!tpu.dma_semaphore, #tpu.memory_space<semaphore_mem>>
      %dma_start3A_350 = arith.constant 0 : i32
      %dma_start3A_351 = tpu.memref_slice %arg12[%add3A_193, %dma_start3A_350] : memref<10240x128xf32, #tpu.memory_space<vmem_shared>> -> memref<80x128xf32, #tpu.memory_space<vmem_shared>>
      %dma_start3A_352 = arith.constant 0 : i32
      %dma_start3A_353 = tpu.memref_slice %arg12[%add3A_193, %dma_start3A_352] : memref<10240x128xf32, #tpu.memory_space<vmem_shared>> -> memref<80x128xf32, #tpu.memory_space<vmem_shared>>
      tpu.enqueue_dma source(%dma_start3A_353 : memref<80x128xf32, #tpu.memory_space<vmem_shared>>) target(%arg10 : memref<80x128xf32, #tpu.memory_space<vmem>>) target_semaphore(%run_scoped3A : memref<!tpu.dma_semaphore, #tpu.memory_space<semaphore_mem>>)
      %dma_wait3A_354 = arith.constant 0 : i32
      %dma_wait3A_355 = tpu.memref_slice %arg12[%add3A_193, %dma_wait3A_354] : memref<10240x128xf32, #tpu.memory_space<vmem_shared>> -> memref<80x128xf32, #tpu.memory_space<vmem_shared>>
      %dma_wait3A_356 = arith.constant 0 : i32
      %dma_wait3A_357 = tpu.memref_slice %arg12[%add3A_193, %dma_wait3A_356] : memref<10240x128xf32, #tpu.memory_space<vmem_shared>> -> memref<80x128xf32, #tpu.memory_space<vmem_shared>>
      tpu.wait_dma2 semaphore(%run_scoped3A : memref<!tpu.dma_semaphore, #tpu.memory_space<semaphore_mem>>) src(%dma_wait3A_357 : memref<80x128xf32, #tpu.memory_space<vmem_shared>>) dst(%arg10 : memref<80x128xf32, #tpu.memory_space<vmem>>)
      tpu.yield
    }) : () -> ()
    %mul3A_194 = arith.constant 640 : i32
    %mul3A_195 = arith.muli %arg1, %mul3A_194 : i32
    %add3A_196 = arith.constant 0 : i32
    %add3A_197 = arith.addi %mul3A_195, %add3A_196 : i32
    %dma_start3A_198 = arith.constant 0 : i32
    %dma_start3A_199 = tpu.memref_slice %arg6[%arg0, %add3A_197, %dma_start3A_198] : memref<2x10240x128xf32, #tpu.memory_space<hbm>> -> memref<1x80x128xf32, #tpu.memory_space<hbm>>
    %dma_start3A_200 = tpu.memref_squeeze %dma_start3A_199 : memref<1x80x128xf32, #tpu.memory_space<hbm>> -> memref<80x128xf32, #tpu.memory_space<hbm>>
    %dma_start3A_201 = arith.constant 0 : i32
    %dma_start3A_202 = tpu.memref_slice %arg6[%arg0, %add3A_197, %dma_start3A_201] : memref<2x10240x128xf32, #tpu.memory_space<hbm>> -> memref<1x80x128xf32, #tpu.memory_space<hbm>>
    %dma_start3A_203 = tpu.memref_squeeze %dma_start3A_202 : memref<1x80x128xf32, #tpu.memory_space<hbm>> -> memref<80x128xf32, #tpu.memory_space<hbm>>
    tpu.enqueue_dma source(%arg10 : memref<80x128xf32, #tpu.memory_space<vmem>>) target(%dma_start3A_203 : memref<80x128xf32, #tpu.memory_space<hbm>>) target_semaphore(%arg13 : memref<!tpu.dma_semaphore, #tpu.memory_space<semaphore_mem>>)
    %mul3A_204 = arith.constant 640 : i32
    %mul3A_205 = arith.muli %arg1, %mul3A_204 : i32
    %add3A_206 = arith.constant 80 : i32
    %add3A_207 = arith.addi %mul3A_205, %add3A_206 : i32
    "tpu.region"() ({
      %run_scoped3A = tpu.sem_alloc : memref<!tpu.dma_semaphore, #tpu.memory_space<semaphore_mem>>
      %dma_start3A_350 = arith.constant 0 : i32
      %dma_start3A_351 = tpu.memref_slice %arg12[%add3A_207, %dma_start3A_350] : memref<10240x128xf32, #tpu.memory_space<vmem_shared>> -> memref<80x128xf32, #tpu.memory_space<vmem_shared>>
      %dma_start3A_352 = arith.constant 0 : i32
      %dma_start3A_353 = tpu.memref_slice %arg12[%add3A_207, %dma_start3A_352] : memref<10240x128xf32, #tpu.memory_space<vmem_shared>> -> memref<80x128xf32, #tpu.memory_space<vmem_shared>>
      tpu.enqueue_dma source(%dma_start3A_353 : memref<80x128xf32, #tpu.memory_space<vmem_shared>>) target(%arg11 : memref<80x128xf32, #tpu.memory_space<vmem>>) target_semaphore(%run_scoped3A : memref<!tpu.dma_semaphore, #tpu.memory_space<semaphore_mem>>)
      %dma_wait3A_354 = arith.constant 0 : i32
      %dma_wait3A_355 = tpu.memref_slice %arg12[%add3A_207, %dma_wait3A_354] : memref<10240x128xf32, #tpu.memory_space<vmem_shared>> -> memref<80x128xf32, #tpu.memory_space<vmem_shared>>
      %dma_wait3A_356 = arith.constant 0 : i32
      %dma_wait3A_357 = tpu.memref_slice %arg12[%add3A_207, %dma_wait3A_356] : memref<10240x128xf32, #tpu.memory_space<vmem_shared>> -> memref<80x128xf32, #tpu.memory_space<vmem_shared>>
      tpu.wait_dma2 semaphore(%run_scoped3A : memref<!tpu.dma_semaphore, #tpu.memory_space<semaphore_mem>>) src(%dma_wait3A_357 : memref<80x128xf32, #tpu.memory_space<vmem_shared>>) dst(%arg11 : memref<80x128xf32, #tpu.memory_space<vmem>>)
      tpu.yield
    }) : () -> ()
    %mul3A_208 = arith.constant 640 : i32
    %mul3A_209 = arith.muli %arg1, %mul3A_208 : i32
    %add3A_210 = arith.constant 80 : i32
    %add3A_211 = arith.addi %mul3A_209, %add3A_210 : i32
    %dma_start3A_212 = arith.constant 0 : i32
    %dma_start3A_213 = tpu.memref_slice %arg6[%arg0, %add3A_211, %dma_start3A_212] : memref<2x10240x128xf32, #tpu.memory_space<hbm>> -> memref<1x80x128xf32, #tpu.memory_space<hbm>>
    %dma_start3A_214 = tpu.memref_squeeze %dma_start3A_213 : memref<1x80x128xf32, #tpu.memory_space<hbm>> -> memref<80x128xf32, #tpu.memory_space<hbm>>
    %dma_start3A_215 = arith.constant 0 : i32
    %dma_start3A_216 = tpu.memref_slice %arg6[%arg0, %add3A_211, %dma_start3A_215] : memref<2x10240x128xf32, #tpu.memory_space<hbm>> -> memref<1x80x128xf32, #tpu.memory_space<hbm>>
    %dma_start3A_217 = tpu.memref_squeeze %dma_start3A_216 : memref<1x80x128xf32, #tpu.memory_space<hbm>> -> memref<80x128xf32, #tpu.memory_space<hbm>>
    tpu.enqueue_dma source(%arg11 : memref<80x128xf32, #tpu.memory_space<vmem>>) target(%dma_start3A_217 : memref<80x128xf32, #tpu.memory_space<hbm>>) target_semaphore(%arg14 : memref<!tpu.dma_semaphore, #tpu.memory_space<semaphore_mem>>)
    %dma_wait3A_218 = arith.constant 0 : i32
    %dma_wait3A_219 = tpu.memref_slice %arg6[%arg0, %add3A_197, %dma_wait3A_218] : memref<2x10240x128xf32, #tpu.memory_space<hbm>> -> memref<1x80x128xf32, #tpu.memory_space<hbm>>
    %dma_wait3A_220 = tpu.memref_squeeze %dma_wait3A_219 : memref<1x80x128xf32, #tpu.memory_space<hbm>> -> memref<80x128xf32, #tpu.memory_space<hbm>>
    %dma_wait3A_221 = arith.constant 0 : i32
    %dma_wait3A_222 = tpu.memref_slice %arg6[%arg0, %add3A_197, %dma_wait3A_221] : memref<2x10240x128xf32, #tpu.memory_space<hbm>> -> memref<1x80x128xf32, #tpu.memory_space<hbm>>
    %dma_wait3A_223 = tpu.memref_squeeze %dma_wait3A_222 : memref<1x80x128xf32, #tpu.memory_space<hbm>> -> memref<80x128xf32, #tpu.memory_space<hbm>>
    tpu.wait_dma2 semaphore(%arg13 : memref<!tpu.dma_semaphore, #tpu.memory_space<semaphore_mem>>) src(%arg10 : memref<80x128xf32, #tpu.memory_space<vmem>>) dst(%dma_wait3A_223 : memref<80x128xf32, #tpu.memory_space<hbm>>)
    %mul3A_224 = arith.constant 640 : i32
    %mul3A_225 = arith.muli %arg1, %mul3A_224 : i32
    %add3A_226 = arith.constant 160 : i32
    %add3A_227 = arith.addi %mul3A_225, %add3A_226 : i32
    "tpu.region"() ({
      %run_scoped3A = tpu.sem_alloc : memref<!tpu.dma_semaphore, #tpu.memory_space<semaphore_mem>>
      %dma_start3A_350 = arith.constant 0 : i32
      %dma_start3A_351 = tpu.memref_slice %arg12[%add3A_227, %dma_start3A_350] : memref<10240x128xf32, #tpu.memory_space<vmem_shared>> -> memref<80x128xf32, #tpu.memory_space<vmem_shared>>
      %dma_start3A_352 = arith.constant 0 : i32
      %dma_start3A_353 = tpu.memref_slice %arg12[%add3A_227, %dma_start3A_352] : memref<10240x128xf32, #tpu.memory_space<vmem_shared>> -> memref<80x128xf32, #tpu.memory_space<vmem_shared>>
      tpu.enqueue_dma source(%dma_start3A_353 : memref<80x128xf32, #tpu.memory_space<vmem_shared>>) target(%arg10 : memref<80x128xf32, #tpu.memory_space<vmem>>) target_semaphore(%run_scoped3A : memref<!tpu.dma_semaphore, #tpu.memory_space<semaphore_mem>>)
      %dma_wait3A_354 = arith.constant 0 : i32
      %dma_wait3A_355 = tpu.memref_slice %arg12[%add3A_227, %dma_wait3A_354] : memref<10240x128xf32, #tpu.memory_space<vmem_shared>> -> memref<80x128xf32, #tpu.memory_space<vmem_shared>>
      %dma_wait3A_356 = arith.constant 0 : i32
      %dma_wait3A_357 = tpu.memref_slice %arg12[%add3A_227, %dma_wait3A_356] : memref<10240x128xf32, #tpu.memory_space<vmem_shared>> -> memref<80x128xf32, #tpu.memory_space<vmem_shared>>
      tpu.wait_dma2 semaphore(%run_scoped3A : memref<!tpu.dma_semaphore, #tpu.memory_space<semaphore_mem>>) src(%dma_wait3A_357 : memref<80x128xf32, #tpu.memory_space<vmem_shared>>) dst(%arg10 : memref<80x128xf32, #tpu.memory_space<vmem>>)
      tpu.yield
    }) : () -> ()
    %mul3A_228 = arith.constant 640 : i32
    %mul3A_229 = arith.muli %arg1, %mul3A_228 : i32
    %add3A_230 = arith.constant 160 : i32
    %add3A_231 = arith.addi %mul3A_229, %add3A_230 : i32
    %dma_start3A_232 = arith.constant 0 : i32
    %dma_start3A_233 = tpu.memref_slice %arg6[%arg0, %add3A_231, %dma_start3A_232] : memref<2x10240x128xf32, #tpu.memory_space<hbm>> -> memref<1x80x128xf32, #tpu.memory_space<hbm>>
    %dma_start3A_234 = tpu.memref_squeeze %dma_start3A_233 : memref<1x80x128xf32, #tpu.memory_space<hbm>> -> memref<80x128xf32, #tpu.memory_space<hbm>>
    %dma_start3A_235 = arith.constant 0 : i32
    %dma_start3A_236 = tpu.memref_slice %arg6[%arg0, %add3A_231, %dma_start3A_235] : memref<2x10240x128xf32, #tpu.memory_space<hbm>> -> memref<1x80x128xf32, #tpu.memory_space<hbm>>
    %dma_start3A_237 = tpu.memref_squeeze %dma_start3A_236 : memref<1x80x128xf32, #tpu.memory_space<hbm>> -> memref<80x128xf32, #tpu.memory_space<hbm>>
    tpu.enqueue_dma source(%arg10 : memref<80x128xf32, #tpu.memory_space<vmem>>) target(%dma_start3A_237 : memref<80x128xf32, #tpu.memory_space<hbm>>) target_semaphore(%arg13 : memref<!tpu.dma_semaphore, #tpu.memory_space<semaphore_mem>>)
    %dma_wait3A_238 = arith.constant 0 : i32
    %dma_wait3A_239 = tpu.memref_slice %arg6[%arg0, %add3A_211, %dma_wait3A_238] : memref<2x10240x128xf32, #tpu.memory_space<hbm>> -> memref<1x80x128xf32, #tpu.memory_space<hbm>>
    %dma_wait3A_240 = tpu.memref_squeeze %dma_wait3A_239 : memref<1x80x128xf32, #tpu.memory_space<hbm>> -> memref<80x128xf32, #tpu.memory_space<hbm>>
    %dma_wait3A_241 = arith.constant 0 : i32
    %dma_wait3A_242 = tpu.memref_slice %arg6[%arg0, %add3A_211, %dma_wait3A_241] : memref<2x10240x128xf32, #tpu.memory_space<hbm>> -> memref<1x80x128xf32, #tpu.memory_space<hbm>>
    %dma_wait3A_243 = tpu.memref_squeeze %dma_wait3A_242 : memref<1x80x128xf32, #tpu.memory_space<hbm>> -> memref<80x128xf32, #tpu.memory_space<hbm>>
    tpu.wait_dma2 semaphore(%arg14 : memref<!tpu.dma_semaphore, #tpu.memory_space<semaphore_mem>>) src(%arg11 : memref<80x128xf32, #tpu.memory_space<vmem>>) dst(%dma_wait3A_243 : memref<80x128xf32, #tpu.memory_space<hbm>>)
    %mul3A_244 = arith.constant 640 : i32
    %mul3A_245 = arith.muli %arg1, %mul3A_244 : i32
    %add3A_246 = arith.constant 240 : i32
    %add3A_247 = arith.addi %mul3A_245, %add3A_246 : i32
    "tpu.region"() ({
      %run_scoped3A = tpu.sem_alloc : memref<!tpu.dma_semaphore, #tpu.memory_space<semaphore_mem>>
      %dma_start3A_350 = arith.constant 0 : i32
      %dma_start3A_351 = tpu.memref_slice %arg12[%add3A_247, %dma_start3A_350] : memref<10240x128xf32, #tpu.memory_space<vmem_shared>> -> memref<80x128xf32, #tpu.memory_space<vmem_shared>>
      %dma_start3A_352 = arith.constant 0 : i32
      %dma_start3A_353 = tpu.memref_slice %arg12[%add3A_247, %dma_start3A_352] : memref<10240x128xf32, #tpu.memory_space<vmem_shared>> -> memref<80x128xf32, #tpu.memory_space<vmem_shared>>
      tpu.enqueue_dma source(%dma_start3A_353 : memref<80x128xf32, #tpu.memory_space<vmem_shared>>) target(%arg11 : memref<80x128xf32, #tpu.memory_space<vmem>>) target_semaphore(%run_scoped3A : memref<!tpu.dma_semaphore, #tpu.memory_space<semaphore_mem>>)
      %dma_wait3A_354 = arith.constant 0 : i32
      %dma_wait3A_355 = tpu.memref_slice %arg12[%add3A_247, %dma_wait3A_354] : memref<10240x128xf32, #tpu.memory_space<vmem_shared>> -> memref<80x128xf32, #tpu.memory_space<vmem_shared>>
      %dma_wait3A_356 = arith.constant 0 : i32
      %dma_wait3A_357 = tpu.memref_slice %arg12[%add3A_247, %dma_wait3A_356] : memref<10240x128xf32, #tpu.memory_space<vmem_shared>> -> memref<80x128xf32, #tpu.memory_space<vmem_shared>>
      tpu.wait_dma2 semaphore(%run_scoped3A : memref<!tpu.dma_semaphore, #tpu.memory_space<semaphore_mem>>) src(%dma_wait3A_357 : memref<80x128xf32, #tpu.memory_space<vmem_shared>>) dst(%arg11 : memref<80x128xf32, #tpu.memory_space<vmem>>)
      tpu.yield
    }) : () -> ()
    %mul3A_248 = arith.constant 640 : i32
    %mul3A_249 = arith.muli %arg1, %mul3A_248 : i32
    %add3A_250 = arith.constant 240 : i32
    %add3A_251 = arith.addi %mul3A_249, %add3A_250 : i32
    %dma_start3A_252 = arith.constant 0 : i32
    %dma_start3A_253 = tpu.memref_slice %arg6[%arg0, %add3A_251, %dma_start3A_252] : memref<2x10240x128xf32, #tpu.memory_space<hbm>> -> memref<1x80x128xf32, #tpu.memory_space<hbm>>
    %dma_start3A_254 = tpu.memref_squeeze %dma_start3A_253 : memref<1x80x128xf32, #tpu.memory_space<hbm>> -> memref<80x128xf32, #tpu.memory_space<hbm>>
    %dma_start3A_255 = arith.constant 0 : i32
    %dma_start3A_256 = tpu.memref_slice %arg6[%arg0, %add3A_251, %dma_start3A_255] : memref<2x10240x128xf32, #tpu.memory_space<hbm>> -> memref<1x80x128xf32, #tpu.memory_space<hbm>>
    %dma_start3A_257 = tpu.memref_squeeze %dma_start3A_256 : memref<1x80x128xf32, #tpu.memory_space<hbm>> -> memref<80x128xf32, #tpu.memory_space<hbm>>
    tpu.enqueue_dma source(%arg11 : memref<80x128xf32, #tpu.memory_space<vmem>>) target(%dma_start3A_257 : memref<80x128xf32, #tpu.memory_space<hbm>>) target_semaphore(%arg14 : memref<!tpu.dma_semaphore, #tpu.memory_space<semaphore_mem>>)
    %dma_wait3A_258 = arith.constant 0 : i32
    %dma_wait3A_259 = tpu.memref_slice %arg6[%arg0, %add3A_231, %dma_wait3A_258] : memref<2x10240x128xf32, #tpu.memory_space<hbm>> -> memref<1x80x128xf32, #tpu.memory_space<hbm>>
    %dma_wait3A_260 = tpu.memref_squeeze %dma_wait3A_259 : memref<1x80x128xf32, #tpu.memory_space<hbm>> -> memref<80x128xf32, #tpu.memory_space<hbm>>
    %dma_wait3A_261 = arith.constant 0 : i32
    %dma_wait3A_262 = tpu.memref_slice %arg6[%arg0, %add3A_231, %dma_wait3A_261] : memref<2x10240x128xf32, #tpu.memory_space<hbm>> -> memref<1x80x128xf32, #tpu.memory_space<hbm>>
    %dma_wait3A_263 = tpu.memref_squeeze %dma_wait3A_262 : memref<1x80x128xf32, #tpu.memory_space<hbm>> -> memref<80x128xf32, #tpu.memory_space<hbm>>
    tpu.wait_dma2 semaphore(%arg13 : memref<!tpu.dma_semaphore, #tpu.memory_space<semaphore_mem>>) src(%arg10 : memref<80x128xf32, #tpu.memory_space<vmem>>) dst(%dma_wait3A_263 : memref<80x128xf32, #tpu.memory_space<hbm>>)
    %mul3A_264 = arith.constant 640 : i32
    %mul3A_265 = arith.muli %arg1, %mul3A_264 : i32
    %add3A_266 = arith.constant 320 : i32
    %add3A_267 = arith.addi %mul3A_265, %add3A_266 : i32
    "tpu.region"() ({
      %run_scoped3A = tpu.sem_alloc : memref<!tpu.dma_semaphore, #tpu.memory_space<semaphore_mem>>
      %dma_start3A_350 = arith.constant 0 : i32
      %dma_start3A_351 = tpu.memref_slice %arg12[%add3A_267, %dma_start3A_350] : memref<10240x128xf32, #tpu.memory_space<vmem_shared>> -> memref<80x128xf32, #tpu.memory_space<vmem_shared>>
      %dma_start3A_352 = arith.constant 0 : i32
      %dma_start3A_353 = tpu.memref_slice %arg12[%add3A_267, %dma_start3A_352] : memref<10240x128xf32, #tpu.memory_space<vmem_shared>> -> memref<80x128xf32, #tpu.memory_space<vmem_shared>>
      tpu.enqueue_dma source(%dma_start3A_353 : memref<80x128xf32, #tpu.memory_space<vmem_shared>>) target(%arg10 : memref<80x128xf32, #tpu.memory_space<vmem>>) target_semaphore(%run_scoped3A : memref<!tpu.dma_semaphore, #tpu.memory_space<semaphore_mem>>)
      %dma_wait3A_354 = arith.constant 0 : i32
      %dma_wait3A_355 = tpu.memref_slice %arg12[%add3A_267, %dma_wait3A_354] : memref<10240x128xf32, #tpu.memory_space<vmem_shared>> -> memref<80x128xf32, #tpu.memory_space<vmem_shared>>
      %dma_wait3A_356 = arith.constant 0 : i32
      %dma_wait3A_357 = tpu.memref_slice %arg12[%add3A_267, %dma_wait3A_356] : memref<10240x128xf32, #tpu.memory_space<vmem_shared>> -> memref<80x128xf32, #tpu.memory_space<vmem_shared>>
      tpu.wait_dma2 semaphore(%run_scoped3A : memref<!tpu.dma_semaphore, #tpu.memory_space<semaphore_mem>>) src(%dma_wait3A_357 : memref<80x128xf32, #tpu.memory_space<vmem_shared>>) dst(%arg10 : memref<80x128xf32, #tpu.memory_space<vmem>>)
      tpu.yield
    }) : () -> ()
    %mul3A_268 = arith.constant 640 : i32
    %mul3A_269 = arith.muli %arg1, %mul3A_268 : i32
    %add3A_270 = arith.constant 320 : i32
    %add3A_271 = arith.addi %mul3A_269, %add3A_270 : i32
    %dma_start3A_272 = arith.constant 0 : i32
    %dma_start3A_273 = tpu.memref_slice %arg6[%arg0, %add3A_271, %dma_start3A_272] : memref<2x10240x128xf32, #tpu.memory_space<hbm>> -> memref<1x80x128xf32, #tpu.memory_space<hbm>>
    %dma_start3A_274 = tpu.memref_squeeze %dma_start3A_273 : memref<1x80x128xf32, #tpu.memory_space<hbm>> -> memref<80x128xf32, #tpu.memory_space<hbm>>
    %dma_start3A_275 = arith.constant 0 : i32
    %dma_start3A_276 = tpu.memref_slice %arg6[%arg0, %add3A_271, %dma_start3A_275] : memref<2x10240x128xf32, #tpu.memory_space<hbm>> -> memref<1x80x128xf32, #tpu.memory_space<hbm>>
    %dma_start3A_277 = tpu.memref_squeeze %dma_start3A_276 : memref<1x80x128xf32, #tpu.memory_space<hbm>> -> memref<80x128xf32, #tpu.memory_space<hbm>>
    tpu.enqueue_dma source(%arg10 : memref<80x128xf32, #tpu.memory_space<vmem>>) target(%dma_start3A_277 : memref<80x128xf32, #tpu.memory_space<hbm>>) target_semaphore(%arg13 : memref<!tpu.dma_semaphore, #tpu.memory_space<semaphore_mem>>)
    %dma_wait3A_278 = arith.constant 0 : i32
    %dma_wait3A_279 = tpu.memref_slice %arg6[%arg0, %add3A_251, %dma_wait3A_278] : memref<2x10240x128xf32, #tpu.memory_space<hbm>> -> memref<1x80x128xf32, #tpu.memory_space<hbm>>
    %dma_wait3A_280 = tpu.memref_squeeze %dma_wait3A_279 : memref<1x80x128xf32, #tpu.memory_space<hbm>> -> memref<80x128xf32, #tpu.memory_space<hbm>>
    %dma_wait3A_281 = arith.constant 0 : i32
    %dma_wait3A_282 = tpu.memref_slice %arg6[%arg0, %add3A_251, %dma_wait3A_281] : memref<2x10240x128xf32, #tpu.memory_space<hbm>> -> memref<1x80x128xf32, #tpu.memory_space<hbm>>
    %dma_wait3A_283 = tpu.memref_squeeze %dma_wait3A_282 : memref<1x80x128xf32, #tpu.memory_space<hbm>> -> memref<80x128xf32, #tpu.memory_space<hbm>>
    tpu.wait_dma2 semaphore(%arg14 : memref<!tpu.dma_semaphore, #tpu.memory_space<semaphore_mem>>) src(%arg11 : memref<80x128xf32, #tpu.memory_space<vmem>>) dst(%dma_wait3A_283 : memref<80x128xf32, #tpu.memory_space<hbm>>)
    %mul3A_284 = arith.constant 640 : i32
    %mul3A_285 = arith.muli %arg1, %mul3A_284 : i32
    %add3A_286 = arith.constant 400 : i32
    %add3A_287 = arith.addi %mul3A_285, %add3A_286 : i32
    "tpu.region"() ({
      %run_scoped3A = tpu.sem_alloc : memref<!tpu.dma_semaphore, #tpu.memory_space<semaphore_mem>>
      %dma_start3A_350 = arith.constant 0 : i32
      %dma_start3A_351 = tpu.memref_slice %arg12[%add3A_287, %dma_start3A_350] : memref<10240x128xf32, #tpu.memory_space<vmem_shared>> -> memref<80x128xf32, #tpu.memory_space<vmem_shared>>
      %dma_start3A_352 = arith.constant 0 : i32
      %dma_start3A_353 = tpu.memref_slice %arg12[%add3A_287, %dma_start3A_352] : memref<10240x128xf32, #tpu.memory_space<vmem_shared>> -> memref<80x128xf32, #tpu.memory_space<vmem_shared>>
      tpu.enqueue_dma source(%dma_start3A_353 : memref<80x128xf32, #tpu.memory_space<vmem_shared>>) target(%arg11 : memref<80x128xf32, #tpu.memory_space<vmem>>) target_semaphore(%run_scoped3A : memref<!tpu.dma_semaphore, #tpu.memory_space<semaphore_mem>>)
      %dma_wait3A_354 = arith.constant 0 : i32
      %dma_wait3A_355 = tpu.memref_slice %arg12[%add3A_287, %dma_wait3A_354] : memref<10240x128xf32, #tpu.memory_space<vmem_shared>> -> memref<80x128xf32, #tpu.memory_space<vmem_shared>>
      %dma_wait3A_356 = arith.constant 0 : i32
      %dma_wait3A_357 = tpu.memref_slice %arg12[%add3A_287, %dma_wait3A_356] : memref<10240x128xf32, #tpu.memory_space<vmem_shared>> -> memref<80x128xf32, #tpu.memory_space<vmem_shared>>
      tpu.wait_dma2 semaphore(%run_scoped3A : memref<!tpu.dma_semaphore, #tpu.memory_space<semaphore_mem>>) src(%dma_wait3A_357 : memref<80x128xf32, #tpu.memory_space<vmem_shared>>) dst(%arg11 : memref<80x128xf32, #tpu.memory_space<vmem>>)
      tpu.yield
    }) : () -> ()
    %mul3A_288 = arith.constant 640 : i32
    %mul3A_289 = arith.muli %arg1, %mul3A_288 : i32
    %add3A_290 = arith.constant 400 : i32
    %add3A_291 = arith.addi %mul3A_289, %add3A_290 : i32
    %dma_start3A_292 = arith.constant 0 : i32
    %dma_start3A_293 = tpu.memref_slice %arg6[%arg0, %add3A_291, %dma_start3A_292] : memref<2x10240x128xf32, #tpu.memory_space<hbm>> -> memref<1x80x128xf32, #tpu.memory_space<hbm>>
    %dma_start3A_294 = tpu.memref_squeeze %dma_start3A_293 : memref<1x80x128xf32, #tpu.memory_space<hbm>> -> memref<80x128xf32, #tpu.memory_space<hbm>>
    %dma_start3A_295 = arith.constant 0 : i32
    %dma_start3A_296 = tpu.memref_slice %arg6[%arg0, %add3A_291, %dma_start3A_295] : memref<2x10240x128xf32, #tpu.memory_space<hbm>> -> memref<1x80x128xf32, #tpu.memory_space<hbm>>
    %dma_start3A_297 = tpu.memref_squeeze %dma_start3A_296 : memref<1x80x128xf32, #tpu.memory_space<hbm>> -> memref<80x128xf32, #tpu.memory_space<hbm>>
    tpu.enqueue_dma source(%arg11 : memref<80x128xf32, #tpu.memory_space<vmem>>) target(%dma_start3A_297 : memref<80x128xf32, #tpu.memory_space<hbm>>) target_semaphore(%arg14 : memref<!tpu.dma_semaphore, #tpu.memory_space<semaphore_mem>>)
    %dma_wait3A_298 = arith.constant 0 : i32
    %dma_wait3A_299 = tpu.memref_slice %arg6[%arg0, %add3A_271, %dma_wait3A_298] : memref<2x10240x128xf32, #tpu.memory_space<hbm>> -> memref<1x80x128xf32, #tpu.memory_space<hbm>>
    %dma_wait3A_300 = tpu.memref_squeeze %dma_wait3A_299 : memref<1x80x128xf32, #tpu.memory_space<hbm>> -> memref<80x128xf32, #tpu.memory_space<hbm>>
    %dma_wait3A_301 = arith.constant 0 : i32
    %dma_wait3A_302 = tpu.memref_slice %arg6[%arg0, %add3A_271, %dma_wait3A_301] : memref<2x10240x128xf32, #tpu.memory_space<hbm>> -> memref<1x80x128xf32, #tpu.memory_space<hbm>>
    %dma_wait3A_303 = tpu.memref_squeeze %dma_wait3A_302 : memref<1x80x128xf32, #tpu.memory_space<hbm>> -> memref<80x128xf32, #tpu.memory_space<hbm>>
    tpu.wait_dma2 semaphore(%arg13 : memref<!tpu.dma_semaphore, #tpu.memory_space<semaphore_mem>>) src(%arg10 : memref<80x128xf32, #tpu.memory_space<vmem>>) dst(%dma_wait3A_303 : memref<80x128xf32, #tpu.memory_space<hbm>>)
    %mul3A_304 = arith.constant 640 : i32
    %mul3A_305 = arith.muli %arg1, %mul3A_304 : i32
    %add3A_306 = arith.constant 480 : i32
    %add3A_307 = arith.addi %mul3A_305, %add3A_306 : i32
    "tpu.region"() ({
      %run_scoped3A = tpu.sem_alloc : memref<!tpu.dma_semaphore, #tpu.memory_space<semaphore_mem>>
      %dma_start3A_350 = arith.constant 0 : i32
      %dma_start3A_351 = tpu.memref_slice %arg12[%add3A_307, %dma_start3A_350] : memref<10240x128xf32, #tpu.memory_space<vmem_shared>> -> memref<80x128xf32, #tpu.memory_space<vmem_shared>>
      %dma_start3A_352 = arith.constant 0 : i32
      %dma_start3A_353 = tpu.memref_slice %arg12[%add3A_307, %dma_start3A_352] : memref<10240x128xf32, #tpu.memory_space<vmem_shared>> -> memref<80x128xf32, #tpu.memory_space<vmem_shared>>
      tpu.enqueue_dma source(%dma_start3A_353 : memref<80x128xf32, #tpu.memory_space<vmem_shared>>) target(%arg10 : memref<80x128xf32, #tpu.memory_space<vmem>>) target_semaphore(%run_scoped3A : memref<!tpu.dma_semaphore, #tpu.memory_space<semaphore_mem>>)
      %dma_wait3A_354 = arith.constant 0 : i32
      %dma_wait3A_355 = tpu.memref_slice %arg12[%add3A_307, %dma_wait3A_354] : memref<10240x128xf32, #tpu.memory_space<vmem_shared>> -> memref<80x128xf32, #tpu.memory_space<vmem_shared>>
      %dma_wait3A_356 = arith.constant 0 : i32
      %dma_wait3A_357 = tpu.memref_slice %arg12[%add3A_307, %dma_wait3A_356] : memref<10240x128xf32, #tpu.memory_space<vmem_shared>> -> memref<80x128xf32, #tpu.memory_space<vmem_shared>>
      tpu.wait_dma2 semaphore(%run_scoped3A : memref<!tpu.dma_semaphore, #tpu.memory_space<semaphore_mem>>) src(%dma_wait3A_357 : memref<80x128xf32, #tpu.memory_space<vmem_shared>>) dst(%arg10 : memref<80x128xf32, #tpu.memory_space<vmem>>)
      tpu.yield
    }) : () -> ()
    %mul3A_308 = arith.constant 640 : i32
    %mul3A_309 = arith.muli %arg1, %mul3A_308 : i32
    %add3A_310 = arith.constant 480 : i32
    %add3A_311 = arith.addi %mul3A_309, %add3A_310 : i32
    %dma_start3A_312 = arith.constant 0 : i32
    %dma_start3A_313 = tpu.memref_slice %arg6[%arg0, %add3A_311, %dma_start3A_312] : memref<2x10240x128xf32, #tpu.memory_space<hbm>> -> memref<1x80x128xf32, #tpu.memory_space<hbm>>
    %dma_start3A_314 = tpu.memref_squeeze %dma_start3A_313 : memref<1x80x128xf32, #tpu.memory_space<hbm>> -> memref<80x128xf32, #tpu.memory_space<hbm>>
    %dma_start3A_315 = arith.constant 0 : i32
    %dma_start3A_316 = tpu.memref_slice %arg6[%arg0, %add3A_311, %dma_start3A_315] : memref<2x10240x128xf32, #tpu.memory_space<hbm>> -> memref<1x80x128xf32, #tpu.memory_space<hbm>>
    %dma_start3A_317 = tpu.memref_squeeze %dma_start3A_316 : memref<1x80x128xf32, #tpu.memory_space<hbm>> -> memref<80x128xf32, #tpu.memory_space<hbm>>
    tpu.enqueue_dma source(%arg10 : memref<80x128xf32, #tpu.memory_space<vmem>>) target(%dma_start3A_317 : memref<80x128xf32, #tpu.memory_space<hbm>>) target_semaphore(%arg13 : memref<!tpu.dma_semaphore, #tpu.memory_space<semaphore_mem>>)
    %dma_wait3A_318 = arith.constant 0 : i32
    %dma_wait3A_319 = tpu.memref_slice %arg6[%arg0, %add3A_291, %dma_wait3A_318] : memref<2x10240x128xf32, #tpu.memory_space<hbm>> -> memref<1x80x128xf32, #tpu.memory_space<hbm>>
    %dma_wait3A_320 = tpu.memref_squeeze %dma_wait3A_319 : memref<1x80x128xf32, #tpu.memory_space<hbm>> -> memref<80x128xf32, #tpu.memory_space<hbm>>
    %dma_wait3A_321 = arith.constant 0 : i32
    %dma_wait3A_322 = tpu.memref_slice %arg6[%arg0, %add3A_291, %dma_wait3A_321] : memref<2x10240x128xf32, #tpu.memory_space<hbm>> -> memref<1x80x128xf32, #tpu.memory_space<hbm>>
    %dma_wait3A_323 = tpu.memref_squeeze %dma_wait3A_322 : memref<1x80x128xf32, #tpu.memory_space<hbm>> -> memref<80x128xf32, #tpu.memory_space<hbm>>
    tpu.wait_dma2 semaphore(%arg14 : memref<!tpu.dma_semaphore, #tpu.memory_space<semaphore_mem>>) src(%arg11 : memref<80x128xf32, #tpu.memory_space<vmem>>) dst(%dma_wait3A_323 : memref<80x128xf32, #tpu.memory_space<hbm>>)
    %mul3A_324 = arith.constant 640 : i32
    %mul3A_325 = arith.muli %arg1, %mul3A_324 : i32
    %add3A_326 = arith.constant 560 : i32
    %add3A_327 = arith.addi %mul3A_325, %add3A_326 : i32
    "tpu.region"() ({
      %run_scoped3A = tpu.sem_alloc : memref<!tpu.dma_semaphore, #tpu.memory_space<semaphore_mem>>
      %dma_start3A_350 = arith.constant 0 : i32
      %dma_start3A_351 = tpu.memref_slice %arg12[%add3A_327, %dma_start3A_350] : memref<10240x128xf32, #tpu.memory_space<vmem_shared>> -> memref<80x128xf32, #tpu.memory_space<vmem_shared>>
      %dma_start3A_352 = arith.constant 0 : i32
      %dma_start3A_353 = tpu.memref_slice %arg12[%add3A_327, %dma_start3A_352] : memref<10240x128xf32, #tpu.memory_space<vmem_shared>> -> memref<80x128xf32, #tpu.memory_space<vmem_shared>>
      tpu.enqueue_dma source(%dma_start3A_353 : memref<80x128xf32, #tpu.memory_space<vmem_shared>>) target(%arg11 : memref<80x128xf32, #tpu.memory_space<vmem>>) target_semaphore(%run_scoped3A : memref<!tpu.dma_semaphore, #tpu.memory_space<semaphore_mem>>)
      %dma_wait3A_354 = arith.constant 0 : i32
      %dma_wait3A_355 = tpu.memref_slice %arg12[%add3A_327, %dma_wait3A_354] : memref<10240x128xf32, #tpu.memory_space<vmem_shared>> -> memref<80x128xf32, #tpu.memory_space<vmem_shared>>
      %dma_wait3A_356 = arith.constant 0 : i32
      %dma_wait3A_357 = tpu.memref_slice %arg12[%add3A_327, %dma_wait3A_356] : memref<10240x128xf32, #tpu.memory_space<vmem_shared>> -> memref<80x128xf32, #tpu.memory_space<vmem_shared>>
      tpu.wait_dma2 semaphore(%run_scoped3A : memref<!tpu.dma_semaphore, #tpu.memory_space<semaphore_mem>>) src(%dma_wait3A_357 : memref<80x128xf32, #tpu.memory_space<vmem_shared>>) dst(%arg11 : memref<80x128xf32, #tpu.memory_space<vmem>>)
      tpu.yield
    }) : () -> ()
    %mul3A_328 = arith.constant 640 : i32
    %mul3A_329 = arith.muli %arg1, %mul3A_328 : i32
    %add3A_330 = arith.constant 560 : i32
    %add3A_331 = arith.addi %mul3A_329, %add3A_330 : i32
    %dma_start3A_332 = arith.constant 0 : i32
    %dma_start3A_333 = tpu.memref_slice %arg6[%arg0, %add3A_331, %dma_start3A_332] : memref<2x10240x128xf32, #tpu.memory_space<hbm>> -> memref<1x80x128xf32, #tpu.memory_space<hbm>>
    %dma_start3A_334 = tpu.memref_squeeze %dma_start3A_333 : memref<1x80x128xf32, #tpu.memory_space<hbm>> -> memref<80x128xf32, #tpu.memory_space<hbm>>
    %dma_start3A_335 = arith.constant 0 : i32
    %dma_start3A_336 = tpu.memref_slice %arg6[%arg0, %add3A_331, %dma_start3A_335] : memref<2x10240x128xf32, #tpu.memory_space<hbm>> -> memref<1x80x128xf32, #tpu.memory_space<hbm>>
    %dma_start3A_337 = tpu.memref_squeeze %dma_start3A_336 : memref<1x80x128xf32, #tpu.memory_space<hbm>> -> memref<80x128xf32, #tpu.memory_space<hbm>>
    tpu.enqueue_dma source(%arg11 : memref<80x128xf32, #tpu.memory_space<vmem>>) target(%dma_start3A_337 : memref<80x128xf32, #tpu.memory_space<hbm>>) target_semaphore(%arg14 : memref<!tpu.dma_semaphore, #tpu.memory_space<semaphore_mem>>)
    %dma_wait3A_338 = arith.constant 0 : i32
    %dma_wait3A_339 = tpu.memref_slice %arg6[%arg0, %add3A_311, %dma_wait3A_338] : memref<2x10240x128xf32, #tpu.memory_space<hbm>> -> memref<1x80x128xf32, #tpu.memory_space<hbm>>
    %dma_wait3A_340 = tpu.memref_squeeze %dma_wait3A_339 : memref<1x80x128xf32, #tpu.memory_space<hbm>> -> memref<80x128xf32, #tpu.memory_space<hbm>>
    %dma_wait3A_341 = arith.constant 0 : i32
    %dma_wait3A_342 = tpu.memref_slice %arg6[%arg0, %add3A_311, %dma_wait3A_341] : memref<2x10240x128xf32, #tpu.memory_space<hbm>> -> memref<1x80x128xf32, #tpu.memory_space<hbm>>
    %dma_wait3A_343 = tpu.memref_squeeze %dma_wait3A_342 : memref<1x80x128xf32, #tpu.memory_space<hbm>> -> memref<80x128xf32, #tpu.memory_space<hbm>>
    tpu.wait_dma2 semaphore(%arg13 : memref<!tpu.dma_semaphore, #tpu.memory_space<semaphore_mem>>) src(%arg10 : memref<80x128xf32, #tpu.memory_space<vmem>>) dst(%dma_wait3A_343 : memref<80x128xf32, #tpu.memory_space<hbm>>)
    %dma_wait3A_344 = arith.constant 0 : i32
    %dma_wait3A_345 = tpu.memref_slice %arg6[%arg0, %add3A_331, %dma_wait3A_344] : memref<2x10240x128xf32, #tpu.memory_space<hbm>> -> memref<1x80x128xf32, #tpu.memory_space<hbm>>
    %dma_wait3A_346 = tpu.memref_squeeze %dma_wait3A_345 : memref<1x80x128xf32, #tpu.memory_space<hbm>> -> memref<80x128xf32, #tpu.memory_space<hbm>>
    %dma_wait3A_347 = arith.constant 0 : i32
    %dma_wait3A_348 = tpu.memref_slice %arg6[%arg0, %add3A_331, %dma_wait3A_347] : memref<2x10240x128xf32, #tpu.memory_space<hbm>> -> memref<1x80x128xf32, #tpu.memory_space<hbm>>
    %dma_wait3A_349 = tpu.memref_squeeze %dma_wait3A_348 : memref<1x80x128xf32, #tpu.memory_space<hbm>> -> memref<80x128xf32, #tpu.memory_space<hbm>>
    tpu.wait_dma2 semaphore(%arg14 : memref<!tpu.dma_semaphore, #tpu.memory_space<semaphore_mem>>) src(%arg11 : memref<80x128xf32, #tpu.memory_space<vmem>>) dst(%dma_wait3A_349 : memref<80x128xf32, #tpu.memory_space<hbm>>)
    return
  }
}

module attributes {stable_mosaic.version = 14 : i64} {
  func.func @_mm_body(%arg0: memref<10000x128xf32, #tpu.memory_space<vmem>>, %arg1: memref<128x128xf32, #tpu.memory_space<vmem>>, %arg2: memref<10000x128xf32, #tpu.memory_space<vmem>>) attributes {dimension_semantics = [], scalar_prefetch = 0 : i64, scratch_operands = 0 : i64, tpu.core_type = #tpu.core_type<tc>} {
    %get3A = arith.constant 0 : index
    %get3A_0 = arith.constant 0 : index
    %get3A_1 = vector.load %arg0[%get3A, %get3A_0] : memref<10000x128xf32, #tpu.memory_space<vmem>>, vector<10000x128xf32>
    %get3A_2 = arith.constant 0 : index
    %get3A_3 = arith.constant 0 : index
    %get3A_4 = vector.load %arg1[%get3A_2, %get3A_3] : memref<128x128xf32, #tpu.memory_space<vmem>>, vector<128x128xf32>
    %dot_general3A = arith.constant dense<0.000000e+00> : vector<10000x128xf32>
    %dot_general3A_5 = tpu.matmul %get3A_1, %get3A_4, %dot_general3A {dimension_numbers = #tpu.dot_dimension_numbers<[1], [1], [0], [0], [0, 0, 1, 0], [], []>, precision = #tpu.contract_precision<fp32>, transpose_lhs_hint = false} : vector<10000x128xf32>, vector<128x128xf32>, vector<10000x128xf32> -> vector<10000x128xf32>
    %swap3A = arith.constant 0 : index
    %swap3A_6 = arith.constant 0 : index
    %swap3A_7 = vector.load %arg2[%swap3A, %swap3A_6] : memref<10000x128xf32, #tpu.memory_space<vmem>>, vector<10000x128xf32>
    tpu.vector_store %arg2[%swap3A, %swap3A_6], %dot_general3A_5 {strides = array<i32>} : memref<10000x128xf32, #tpu.memory_space<vmem>>, vector<10000x128xf32>,
    return
  }
}

module attributes {stable_mosaic.version = 14 : i64} {
  func.func @_pre_body(%arg0: memref<2x10240x1xf32, #tpu.memory_space<vmem>>, %arg1: memref<10000x128xf32, #tpu.memory_space<vmem>>, %arg2: memref<10000x128xf32, #tpu.memory_space<vmem>>, %arg3: memref<10000x1xf32, #tpu.memory_space<vmem>>) attributes {dimension_semantics = [], scalar_prefetch = 0 : i64, scratch_operands = 0 : i64, tpu.core_type = #tpu.core_type<tc>} {
    %get3A = arith.constant 0 : index
    %get3A_0 = arith.constant 0 : index
    %get3A_1 = arith.constant 0 : index
    %get3A_2 = vector.load %arg0[%get3A, %get3A_0, %get3A_1] : memref<2x10240x1xf32, #tpu.memory_space<vmem>>, vector<2x10240x1xf32>
    %slice3A = vector.extract_strided_slice %get3A_2 {offsets = [0, 0, 0], sizes = [1, 10240, 1], strides = [1, 1, 1]} : vector<2x10240x1xf32> to vector<1x10240x1xf32>
    %squeeze3A = vector.shape_cast %slice3A : vector<1x10240x1xf32> to vector<10240x1xf32>
    %slice3A_3 = vector.extract_strided_slice %get3A_2 {offsets = [1, 0, 0], sizes = [1, 10240, 1], strides = [1, 1, 1]} : vector<2x10240x1xf32> to vector<1x10240x1xf32>
    %squeeze3A_4 = vector.shape_cast %slice3A_3 : vector<1x10240x1xf32> to vector<10240x1xf32>
    %add3A = arith.addf %squeeze3A, %squeeze3A_4 : vector<10240x1xf32>
    %rsqrt3A = math.rsqrt %add3A : vector<10240x1xf32>
    %slice3A_5 = vector.extract_strided_slice %rsqrt3A {offsets = [0, 0], sizes = [10000, 1], strides = [1, 1]} : vector<10240x1xf32> to vector<10000x1xf32>
    %get3A_6 = arith.constant 0 : index
    %get3A_7 = arith.constant 0 : index
    %get3A_8 = vector.load %arg1[%get3A_6, %get3A_7] : memref<10000x128xf32, #tpu.memory_space<vmem>>, vector<10000x128xf32>
    %mul3A = vector.broadcast %slice3A_5 : vector<10000x1xf32> to vector<10000x128xf32>
    %mul3A_9 = arith.mulf %get3A_8, %mul3A : vector<10000x128xf32>
    %swap3A = arith.constant 0 : index
    %swap3A_10 = arith.constant 0 : index
    %swap3A_11 = vector.load %arg2[%swap3A, %swap3A_10] : memref<10000x128xf32, #tpu.memory_space<vmem>>, vector<10000x128xf32>
    tpu.vector_store %arg2[%swap3A, %swap3A_10], %mul3A_9 {strides = array<i32>} : memref<10000x128xf32, #tpu.memory_space<vmem>>, vector<10000x128xf32>,
    %swap3A_12 = arith.constant 0 : index
    %swap3A_13 = arith.constant 0 : index
    %swap3A_14 = vector.load %arg3[%swap3A_12, %swap3A_13] : memref<10000x1xf32, #tpu.memory_space<vmem>>, vector<10000x1xf32>
    tpu.vector_store %arg3[%swap3A_12, %swap3A_13], %slice3A_5 {strides = array<i32>} : memref<10000x1xf32, #tpu.memory_space<vmem>>, vector<10000x1xf32>,
    return
  }
}

module attributes {stable_mosaic.version = 14 : i64} {
  func.func @_post_body(%arg0: memref<2x10240x128xf32, #tpu.memory_space<vmem>>, %arg1: memref<10000x128xf32, #tpu.memory_space<vmem>>, %arg2: memref<10000x1xf32, #tpu.memory_space<vmem>>, %arg3: memref<1x128xf32, #tpu.memory_space<vmem>>, %arg4: memref<10000x1xi32, #tpu.memory_space<vmem>>, %arg5: memref<1250x8xi32, #tpu.memory_space<vmem>>, %arg6: memref<2x32xi32, #tpu.memory_space<smem>>, %arg7: memref<10x128xf32, #tpu.memory_space<vmem>>, %arg8: memref<1x10xf32, #tpu.memory_space<vmem>>, %arg9: memref<32x10xf32, #tpu.memory_space<vmem>>, %arg10: memref<10000x128xf32, #tpu.memory_space<vmem>>) attributes {dimension_semantics = [], scalar_prefetch = 0 : i64, scratch_operands = 1 : i64, tpu.core_type = #tpu.core_type<tc>} {
    %get3A = arith.constant 0 : index
    %get3A_0 = arith.constant 0 : index
    %get3A_1 = arith.constant 0 : index
    %get3A_2 = vector.load %arg0[%get3A, %get3A_0, %get3A_1] : memref<2x10240x128xf32, #tpu.memory_space<vmem>>, vector<2x10240x128xf32>
    %slice3A = vector.extract_strided_slice %get3A_2 {offsets = [0, 0, 0], sizes = [1, 10000, 128], strides = [1, 1, 1]} : vector<2x10240x128xf32> to vector<1x10000x128xf32>
    %squeeze3A = vector.shape_cast %slice3A : vector<1x10000x128xf32> to vector<10000x128xf32>
    %slice3A_3 = vector.extract_strided_slice %get3A_2 {offsets = [1, 0, 0], sizes = [1, 10000, 128], strides = [1, 1, 1]} : vector<2x10240x128xf32> to vector<1x10000x128xf32>
    %squeeze3A_4 = vector.shape_cast %slice3A_3 : vector<1x10000x128xf32> to vector<10000x128xf32>
    %add3A = arith.addf %squeeze3A, %squeeze3A_4 : vector<10000x128xf32>
    %get3A_5 = arith.constant 0 : index
    %get3A_6 = arith.constant 0 : index
    %get3A_7 = vector.load %arg1[%get3A_5, %get3A_6] : memref<10000x128xf32, #tpu.memory_space<vmem>>, vector<10000x128xf32>
    %add3A_8 = arith.addf %add3A, %get3A_7 : vector<10000x128xf32>
    %get3A_9 = arith.constant 0 : index
    %get3A_10 = arith.constant 0 : index
    %get3A_11 = vector.load %arg2[%get3A_9, %get3A_10] : memref<10000x1xf32, #tpu.memory_space<vmem>>, vector<10000x1xf32>
    %mul3A = vector.broadcast %get3A_11 : vector<10000x1xf32> to vector<10000x128xf32>
    %mul3A_12 = arith.mulf %add3A_8, %mul3A : vector<10000x128xf32>
    %get3A_13 = arith.constant 0 : index
    %get3A_14 = arith.constant 0 : index
    %get3A_15 = vector.load %arg3[%get3A_13, %get3A_14] : memref<1x128xf32, #tpu.memory_space<vmem>>, vector<1x128xf32>
    %add3A_16 = vector.broadcast %get3A_15 : vector<1x128xf32> to vector<10000x128xf32>
    %add3A_17 = arith.addf %mul3A_12, %add3A_16 : vector<10000x128xf32>
    %max3A = arith.constant 0.000000e+00 : f32
    %max3A_18 = vector.broadcast %max3A : f32 to vector<10000x128xf32>
    %max3A_19 = arith.maximumf %add3A_17, %max3A_18 : vector<10000x128xf32>
    %swap3A = arith.constant 0 : index
    %swap3A_20 = arith.constant 0 : index
    %swap3A_21 = vector.load %arg10[%swap3A, %swap3A_20] : memref<10000x128xf32, #tpu.memory_space<vmem>>, vector<10000x128xf32>
    tpu.vector_store %arg10[%swap3A, %swap3A_20], %max3A_19 {strides = array<i32>} : memref<10000x128xf32, #tpu.memory_space<vmem>>, vector<10000x128xf32>,
    %reshape3A = vector.shape_cast %max3A_19 : vector<10000x128xf32> to vector<1250x8x128xf32>
    %reduce_max3A = arith.constant dense<0xFF800000> : vector<1250x128xf32>
    %reduce_max3A_22 = vector.multi_reduction <maximumf>, %reshape3A, %reduce_max3A [1] : vector<1250x8x128xf32> to vector<1250x128xf32>
    %get3A_23 = arith.constant 0 : index
    %get3A_24 = arith.constant 0 : index
    %get3A_25 = vector.load %arg5[%get3A_23, %get3A_24] : memref<1250x8xi32, #tpu.memory_space<vmem>>, vector<1250x8xi32>
    %slice3A_26 = vector.extract_strided_slice %get3A_25 {offsets = [0, 0], sizes = [1250, 1], strides = [1, 1]} : vector<1250x8xi32> to vector<1250x1xi32>
    %slice3A_27 = vector.extract_strided_slice %get3A_25 {offsets = [0, 7], sizes = [1250, 1], strides = [1, 1]} : vector<1250x8xi32> to vector<1250x1xi32>
    %eq3A = arith.cmpi eq, %slice3A_26, %slice3A_27 : vector<1250x1xi32>
    %eq3A_28 = arith.constant 0 : i32
    %eq3A_29 = vector.broadcast %eq3A_28 : i32 to vector<1250x1xi32>
    %eq3A_30 = arith.cmpi eq, %slice3A_26, %eq3A_29 : vector<1250x1xi32>
    %and3A = arith.andi %eq3A, %eq3A_30 : vector<1250x1xi1>
    %jit3A = arith.constant 0xFF800000 : f32
    %broadcast_in_dim3A = vector.shape_cast %and3A : vector<1250x1xi1> to vector<1250x1xi1>
    %broadcast_in_dim3A_31 = vector.broadcast %broadcast_in_dim3A : vector<1250x1xi1> to vector<1250x128xi1>
    %broadcast_in_dim3A_32 = vector.broadcast %jit3A : f32 to vector<1250x128xf32>
    %select_n3A = arith.select %broadcast_in_dim3A_31, %reduce_max3A_22, %broadcast_in_dim3A_32 : vector<1250x128xi1>, vector<1250x128xf32>
    %reduce_max3A_33 = arith.constant dense<0xFF800000> : vector<128xf32>
    %reduce_max3A_34 = vector.multi_reduction <maximumf>, %select_n3A, %reduce_max3A_33 [0] : vector<1250x128xf32> to vector<128xf32>
    %broadcast_in_dim3A_35 = vector.shape_cast %reduce_max3A_34 : vector<128xf32> to vector<1x128xf32>
    %get3A_36 = arith.constant 0 : index
    %get3A_37 = arith.constant 0 : index
    %get3A_38 = memref.load %arg6[%get3A_36, %get3A_37] : memref<2x32xi32, #tpu.memory_space<smem>>
    %mul3A_39 = arith.constant 8 : i32
    %mul3A_40 = arith.muli %get3A_38, %mul3A_39 : i32
    %get3A_41 = arith.index_cast %mul3A_40 : i32 to index
    %get3A_42 = arith.constant 0 : index
    %get3A_43 = vector.load %arg10[%get3A_41, %get3A_42] : memref<10000x128xf32, #tpu.memory_space<vmem>>, vector<8x128xf32>
    %get3A_44 = arith.index_cast %mul3A_40 : i32 to index
    %get3A_45 = arith.constant 0 : index
    %get3A_46 = vector.load %arg4[%get3A_44, %get3A_45] : memref<10000x1xi32, #tpu.memory_space<vmem>>, vector<8x1xi32>
    %eq3A_47 = arith.constant 0 : i32
    %eq3A_48 = vector.broadcast %eq3A_47 : i32 to vector<8x1xi32>
    %eq3A_49 = arith.cmpi eq, %get3A_46, %eq3A_48 : vector<8x1xi32>
    %jit3A_50 = arith.constant 0xFF800000 : f32
    %broadcast_in_dim3A_51 = vector.shape_cast %eq3A_49 : vector<8x1xi1> to vector<8x1xi1>
    %broadcast_in_dim3A_52 = vector.broadcast %broadcast_in_dim3A_51 : vector<8x1xi1> to vector<8x128xi1>
    %broadcast_in_dim3A_53 = vector.broadcast %jit3A_50 : f32 to vector<8x128xf32>
    %select_n3A_54 = arith.select %broadcast_in_dim3A_52, %get3A_43, %broadcast_in_dim3A_53 : vector<8x128xi1>, vector<8x128xf32>
    %reduce_max3A_55 = arith.constant dense<0xFF800000> : vector<128xf32>
    %reduce_max3A_56 = vector.multi_reduction <maximumf>, %select_n3A_54, %reduce_max3A_55 [0] : vector<8x128xf32> to vector<128xf32>
    %broadcast_in_dim3A_57 = vector.shape_cast %reduce_max3A_56 : vector<128xf32> to vector<1x128xf32>
    %max3A_58 = arith.maximumf %broadcast_in_dim3A_35, %broadcast_in_dim3A_57 : vector<1x128xf32>
    %get3A_59 = arith.constant 1 : index
    %get3A_60 = arith.constant 0 : index
    %get3A_61 = memref.load %arg6[%get3A_59, %get3A_60] : memref<2x32xi32, #tpu.memory_space<smem>>
    %mul3A_62 = arith.constant 8 : i32
    %mul3A_63 = arith.muli %get3A_61, %mul3A_62 : i32
    %get3A_64 = arith.index_cast %mul3A_63 : i32 to index
    %get3A_65 = arith.constant 0 : index
    %get3A_66 = vector.load %arg10[%get3A_64, %get3A_65] : memref<10000x128xf32, #tpu.memory_space<vmem>>, vector<8x128xf32>
    %get3A_67 = arith.index_cast %mul3A_63 : i32 to index
    %get3A_68 = arith.constant 0 : index
    %get3A_69 = vector.load %arg4[%get3A_67, %get3A_68] : memref<10000x1xi32, #tpu.memory_space<vmem>>, vector<8x1xi32>
    %eq3A_70 = arith.constant 0 : i32
    %eq3A_71 = vector.broadcast %eq3A_70 : i32 to vector<8x1xi32>
    %eq3A_72 = arith.cmpi eq, %get3A_69, %eq3A_71 : vector<8x1xi32>
    %jit3A_73 = arith.constant 0xFF800000 : f32
    %broadcast_in_dim3A_74 = vector.shape_cast %eq3A_72 : vector<8x1xi1> to vector<8x1xi1>
    %broadcast_in_dim3A_75 = vector.broadcast %broadcast_in_dim3A_74 : vector<8x1xi1> to vector<8x128xi1>
    %broadcast_in_dim3A_76 = vector.broadcast %jit3A_73 : f32 to vector<8x128xf32>
    %select_n3A_77 = arith.select %broadcast_in_dim3A_75, %get3A_66, %broadcast_in_dim3A_76 : vector<8x128xi1>, vector<8x128xf32>
    %reduce_max3A_78 = arith.constant dense<0xFF800000> : vector<128xf32>
    %reduce_max3A_79 = vector.multi_reduction <maximumf>, %select_n3A_77, %reduce_max3A_78 [0] : vector<8x128xf32> to vector<128xf32>
    %broadcast_in_dim3A_80 = vector.shape_cast %reduce_max3A_79 : vector<128xf32> to vector<1x128xf32>
    %max3A_81 = arith.maximumf %max3A_58, %broadcast_in_dim3A_80 : vector<1x128xf32>
    %eq3A_82 = arith.constant 1 : i32
    %eq3A_83 = vector.broadcast %eq3A_82 : i32 to vector<1250x1xi32>
    %eq3A_84 = arith.cmpi eq, %slice3A_26, %eq3A_83 : vector<1250x1xi32>
    %and3A_85 = arith.andi %eq3A, %eq3A_84 : vector<1250x1xi1>
    %jit3A_86 = arith.constant 0xFF800000 : f32
    %broadcast_in_dim3A_87 = vector.shape_cast %and3A_85 : vector<1250x1xi1> to vector<1250x1xi1>
    %broadcast_in_dim3A_88 = vector.broadcast %broadcast_in_dim3A_87 : vector<1250x1xi1> to vector<1250x128xi1>
    %broadcast_in_dim3A_89 = vector.broadcast %jit3A_86 : f32 to vector<1250x128xf32>
    %select_n3A_90 = arith.select %broadcast_in_dim3A_88, %reduce_max3A_22, %broadcast_in_dim3A_89 : vector<1250x128xi1>, vector<1250x128xf32>
    %reduce_max3A_91 = arith.constant dense<0xFF800000> : vector<128xf32>
    %reduce_max3A_92 = vector.multi_reduction <maximumf>, %select_n3A_90, %reduce_max3A_91 [0] : vector<1250x128xf32> to vector<128xf32>
    %broadcast_in_dim3A_93 = vector.shape_cast %reduce_max3A_92 : vector<128xf32> to vector<1x128xf32>
    %get3A_94 = arith.constant 0 : index
    %get3A_95 = arith.constant 1 : index
    %get3A_96 = memref.load %arg6[%get3A_94, %get3A_95] : memref<2x32xi32, #tpu.memory_space<smem>>
    %mul3A_97 = arith.constant 8 : i32
    %mul3A_98 = arith.muli %get3A_96, %mul3A_97 : i32
    %get3A_99 = arith.index_cast %mul3A_98 : i32 to index
    %get3A_100 = arith.constant 0 : index
    %get3A_101 = vector.load %arg10[%get3A_99, %get3A_100] : memref<10000x128xf32, #tpu.memory_space<vmem>>, vector<8x128xf32>
    %get3A_102 = arith.index_cast %mul3A_98 : i32 to index
    %get3A_103 = arith.constant 0 : index
    %get3A_104 = vector.load %arg4[%get3A_102, %get3A_103] : memref<10000x1xi32, #tpu.memory_space<vmem>>, vector<8x1xi32>
    %eq3A_105 = arith.constant 1 : i32
    %eq3A_106 = vector.broadcast %eq3A_105 : i32 to vector<8x1xi32>
    %eq3A_107 = arith.cmpi eq, %get3A_104, %eq3A_106 : vector<8x1xi32>
    %jit3A_108 = arith.constant 0xFF800000 : f32
    %broadcast_in_dim3A_109 = vector.shape_cast %eq3A_107 : vector<8x1xi1> to vector<8x1xi1>
    %broadcast_in_dim3A_110 = vector.broadcast %broadcast_in_dim3A_109 : vector<8x1xi1> to vector<8x128xi1>
    %broadcast_in_dim3A_111 = vector.broadcast %jit3A_108 : f32 to vector<8x128xf32>
    %select_n3A_112 = arith.select %broadcast_in_dim3A_110, %get3A_101, %broadcast_in_dim3A_111 : vector<8x128xi1>, vector<8x128xf32>
    %reduce_max3A_113 = arith.constant dense<0xFF800000> : vector<128xf32>
    %reduce_max3A_114 = vector.multi_reduction <maximumf>, %select_n3A_112, %reduce_max3A_113 [0] : vector<8x128xf32> to vector<128xf32>
    %broadcast_in_dim3A_115 = vector.shape_cast %reduce_max3A_114 : vector<128xf32> to vector<1x128xf32>
    %max3A_116 = arith.maximumf %broadcast_in_dim3A_93, %broadcast_in_dim3A_115 : vector<1x128xf32>
    %get3A_117 = arith.constant 1 : index
    %get3A_118 = arith.constant 1 : index
    %get3A_119 = memref.load %arg6[%get3A_117, %get3A_118] : memref<2x32xi32, #tpu.memory_space<smem>>
    %mul3A_120 = arith.constant 8 : i32
    %mul3A_121 = arith.muli %get3A_119, %mul3A_120 : i32
    %get3A_122 = arith.index_cast %mul3A_121 : i32 to index
    %get3A_123 = arith.constant 0 : index
    %get3A_124 = vector.load %arg10[%get3A_122, %get3A_123] : memref<10000x128xf32, #tpu.memory_space<vmem>>, vector<8x128xf32>
    %get3A_125 = arith.index_cast %mul3A_121 : i32 to index
    %get3A_126 = arith.constant 0 : index
    %get3A_127 = vector.load %arg4[%get3A_125, %get3A_126] : memref<10000x1xi32, #tpu.memory_space<vmem>>, vector<8x1xi32>
    %eq3A_128 = arith.constant 1 : i32
    %eq3A_129 = vector.broadcast %eq3A_128 : i32 to vector<8x1xi32>
    %eq3A_130 = arith.cmpi eq, %get3A_127, %eq3A_129 : vector<8x1xi32>
    %jit3A_131 = arith.constant 0xFF800000 : f32
    %broadcast_in_dim3A_132 = vector.shape_cast %eq3A_130 : vector<8x1xi1> to vector<8x1xi1>
    %broadcast_in_dim3A_133 = vector.broadcast %broadcast_in_dim3A_132 : vector<8x1xi1> to vector<8x128xi1>
    %broadcast_in_dim3A_134 = vector.broadcast %jit3A_131 : f32 to vector<8x128xf32>
    %select_n3A_135 = arith.select %broadcast_in_dim3A_133, %get3A_124, %broadcast_in_dim3A_134 : vector<8x128xi1>, vector<8x128xf32>
    %reduce_max3A_136 = arith.constant dense<0xFF800000> : vector<128xf32>
    %reduce_max3A_137 = vector.multi_reduction <maximumf>, %select_n3A_135, %reduce_max3A_136 [0] : vector<8x128xf32> to vector<128xf32>
    %broadcast_in_dim3A_138 = vector.shape_cast %reduce_max3A_137 : vector<128xf32> to vector<1x128xf32>
    %max3A_139 = arith.maximumf %max3A_116, %broadcast_in_dim3A_138 : vector<1x128xf32>
    %eq3A_140 = arith.constant 2 : i32
    %eq3A_141 = vector.broadcast %eq3A_140 : i32 to vector<1250x1xi32>
    %eq3A_142 = arith.cmpi eq, %slice3A_26, %eq3A_141 : vector<1250x1xi32>
    %and3A_143 = arith.andi %eq3A, %eq3A_142 : vector<1250x1xi1>
    %jit3A_144 = arith.constant 0xFF800000 : f32
    %broadcast_in_dim3A_145 = vector.shape_cast %and3A_143 : vector<1250x1xi1> to vector<1250x1xi1>
    %broadcast_in_dim3A_146 = vector.broadcast %broadcast_in_dim3A_145 : vector<1250x1xi1> to vector<1250x128xi1>
    %broadcast_in_dim3A_147 = vector.broadcast %jit3A_144 : f32 to vector<1250x128xf32>
    %select_n3A_148 = arith.select %broadcast_in_dim3A_146, %reduce_max3A_22, %broadcast_in_dim3A_147 : vector<1250x128xi1>, vector<1250x128xf32>
    %reduce_max3A_149 = arith.constant dense<0xFF800000> : vector<128xf32>
    %reduce_max3A_150 = vector.multi_reduction <maximumf>, %select_n3A_148, %reduce_max3A_149 [0] : vector<1250x128xf32> to vector<128xf32>
    %broadcast_in_dim3A_151 = vector.shape_cast %reduce_max3A_150 : vector<128xf32> to vector<1x128xf32>
    %get3A_152 = arith.constant 0 : index
    %get3A_153 = arith.constant 2 : index
    %get3A_154 = memref.load %arg6[%get3A_152, %get3A_153] : memref<2x32xi32, #tpu.memory_space<smem>>
    %mul3A_155 = arith.constant 8 : i32
    %mul3A_156 = arith.muli %get3A_154, %mul3A_155 : i32
    %get3A_157 = arith.index_cast %mul3A_156 : i32 to index
    %get3A_158 = arith.constant 0 : index
    %get3A_159 = vector.load %arg10[%get3A_157, %get3A_158] : memref<10000x128xf32, #tpu.memory_space<vmem>>, vector<8x128xf32>
    %get3A_160 = arith.index_cast %mul3A_156 : i32 to index
    %get3A_161 = arith.constant 0 : index
    %get3A_162 = vector.load %arg4[%get3A_160, %get3A_161] : memref<10000x1xi32, #tpu.memory_space<vmem>>, vector<8x1xi32>
    %eq3A_163 = arith.constant 2 : i32
    %eq3A_164 = vector.broadcast %eq3A_163 : i32 to vector<8x1xi32>
    %eq3A_165 = arith.cmpi eq, %get3A_162, %eq3A_164 : vector<8x1xi32>
    %jit3A_166 = arith.constant 0xFF800000 : f32
    %broadcast_in_dim3A_167 = vector.shape_cast %eq3A_165 : vector<8x1xi1> to vector<8x1xi1>
    %broadcast_in_dim3A_168 = vector.broadcast %broadcast_in_dim3A_167 : vector<8x1xi1> to vector<8x128xi1>
    %broadcast_in_dim3A_169 = vector.broadcast %jit3A_166 : f32 to vector<8x128xf32>
    %select_n3A_170 = arith.select %broadcast_in_dim3A_168, %get3A_159, %broadcast_in_dim3A_169 : vector<8x128xi1>, vector<8x128xf32>
    %reduce_max3A_171 = arith.constant dense<0xFF800000> : vector<128xf32>
    %reduce_max3A_172 = vector.multi_reduction <maximumf>, %select_n3A_170, %reduce_max3A_171 [0] : vector<8x128xf32> to vector<128xf32>
    %broadcast_in_dim3A_173 = vector.shape_cast %reduce_max3A_172 : vector<128xf32> to vector<1x128xf32>
    %max3A_174 = arith.maximumf %broadcast_in_dim3A_151, %broadcast_in_dim3A_173 : vector<1x128xf32>
    %get3A_175 = arith.constant 1 : index
    %get3A_176 = arith.constant 2 : index
    %get3A_177 = memref.load %arg6[%get3A_175, %get3A_176] : memref<2x32xi32, #tpu.memory_space<smem>>
    %mul3A_178 = arith.constant 8 : i32
    %mul3A_179 = arith.muli %get3A_177, %mul3A_178 : i32
    %get3A_180 = arith.index_cast %mul3A_179 : i32 to index
    %get3A_181 = arith.constant 0 : index
    %get3A_182 = vector.load %arg10[%get3A_180, %get3A_181] : memref<10000x128xf32, #tpu.memory_space<vmem>>, vector<8x128xf32>
    %get3A_183 = arith.index_cast %mul3A_179 : i32 to index
    %get3A_184 = arith.constant 0 : index
    %get3A_185 = vector.load %arg4[%get3A_183, %get3A_184] : memref<10000x1xi32, #tpu.memory_space<vmem>>, vector<8x1xi32>
    %eq3A_186 = arith.constant 2 : i32
    %eq3A_187 = vector.broadcast %eq3A_186 : i32 to vector<8x1xi32>
    %eq3A_188 = arith.cmpi eq, %get3A_185, %eq3A_187 : vector<8x1xi32>
    %jit3A_189 = arith.constant 0xFF800000 : f32
    %broadcast_in_dim3A_190 = vector.shape_cast %eq3A_188 : vector<8x1xi1> to vector<8x1xi1>
    %broadcast_in_dim3A_191 = vector.broadcast %broadcast_in_dim3A_190 : vector<8x1xi1> to vector<8x128xi1>
    %broadcast_in_dim3A_192 = vector.broadcast %jit3A_189 : f32 to vector<8x128xf32>
    %select_n3A_193 = arith.select %broadcast_in_dim3A_191, %get3A_182, %broadcast_in_dim3A_192 : vector<8x128xi1>, vector<8x128xf32>
    %reduce_max3A_194 = arith.constant dense<0xFF800000> : vector<128xf32>
    %reduce_max3A_195 = vector.multi_reduction <maximumf>, %select_n3A_193, %reduce_max3A_194 [0] : vector<8x128xf32> to vector<128xf32>
    %broadcast_in_dim3A_196 = vector.shape_cast %reduce_max3A_195 : vector<128xf32> to vector<1x128xf32>
    %max3A_197 = arith.maximumf %max3A_174, %broadcast_in_dim3A_196 : vector<1x128xf32>
    %eq3A_198 = arith.constant 3 : i32
    %eq3A_199 = vector.broadcast %eq3A_198 : i32 to vector<1250x1xi32>
    %eq3A_200 = arith.cmpi eq, %slice3A_26, %eq3A_199 : vector<1250x1xi32>
    %and3A_201 = arith.andi %eq3A, %eq3A_200 : vector<1250x1xi1>
    %jit3A_202 = arith.constant 0xFF800000 : f32
    %broadcast_in_dim3A_203 = vector.shape_cast %and3A_201 : vector<1250x1xi1> to vector<1250x1xi1>
    %broadcast_in_dim3A_204 = vector.broadcast %broadcast_in_dim3A_203 : vector<1250x1xi1> to vector<1250x128xi1>
    %broadcast_in_dim3A_205 = vector.broadcast %jit3A_202 : f32 to vector<1250x128xf32>
    %select_n3A_206 = arith.select %broadcast_in_dim3A_204, %reduce_max3A_22, %broadcast_in_dim3A_205 : vector<1250x128xi1>, vector<1250x128xf32>
    %reduce_max3A_207 = arith.constant dense<0xFF800000> : vector<128xf32>
    %reduce_max3A_208 = vector.multi_reduction <maximumf>, %select_n3A_206, %reduce_max3A_207 [0] : vector<1250x128xf32> to vector<128xf32>
    %broadcast_in_dim3A_209 = vector.shape_cast %reduce_max3A_208 : vector<128xf32> to vector<1x128xf32>
    %get3A_210 = arith.constant 0 : index
    %get3A_211 = arith.constant 3 : index
    %get3A_212 = memref.load %arg6[%get3A_210, %get3A_211] : memref<2x32xi32, #tpu.memory_space<smem>>
    %mul3A_213 = arith.constant 8 : i32
    %mul3A_214 = arith.muli %get3A_212, %mul3A_213 : i32
    %get3A_215 = arith.index_cast %mul3A_214 : i32 to index
    %get3A_216 = arith.constant 0 : index
    %get3A_217 = vector.load %arg10[%get3A_215, %get3A_216] : memref<10000x128xf32, #tpu.memory_space<vmem>>, vector<8x128xf32>
    %get3A_218 = arith.index_cast %mul3A_214 : i32 to index
    %get3A_219 = arith.constant 0 : index
    %get3A_220 = vector.load %arg4[%get3A_218, %get3A_219] : memref<10000x1xi32, #tpu.memory_space<vmem>>, vector<8x1xi32>
    %eq3A_221 = arith.constant 3 : i32
    %eq3A_222 = vector.broadcast %eq3A_221 : i32 to vector<8x1xi32>
    %eq3A_223 = arith.cmpi eq, %get3A_220, %eq3A_222 : vector<8x1xi32>
    %jit3A_224 = arith.constant 0xFF800000 : f32
    %broadcast_in_dim3A_225 = vector.shape_cast %eq3A_223 : vector<8x1xi1> to vector<8x1xi1>
    %broadcast_in_dim3A_226 = vector.broadcast %broadcast_in_dim3A_225 : vector<8x1xi1> to vector<8x128xi1>
    %broadcast_in_dim3A_227 = vector.broadcast %jit3A_224 : f32 to vector<8x128xf32>
    %select_n3A_228 = arith.select %broadcast_in_dim3A_226, %get3A_217, %broadcast_in_dim3A_227 : vector<8x128xi1>, vector<8x128xf32>
    %reduce_max3A_229 = arith.constant dense<0xFF800000> : vector<128xf32>
    %reduce_max3A_230 = vector.multi_reduction <maximumf>, %select_n3A_228, %reduce_max3A_229 [0] : vector<8x128xf32> to vector<128xf32>
    %broadcast_in_dim3A_231 = vector.shape_cast %reduce_max3A_230 : vector<128xf32> to vector<1x128xf32>
    %max3A_232 = arith.maximumf %broadcast_in_dim3A_209, %broadcast_in_dim3A_231 : vector<1x128xf32>
    %get3A_233 = arith.constant 1 : index
    %get3A_234 = arith.constant 3 : index
    %get3A_235 = memref.load %arg6[%get3A_233, %get3A_234] : memref<2x32xi32, #tpu.memory_space<smem>>
    %mul3A_236 = arith.constant 8 : i32
    %mul3A_237 = arith.muli %get3A_235, %mul3A_236 : i32
    %get3A_238 = arith.index_cast %mul3A_237 : i32 to index
    %get3A_239 = arith.constant 0 : index
    %get3A_240 = vector.load %arg10[%get3A_238, %get3A_239] : memref<10000x128xf32, #tpu.memory_space<vmem>>, vector<8x128xf32>
    %get3A_241 = arith.index_cast %mul3A_237 : i32 to index
    %get3A_242 = arith.constant 0 : index
    %get3A_243 = vector.load %arg4[%get3A_241, %get3A_242] : memref<10000x1xi32, #tpu.memory_space<vmem>>, vector<8x1xi32>
    %eq3A_244 = arith.constant 3 : i32
    %eq3A_245 = vector.broadcast %eq3A_244 : i32 to vector<8x1xi32>
    %eq3A_246 = arith.cmpi eq, %get3A_243, %eq3A_245 : vector<8x1xi32>
    %jit3A_247 = arith.constant 0xFF800000 : f32
    %broadcast_in_dim3A_248 = vector.shape_cast %eq3A_246 : vector<8x1xi1> to vector<8x1xi1>
    %broadcast_in_dim3A_249 = vector.broadcast %broadcast_in_dim3A_248 : vector<8x1xi1> to vector<8x128xi1>
    %broadcast_in_dim3A_250 = vector.broadcast %jit3A_247 : f32 to vector<8x128xf32>
    %select_n3A_251 = arith.select %broadcast_in_dim3A_249, %get3A_240, %broadcast_in_dim3A_250 : vector<8x128xi1>, vector<8x128xf32>
    %reduce_max3A_252 = arith.constant dense<0xFF800000> : vector<128xf32>
    %reduce_max3A_253 = vector.multi_reduction <maximumf>, %select_n3A_251, %reduce_max3A_252 [0] : vector<8x128xf32> to vector<128xf32>
    %broadcast_in_dim3A_254 = vector.shape_cast %reduce_max3A_253 : vector<128xf32> to vector<1x128xf32>
    %max3A_255 = arith.maximumf %max3A_232, %broadcast_in_dim3A_254 : vector<1x128xf32>
    %eq3A_256 = arith.constant 4 : i32
    %eq3A_257 = vector.broadcast %eq3A_256 : i32 to vector<1250x1xi32>
    %eq3A_258 = arith.cmpi eq, %slice3A_26, %eq3A_257 : vector<1250x1xi32>
    %and3A_259 = arith.andi %eq3A, %eq3A_258 : vector<1250x1xi1>
    %jit3A_260 = arith.constant 0xFF800000 : f32
    %broadcast_in_dim3A_261 = vector.shape_cast %and3A_259 : vector<1250x1xi1> to vector<1250x1xi1>
    %broadcast_in_dim3A_262 = vector.broadcast %broadcast_in_dim3A_261 : vector<1250x1xi1> to vector<1250x128xi1>
    %broadcast_in_dim3A_263 = vector.broadcast %jit3A_260 : f32 to vector<1250x128xf32>
    %select_n3A_264 = arith.select %broadcast_in_dim3A_262, %reduce_max3A_22, %broadcast_in_dim3A_263 : vector<1250x128xi1>, vector<1250x128xf32>
    %reduce_max3A_265 = arith.constant dense<0xFF800000> : vector<128xf32>
    %reduce_max3A_266 = vector.multi_reduction <maximumf>, %select_n3A_264, %reduce_max3A_265 [0] : vector<1250x128xf32> to vector<128xf32>
    %broadcast_in_dim3A_267 = vector.shape_cast %reduce_max3A_266 : vector<128xf32> to vector<1x128xf32>
    %get3A_268 = arith.constant 0 : index
    %get3A_269 = arith.constant 4 : index
    %get3A_270 = memref.load %arg6[%get3A_268, %get3A_269] : memref<2x32xi32, #tpu.memory_space<smem>>
    %mul3A_271 = arith.constant 8 : i32
    %mul3A_272 = arith.muli %get3A_270, %mul3A_271 : i32
    %get3A_273 = arith.index_cast %mul3A_272 : i32 to index
    %get3A_274 = arith.constant 0 : index
    %get3A_275 = vector.load %arg10[%get3A_273, %get3A_274] : memref<10000x128xf32, #tpu.memory_space<vmem>>, vector<8x128xf32>
    %get3A_276 = arith.index_cast %mul3A_272 : i32 to index
    %get3A_277 = arith.constant 0 : index
    %get3A_278 = vector.load %arg4[%get3A_276, %get3A_277] : memref<10000x1xi32, #tpu.memory_space<vmem>>, vector<8x1xi32>
    %eq3A_279 = arith.constant 4 : i32
    %eq3A_280 = vector.broadcast %eq3A_279 : i32 to vector<8x1xi32>
    %eq3A_281 = arith.cmpi eq, %get3A_278, %eq3A_280 : vector<8x1xi32>
    %jit3A_282 = arith.constant 0xFF800000 : f32
    %broadcast_in_dim3A_283 = vector.shape_cast %eq3A_281 : vector<8x1xi1> to vector<8x1xi1>
    %broadcast_in_dim3A_284 = vector.broadcast %broadcast_in_dim3A_283 : vector<8x1xi1> to vector<8x128xi1>
    %broadcast_in_dim3A_285 = vector.broadcast %jit3A_282 : f32 to vector<8x128xf32>
    %select_n3A_286 = arith.select %broadcast_in_dim3A_284, %get3A_275, %broadcast_in_dim3A_285 : vector<8x128xi1>, vector<8x128xf32>
    %reduce_max3A_287 = arith.constant dense<0xFF800000> : vector<128xf32>
    %reduce_max3A_288 = vector.multi_reduction <maximumf>, %select_n3A_286, %reduce_max3A_287 [0] : vector<8x128xf32> to vector<128xf32>
    %broadcast_in_dim3A_289 = vector.shape_cast %reduce_max3A_288 : vector<128xf32> to vector<1x128xf32>
    %max3A_290 = arith.maximumf %broadcast_in_dim3A_267, %broadcast_in_dim3A_289 : vector<1x128xf32>
    %get3A_291 = arith.constant 1 : index
    %get3A_292 = arith.constant 4 : index
    %get3A_293 = memref.load %arg6[%get3A_291, %get3A_292] : memref<2x32xi32, #tpu.memory_space<smem>>
    %mul3A_294 = arith.constant 8 : i32
    %mul3A_295 = arith.muli %get3A_293, %mul3A_294 : i32
    %get3A_296 = arith.index_cast %mul3A_295 : i32 to index
    %get3A_297 = arith.constant 0 : index
    %get3A_298 = vector.load %arg10[%get3A_296, %get3A_297] : memref<10000x128xf32, #tpu.memory_space<vmem>>, vector<8x128xf32>
    %get3A_299 = arith.index_cast %mul3A_295 : i32 to index
    %get3A_300 = arith.constant 0 : index
    %get3A_301 = vector.load %arg4[%get3A_299, %get3A_300] : memref<10000x1xi32, #tpu.memory_space<vmem>>, vector<8x1xi32>
    %eq3A_302 = arith.constant 4 : i32
    %eq3A_303 = vector.broadcast %eq3A_302 : i32 to vector<8x1xi32>
    %eq3A_304 = arith.cmpi eq, %get3A_301, %eq3A_303 : vector<8x1xi32>
    %jit3A_305 = arith.constant 0xFF800000 : f32
    %broadcast_in_dim3A_306 = vector.shape_cast %eq3A_304 : vector<8x1xi1> to vector<8x1xi1>
    %broadcast_in_dim3A_307 = vector.broadcast %broadcast_in_dim3A_306 : vector<8x1xi1> to vector<8x128xi1>
    %broadcast_in_dim3A_308 = vector.broadcast %jit3A_305 : f32 to vector<8x128xf32>
    %select_n3A_309 = arith.select %broadcast_in_dim3A_307, %get3A_298, %broadcast_in_dim3A_308 : vector<8x128xi1>, vector<8x128xf32>
    %reduce_max3A_310 = arith.constant dense<0xFF800000> : vector<128xf32>
    %reduce_max3A_311 = vector.multi_reduction <maximumf>, %select_n3A_309, %reduce_max3A_310 [0] : vector<8x128xf32> to vector<128xf32>
    %broadcast_in_dim3A_312 = vector.shape_cast %reduce_max3A_311 : vector<128xf32> to vector<1x128xf32>
    %max3A_313 = arith.maximumf %max3A_290, %broadcast_in_dim3A_312 : vector<1x128xf32>
    %eq3A_314 = arith.constant 5 : i32
    %eq3A_315 = vector.broadcast %eq3A_314 : i32 to vector<1250x1xi32>
    %eq3A_316 = arith.cmpi eq, %slice3A_26, %eq3A_315 : vector<1250x1xi32>
    %and3A_317 = arith.andi %eq3A, %eq3A_316 : vector<1250x1xi1>
    %jit3A_318 = arith.constant 0xFF800000 : f32
    %broadcast_in_dim3A_319 = vector.shape_cast %and3A_317 : vector<1250x1xi1> to vector<1250x1xi1>
    %broadcast_in_dim3A_320 = vector.broadcast %broadcast_in_dim3A_319 : vector<1250x1xi1> to vector<1250x128xi1>
    %broadcast_in_dim3A_321 = vector.broadcast %jit3A_318 : f32 to vector<1250x128xf32>
    %select_n3A_322 = arith.select %broadcast_in_dim3A_320, %reduce_max3A_22, %broadcast_in_dim3A_321 : vector<1250x128xi1>, vector<1250x128xf32>
    %reduce_max3A_323 = arith.constant dense<0xFF800000> : vector<128xf32>
    %reduce_max3A_324 = vector.multi_reduction <maximumf>, %select_n3A_322, %reduce_max3A_323 [0] : vector<1250x128xf32> to vector<128xf32>
    %broadcast_in_dim3A_325 = vector.shape_cast %reduce_max3A_324 : vector<128xf32> to vector<1x128xf32>
    %get3A_326 = arith.constant 0 : index
    %get3A_327 = arith.constant 5 : index
    %get3A_328 = memref.load %arg6[%get3A_326, %get3A_327] : memref<2x32xi32, #tpu.memory_space<smem>>
    %mul3A_329 = arith.constant 8 : i32
    %mul3A_330 = arith.muli %get3A_328, %mul3A_329 : i32
    %get3A_331 = arith.index_cast %mul3A_330 : i32 to index
    %get3A_332 = arith.constant 0 : index
    %get3A_333 = vector.load %arg10[%get3A_331, %get3A_332] : memref<10000x128xf32, #tpu.memory_space<vmem>>, vector<8x128xf32>
    %get3A_334 = arith.index_cast %mul3A_330 : i32 to index
    %get3A_335 = arith.constant 0 : index
    %get3A_336 = vector.load %arg4[%get3A_334, %get3A_335] : memref<10000x1xi32, #tpu.memory_space<vmem>>, vector<8x1xi32>
    %eq3A_337 = arith.constant 5 : i32
    %eq3A_338 = vector.broadcast %eq3A_337 : i32 to vector<8x1xi32>
    %eq3A_339 = arith.cmpi eq, %get3A_336, %eq3A_338 : vector<8x1xi32>
    %jit3A_340 = arith.constant 0xFF800000 : f32
    %broadcast_in_dim3A_341 = vector.shape_cast %eq3A_339 : vector<8x1xi1> to vector<8x1xi1>
    %broadcast_in_dim3A_342 = vector.broadcast %broadcast_in_dim3A_341 : vector<8x1xi1> to vector<8x128xi1>
    %broadcast_in_dim3A_343 = vector.broadcast %jit3A_340 : f32 to vector<8x128xf32>
    %select_n3A_344 = arith.select %broadcast_in_dim3A_342, %get3A_333, %broadcast_in_dim3A_343 : vector<8x128xi1>, vector<8x128xf32>
    %reduce_max3A_345 = arith.constant dense<0xFF800000> : vector<128xf32>
    %reduce_max3A_346 = vector.multi_reduction <maximumf>, %select_n3A_344, %reduce_max3A_345 [0] : vector<8x128xf32> to vector<128xf32>
    %broadcast_in_dim3A_347 = vector.shape_cast %reduce_max3A_346 : vector<128xf32> to vector<1x128xf32>
    %max3A_348 = arith.maximumf %broadcast_in_dim3A_325, %broadcast_in_dim3A_347 : vector<1x128xf32>
    %get3A_349 = arith.constant 1 : index
    %get3A_350 = arith.constant 5 : index
    %get3A_351 = memref.load %arg6[%get3A_349, %get3A_350] : memref<2x32xi32, #tpu.memory_space<smem>>
    %mul3A_352 = arith.constant 8 : i32
    %mul3A_353 = arith.muli %get3A_351, %mul3A_352 : i32
    %get3A_354 = arith.index_cast %mul3A_353 : i32 to index
    %get3A_355 = arith.constant 0 : index
    %get3A_356 = vector.load %arg10[%get3A_354, %get3A_355] : memref<10000x128xf32, #tpu.memory_space<vmem>>, vector<8x128xf32>
    %get3A_357 = arith.index_cast %mul3A_353 : i32 to index
    %get3A_358 = arith.constant 0 : index
    %get3A_359 = vector.load %arg4[%get3A_357, %get3A_358] : memref<10000x1xi32, #tpu.memory_space<vmem>>, vector<8x1xi32>
    %eq3A_360 = arith.constant 5 : i32
    %eq3A_361 = vector.broadcast %eq3A_360 : i32 to vector<8x1xi32>
    %eq3A_362 = arith.cmpi eq, %get3A_359, %eq3A_361 : vector<8x1xi32>
    %jit3A_363 = arith.constant 0xFF800000 : f32
    %broadcast_in_dim3A_364 = vector.shape_cast %eq3A_362 : vector<8x1xi1> to vector<8x1xi1>
    %broadcast_in_dim3A_365 = vector.broadcast %broadcast_in_dim3A_364 : vector<8x1xi1> to vector<8x128xi1>
    %broadcast_in_dim3A_366 = vector.broadcast %jit3A_363 : f32 to vector<8x128xf32>
    %select_n3A_367 = arith.select %broadcast_in_dim3A_365, %get3A_356, %broadcast_in_dim3A_366 : vector<8x128xi1>, vector<8x128xf32>
    %reduce_max3A_368 = arith.constant dense<0xFF800000> : vector<128xf32>
    %reduce_max3A_369 = vector.multi_reduction <maximumf>, %select_n3A_367, %reduce_max3A_368 [0] : vector<8x128xf32> to vector<128xf32>
    %broadcast_in_dim3A_370 = vector.shape_cast %reduce_max3A_369 : vector<128xf32> to vector<1x128xf32>
    %max3A_371 = arith.maximumf %max3A_348, %broadcast_in_dim3A_370 : vector<1x128xf32>
    %eq3A_372 = arith.constant 6 : i32
    %eq3A_373 = vector.broadcast %eq3A_372 : i32 to vector<1250x1xi32>
    %eq3A_374 = arith.cmpi eq, %slice3A_26, %eq3A_373 : vector<1250x1xi32>
    %and3A_375 = arith.andi %eq3A, %eq3A_374 : vector<1250x1xi1>
    %jit3A_376 = arith.constant 0xFF800000 : f32
    %broadcast_in_dim3A_377 = vector.shape_cast %and3A_375 : vector<1250x1xi1> to vector<1250x1xi1>
    %broadcast_in_dim3A_378 = vector.broadcast %broadcast_in_dim3A_377 : vector<1250x1xi1> to vector<1250x128xi1>
    %broadcast_in_dim3A_379 = vector.broadcast %jit3A_376 : f32 to vector<1250x128xf32>
    %select_n3A_380 = arith.select %broadcast_in_dim3A_378, %reduce_max3A_22, %broadcast_in_dim3A_379 : vector<1250x128xi1>, vector<1250x128xf32>
    %reduce_max3A_381 = arith.constant dense<0xFF800000> : vector<128xf32>
    %reduce_max3A_382 = vector.multi_reduction <maximumf>, %select_n3A_380, %reduce_max3A_381 [0] : vector<1250x128xf32> to vector<128xf32>
    %broadcast_in_dim3A_383 = vector.shape_cast %reduce_max3A_382 : vector<128xf32> to vector<1x128xf32>
    %get3A_384 = arith.constant 0 : index
    %get3A_385 = arith.constant 6 : index
    %get3A_386 = memref.load %arg6[%get3A_384, %get3A_385] : memref<2x32xi32, #tpu.memory_space<smem>>
    %mul3A_387 = arith.constant 8 : i32
    %mul3A_388 = arith.muli %get3A_386, %mul3A_387 : i32
    %get3A_389 = arith.index_cast %mul3A_388 : i32 to index
    %get3A_390 = arith.constant 0 : index
    %get3A_391 = vector.load %arg10[%get3A_389, %get3A_390] : memref<10000x128xf32, #tpu.memory_space<vmem>>, vector<8x128xf32>
    %get3A_392 = arith.index_cast %mul3A_388 : i32 to index
    %get3A_393 = arith.constant 0 : index
    %get3A_394 = vector.load %arg4[%get3A_392, %get3A_393] : memref<10000x1xi32, #tpu.memory_space<vmem>>, vector<8x1xi32>
    %eq3A_395 = arith.constant 6 : i32
    %eq3A_396 = vector.broadcast %eq3A_395 : i32 to vector<8x1xi32>
    %eq3A_397 = arith.cmpi eq, %get3A_394, %eq3A_396 : vector<8x1xi32>
    %jit3A_398 = arith.constant 0xFF800000 : f32
    %broadcast_in_dim3A_399 = vector.shape_cast %eq3A_397 : vector<8x1xi1> to vector<8x1xi1>
    %broadcast_in_dim3A_400 = vector.broadcast %broadcast_in_dim3A_399 : vector<8x1xi1> to vector<8x128xi1>
    %broadcast_in_dim3A_401 = vector.broadcast %jit3A_398 : f32 to vector<8x128xf32>
    %select_n3A_402 = arith.select %broadcast_in_dim3A_400, %get3A_391, %broadcast_in_dim3A_401 : vector<8x128xi1>, vector<8x128xf32>
    %reduce_max3A_403 = arith.constant dense<0xFF800000> : vector<128xf32>
    %reduce_max3A_404 = vector.multi_reduction <maximumf>, %select_n3A_402, %reduce_max3A_403 [0] : vector<8x128xf32> to vector<128xf32>
    %broadcast_in_dim3A_405 = vector.shape_cast %reduce_max3A_404 : vector<128xf32> to vector<1x128xf32>
    %max3A_406 = arith.maximumf %broadcast_in_dim3A_383, %broadcast_in_dim3A_405 : vector<1x128xf32>
    %get3A_407 = arith.constant 1 : index
    %get3A_408 = arith.constant 6 : index
    %get3A_409 = memref.load %arg6[%get3A_407, %get3A_408] : memref<2x32xi32, #tpu.memory_space<smem>>
    %mul3A_410 = arith.constant 8 : i32
    %mul3A_411 = arith.muli %get3A_409, %mul3A_410 : i32
    %get3A_412 = arith.index_cast %mul3A_411 : i32 to index
    %get3A_413 = arith.constant 0 : index
    %get3A_414 = vector.load %arg10[%get3A_412, %get3A_413] : memref<10000x128xf32, #tpu.memory_space<vmem>>, vector<8x128xf32>
    %get3A_415 = arith.index_cast %mul3A_411 : i32 to index
    %get3A_416 = arith.constant 0 : index
    %get3A_417 = vector.load %arg4[%get3A_415, %get3A_416] : memref<10000x1xi32, #tpu.memory_space<vmem>>, vector<8x1xi32>
    %eq3A_418 = arith.constant 6 : i32
    %eq3A_419 = vector.broadcast %eq3A_418 : i32 to vector<8x1xi32>
    %eq3A_420 = arith.cmpi eq, %get3A_417, %eq3A_419 : vector<8x1xi32>
    %jit3A_421 = arith.constant 0xFF800000 : f32
    %broadcast_in_dim3A_422 = vector.shape_cast %eq3A_420 : vector<8x1xi1> to vector<8x1xi1>
    %broadcast_in_dim3A_423 = vector.broadcast %broadcast_in_dim3A_422 : vector<8x1xi1> to vector<8x128xi1>
    %broadcast_in_dim3A_424 = vector.broadcast %jit3A_421 : f32 to vector<8x128xf32>
    %select_n3A_425 = arith.select %broadcast_in_dim3A_423, %get3A_414, %broadcast_in_dim3A_424 : vector<8x128xi1>, vector<8x128xf32>
    %reduce_max3A_426 = arith.constant dense<0xFF800000> : vector<128xf32>
    %reduce_max3A_427 = vector.multi_reduction <maximumf>, %select_n3A_425, %reduce_max3A_426 [0] : vector<8x128xf32> to vector<128xf32>
    %broadcast_in_dim3A_428 = vector.shape_cast %reduce_max3A_427 : vector<128xf32> to vector<1x128xf32>
    %max3A_429 = arith.maximumf %max3A_406, %broadcast_in_dim3A_428 : vector<1x128xf32>
    %eq3A_430 = arith.constant 7 : i32
    %eq3A_431 = vector.broadcast %eq3A_430 : i32 to vector<1250x1xi32>
    %eq3A_432 = arith.cmpi eq, %slice3A_26, %eq3A_431 : vector<1250x1xi32>
    %and3A_433 = arith.andi %eq3A, %eq3A_432 : vector<1250x1xi1>
    %jit3A_434 = arith.constant 0xFF800000 : f32
    %broadcast_in_dim3A_435 = vector.shape_cast %and3A_433 : vector<1250x1xi1> to vector<1250x1xi1>
    %broadcast_in_dim3A_436 = vector.broadcast %broadcast_in_dim3A_435 : vector<1250x1xi1> to vector<1250x128xi1>
    %broadcast_in_dim3A_437 = vector.broadcast %jit3A_434 : f32 to vector<1250x128xf32>
    %select_n3A_438 = arith.select %broadcast_in_dim3A_436, %reduce_max3A_22, %broadcast_in_dim3A_437 : vector<1250x128xi1>, vector<1250x128xf32>
    %reduce_max3A_439 = arith.constant dense<0xFF800000> : vector<128xf32>
    %reduce_max3A_440 = vector.multi_reduction <maximumf>, %select_n3A_438, %reduce_max3A_439 [0] : vector<1250x128xf32> to vector<128xf32>
    %broadcast_in_dim3A_441 = vector.shape_cast %reduce_max3A_440 : vector<128xf32> to vector<1x128xf32>
    %get3A_442 = arith.constant 0 : index
    %get3A_443 = arith.constant 7 : index
    %get3A_444 = memref.load %arg6[%get3A_442, %get3A_443] : memref<2x32xi32, #tpu.memory_space<smem>>
    %mul3A_445 = arith.constant 8 : i32
    %mul3A_446 = arith.muli %get3A_444, %mul3A_445 : i32
    %get3A_447 = arith.index_cast %mul3A_446 : i32 to index
    %get3A_448 = arith.constant 0 : index
    %get3A_449 = vector.load %arg10[%get3A_447, %get3A_448] : memref<10000x128xf32, #tpu.memory_space<vmem>>, vector<8x128xf32>
    %get3A_450 = arith.index_cast %mul3A_446 : i32 to index
    %get3A_451 = arith.constant 0 : index
    %get3A_452 = vector.load %arg4[%get3A_450, %get3A_451] : memref<10000x1xi32, #tpu.memory_space<vmem>>, vector<8x1xi32>
    %eq3A_453 = arith.constant 7 : i32
    %eq3A_454 = vector.broadcast %eq3A_453 : i32 to vector<8x1xi32>
    %eq3A_455 = arith.cmpi eq, %get3A_452, %eq3A_454 : vector<8x1xi32>
    %jit3A_456 = arith.constant 0xFF800000 : f32
    %broadcast_in_dim3A_457 = vector.shape_cast %eq3A_455 : vector<8x1xi1> to vector<8x1xi1>
    %broadcast_in_dim3A_458 = vector.broadcast %broadcast_in_dim3A_457 : vector<8x1xi1> to vector<8x128xi1>
    %broadcast_in_dim3A_459 = vector.broadcast %jit3A_456 : f32 to vector<8x128xf32>
    %select_n3A_460 = arith.select %broadcast_in_dim3A_458, %get3A_449, %broadcast_in_dim3A_459 : vector<8x128xi1>, vector<8x128xf32>
    %reduce_max3A_461 = arith.constant dense<0xFF800000> : vector<128xf32>
    %reduce_max3A_462 = vector.multi_reduction <maximumf>, %select_n3A_460, %reduce_max3A_461 [0] : vector<8x128xf32> to vector<128xf32>
    %broadcast_in_dim3A_463 = vector.shape_cast %reduce_max3A_462 : vector<128xf32> to vector<1x128xf32>
    %max3A_464 = arith.maximumf %broadcast_in_dim3A_441, %broadcast_in_dim3A_463 : vector<1x128xf32>
    %get3A_465 = arith.constant 1 : index
    %get3A_466 = arith.constant 7 : index
    %get3A_467 = memref.load %arg6[%get3A_465, %get3A_466] : memref<2x32xi32, #tpu.memory_space<smem>>
    %mul3A_468 = arith.constant 8 : i32
    %mul3A_469 = arith.muli %get3A_467, %mul3A_468 : i32
    %get3A_470 = arith.index_cast %mul3A_469 : i32 to index
    %get3A_471 = arith.constant 0 : index
    %get3A_472 = vector.load %arg10[%get3A_470, %get3A_471] : memref<10000x128xf32, #tpu.memory_space<vmem>>, vector<8x128xf32>
    %get3A_473 = arith.index_cast %mul3A_469 : i32 to index
    %get3A_474 = arith.constant 0 : index
    %get3A_475 = vector.load %arg4[%get3A_473, %get3A_474] : memref<10000x1xi32, #tpu.memory_space<vmem>>, vector<8x1xi32>
    %eq3A_476 = arith.constant 7 : i32
    %eq3A_477 = vector.broadcast %eq3A_476 : i32 to vector<8x1xi32>
    %eq3A_478 = arith.cmpi eq, %get3A_475, %eq3A_477 : vector<8x1xi32>
    %jit3A_479 = arith.constant 0xFF800000 : f32
    %broadcast_in_dim3A_480 = vector.shape_cast %eq3A_478 : vector<8x1xi1> to vector<8x1xi1>
    %broadcast_in_dim3A_481 = vector.broadcast %broadcast_in_dim3A_480 : vector<8x1xi1> to vector<8x128xi1>
    %broadcast_in_dim3A_482 = vector.broadcast %jit3A_479 : f32 to vector<8x128xf32>
    %select_n3A_483 = arith.select %broadcast_in_dim3A_481, %get3A_472, %broadcast_in_dim3A_482 : vector<8x128xi1>, vector<8x128xf32>
    %reduce_max3A_484 = arith.constant dense<0xFF800000> : vector<128xf32>
    %reduce_max3A_485 = vector.multi_reduction <maximumf>, %select_n3A_483, %reduce_max3A_484 [0] : vector<8x128xf32> to vector<128xf32>
    %broadcast_in_dim3A_486 = vector.shape_cast %reduce_max3A_485 : vector<128xf32> to vector<1x128xf32>
    %max3A_487 = arith.maximumf %max3A_464, %broadcast_in_dim3A_486 : vector<1x128xf32>
    %eq3A_488 = arith.constant 8 : i32
    %eq3A_489 = vector.broadcast %eq3A_488 : i32 to vector<1250x1xi32>
    %eq3A_490 = arith.cmpi eq, %slice3A_26, %eq3A_489 : vector<1250x1xi32>
    %and3A_491 = arith.andi %eq3A, %eq3A_490 : vector<1250x1xi1>
    %jit3A_492 = arith.constant 0xFF800000 : f32
    %broadcast_in_dim3A_493 = vector.shape_cast %and3A_491 : vector<1250x1xi1> to vector<1250x1xi1>
    %broadcast_in_dim3A_494 = vector.broadcast %broadcast_in_dim3A_493 : vector<1250x1xi1> to vector<1250x128xi1>
    %broadcast_in_dim3A_495 = vector.broadcast %jit3A_492 : f32 to vector<1250x128xf32>
    %select_n3A_496 = arith.select %broadcast_in_dim3A_494, %reduce_max3A_22, %broadcast_in_dim3A_495 : vector<1250x128xi1>, vector<1250x128xf32>
    %reduce_max3A_497 = arith.constant dense<0xFF800000> : vector<128xf32>
    %reduce_max3A_498 = vector.multi_reduction <maximumf>, %select_n3A_496, %reduce_max3A_497 [0] : vector<1250x128xf32> to vector<128xf32>
    %broadcast_in_dim3A_499 = vector.shape_cast %reduce_max3A_498 : vector<128xf32> to vector<1x128xf32>
    %get3A_500 = arith.constant 0 : index
    %get3A_501 = arith.constant 8 : index
    %get3A_502 = memref.load %arg6[%get3A_500, %get3A_501] : memref<2x32xi32, #tpu.memory_space<smem>>
    %mul3A_503 = arith.constant 8 : i32
    %mul3A_504 = arith.muli %get3A_502, %mul3A_503 : i32
    %get3A_505 = arith.index_cast %mul3A_504 : i32 to index
    %get3A_506 = arith.constant 0 : index
    %get3A_507 = vector.load %arg10[%get3A_505, %get3A_506] : memref<10000x128xf32, #tpu.memory_space<vmem>>, vector<8x128xf32>
    %get3A_508 = arith.index_cast %mul3A_504 : i32 to index
    %get3A_509 = arith.constant 0 : index
    %get3A_510 = vector.load %arg4[%get3A_508, %get3A_509] : memref<10000x1xi32, #tpu.memory_space<vmem>>, vector<8x1xi32>
    %eq3A_511 = arith.constant 8 : i32
    %eq3A_512 = vector.broadcast %eq3A_511 : i32 to vector<8x1xi32>
    %eq3A_513 = arith.cmpi eq, %get3A_510, %eq3A_512 : vector<8x1xi32>
    %jit3A_514 = arith.constant 0xFF800000 : f32
    %broadcast_in_dim3A_515 = vector.shape_cast %eq3A_513 : vector<8x1xi1> to vector<8x1xi1>
    %broadcast_in_dim3A_516 = vector.broadcast %broadcast_in_dim3A_515 : vector<8x1xi1> to vector<8x128xi1>
    %broadcast_in_dim3A_517 = vector.broadcast %jit3A_514 : f32 to vector<8x128xf32>
    %select_n3A_518 = arith.select %broadcast_in_dim3A_516, %get3A_507, %broadcast_in_dim3A_517 : vector<8x128xi1>, vector<8x128xf32>
    %reduce_max3A_519 = arith.constant dense<0xFF800000> : vector<128xf32>
    %reduce_max3A_520 = vector.multi_reduction <maximumf>, %select_n3A_518, %reduce_max3A_519 [0] : vector<8x128xf32> to vector<128xf32>
    %broadcast_in_dim3A_521 = vector.shape_cast %reduce_max3A_520 : vector<128xf32> to vector<1x128xf32>
    %max3A_522 = arith.maximumf %broadcast_in_dim3A_499, %broadcast_in_dim3A_521 : vector<1x128xf32>
    %get3A_523 = arith.constant 1 : index
    %get3A_524 = arith.constant 8 : index
    %get3A_525 = memref.load %arg6[%get3A_523, %get3A_524] : memref<2x32xi32, #tpu.memory_space<smem>>
    %mul3A_526 = arith.constant 8 : i32
    %mul3A_527 = arith.muli %get3A_525, %mul3A_526 : i32
    %get3A_528 = arith.index_cast %mul3A_527 : i32 to index
    %get3A_529 = arith.constant 0 : index
    %get3A_530 = vector.load %arg10[%get3A_528, %get3A_529] : memref<10000x128xf32, #tpu.memory_space<vmem>>, vector<8x128xf32>
    %get3A_531 = arith.index_cast %mul3A_527 : i32 to index
    %get3A_532 = arith.constant 0 : index
    %get3A_533 = vector.load %arg4[%get3A_531, %get3A_532] : memref<10000x1xi32, #tpu.memory_space<vmem>>, vector<8x1xi32>
    %eq3A_534 = arith.constant 8 : i32
    %eq3A_535 = vector.broadcast %eq3A_534 : i32 to vector<8x1xi32>
    %eq3A_536 = arith.cmpi eq, %get3A_533, %eq3A_535 : vector<8x1xi32>
    %jit3A_537 = arith.constant 0xFF800000 : f32
    %broadcast_in_dim3A_538 = vector.shape_cast %eq3A_536 : vector<8x1xi1> to vector<8x1xi1>
    %broadcast_in_dim3A_539 = vector.broadcast %broadcast_in_dim3A_538 : vector<8x1xi1> to vector<8x128xi1>
    %broadcast_in_dim3A_540 = vector.broadcast %jit3A_537 : f32 to vector<8x128xf32>
    %select_n3A_541 = arith.select %broadcast_in_dim3A_539, %get3A_530, %broadcast_in_dim3A_540 : vector<8x128xi1>, vector<8x128xf32>
    %reduce_max3A_542 = arith.constant dense<0xFF800000> : vector<128xf32>
    %reduce_max3A_543 = vector.multi_reduction <maximumf>, %select_n3A_541, %reduce_max3A_542 [0] : vector<8x128xf32> to vector<128xf32>
    %broadcast_in_dim3A_544 = vector.shape_cast %reduce_max3A_543 : vector<128xf32> to vector<1x128xf32>
    %max3A_545 = arith.maximumf %max3A_522, %broadcast_in_dim3A_544 : vector<1x128xf32>
    %eq3A_546 = arith.constant 9 : i32
    %eq3A_547 = vector.broadcast %eq3A_546 : i32 to vector<1250x1xi32>
    %eq3A_548 = arith.cmpi eq, %slice3A_26, %eq3A_547 : vector<1250x1xi32>
    %and3A_549 = arith.andi %eq3A, %eq3A_548 : vector<1250x1xi1>
    %jit3A_550 = arith.constant 0xFF800000 : f32
    %broadcast_in_dim3A_551 = vector.shape_cast %and3A_549 : vector<1250x1xi1> to vector<1250x1xi1>
    %broadcast_in_dim3A_552 = vector.broadcast %broadcast_in_dim3A_551 : vector<1250x1xi1> to vector<1250x128xi1>
    %broadcast_in_dim3A_553 = vector.broadcast %jit3A_550 : f32 to vector<1250x128xf32>
    %select_n3A_554 = arith.select %broadcast_in_dim3A_552, %reduce_max3A_22, %broadcast_in_dim3A_553 : vector<1250x128xi1>, vector<1250x128xf32>
    %reduce_max3A_555 = arith.constant dense<0xFF800000> : vector<128xf32>
    %reduce_max3A_556 = vector.multi_reduction <maximumf>, %select_n3A_554, %reduce_max3A_555 [0] : vector<1250x128xf32> to vector<128xf32>
    %broadcast_in_dim3A_557 = vector.shape_cast %reduce_max3A_556 : vector<128xf32> to vector<1x128xf32>
    %get3A_558 = arith.constant 0 : index
    %get3A_559 = arith.constant 9 : index
    %get3A_560 = memref.load %arg6[%get3A_558, %get3A_559] : memref<2x32xi32, #tpu.memory_space<smem>>
    %mul3A_561 = arith.constant 8 : i32
    %mul3A_562 = arith.muli %get3A_560, %mul3A_561 : i32
    %get3A_563 = arith.index_cast %mul3A_562 : i32 to index
    %get3A_564 = arith.constant 0 : index
    %get3A_565 = vector.load %arg10[%get3A_563, %get3A_564] : memref<10000x128xf32, #tpu.memory_space<vmem>>, vector<8x128xf32>
    %get3A_566 = arith.index_cast %mul3A_562 : i32 to index
    %get3A_567 = arith.constant 0 : index
    %get3A_568 = vector.load %arg4[%get3A_566, %get3A_567] : memref<10000x1xi32, #tpu.memory_space<vmem>>, vector<8x1xi32>
    %eq3A_569 = arith.constant 9 : i32
    %eq3A_570 = vector.broadcast %eq3A_569 : i32 to vector<8x1xi32>
    %eq3A_571 = arith.cmpi eq, %get3A_568, %eq3A_570 : vector<8x1xi32>
    %jit3A_572 = arith.constant 0xFF800000 : f32
    %broadcast_in_dim3A_573 = vector.shape_cast %eq3A_571 : vector<8x1xi1> to vector<8x1xi1>
    %broadcast_in_dim3A_574 = vector.broadcast %broadcast_in_dim3A_573 : vector<8x1xi1> to vector<8x128xi1>
    %broadcast_in_dim3A_575 = vector.broadcast %jit3A_572 : f32 to vector<8x128xf32>
    %select_n3A_576 = arith.select %broadcast_in_dim3A_574, %get3A_565, %broadcast_in_dim3A_575 : vector<8x128xi1>, vector<8x128xf32>
    %reduce_max3A_577 = arith.constant dense<0xFF800000> : vector<128xf32>
    %reduce_max3A_578 = vector.multi_reduction <maximumf>, %select_n3A_576, %reduce_max3A_577 [0] : vector<8x128xf32> to vector<128xf32>
    %broadcast_in_dim3A_579 = vector.shape_cast %reduce_max3A_578 : vector<128xf32> to vector<1x128xf32>
    %max3A_580 = arith.maximumf %broadcast_in_dim3A_557, %broadcast_in_dim3A_579 : vector<1x128xf32>
    %get3A_581 = arith.constant 1 : index
    %get3A_582 = arith.constant 9 : index
    %get3A_583 = memref.load %arg6[%get3A_581, %get3A_582] : memref<2x32xi32, #tpu.memory_space<smem>>
    %mul3A_584 = arith.constant 8 : i32
    %mul3A_585 = arith.muli %get3A_583, %mul3A_584 : i32
    %get3A_586 = arith.index_cast %mul3A_585 : i32 to index
    %get3A_587 = arith.constant 0 : index
    %get3A_588 = vector.load %arg10[%get3A_586, %get3A_587] : memref<10000x128xf32, #tpu.memory_space<vmem>>, vector<8x128xf32>
    %get3A_589 = arith.index_cast %mul3A_585 : i32 to index
    %get3A_590 = arith.constant 0 : index
    %get3A_591 = vector.load %arg4[%get3A_589, %get3A_590] : memref<10000x1xi32, #tpu.memory_space<vmem>>, vector<8x1xi32>
    %eq3A_592 = arith.constant 9 : i32
    %eq3A_593 = vector.broadcast %eq3A_592 : i32 to vector<8x1xi32>
    %eq3A_594 = arith.cmpi eq, %get3A_591, %eq3A_593 : vector<8x1xi32>
    %jit3A_595 = arith.constant 0xFF800000 : f32
    %broadcast_in_dim3A_596 = vector.shape_cast %eq3A_594 : vector<8x1xi1> to vector<8x1xi1>
    %broadcast_in_dim3A_597 = vector.broadcast %broadcast_in_dim3A_596 : vector<8x1xi1> to vector<8x128xi1>
    %broadcast_in_dim3A_598 = vector.broadcast %jit3A_595 : f32 to vector<8x128xf32>
    %select_n3A_599 = arith.select %broadcast_in_dim3A_597, %get3A_588, %broadcast_in_dim3A_598 : vector<8x128xi1>, vector<8x128xf32>
    %reduce_max3A_600 = arith.constant dense<0xFF800000> : vector<128xf32>
    %reduce_max3A_601 = vector.multi_reduction <maximumf>, %select_n3A_599, %reduce_max3A_600 [0] : vector<8x128xf32> to vector<128xf32>
    %broadcast_in_dim3A_602 = vector.shape_cast %reduce_max3A_601 : vector<128xf32> to vector<1x128xf32>
    %max3A_603 = arith.maximumf %max3A_580, %broadcast_in_dim3A_602 : vector<1x128xf32>
    %eq3A_604 = arith.constant 10 : i32
    %eq3A_605 = vector.broadcast %eq3A_604 : i32 to vector<1250x1xi32>
    %eq3A_606 = arith.cmpi eq, %slice3A_26, %eq3A_605 : vector<1250x1xi32>
    %and3A_607 = arith.andi %eq3A, %eq3A_606 : vector<1250x1xi1>
    %jit3A_608 = arith.constant 0xFF800000 : f32
    %broadcast_in_dim3A_609 = vector.shape_cast %and3A_607 : vector<1250x1xi1> to vector<1250x1xi1>
    %broadcast_in_dim3A_610 = vector.broadcast %broadcast_in_dim3A_609 : vector<1250x1xi1> to vector<1250x128xi1>
    %broadcast_in_dim3A_611 = vector.broadcast %jit3A_608 : f32 to vector<1250x128xf32>
    %select_n3A_612 = arith.select %broadcast_in_dim3A_610, %reduce_max3A_22, %broadcast_in_dim3A_611 : vector<1250x128xi1>, vector<1250x128xf32>
    %reduce_max3A_613 = arith.constant dense<0xFF800000> : vector<128xf32>
    %reduce_max3A_614 = vector.multi_reduction <maximumf>, %select_n3A_612, %reduce_max3A_613 [0] : vector<1250x128xf32> to vector<128xf32>
    %broadcast_in_dim3A_615 = vector.shape_cast %reduce_max3A_614 : vector<128xf32> to vector<1x128xf32>
    %get3A_616 = arith.constant 0 : index
    %get3A_617 = arith.constant 10 : index
    %get3A_618 = memref.load %arg6[%get3A_616, %get3A_617] : memref<2x32xi32, #tpu.memory_space<smem>>
    %mul3A_619 = arith.constant 8 : i32
    %mul3A_620 = arith.muli %get3A_618, %mul3A_619 : i32
    %get3A_621 = arith.index_cast %mul3A_620 : i32 to index
    %get3A_622 = arith.constant 0 : index
    %get3A_623 = vector.load %arg10[%get3A_621, %get3A_622] : memref<10000x128xf32, #tpu.memory_space<vmem>>, vector<8x128xf32>
    %get3A_624 = arith.index_cast %mul3A_620 : i32 to index
    %get3A_625 = arith.constant 0 : index
    %get3A_626 = vector.load %arg4[%get3A_624, %get3A_625] : memref<10000x1xi32, #tpu.memory_space<vmem>>, vector<8x1xi32>
    %eq3A_627 = arith.constant 10 : i32
    %eq3A_628 = vector.broadcast %eq3A_627 : i32 to vector<8x1xi32>
    %eq3A_629 = arith.cmpi eq, %get3A_626, %eq3A_628 : vector<8x1xi32>
    %jit3A_630 = arith.constant 0xFF800000 : f32
    %broadcast_in_dim3A_631 = vector.shape_cast %eq3A_629 : vector<8x1xi1> to vector<8x1xi1>
    %broadcast_in_dim3A_632 = vector.broadcast %broadcast_in_dim3A_631 : vector<8x1xi1> to vector<8x128xi1>
    %broadcast_in_dim3A_633 = vector.broadcast %jit3A_630 : f32 to vector<8x128xf32>
    %select_n3A_634 = arith.select %broadcast_in_dim3A_632, %get3A_623, %broadcast_in_dim3A_633 : vector<8x128xi1>, vector<8x128xf32>
    %reduce_max3A_635 = arith.constant dense<0xFF800000> : vector<128xf32>
    %reduce_max3A_636 = vector.multi_reduction <maximumf>, %select_n3A_634, %reduce_max3A_635 [0] : vector<8x128xf32> to vector<128xf32>
    %broadcast_in_dim3A_637 = vector.shape_cast %reduce_max3A_636 : vector<128xf32> to vector<1x128xf32>
    %max3A_638 = arith.maximumf %broadcast_in_dim3A_615, %broadcast_in_dim3A_637 : vector<1x128xf32>
    %get3A_639 = arith.constant 1 : index
    %get3A_640 = arith.constant 10 : index
    %get3A_641 = memref.load %arg6[%get3A_639, %get3A_640] : memref<2x32xi32, #tpu.memory_space<smem>>
    %mul3A_642 = arith.constant 8 : i32
    %mul3A_643 = arith.muli %get3A_641, %mul3A_642 : i32
    %get3A_644 = arith.index_cast %mul3A_643 : i32 to index
    %get3A_645 = arith.constant 0 : index
    %get3A_646 = vector.load %arg10[%get3A_644, %get3A_645] : memref<10000x128xf32, #tpu.memory_space<vmem>>, vector<8x128xf32>
    %get3A_647 = arith.index_cast %mul3A_643 : i32 to index
    %get3A_648 = arith.constant 0 : index
    %get3A_649 = vector.load %arg4[%get3A_647, %get3A_648] : memref<10000x1xi32, #tpu.memory_space<vmem>>, vector<8x1xi32>
    %eq3A_650 = arith.constant 10 : i32
    %eq3A_651 = vector.broadcast %eq3A_650 : i32 to vector<8x1xi32>
    %eq3A_652 = arith.cmpi eq, %get3A_649, %eq3A_651 : vector<8x1xi32>
    %jit3A_653 = arith.constant 0xFF800000 : f32
    %broadcast_in_dim3A_654 = vector.shape_cast %eq3A_652 : vector<8x1xi1> to vector<8x1xi1>
    %broadcast_in_dim3A_655 = vector.broadcast %broadcast_in_dim3A_654 : vector<8x1xi1> to vector<8x128xi1>
    %broadcast_in_dim3A_656 = vector.broadcast %jit3A_653 : f32 to vector<8x128xf32>
    %select_n3A_657 = arith.select %broadcast_in_dim3A_655, %get3A_646, %broadcast_in_dim3A_656 : vector<8x128xi1>, vector<8x128xf32>
    %reduce_max3A_658 = arith.constant dense<0xFF800000> : vector<128xf32>
    %reduce_max3A_659 = vector.multi_reduction <maximumf>, %select_n3A_657, %reduce_max3A_658 [0] : vector<8x128xf32> to vector<128xf32>
    %broadcast_in_dim3A_660 = vector.shape_cast %reduce_max3A_659 : vector<128xf32> to vector<1x128xf32>
    %max3A_661 = arith.maximumf %max3A_638, %broadcast_in_dim3A_660 : vector<1x128xf32>
    %eq3A_662 = arith.constant 11 : i32
    %eq3A_663 = vector.broadcast %eq3A_662 : i32 to vector<1250x1xi32>
    %eq3A_664 = arith.cmpi eq, %slice3A_26, %eq3A_663 : vector<1250x1xi32>
    %and3A_665 = arith.andi %eq3A, %eq3A_664 : vector<1250x1xi1>
    %jit3A_666 = arith.constant 0xFF800000 : f32
    %broadcast_in_dim3A_667 = vector.shape_cast %and3A_665 : vector<1250x1xi1> to vector<1250x1xi1>
    %broadcast_in_dim3A_668 = vector.broadcast %broadcast_in_dim3A_667 : vector<1250x1xi1> to vector<1250x128xi1>
    %broadcast_in_dim3A_669 = vector.broadcast %jit3A_666 : f32 to vector<1250x128xf32>
    %select_n3A_670 = arith.select %broadcast_in_dim3A_668, %reduce_max3A_22, %broadcast_in_dim3A_669 : vector<1250x128xi1>, vector<1250x128xf32>
    %reduce_max3A_671 = arith.constant dense<0xFF800000> : vector<128xf32>
    %reduce_max3A_672 = vector.multi_reduction <maximumf>, %select_n3A_670, %reduce_max3A_671 [0] : vector<1250x128xf32> to vector<128xf32>
    %broadcast_in_dim3A_673 = vector.shape_cast %reduce_max3A_672 : vector<128xf32> to vector<1x128xf32>
    %get3A_674 = arith.constant 0 : index
    %get3A_675 = arith.constant 11 : index
    %get3A_676 = memref.load %arg6[%get3A_674, %get3A_675] : memref<2x32xi32, #tpu.memory_space<smem>>
    %mul3A_677 = arith.constant 8 : i32
    %mul3A_678 = arith.muli %get3A_676, %mul3A_677 : i32
    %get3A_679 = arith.index_cast %mul3A_678 : i32 to index
    %get3A_680 = arith.constant 0 : index
    %get3A_681 = vector.load %arg10[%get3A_679, %get3A_680] : memref<10000x128xf32, #tpu.memory_space<vmem>>, vector<8x128xf32>
    %get3A_682 = arith.index_cast %mul3A_678 : i32 to index
    %get3A_683 = arith.constant 0 : index
    %get3A_684 = vector.load %arg4[%get3A_682, %get3A_683] : memref<10000x1xi32, #tpu.memory_space<vmem>>, vector<8x1xi32>
    %eq3A_685 = arith.constant 11 : i32
    %eq3A_686 = vector.broadcast %eq3A_685 : i32 to vector<8x1xi32>
    %eq3A_687 = arith.cmpi eq, %get3A_684, %eq3A_686 : vector<8x1xi32>
    %jit3A_688 = arith.constant 0xFF800000 : f32
    %broadcast_in_dim3A_689 = vector.shape_cast %eq3A_687 : vector<8x1xi1> to vector<8x1xi1>
    %broadcast_in_dim3A_690 = vector.broadcast %broadcast_in_dim3A_689 : vector<8x1xi1> to vector<8x128xi1>
    %broadcast_in_dim3A_691 = vector.broadcast %jit3A_688 : f32 to vector<8x128xf32>
    %select_n3A_692 = arith.select %broadcast_in_dim3A_690, %get3A_681, %broadcast_in_dim3A_691 : vector<8x128xi1>, vector<8x128xf32>
    %reduce_max3A_693 = arith.constant dense<0xFF800000> : vector<128xf32>
    %reduce_max3A_694 = vector.multi_reduction <maximumf>, %select_n3A_692, %reduce_max3A_693 [0] : vector<8x128xf32> to vector<128xf32>
    %broadcast_in_dim3A_695 = vector.shape_cast %reduce_max3A_694 : vector<128xf32> to vector<1x128xf32>
    %max3A_696 = arith.maximumf %broadcast_in_dim3A_673, %broadcast_in_dim3A_695 : vector<1x128xf32>
    %get3A_697 = arith.constant 1 : index
    %get3A_698 = arith.constant 11 : index
    %get3A_699 = memref.load %arg6[%get3A_697, %get3A_698] : memref<2x32xi32, #tpu.memory_space<smem>>
    %mul3A_700 = arith.constant 8 : i32
    %mul3A_701 = arith.muli %get3A_699, %mul3A_700 : i32
    %get3A_702 = arith.index_cast %mul3A_701 : i32 to index
    %get3A_703 = arith.constant 0 : index
    %get3A_704 = vector.load %arg10[%get3A_702, %get3A_703] : memref<10000x128xf32, #tpu.memory_space<vmem>>, vector<8x128xf32>
    %get3A_705 = arith.index_cast %mul3A_701 : i32 to index
    %get3A_706 = arith.constant 0 : index
    %get3A_707 = vector.load %arg4[%get3A_705, %get3A_706] : memref<10000x1xi32, #tpu.memory_space<vmem>>, vector<8x1xi32>
    %eq3A_708 = arith.constant 11 : i32
    %eq3A_709 = vector.broadcast %eq3A_708 : i32 to vector<8x1xi32>
    %eq3A_710 = arith.cmpi eq, %get3A_707, %eq3A_709 : vector<8x1xi32>
    %jit3A_711 = arith.constant 0xFF800000 : f32
    %broadcast_in_dim3A_712 = vector.shape_cast %eq3A_710 : vector<8x1xi1> to vector<8x1xi1>
    %broadcast_in_dim3A_713 = vector.broadcast %broadcast_in_dim3A_712 : vector<8x1xi1> to vector<8x128xi1>
    %broadcast_in_dim3A_714 = vector.broadcast %jit3A_711 : f32 to vector<8x128xf32>
    %select_n3A_715 = arith.select %broadcast_in_dim3A_713, %get3A_704, %broadcast_in_dim3A_714 : vector<8x128xi1>, vector<8x128xf32>
    %reduce_max3A_716 = arith.constant dense<0xFF800000> : vector<128xf32>
    %reduce_max3A_717 = vector.multi_reduction <maximumf>, %select_n3A_715, %reduce_max3A_716 [0] : vector<8x128xf32> to vector<128xf32>
    %broadcast_in_dim3A_718 = vector.shape_cast %reduce_max3A_717 : vector<128xf32> to vector<1x128xf32>
    %max3A_719 = arith.maximumf %max3A_696, %broadcast_in_dim3A_718 : vector<1x128xf32>
    %eq3A_720 = arith.constant 12 : i32
    %eq3A_721 = vector.broadcast %eq3A_720 : i32 to vector<1250x1xi32>
    %eq3A_722 = arith.cmpi eq, %slice3A_26, %eq3A_721 : vector<1250x1xi32>
    %and3A_723 = arith.andi %eq3A, %eq3A_722 : vector<1250x1xi1>
    %jit3A_724 = arith.constant 0xFF800000 : f32
    %broadcast_in_dim3A_725 = vector.shape_cast %and3A_723 : vector<1250x1xi1> to vector<1250x1xi1>
    %broadcast_in_dim3A_726 = vector.broadcast %broadcast_in_dim3A_725 : vector<1250x1xi1> to vector<1250x128xi1>
    %broadcast_in_dim3A_727 = vector.broadcast %jit3A_724 : f32 to vector<1250x128xf32>
    %select_n3A_728 = arith.select %broadcast_in_dim3A_726, %reduce_max3A_22, %broadcast_in_dim3A_727 : vector<1250x128xi1>, vector<1250x128xf32>
    %reduce_max3A_729 = arith.constant dense<0xFF800000> : vector<128xf32>
    %reduce_max3A_730 = vector.multi_reduction <maximumf>, %select_n3A_728, %reduce_max3A_729 [0] : vector<1250x128xf32> to vector<128xf32>
    %broadcast_in_dim3A_731 = vector.shape_cast %reduce_max3A_730 : vector<128xf32> to vector<1x128xf32>
    %get3A_732 = arith.constant 0 : index
    %get3A_733 = arith.constant 12 : index
    %get3A_734 = memref.load %arg6[%get3A_732, %get3A_733] : memref<2x32xi32, #tpu.memory_space<smem>>
    %mul3A_735 = arith.constant 8 : i32
    %mul3A_736 = arith.muli %get3A_734, %mul3A_735 : i32
    %get3A_737 = arith.index_cast %mul3A_736 : i32 to index
    %get3A_738 = arith.constant 0 : index
    %get3A_739 = vector.load %arg10[%get3A_737, %get3A_738] : memref<10000x128xf32, #tpu.memory_space<vmem>>, vector<8x128xf32>
    %get3A_740 = arith.index_cast %mul3A_736 : i32 to index
    %get3A_741 = arith.constant 0 : index
    %get3A_742 = vector.load %arg4[%get3A_740, %get3A_741] : memref<10000x1xi32, #tpu.memory_space<vmem>>, vector<8x1xi32>
    %eq3A_743 = arith.constant 12 : i32
    %eq3A_744 = vector.broadcast %eq3A_743 : i32 to vector<8x1xi32>
    %eq3A_745 = arith.cmpi eq, %get3A_742, %eq3A_744 : vector<8x1xi32>
    %jit3A_746 = arith.constant 0xFF800000 : f32
    %broadcast_in_dim3A_747 = vector.shape_cast %eq3A_745 : vector<8x1xi1> to vector<8x1xi1>
    %broadcast_in_dim3A_748 = vector.broadcast %broadcast_in_dim3A_747 : vector<8x1xi1> to vector<8x128xi1>
    %broadcast_in_dim3A_749 = vector.broadcast %jit3A_746 : f32 to vector<8x128xf32>
    %select_n3A_750 = arith.select %broadcast_in_dim3A_748, %get3A_739, %broadcast_in_dim3A_749 : vector<8x128xi1>, vector<8x128xf32>
    %reduce_max3A_751 = arith.constant dense<0xFF800000> : vector<128xf32>
    %reduce_max3A_752 = vector.multi_reduction <maximumf>, %select_n3A_750, %reduce_max3A_751 [0] : vector<8x128xf32> to vector<128xf32>
    %broadcast_in_dim3A_753 = vector.shape_cast %reduce_max3A_752 : vector<128xf32> to vector<1x128xf32>
    %max3A_754 = arith.maximumf %broadcast_in_dim3A_731, %broadcast_in_dim3A_753 : vector<1x128xf32>
    %get3A_755 = arith.constant 1 : index
    %get3A_756 = arith.constant 12 : index
    %get3A_757 = memref.load %arg6[%get3A_755, %get3A_756] : memref<2x32xi32, #tpu.memory_space<smem>>
    %mul3A_758 = arith.constant 8 : i32
    %mul3A_759 = arith.muli %get3A_757, %mul3A_758 : i32
    %get3A_760 = arith.index_cast %mul3A_759 : i32 to index
    %get3A_761 = arith.constant 0 : index
    %get3A_762 = vector.load %arg10[%get3A_760, %get3A_761] : memref<10000x128xf32, #tpu.memory_space<vmem>>, vector<8x128xf32>
    %get3A_763 = arith.index_cast %mul3A_759 : i32 to index
    %get3A_764 = arith.constant 0 : index
    %get3A_765 = vector.load %arg4[%get3A_763, %get3A_764] : memref<10000x1xi32, #tpu.memory_space<vmem>>, vector<8x1xi32>
    %eq3A_766 = arith.constant 12 : i32
    %eq3A_767 = vector.broadcast %eq3A_766 : i32 to vector<8x1xi32>
    %eq3A_768 = arith.cmpi eq, %get3A_765, %eq3A_767 : vector<8x1xi32>
    %jit3A_769 = arith.constant 0xFF800000 : f32
    %broadcast_in_dim3A_770 = vector.shape_cast %eq3A_768 : vector<8x1xi1> to vector<8x1xi1>
    %broadcast_in_dim3A_771 = vector.broadcast %broadcast_in_dim3A_770 : vector<8x1xi1> to vector<8x128xi1>
    %broadcast_in_dim3A_772 = vector.broadcast %jit3A_769 : f32 to vector<8x128xf32>
    %select_n3A_773 = arith.select %broadcast_in_dim3A_771, %get3A_762, %broadcast_in_dim3A_772 : vector<8x128xi1>, vector<8x128xf32>
    %reduce_max3A_774 = arith.constant dense<0xFF800000> : vector<128xf32>
    %reduce_max3A_775 = vector.multi_reduction <maximumf>, %select_n3A_773, %reduce_max3A_774 [0] : vector<8x128xf32> to vector<128xf32>
    %broadcast_in_dim3A_776 = vector.shape_cast %reduce_max3A_775 : vector<128xf32> to vector<1x128xf32>
    %max3A_777 = arith.maximumf %max3A_754, %broadcast_in_dim3A_776 : vector<1x128xf32>
    %eq3A_778 = arith.constant 13 : i32
    %eq3A_779 = vector.broadcast %eq3A_778 : i32 to vector<1250x1xi32>
    %eq3A_780 = arith.cmpi eq, %slice3A_26, %eq3A_779 : vector<1250x1xi32>
    %and3A_781 = arith.andi %eq3A, %eq3A_780 : vector<1250x1xi1>
    %jit3A_782 = arith.constant 0xFF800000 : f32
    %broadcast_in_dim3A_783 = vector.shape_cast %and3A_781 : vector<1250x1xi1> to vector<1250x1xi1>
    %broadcast_in_dim3A_784 = vector.broadcast %broadcast_in_dim3A_783 : vector<1250x1xi1> to vector<1250x128xi1>
    %broadcast_in_dim3A_785 = vector.broadcast %jit3A_782 : f32 to vector<1250x128xf32>
    %select_n3A_786 = arith.select %broadcast_in_dim3A_784, %reduce_max3A_22, %broadcast_in_dim3A_785 : vector<1250x128xi1>, vector<1250x128xf32>
    %reduce_max3A_787 = arith.constant dense<0xFF800000> : vector<128xf32>
    %reduce_max3A_788 = vector.multi_reduction <maximumf>, %select_n3A_786, %reduce_max3A_787 [0] : vector<1250x128xf32> to vector<128xf32>
    %broadcast_in_dim3A_789 = vector.shape_cast %reduce_max3A_788 : vector<128xf32> to vector<1x128xf32>
    %get3A_790 = arith.constant 0 : index
    %get3A_791 = arith.constant 13 : index
    %get3A_792 = memref.load %arg6[%get3A_790, %get3A_791] : memref<2x32xi32, #tpu.memory_space<smem>>
    %mul3A_793 = arith.constant 8 : i32
    %mul3A_794 = arith.muli %get3A_792, %mul3A_793 : i32
    %get3A_795 = arith.index_cast %mul3A_794 : i32 to index
    %get3A_796 = arith.constant 0 : index
    %get3A_797 = vector.load %arg10[%get3A_795, %get3A_796] : memref<10000x128xf32, #tpu.memory_space<vmem>>, vector<8x128xf32>
    %get3A_798 = arith.index_cast %mul3A_794 : i32 to index
    %get3A_799 = arith.constant 0 : index
    %get3A_800 = vector.load %arg4[%get3A_798, %get3A_799] : memref<10000x1xi32, #tpu.memory_space<vmem>>, vector<8x1xi32>
    %eq3A_801 = arith.constant 13 : i32
    %eq3A_802 = vector.broadcast %eq3A_801 : i32 to vector<8x1xi32>
    %eq3A_803 = arith.cmpi eq, %get3A_800, %eq3A_802 : vector<8x1xi32>
    %jit3A_804 = arith.constant 0xFF800000 : f32
    %broadcast_in_dim3A_805 = vector.shape_cast %eq3A_803 : vector<8x1xi1> to vector<8x1xi1>
    %broadcast_in_dim3A_806 = vector.broadcast %broadcast_in_dim3A_805 : vector<8x1xi1> to vector<8x128xi1>
    %broadcast_in_dim3A_807 = vector.broadcast %jit3A_804 : f32 to vector<8x128xf32>
    %select_n3A_808 = arith.select %broadcast_in_dim3A_806, %get3A_797, %broadcast_in_dim3A_807 : vector<8x128xi1>, vector<8x128xf32>
    %reduce_max3A_809 = arith.constant dense<0xFF800000> : vector<128xf32>
    %reduce_max3A_810 = vector.multi_reduction <maximumf>, %select_n3A_808, %reduce_max3A_809 [0] : vector<8x128xf32> to vector<128xf32>
    %broadcast_in_dim3A_811 = vector.shape_cast %reduce_max3A_810 : vector<128xf32> to vector<1x128xf32>
    %max3A_812 = arith.maximumf %broadcast_in_dim3A_789, %broadcast_in_dim3A_811 : vector<1x128xf32>
    %get3A_813 = arith.constant 1 : index
    %get3A_814 = arith.constant 13 : index
    %get3A_815 = memref.load %arg6[%get3A_813, %get3A_814] : memref<2x32xi32, #tpu.memory_space<smem>>
    %mul3A_816 = arith.constant 8 : i32
    %mul3A_817 = arith.muli %get3A_815, %mul3A_816 : i32
    %get3A_818 = arith.index_cast %mul3A_817 : i32 to index
    %get3A_819 = arith.constant 0 : index
    %get3A_820 = vector.load %arg10[%get3A_818, %get3A_819] : memref<10000x128xf32, #tpu.memory_space<vmem>>, vector<8x128xf32>
    %get3A_821 = arith.index_cast %mul3A_817 : i32 to index
    %get3A_822 = arith.constant 0 : index
    %get3A_823 = vector.load %arg4[%get3A_821, %get3A_822] : memref<10000x1xi32, #tpu.memory_space<vmem>>, vector<8x1xi32>
    %eq3A_824 = arith.constant 13 : i32
    %eq3A_825 = vector.broadcast %eq3A_824 : i32 to vector<8x1xi32>
    %eq3A_826 = arith.cmpi eq, %get3A_823, %eq3A_825 : vector<8x1xi32>
    %jit3A_827 = arith.constant 0xFF800000 : f32
    %broadcast_in_dim3A_828 = vector.shape_cast %eq3A_826 : vector<8x1xi1> to vector<8x1xi1>
    %broadcast_in_dim3A_829 = vector.broadcast %broadcast_in_dim3A_828 : vector<8x1xi1> to vector<8x128xi1>
    %broadcast_in_dim3A_830 = vector.broadcast %jit3A_827 : f32 to vector<8x128xf32>
    %select_n3A_831 = arith.select %broadcast_in_dim3A_829, %get3A_820, %broadcast_in_dim3A_830 : vector<8x128xi1>, vector<8x128xf32>
    %reduce_max3A_832 = arith.constant dense<0xFF800000> : vector<128xf32>
    %reduce_max3A_833 = vector.multi_reduction <maximumf>, %select_n3A_831, %reduce_max3A_832 [0] : vector<8x128xf32> to vector<128xf32>
    %broadcast_in_dim3A_834 = vector.shape_cast %reduce_max3A_833 : vector<128xf32> to vector<1x128xf32>
    %max3A_835 = arith.maximumf %max3A_812, %broadcast_in_dim3A_834 : vector<1x128xf32>
    %eq3A_836 = arith.constant 14 : i32
    %eq3A_837 = vector.broadcast %eq3A_836 : i32 to vector<1250x1xi32>
    %eq3A_838 = arith.cmpi eq, %slice3A_26, %eq3A_837 : vector<1250x1xi32>
    %and3A_839 = arith.andi %eq3A, %eq3A_838 : vector<1250x1xi1>
    %jit3A_840 = arith.constant 0xFF800000 : f32
    %broadcast_in_dim3A_841 = vector.shape_cast %and3A_839 : vector<1250x1xi1> to vector<1250x1xi1>
    %broadcast_in_dim3A_842 = vector.broadcast %broadcast_in_dim3A_841 : vector<1250x1xi1> to vector<1250x128xi1>
    %broadcast_in_dim3A_843 = vector.broadcast %jit3A_840 : f32 to vector<1250x128xf32>
    %select_n3A_844 = arith.select %broadcast_in_dim3A_842, %reduce_max3A_22, %broadcast_in_dim3A_843 : vector<1250x128xi1>, vector<1250x128xf32>
    %reduce_max3A_845 = arith.constant dense<0xFF800000> : vector<128xf32>
    %reduce_max3A_846 = vector.multi_reduction <maximumf>, %select_n3A_844, %reduce_max3A_845 [0] : vector<1250x128xf32> to vector<128xf32>
    %broadcast_in_dim3A_847 = vector.shape_cast %reduce_max3A_846 : vector<128xf32> to vector<1x128xf32>
    %get3A_848 = arith.constant 0 : index
    %get3A_849 = arith.constant 14 : index
    %get3A_850 = memref.load %arg6[%get3A_848, %get3A_849] : memref<2x32xi32, #tpu.memory_space<smem>>
    %mul3A_851 = arith.constant 8 : i32
    %mul3A_852 = arith.muli %get3A_850, %mul3A_851 : i32
    %get3A_853 = arith.index_cast %mul3A_852 : i32 to index
    %get3A_854 = arith.constant 0 : index
    %get3A_855 = vector.load %arg10[%get3A_853, %get3A_854] : memref<10000x128xf32, #tpu.memory_space<vmem>>, vector<8x128xf32>
    %get3A_856 = arith.index_cast %mul3A_852 : i32 to index
    %get3A_857 = arith.constant 0 : index
    %get3A_858 = vector.load %arg4[%get3A_856, %get3A_857] : memref<10000x1xi32, #tpu.memory_space<vmem>>, vector<8x1xi32>
    %eq3A_859 = arith.constant 14 : i32
    %eq3A_860 = vector.broadcast %eq3A_859 : i32 to vector<8x1xi32>
    %eq3A_861 = arith.cmpi eq, %get3A_858, %eq3A_860 : vector<8x1xi32>
    %jit3A_862 = arith.constant 0xFF800000 : f32
    %broadcast_in_dim3A_863 = vector.shape_cast %eq3A_861 : vector<8x1xi1> to vector<8x1xi1>
    %broadcast_in_dim3A_864 = vector.broadcast %broadcast_in_dim3A_863 : vector<8x1xi1> to vector<8x128xi1>
    %broadcast_in_dim3A_865 = vector.broadcast %jit3A_862 : f32 to vector<8x128xf32>
    %select_n3A_866 = arith.select %broadcast_in_dim3A_864, %get3A_855, %broadcast_in_dim3A_865 : vector<8x128xi1>, vector<8x128xf32>
    %reduce_max3A_867 = arith.constant dense<0xFF800000> : vector<128xf32>
    %reduce_max3A_868 = vector.multi_reduction <maximumf>, %select_n3A_866, %reduce_max3A_867 [0] : vector<8x128xf32> to vector<128xf32>
    %broadcast_in_dim3A_869 = vector.shape_cast %reduce_max3A_868 : vector<128xf32> to vector<1x128xf32>
    %max3A_870 = arith.maximumf %broadcast_in_dim3A_847, %broadcast_in_dim3A_869 : vector<1x128xf32>
    %get3A_871 = arith.constant 1 : index
    %get3A_872 = arith.constant 14 : index
    %get3A_873 = memref.load %arg6[%get3A_871, %get3A_872] : memref<2x32xi32, #tpu.memory_space<smem>>
    %mul3A_874 = arith.constant 8 : i32
    %mul3A_875 = arith.muli %get3A_873, %mul3A_874 : i32
    %get3A_876 = arith.index_cast %mul3A_875 : i32 to index
    %get3A_877 = arith.constant 0 : index
    %get3A_878 = vector.load %arg10[%get3A_876, %get3A_877] : memref<10000x128xf32, #tpu.memory_space<vmem>>, vector<8x128xf32>
    %get3A_879 = arith.index_cast %mul3A_875 : i32 to index
    %get3A_880 = arith.constant 0 : index
    %get3A_881 = vector.load %arg4[%get3A_879, %get3A_880] : memref<10000x1xi32, #tpu.memory_space<vmem>>, vector<8x1xi32>
    %eq3A_882 = arith.constant 14 : i32
    %eq3A_883 = vector.broadcast %eq3A_882 : i32 to vector<8x1xi32>
    %eq3A_884 = arith.cmpi eq, %get3A_881, %eq3A_883 : vector<8x1xi32>
    %jit3A_885 = arith.constant 0xFF800000 : f32
    %broadcast_in_dim3A_886 = vector.shape_cast %eq3A_884 : vector<8x1xi1> to vector<8x1xi1>
    %broadcast_in_dim3A_887 = vector.broadcast %broadcast_in_dim3A_886 : vector<8x1xi1> to vector<8x128xi1>
    %broadcast_in_dim3A_888 = vector.broadcast %jit3A_885 : f32 to vector<8x128xf32>
    %select_n3A_889 = arith.select %broadcast_in_dim3A_887, %get3A_878, %broadcast_in_dim3A_888 : vector<8x128xi1>, vector<8x128xf32>
    %reduce_max3A_890 = arith.constant dense<0xFF800000> : vector<128xf32>
    %reduce_max3A_891 = vector.multi_reduction <maximumf>, %select_n3A_889, %reduce_max3A_890 [0] : vector<8x128xf32> to vector<128xf32>
    %broadcast_in_dim3A_892 = vector.shape_cast %reduce_max3A_891 : vector<128xf32> to vector<1x128xf32>
    %max3A_893 = arith.maximumf %max3A_870, %broadcast_in_dim3A_892 : vector<1x128xf32>
    %eq3A_894 = arith.constant 15 : i32
    %eq3A_895 = vector.broadcast %eq3A_894 : i32 to vector<1250x1xi32>
    %eq3A_896 = arith.cmpi eq, %slice3A_26, %eq3A_895 : vector<1250x1xi32>
    %and3A_897 = arith.andi %eq3A, %eq3A_896 : vector<1250x1xi1>
    %jit3A_898 = arith.constant 0xFF800000 : f32
    %broadcast_in_dim3A_899 = vector.shape_cast %and3A_897 : vector<1250x1xi1> to vector<1250x1xi1>
    %broadcast_in_dim3A_900 = vector.broadcast %broadcast_in_dim3A_899 : vector<1250x1xi1> to vector<1250x128xi1>
    %broadcast_in_dim3A_901 = vector.broadcast %jit3A_898 : f32 to vector<1250x128xf32>
    %select_n3A_902 = arith.select %broadcast_in_dim3A_900, %reduce_max3A_22, %broadcast_in_dim3A_901 : vector<1250x128xi1>, vector<1250x128xf32>
    %reduce_max3A_903 = arith.constant dense<0xFF800000> : vector<128xf32>
    %reduce_max3A_904 = vector.multi_reduction <maximumf>, %select_n3A_902, %reduce_max3A_903 [0] : vector<1250x128xf32> to vector<128xf32>
    %broadcast_in_dim3A_905 = vector.shape_cast %reduce_max3A_904 : vector<128xf32> to vector<1x128xf32>
    %get3A_906 = arith.constant 0 : index
    %get3A_907 = arith.constant 15 : index
    %get3A_908 = memref.load %arg6[%get3A_906, %get3A_907] : memref<2x32xi32, #tpu.memory_space<smem>>
    %mul3A_909 = arith.constant 8 : i32
    %mul3A_910 = arith.muli %get3A_908, %mul3A_909 : i32
    %get3A_911 = arith.index_cast %mul3A_910 : i32 to index
    %get3A_912 = arith.constant 0 : index
    %get3A_913 = vector.load %arg10[%get3A_911, %get3A_912] : memref<10000x128xf32, #tpu.memory_space<vmem>>, vector<8x128xf32>
    %get3A_914 = arith.index_cast %mul3A_910 : i32 to index
    %get3A_915 = arith.constant 0 : index
    %get3A_916 = vector.load %arg4[%get3A_914, %get3A_915] : memref<10000x1xi32, #tpu.memory_space<vmem>>, vector<8x1xi32>
    %eq3A_917 = arith.constant 15 : i32
    %eq3A_918 = vector.broadcast %eq3A_917 : i32 to vector<8x1xi32>
    %eq3A_919 = arith.cmpi eq, %get3A_916, %eq3A_918 : vector<8x1xi32>
    %jit3A_920 = arith.constant 0xFF800000 : f32
    %broadcast_in_dim3A_921 = vector.shape_cast %eq3A_919 : vector<8x1xi1> to vector<8x1xi1>
    %broadcast_in_dim3A_922 = vector.broadcast %broadcast_in_dim3A_921 : vector<8x1xi1> to vector<8x128xi1>
    %broadcast_in_dim3A_923 = vector.broadcast %jit3A_920 : f32 to vector<8x128xf32>
    %select_n3A_924 = arith.select %broadcast_in_dim3A_922, %get3A_913, %broadcast_in_dim3A_923 : vector<8x128xi1>, vector<8x128xf32>
    %reduce_max3A_925 = arith.constant dense<0xFF800000> : vector<128xf32>
    %reduce_max3A_926 = vector.multi_reduction <maximumf>, %select_n3A_924, %reduce_max3A_925 [0] : vector<8x128xf32> to vector<128xf32>
    %broadcast_in_dim3A_927 = vector.shape_cast %reduce_max3A_926 : vector<128xf32> to vector<1x128xf32>
    %max3A_928 = arith.maximumf %broadcast_in_dim3A_905, %broadcast_in_dim3A_927 : vector<1x128xf32>
    %get3A_929 = arith.constant 1 : index
    %get3A_930 = arith.constant 15 : index
    %get3A_931 = memref.load %arg6[%get3A_929, %get3A_930] : memref<2x32xi32, #tpu.memory_space<smem>>
    %mul3A_932 = arith.constant 8 : i32
    %mul3A_933 = arith.muli %get3A_931, %mul3A_932 : i32
    %get3A_934 = arith.index_cast %mul3A_933 : i32 to index
    %get3A_935 = arith.constant 0 : index
    %get3A_936 = vector.load %arg10[%get3A_934, %get3A_935] : memref<10000x128xf32, #tpu.memory_space<vmem>>, vector<8x128xf32>
    %get3A_937 = arith.index_cast %mul3A_933 : i32 to index
    %get3A_938 = arith.constant 0 : index
    %get3A_939 = vector.load %arg4[%get3A_937, %get3A_938] : memref<10000x1xi32, #tpu.memory_space<vmem>>, vector<8x1xi32>
    %eq3A_940 = arith.constant 15 : i32
    %eq3A_941 = vector.broadcast %eq3A_940 : i32 to vector<8x1xi32>
    %eq3A_942 = arith.cmpi eq, %get3A_939, %eq3A_941 : vector<8x1xi32>
    %jit3A_943 = arith.constant 0xFF800000 : f32
    %broadcast_in_dim3A_944 = vector.shape_cast %eq3A_942 : vector<8x1xi1> to vector<8x1xi1>
    %broadcast_in_dim3A_945 = vector.broadcast %broadcast_in_dim3A_944 : vector<8x1xi1> to vector<8x128xi1>
    %broadcast_in_dim3A_946 = vector.broadcast %jit3A_943 : f32 to vector<8x128xf32>
    %select_n3A_947 = arith.select %broadcast_in_dim3A_945, %get3A_936, %broadcast_in_dim3A_946 : vector<8x128xi1>, vector<8x128xf32>
    %reduce_max3A_948 = arith.constant dense<0xFF800000> : vector<128xf32>
    %reduce_max3A_949 = vector.multi_reduction <maximumf>, %select_n3A_947, %reduce_max3A_948 [0] : vector<8x128xf32> to vector<128xf32>
    %broadcast_in_dim3A_950 = vector.shape_cast %reduce_max3A_949 : vector<128xf32> to vector<1x128xf32>
    %max3A_951 = arith.maximumf %max3A_928, %broadcast_in_dim3A_950 : vector<1x128xf32>
    %eq3A_952 = arith.constant 16 : i32
    %eq3A_953 = vector.broadcast %eq3A_952 : i32 to vector<1250x1xi32>
    %eq3A_954 = arith.cmpi eq, %slice3A_26, %eq3A_953 : vector<1250x1xi32>
    %and3A_955 = arith.andi %eq3A, %eq3A_954 : vector<1250x1xi1>
    %jit3A_956 = arith.constant 0xFF800000 : f32
    %broadcast_in_dim3A_957 = vector.shape_cast %and3A_955 : vector<1250x1xi1> to vector<1250x1xi1>
    %broadcast_in_dim3A_958 = vector.broadcast %broadcast_in_dim3A_957 : vector<1250x1xi1> to vector<1250x128xi1>
    %broadcast_in_dim3A_959 = vector.broadcast %jit3A_956 : f32 to vector<1250x128xf32>
    %select_n3A_960 = arith.select %broadcast_in_dim3A_958, %reduce_max3A_22, %broadcast_in_dim3A_959 : vector<1250x128xi1>, vector<1250x128xf32>
    %reduce_max3A_961 = arith.constant dense<0xFF800000> : vector<128xf32>
    %reduce_max3A_962 = vector.multi_reduction <maximumf>, %select_n3A_960, %reduce_max3A_961 [0] : vector<1250x128xf32> to vector<128xf32>
    %broadcast_in_dim3A_963 = vector.shape_cast %reduce_max3A_962 : vector<128xf32> to vector<1x128xf32>
    %get3A_964 = arith.constant 0 : index
    %get3A_965 = arith.constant 16 : index
    %get3A_966 = memref.load %arg6[%get3A_964, %get3A_965] : memref<2x32xi32, #tpu.memory_space<smem>>
    %mul3A_967 = arith.constant 8 : i32
    %mul3A_968 = arith.muli %get3A_966, %mul3A_967 : i32
    %get3A_969 = arith.index_cast %mul3A_968 : i32 to index
    %get3A_970 = arith.constant 0 : index
    %get3A_971 = vector.load %arg10[%get3A_969, %get3A_970] : memref<10000x128xf32, #tpu.memory_space<vmem>>, vector<8x128xf32>
    %get3A_972 = arith.index_cast %mul3A_968 : i32 to index
    %get3A_973 = arith.constant 0 : index
    %get3A_974 = vector.load %arg4[%get3A_972, %get3A_973] : memref<10000x1xi32, #tpu.memory_space<vmem>>, vector<8x1xi32>
    %eq3A_975 = arith.constant 16 : i32
    %eq3A_976 = vector.broadcast %eq3A_975 : i32 to vector<8x1xi32>
    %eq3A_977 = arith.cmpi eq, %get3A_974, %eq3A_976 : vector<8x1xi32>
    %jit3A_978 = arith.constant 0xFF800000 : f32
    %broadcast_in_dim3A_979 = vector.shape_cast %eq3A_977 : vector<8x1xi1> to vector<8x1xi1>
    %broadcast_in_dim3A_980 = vector.broadcast %broadcast_in_dim3A_979 : vector<8x1xi1> to vector<8x128xi1>
    %broadcast_in_dim3A_981 = vector.broadcast %jit3A_978 : f32 to vector<8x128xf32>
    %select_n3A_982 = arith.select %broadcast_in_dim3A_980, %get3A_971, %broadcast_in_dim3A_981 : vector<8x128xi1>, vector<8x128xf32>
    %reduce_max3A_983 = arith.constant dense<0xFF800000> : vector<128xf32>
    %reduce_max3A_984 = vector.multi_reduction <maximumf>, %select_n3A_982, %reduce_max3A_983 [0] : vector<8x128xf32> to vector<128xf32>
    %broadcast_in_dim3A_985 = vector.shape_cast %reduce_max3A_984 : vector<128xf32> to vector<1x128xf32>
    %max3A_986 = arith.maximumf %broadcast_in_dim3A_963, %broadcast_in_dim3A_985 : vector<1x128xf32>
    %get3A_987 = arith.constant 1 : index
    %get3A_988 = arith.constant 16 : index
    %get3A_989 = memref.load %arg6[%get3A_987, %get3A_988] : memref<2x32xi32, #tpu.memory_space<smem>>
    %mul3A_990 = arith.constant 8 : i32
    %mul3A_991 = arith.muli %get3A_989, %mul3A_990 : i32
    %get3A_992 = arith.index_cast %mul3A_991 : i32 to index
    %get3A_993 = arith.constant 0 : index
    %get3A_994 = vector.load %arg10[%get3A_992, %get3A_993] : memref<10000x128xf32, #tpu.memory_space<vmem>>, vector<8x128xf32>
    %get3A_995 = arith.index_cast %mul3A_991 : i32 to index
    %get3A_996 = arith.constant 0 : index
    %get3A_997 = vector.load %arg4[%get3A_995, %get3A_996] : memref<10000x1xi32, #tpu.memory_space<vmem>>, vector<8x1xi32>
    %eq3A_998 = arith.constant 16 : i32
    %eq3A_999 = vector.broadcast %eq3A_998 : i32 to vector<8x1xi32>
    %eq3A_1000 = arith.cmpi eq, %get3A_997, %eq3A_999 : vector<8x1xi32>
    %jit3A_1001 = arith.constant 0xFF800000 : f32
    %broadcast_in_dim3A_1002 = vector.shape_cast %eq3A_1000 : vector<8x1xi1> to vector<8x1xi1>
    %broadcast_in_dim3A_1003 = vector.broadcast %broadcast_in_dim3A_1002 : vector<8x1xi1> to vector<8x128xi1>
    %broadcast_in_dim3A_1004 = vector.broadcast %jit3A_1001 : f32 to vector<8x128xf32>
    %select_n3A_1005 = arith.select %broadcast_in_dim3A_1003, %get3A_994, %broadcast_in_dim3A_1004 : vector<8x128xi1>, vector<8x128xf32>
    %reduce_max3A_1006 = arith.constant dense<0xFF800000> : vector<128xf32>
    %reduce_max3A_1007 = vector.multi_reduction <maximumf>, %select_n3A_1005, %reduce_max3A_1006 [0] : vector<8x128xf32> to vector<128xf32>
    %broadcast_in_dim3A_1008 = vector.shape_cast %reduce_max3A_1007 : vector<128xf32> to vector<1x128xf32>
    %max3A_1009 = arith.maximumf %max3A_986, %broadcast_in_dim3A_1008 : vector<1x128xf32>
    %eq3A_1010 = arith.constant 17 : i32
    %eq3A_1011 = vector.broadcast %eq3A_1010 : i32 to vector<1250x1xi32>
    %eq3A_1012 = arith.cmpi eq, %slice3A_26, %eq3A_1011 : vector<1250x1xi32>
    %and3A_1013 = arith.andi %eq3A, %eq3A_1012 : vector<1250x1xi1>
    %jit3A_1014 = arith.constant 0xFF800000 : f32
    %broadcast_in_dim3A_1015 = vector.shape_cast %and3A_1013 : vector<1250x1xi1> to vector<1250x1xi1>
    %broadcast_in_dim3A_1016 = vector.broadcast %broadcast_in_dim3A_1015 : vector<1250x1xi1> to vector<1250x128xi1>
    %broadcast_in_dim3A_1017 = vector.broadcast %jit3A_1014 : f32 to vector<1250x128xf32>
    %select_n3A_1018 = arith.select %broadcast_in_dim3A_1016, %reduce_max3A_22, %broadcast_in_dim3A_1017 : vector<1250x128xi1>, vector<1250x128xf32>
    %reduce_max3A_1019 = arith.constant dense<0xFF800000> : vector<128xf32>
    %reduce_max3A_1020 = vector.multi_reduction <maximumf>, %select_n3A_1018, %reduce_max3A_1019 [0] : vector<1250x128xf32> to vector<128xf32>
    %broadcast_in_dim3A_1021 = vector.shape_cast %reduce_max3A_1020 : vector<128xf32> to vector<1x128xf32>
    %get3A_1022 = arith.constant 0 : index
    %get3A_1023 = arith.constant 17 : index
    %get3A_1024 = memref.load %arg6[%get3A_1022, %get3A_1023] : memref<2x32xi32, #tpu.memory_space<smem>>
    %mul3A_1025 = arith.constant 8 : i32
    %mul3A_1026 = arith.muli %get3A_1024, %mul3A_1025 : i32
    %get3A_1027 = arith.index_cast %mul3A_1026 : i32 to index
    %get3A_1028 = arith.constant 0 : index
    %get3A_1029 = vector.load %arg10[%get3A_1027, %get3A_1028] : memref<10000x128xf32, #tpu.memory_space<vmem>>, vector<8x128xf32>
    %get3A_1030 = arith.index_cast %mul3A_1026 : i32 to index
    %get3A_1031 = arith.constant 0 : index
    %get3A_1032 = vector.load %arg4[%get3A_1030, %get3A_1031] : memref<10000x1xi32, #tpu.memory_space<vmem>>, vector<8x1xi32>
    %eq3A_1033 = arith.constant 17 : i32
    %eq3A_1034 = vector.broadcast %eq3A_1033 : i32 to vector<8x1xi32>
    %eq3A_1035 = arith.cmpi eq, %get3A_1032, %eq3A_1034 : vector<8x1xi32>
    %jit3A_1036 = arith.constant 0xFF800000 : f32
    %broadcast_in_dim3A_1037 = vector.shape_cast %eq3A_1035 : vector<8x1xi1> to vector<8x1xi1>
    %broadcast_in_dim3A_1038 = vector.broadcast %broadcast_in_dim3A_1037 : vector<8x1xi1> to vector<8x128xi1>
    %broadcast_in_dim3A_1039 = vector.broadcast %jit3A_1036 : f32 to vector<8x128xf32>
    %select_n3A_1040 = arith.select %broadcast_in_dim3A_1038, %get3A_1029, %broadcast_in_dim3A_1039 : vector<8x128xi1>, vector<8x128xf32>
    %reduce_max3A_1041 = arith.constant dense<0xFF800000> : vector<128xf32>
    %reduce_max3A_1042 = vector.multi_reduction <maximumf>, %select_n3A_1040, %reduce_max3A_1041 [0] : vector<8x128xf32> to vector<128xf32>
    %broadcast_in_dim3A_1043 = vector.shape_cast %reduce_max3A_1042 : vector<128xf32> to vector<1x128xf32>
    %max3A_1044 = arith.maximumf %broadcast_in_dim3A_1021, %broadcast_in_dim3A_1043 : vector<1x128xf32>
    %get3A_1045 = arith.constant 1 : index
    %get3A_1046 = arith.constant 17 : index
    %get3A_1047 = memref.load %arg6[%get3A_1045, %get3A_1046] : memref<2x32xi32, #tpu.memory_space<smem>>
    %mul3A_1048 = arith.constant 8 : i32
    %mul3A_1049 = arith.muli %get3A_1047, %mul3A_1048 : i32
    %get3A_1050 = arith.index_cast %mul3A_1049 : i32 to index
    %get3A_1051 = arith.constant 0 : index
    %get3A_1052 = vector.load %arg10[%get3A_1050, %get3A_1051] : memref<10000x128xf32, #tpu.memory_space<vmem>>, vector<8x128xf32>
    %get3A_1053 = arith.index_cast %mul3A_1049 : i32 to index
    %get3A_1054 = arith.constant 0 : index
    %get3A_1055 = vector.load %arg4[%get3A_1053, %get3A_1054] : memref<10000x1xi32, #tpu.memory_space<vmem>>, vector<8x1xi32>
    %eq3A_1056 = arith.constant 17 : i32
    %eq3A_1057 = vector.broadcast %eq3A_1056 : i32 to vector<8x1xi32>
    %eq3A_1058 = arith.cmpi eq, %get3A_1055, %eq3A_1057 : vector<8x1xi32>
    %jit3A_1059 = arith.constant 0xFF800000 : f32
    %broadcast_in_dim3A_1060 = vector.shape_cast %eq3A_1058 : vector<8x1xi1> to vector<8x1xi1>
    %broadcast_in_dim3A_1061 = vector.broadcast %broadcast_in_dim3A_1060 : vector<8x1xi1> to vector<8x128xi1>
    %broadcast_in_dim3A_1062 = vector.broadcast %jit3A_1059 : f32 to vector<8x128xf32>
    %select_n3A_1063 = arith.select %broadcast_in_dim3A_1061, %get3A_1052, %broadcast_in_dim3A_1062 : vector<8x128xi1>, vector<8x128xf32>
    %reduce_max3A_1064 = arith.constant dense<0xFF800000> : vector<128xf32>
    %reduce_max3A_1065 = vector.multi_reduction <maximumf>, %select_n3A_1063, %reduce_max3A_1064 [0] : vector<8x128xf32> to vector<128xf32>
    %broadcast_in_dim3A_1066 = vector.shape_cast %reduce_max3A_1065 : vector<128xf32> to vector<1x128xf32>
    %max3A_1067 = arith.maximumf %max3A_1044, %broadcast_in_dim3A_1066 : vector<1x128xf32>
    %eq3A_1068 = arith.constant 18 : i32
    %eq3A_1069 = vector.broadcast %eq3A_1068 : i32 to vector<1250x1xi32>
    %eq3A_1070 = arith.cmpi eq, %slice3A_26, %eq3A_1069 : vector<1250x1xi32>
    %and3A_1071 = arith.andi %eq3A, %eq3A_1070 : vector<1250x1xi1>
    %jit3A_1072 = arith.constant 0xFF800000 : f32
    %broadcast_in_dim3A_1073 = vector.shape_cast %and3A_1071 : vector<1250x1xi1> to vector<1250x1xi1>
    %broadcast_in_dim3A_1074 = vector.broadcast %broadcast_in_dim3A_1073 : vector<1250x1xi1> to vector<1250x128xi1>
    %broadcast_in_dim3A_1075 = vector.broadcast %jit3A_1072 : f32 to vector<1250x128xf32>
    %select_n3A_1076 = arith.select %broadcast_in_dim3A_1074, %reduce_max3A_22, %broadcast_in_dim3A_1075 : vector<1250x128xi1>, vector<1250x128xf32>
    %reduce_max3A_1077 = arith.constant dense<0xFF800000> : vector<128xf32>
    %reduce_max3A_1078 = vector.multi_reduction <maximumf>, %select_n3A_1076, %reduce_max3A_1077 [0] : vector<1250x128xf32> to vector<128xf32>
    %broadcast_in_dim3A_1079 = vector.shape_cast %reduce_max3A_1078 : vector<128xf32> to vector<1x128xf32>
    %get3A_1080 = arith.constant 0 : index
    %get3A_1081 = arith.constant 18 : index
    %get3A_1082 = memref.load %arg6[%get3A_1080, %get3A_1081] : memref<2x32xi32, #tpu.memory_space<smem>>
    %mul3A_1083 = arith.constant 8 : i32
    %mul3A_1084 = arith.muli %get3A_1082, %mul3A_1083 : i32
    %get3A_1085 = arith.index_cast %mul3A_1084 : i32 to index
    %get3A_1086 = arith.constant 0 : index
    %get3A_1087 = vector.load %arg10[%get3A_1085, %get3A_1086] : memref<10000x128xf32, #tpu.memory_space<vmem>>, vector<8x128xf32>
    %get3A_1088 = arith.index_cast %mul3A_1084 : i32 to index
    %get3A_1089 = arith.constant 0 : index
    %get3A_1090 = vector.load %arg4[%get3A_1088, %get3A_1089] : memref<10000x1xi32, #tpu.memory_space<vmem>>, vector<8x1xi32>
    %eq3A_1091 = arith.constant 18 : i32
    %eq3A_1092 = vector.broadcast %eq3A_1091 : i32 to vector<8x1xi32>
    %eq3A_1093 = arith.cmpi eq, %get3A_1090, %eq3A_1092 : vector<8x1xi32>
    %jit3A_1094 = arith.constant 0xFF800000 : f32
    %broadcast_in_dim3A_1095 = vector.shape_cast %eq3A_1093 : vector<8x1xi1> to vector<8x1xi1>
    %broadcast_in_dim3A_1096 = vector.broadcast %broadcast_in_dim3A_1095 : vector<8x1xi1> to vector<8x128xi1>
    %broadcast_in_dim3A_1097 = vector.broadcast %jit3A_1094 : f32 to vector<8x128xf32>
    %select_n3A_1098 = arith.select %broadcast_in_dim3A_1096, %get3A_1087, %broadcast_in_dim3A_1097 : vector<8x128xi1>, vector<8x128xf32>
    %reduce_max3A_1099 = arith.constant dense<0xFF800000> : vector<128xf32>
    %reduce_max3A_1100 = vector.multi_reduction <maximumf>, %select_n3A_1098, %reduce_max3A_1099 [0] : vector<8x128xf32> to vector<128xf32>
    %broadcast_in_dim3A_1101 = vector.shape_cast %reduce_max3A_1100 : vector<128xf32> to vector<1x128xf32>
    %max3A_1102 = arith.maximumf %broadcast_in_dim3A_1079, %broadcast_in_dim3A_1101 : vector<1x128xf32>
    %get3A_1103 = arith.constant 1 : index
    %get3A_1104 = arith.constant 18 : index
    %get3A_1105 = memref.load %arg6[%get3A_1103, %get3A_1104] : memref<2x32xi32, #tpu.memory_space<smem>>
    %mul3A_1106 = arith.constant 8 : i32
    %mul3A_1107 = arith.muli %get3A_1105, %mul3A_1106 : i32
    %get3A_1108 = arith.index_cast %mul3A_1107 : i32 to index
    %get3A_1109 = arith.constant 0 : index
    %get3A_1110 = vector.load %arg10[%get3A_1108, %get3A_1109] : memref<10000x128xf32, #tpu.memory_space<vmem>>, vector<8x128xf32>
    %get3A_1111 = arith.index_cast %mul3A_1107 : i32 to index
    %get3A_1112 = arith.constant 0 : index
    %get3A_1113 = vector.load %arg4[%get3A_1111, %get3A_1112] : memref<10000x1xi32, #tpu.memory_space<vmem>>, vector<8x1xi32>
    %eq3A_1114 = arith.constant 18 : i32
    %eq3A_1115 = vector.broadcast %eq3A_1114 : i32 to vector<8x1xi32>
    %eq3A_1116 = arith.cmpi eq, %get3A_1113, %eq3A_1115 : vector<8x1xi32>
    %jit3A_1117 = arith.constant 0xFF800000 : f32
    %broadcast_in_dim3A_1118 = vector.shape_cast %eq3A_1116 : vector<8x1xi1> to vector<8x1xi1>
    %broadcast_in_dim3A_1119 = vector.broadcast %broadcast_in_dim3A_1118 : vector<8x1xi1> to vector<8x128xi1>
    %broadcast_in_dim3A_1120 = vector.broadcast %jit3A_1117 : f32 to vector<8x128xf32>
    %select_n3A_1121 = arith.select %broadcast_in_dim3A_1119, %get3A_1110, %broadcast_in_dim3A_1120 : vector<8x128xi1>, vector<8x128xf32>
    %reduce_max3A_1122 = arith.constant dense<0xFF800000> : vector<128xf32>
    %reduce_max3A_1123 = vector.multi_reduction <maximumf>, %select_n3A_1121, %reduce_max3A_1122 [0] : vector<8x128xf32> to vector<128xf32>
    %broadcast_in_dim3A_1124 = vector.shape_cast %reduce_max3A_1123 : vector<128xf32> to vector<1x128xf32>
    %max3A_1125 = arith.maximumf %max3A_1102, %broadcast_in_dim3A_1124 : vector<1x128xf32>
    %eq3A_1126 = arith.constant 19 : i32
    %eq3A_1127 = vector.broadcast %eq3A_1126 : i32 to vector<1250x1xi32>
    %eq3A_1128 = arith.cmpi eq, %slice3A_26, %eq3A_1127 : vector<1250x1xi32>
    %and3A_1129 = arith.andi %eq3A, %eq3A_1128 : vector<1250x1xi1>
    %jit3A_1130 = arith.constant 0xFF800000 : f32
    %broadcast_in_dim3A_1131 = vector.shape_cast %and3A_1129 : vector<1250x1xi1> to vector<1250x1xi1>
    %broadcast_in_dim3A_1132 = vector.broadcast %broadcast_in_dim3A_1131 : vector<1250x1xi1> to vector<1250x128xi1>
    %broadcast_in_dim3A_1133 = vector.broadcast %jit3A_1130 : f32 to vector<1250x128xf32>
    %select_n3A_1134 = arith.select %broadcast_in_dim3A_1132, %reduce_max3A_22, %broadcast_in_dim3A_1133 : vector<1250x128xi1>, vector<1250x128xf32>
    %reduce_max3A_1135 = arith.constant dense<0xFF800000> : vector<128xf32>
    %reduce_max3A_1136 = vector.multi_reduction <maximumf>, %select_n3A_1134, %reduce_max3A_1135 [0] : vector<1250x128xf32> to vector<128xf32>
    %broadcast_in_dim3A_1137 = vector.shape_cast %reduce_max3A_1136 : vector<128xf32> to vector<1x128xf32>
    %get3A_1138 = arith.constant 0 : index
    %get3A_1139 = arith.constant 19 : index
    %get3A_1140 = memref.load %arg6[%get3A_1138, %get3A_1139] : memref<2x32xi32, #tpu.memory_space<smem>>
    %mul3A_1141 = arith.constant 8 : i32
    %mul3A_1142 = arith.muli %get3A_1140, %mul3A_1141 : i32
    %get3A_1143 = arith.index_cast %mul3A_1142 : i32 to index
    %get3A_1144 = arith.constant 0 : index
    %get3A_1145 = vector.load %arg10[%get3A_1143, %get3A_1144] : memref<10000x128xf32, #tpu.memory_space<vmem>>, vector<8x128xf32>
    %get3A_1146 = arith.index_cast %mul3A_1142 : i32 to index
    %get3A_1147 = arith.constant 0 : index
    %get3A_1148 = vector.load %arg4[%get3A_1146, %get3A_1147] : memref<10000x1xi32, #tpu.memory_space<vmem>>, vector<8x1xi32>
    %eq3A_1149 = arith.constant 19 : i32
    %eq3A_1150 = vector.broadcast %eq3A_1149 : i32 to vector<8x1xi32>
    %eq3A_1151 = arith.cmpi eq, %get3A_1148, %eq3A_1150 : vector<8x1xi32>
    %jit3A_1152 = arith.constant 0xFF800000 : f32
    %broadcast_in_dim3A_1153 = vector.shape_cast %eq3A_1151 : vector<8x1xi1> to vector<8x1xi1>
    %broadcast_in_dim3A_1154 = vector.broadcast %broadcast_in_dim3A_1153 : vector<8x1xi1> to vector<8x128xi1>
    %broadcast_in_dim3A_1155 = vector.broadcast %jit3A_1152 : f32 to vector<8x128xf32>
    %select_n3A_1156 = arith.select %broadcast_in_dim3A_1154, %get3A_1145, %broadcast_in_dim3A_1155 : vector<8x128xi1>, vector<8x128xf32>
    %reduce_max3A_1157 = arith.constant dense<0xFF800000> : vector<128xf32>
    %reduce_max3A_1158 = vector.multi_reduction <maximumf>, %select_n3A_1156, %reduce_max3A_1157 [0] : vector<8x128xf32> to vector<128xf32>
    %broadcast_in_dim3A_1159 = vector.shape_cast %reduce_max3A_1158 : vector<128xf32> to vector<1x128xf32>
    %max3A_1160 = arith.maximumf %broadcast_in_dim3A_1137, %broadcast_in_dim3A_1159 : vector<1x128xf32>
    %get3A_1161 = arith.constant 1 : index
    %get3A_1162 = arith.constant 19 : index
    %get3A_1163 = memref.load %arg6[%get3A_1161, %get3A_1162] : memref<2x32xi32, #tpu.memory_space<smem>>
    %mul3A_1164 = arith.constant 8 : i32
    %mul3A_1165 = arith.muli %get3A_1163, %mul3A_1164 : i32
    %get3A_1166 = arith.index_cast %mul3A_1165 : i32 to index
    %get3A_1167 = arith.constant 0 : index
    %get3A_1168 = vector.load %arg10[%get3A_1166, %get3A_1167] : memref<10000x128xf32, #tpu.memory_space<vmem>>, vector<8x128xf32>
    %get3A_1169 = arith.index_cast %mul3A_1165 : i32 to index
    %get3A_1170 = arith.constant 0 : index
    %get3A_1171 = vector.load %arg4[%get3A_1169, %get3A_1170] : memref<10000x1xi32, #tpu.memory_space<vmem>>, vector<8x1xi32>
    %eq3A_1172 = arith.constant 19 : i32
    %eq3A_1173 = vector.broadcast %eq3A_1172 : i32 to vector<8x1xi32>
    %eq3A_1174 = arith.cmpi eq, %get3A_1171, %eq3A_1173 : vector<8x1xi32>
    %jit3A_1175 = arith.constant 0xFF800000 : f32
    %broadcast_in_dim3A_1176 = vector.shape_cast %eq3A_1174 : vector<8x1xi1> to vector<8x1xi1>
    %broadcast_in_dim3A_1177 = vector.broadcast %broadcast_in_dim3A_1176 : vector<8x1xi1> to vector<8x128xi1>
    %broadcast_in_dim3A_1178 = vector.broadcast %jit3A_1175 : f32 to vector<8x128xf32>
    %select_n3A_1179 = arith.select %broadcast_in_dim3A_1177, %get3A_1168, %broadcast_in_dim3A_1178 : vector<8x128xi1>, vector<8x128xf32>
    %reduce_max3A_1180 = arith.constant dense<0xFF800000> : vector<128xf32>
    %reduce_max3A_1181 = vector.multi_reduction <maximumf>, %select_n3A_1179, %reduce_max3A_1180 [0] : vector<8x128xf32> to vector<128xf32>
    %broadcast_in_dim3A_1182 = vector.shape_cast %reduce_max3A_1181 : vector<128xf32> to vector<1x128xf32>
    %max3A_1183 = arith.maximumf %max3A_1160, %broadcast_in_dim3A_1182 : vector<1x128xf32>
    %eq3A_1184 = arith.constant 20 : i32
    %eq3A_1185 = vector.broadcast %eq3A_1184 : i32 to vector<1250x1xi32>
    %eq3A_1186 = arith.cmpi eq, %slice3A_26, %eq3A_1185 : vector<1250x1xi32>
    %and3A_1187 = arith.andi %eq3A, %eq3A_1186 : vector<1250x1xi1>
    %jit3A_1188 = arith.constant 0xFF800000 : f32
    %broadcast_in_dim3A_1189 = vector.shape_cast %and3A_1187 : vector<1250x1xi1> to vector<1250x1xi1>
    %broadcast_in_dim3A_1190 = vector.broadcast %broadcast_in_dim3A_1189 : vector<1250x1xi1> to vector<1250x128xi1>
    %broadcast_in_dim3A_1191 = vector.broadcast %jit3A_1188 : f32 to vector<1250x128xf32>
    %select_n3A_1192 = arith.select %broadcast_in_dim3A_1190, %reduce_max3A_22, %broadcast_in_dim3A_1191 : vector<1250x128xi1>, vector<1250x128xf32>
    %reduce_max3A_1193 = arith.constant dense<0xFF800000> : vector<128xf32>
    %reduce_max3A_1194 = vector.multi_reduction <maximumf>, %select_n3A_1192, %reduce_max3A_1193 [0] : vector<1250x128xf32> to vector<128xf32>
    %broadcast_in_dim3A_1195 = vector.shape_cast %reduce_max3A_1194 : vector<128xf32> to vector<1x128xf32>
    %get3A_1196 = arith.constant 0 : index
    %get3A_1197 = arith.constant 20 : index
    %get3A_1198 = memref.load %arg6[%get3A_1196, %get3A_1197] : memref<2x32xi32, #tpu.memory_space<smem>>
    %mul3A_1199 = arith.constant 8 : i32
    %mul3A_1200 = arith.muli %get3A_1198, %mul3A_1199 : i32
    %get3A_1201 = arith.index_cast %mul3A_1200 : i32 to index
    %get3A_1202 = arith.constant 0 : index
    %get3A_1203 = vector.load %arg10[%get3A_1201, %get3A_1202] : memref<10000x128xf32, #tpu.memory_space<vmem>>, vector<8x128xf32>
    %get3A_1204 = arith.index_cast %mul3A_1200 : i32 to index
    %get3A_1205 = arith.constant 0 : index
    %get3A_1206 = vector.load %arg4[%get3A_1204, %get3A_1205] : memref<10000x1xi32, #tpu.memory_space<vmem>>, vector<8x1xi32>
    %eq3A_1207 = arith.constant 20 : i32
    %eq3A_1208 = vector.broadcast %eq3A_1207 : i32 to vector<8x1xi32>
    %eq3A_1209 = arith.cmpi eq, %get3A_1206, %eq3A_1208 : vector<8x1xi32>
    %jit3A_1210 = arith.constant 0xFF800000 : f32
    %broadcast_in_dim3A_1211 = vector.shape_cast %eq3A_1209 : vector<8x1xi1> to vector<8x1xi1>
    %broadcast_in_dim3A_1212 = vector.broadcast %broadcast_in_dim3A_1211 : vector<8x1xi1> to vector<8x128xi1>
    %broadcast_in_dim3A_1213 = vector.broadcast %jit3A_1210 : f32 to vector<8x128xf32>
    %select_n3A_1214 = arith.select %broadcast_in_dim3A_1212, %get3A_1203, %broadcast_in_dim3A_1213 : vector<8x128xi1>, vector<8x128xf32>
    %reduce_max3A_1215 = arith.constant dense<0xFF800000> : vector<128xf32>
    %reduce_max3A_1216 = vector.multi_reduction <maximumf>, %select_n3A_1214, %reduce_max3A_1215 [0] : vector<8x128xf32> to vector<128xf32>
    %broadcast_in_dim3A_1217 = vector.shape_cast %reduce_max3A_1216 : vector<128xf32> to vector<1x128xf32>
    %max3A_1218 = arith.maximumf %broadcast_in_dim3A_1195, %broadcast_in_dim3A_1217 : vector<1x128xf32>
    %get3A_1219 = arith.constant 1 : index
    %get3A_1220 = arith.constant 20 : index
    %get3A_1221 = memref.load %arg6[%get3A_1219, %get3A_1220] : memref<2x32xi32, #tpu.memory_space<smem>>
    %mul3A_1222 = arith.constant 8 : i32
    %mul3A_1223 = arith.muli %get3A_1221, %mul3A_1222 : i32
    %get3A_1224 = arith.index_cast %mul3A_1223 : i32 to index
    %get3A_1225 = arith.constant 0 : index
    %get3A_1226 = vector.load %arg10[%get3A_1224, %get3A_1225] : memref<10000x128xf32, #tpu.memory_space<vmem>>, vector<8x128xf32>
    %get3A_1227 = arith.index_cast %mul3A_1223 : i32 to index
    %get3A_1228 = arith.constant 0 : index
    %get3A_1229 = vector.load %arg4[%get3A_1227, %get3A_1228] : memref<10000x1xi32, #tpu.memory_space<vmem>>, vector<8x1xi32>
    %eq3A_1230 = arith.constant 20 : i32
    %eq3A_1231 = vector.broadcast %eq3A_1230 : i32 to vector<8x1xi32>
    %eq3A_1232 = arith.cmpi eq, %get3A_1229, %eq3A_1231 : vector<8x1xi32>
    %jit3A_1233 = arith.constant 0xFF800000 : f32
    %broadcast_in_dim3A_1234 = vector.shape_cast %eq3A_1232 : vector<8x1xi1> to vector<8x1xi1>
    %broadcast_in_dim3A_1235 = vector.broadcast %broadcast_in_dim3A_1234 : vector<8x1xi1> to vector<8x128xi1>
    %broadcast_in_dim3A_1236 = vector.broadcast %jit3A_1233 : f32 to vector<8x128xf32>
    %select_n3A_1237 = arith.select %broadcast_in_dim3A_1235, %get3A_1226, %broadcast_in_dim3A_1236 : vector<8x128xi1>, vector<8x128xf32>
    %reduce_max3A_1238 = arith.constant dense<0xFF800000> : vector<128xf32>
    %reduce_max3A_1239 = vector.multi_reduction <maximumf>, %select_n3A_1237, %reduce_max3A_1238 [0] : vector<8x128xf32> to vector<128xf32>
    %broadcast_in_dim3A_1240 = vector.shape_cast %reduce_max3A_1239 : vector<128xf32> to vector<1x128xf32>
    %max3A_1241 = arith.maximumf %max3A_1218, %broadcast_in_dim3A_1240 : vector<1x128xf32>
    %eq3A_1242 = arith.constant 21 : i32
    %eq3A_1243 = vector.broadcast %eq3A_1242 : i32 to vector<1250x1xi32>
    %eq3A_1244 = arith.cmpi eq, %slice3A_26, %eq3A_1243 : vector<1250x1xi32>
    %and3A_1245 = arith.andi %eq3A, %eq3A_1244 : vector<1250x1xi1>
    %jit3A_1246 = arith.constant 0xFF800000 : f32
    %broadcast_in_dim3A_1247 = vector.shape_cast %and3A_1245 : vector<1250x1xi1> to vector<1250x1xi1>
    %broadcast_in_dim3A_1248 = vector.broadcast %broadcast_in_dim3A_1247 : vector<1250x1xi1> to vector<1250x128xi1>
    %broadcast_in_dim3A_1249 = vector.broadcast %jit3A_1246 : f32 to vector<1250x128xf32>
    %select_n3A_1250 = arith.select %broadcast_in_dim3A_1248, %reduce_max3A_22, %broadcast_in_dim3A_1249 : vector<1250x128xi1>, vector<1250x128xf32>
    %reduce_max3A_1251 = arith.constant dense<0xFF800000> : vector<128xf32>
    %reduce_max3A_1252 = vector.multi_reduction <maximumf>, %select_n3A_1250, %reduce_max3A_1251 [0] : vector<1250x128xf32> to vector<128xf32>
    %broadcast_in_dim3A_1253 = vector.shape_cast %reduce_max3A_1252 : vector<128xf32> to vector<1x128xf32>
    %get3A_1254 = arith.constant 0 : index
    %get3A_1255 = arith.constant 21 : index
    %get3A_1256 = memref.load %arg6[%get3A_1254, %get3A_1255] : memref<2x32xi32, #tpu.memory_space<smem>>
    %mul3A_1257 = arith.constant 8 : i32
    %mul3A_1258 = arith.muli %get3A_1256, %mul3A_1257 : i32
    %get3A_1259 = arith.index_cast %mul3A_1258 : i32 to index
    %get3A_1260 = arith.constant 0 : index
    %get3A_1261 = vector.load %arg10[%get3A_1259, %get3A_1260] : memref<10000x128xf32, #tpu.memory_space<vmem>>, vector<8x128xf32>
    %get3A_1262 = arith.index_cast %mul3A_1258 : i32 to index
    %get3A_1263 = arith.constant 0 : index
    %get3A_1264 = vector.load %arg4[%get3A_1262, %get3A_1263] : memref<10000x1xi32, #tpu.memory_space<vmem>>, vector<8x1xi32>
    %eq3A_1265 = arith.constant 21 : i32
    %eq3A_1266 = vector.broadcast %eq3A_1265 : i32 to vector<8x1xi32>
    %eq3A_1267 = arith.cmpi eq, %get3A_1264, %eq3A_1266 : vector<8x1xi32>
    %jit3A_1268 = arith.constant 0xFF800000 : f32
    %broadcast_in_dim3A_1269 = vector.shape_cast %eq3A_1267 : vector<8x1xi1> to vector<8x1xi1>
    %broadcast_in_dim3A_1270 = vector.broadcast %broadcast_in_dim3A_1269 : vector<8x1xi1> to vector<8x128xi1>
    %broadcast_in_dim3A_1271 = vector.broadcast %jit3A_1268 : f32 to vector<8x128xf32>
    %select_n3A_1272 = arith.select %broadcast_in_dim3A_1270, %get3A_1261, %broadcast_in_dim3A_1271 : vector<8x128xi1>, vector<8x128xf32>
    %reduce_max3A_1273 = arith.constant dense<0xFF800000> : vector<128xf32>
    %reduce_max3A_1274 = vector.multi_reduction <maximumf>, %select_n3A_1272, %reduce_max3A_1273 [0] : vector<8x128xf32> to vector<128xf32>
    %broadcast_in_dim3A_1275 = vector.shape_cast %reduce_max3A_1274 : vector<128xf32> to vector<1x128xf32>
    %max3A_1276 = arith.maximumf %broadcast_in_dim3A_1253, %broadcast_in_dim3A_1275 : vector<1x128xf32>
    %get3A_1277 = arith.constant 1 : index
    %get3A_1278 = arith.constant 21 : index
    %get3A_1279 = memref.load %arg6[%get3A_1277, %get3A_1278] : memref<2x32xi32, #tpu.memory_space<smem>>
    %mul3A_1280 = arith.constant 8 : i32
    %mul3A_1281 = arith.muli %get3A_1279, %mul3A_1280 : i32
    %get3A_1282 = arith.index_cast %mul3A_1281 : i32 to index
    %get3A_1283 = arith.constant 0 : index
    %get3A_1284 = vector.load %arg10[%get3A_1282, %get3A_1283] : memref<10000x128xf32, #tpu.memory_space<vmem>>, vector<8x128xf32>
    %get3A_1285 = arith.index_cast %mul3A_1281 : i32 to index
    %get3A_1286 = arith.constant 0 : index
    %get3A_1287 = vector.load %arg4[%get3A_1285, %get3A_1286] : memref<10000x1xi32, #tpu.memory_space<vmem>>, vector<8x1xi32>
    %eq3A_1288 = arith.constant 21 : i32
    %eq3A_1289 = vector.broadcast %eq3A_1288 : i32 to vector<8x1xi32>
    %eq3A_1290 = arith.cmpi eq, %get3A_1287, %eq3A_1289 : vector<8x1xi32>
    %jit3A_1291 = arith.constant 0xFF800000 : f32
    %broadcast_in_dim3A_1292 = vector.shape_cast %eq3A_1290 : vector<8x1xi1> to vector<8x1xi1>
    %broadcast_in_dim3A_1293 = vector.broadcast %broadcast_in_dim3A_1292 : vector<8x1xi1> to vector<8x128xi1>
    %broadcast_in_dim3A_1294 = vector.broadcast %jit3A_1291 : f32 to vector<8x128xf32>
    %select_n3A_1295 = arith.select %broadcast_in_dim3A_1293, %get3A_1284, %broadcast_in_dim3A_1294 : vector<8x128xi1>, vector<8x128xf32>
    %reduce_max3A_1296 = arith.constant dense<0xFF800000> : vector<128xf32>
    %reduce_max3A_1297 = vector.multi_reduction <maximumf>, %select_n3A_1295, %reduce_max3A_1296 [0] : vector<8x128xf32> to vector<128xf32>
    %broadcast_in_dim3A_1298 = vector.shape_cast %reduce_max3A_1297 : vector<128xf32> to vector<1x128xf32>
    %max3A_1299 = arith.maximumf %max3A_1276, %broadcast_in_dim3A_1298 : vector<1x128xf32>
    %eq3A_1300 = arith.constant 22 : i32
    %eq3A_1301 = vector.broadcast %eq3A_1300 : i32 to vector<1250x1xi32>
    %eq3A_1302 = arith.cmpi eq, %slice3A_26, %eq3A_1301 : vector<1250x1xi32>
    %and3A_1303 = arith.andi %eq3A, %eq3A_1302 : vector<1250x1xi1>
    %jit3A_1304 = arith.constant 0xFF800000 : f32
    %broadcast_in_dim3A_1305 = vector.shape_cast %and3A_1303 : vector<1250x1xi1> to vector<1250x1xi1>
    %broadcast_in_dim3A_1306 = vector.broadcast %broadcast_in_dim3A_1305 : vector<1250x1xi1> to vector<1250x128xi1>
    %broadcast_in_dim3A_1307 = vector.broadcast %jit3A_1304 : f32 to vector<1250x128xf32>
    %select_n3A_1308 = arith.select %broadcast_in_dim3A_1306, %reduce_max3A_22, %broadcast_in_dim3A_1307 : vector<1250x128xi1>, vector<1250x128xf32>
    %reduce_max3A_1309 = arith.constant dense<0xFF800000> : vector<128xf32>
    %reduce_max3A_1310 = vector.multi_reduction <maximumf>, %select_n3A_1308, %reduce_max3A_1309 [0] : vector<1250x128xf32> to vector<128xf32>
    %broadcast_in_dim3A_1311 = vector.shape_cast %reduce_max3A_1310 : vector<128xf32> to vector<1x128xf32>
    %get3A_1312 = arith.constant 0 : index
    %get3A_1313 = arith.constant 22 : index
    %get3A_1314 = memref.load %arg6[%get3A_1312, %get3A_1313] : memref<2x32xi32, #tpu.memory_space<smem>>
    %mul3A_1315 = arith.constant 8 : i32
    %mul3A_1316 = arith.muli %get3A_1314, %mul3A_1315 : i32
    %get3A_1317 = arith.index_cast %mul3A_1316 : i32 to index
    %get3A_1318 = arith.constant 0 : index
    %get3A_1319 = vector.load %arg10[%get3A_1317, %get3A_1318] : memref<10000x128xf32, #tpu.memory_space<vmem>>, vector<8x128xf32>
    %get3A_1320 = arith.index_cast %mul3A_1316 : i32 to index
    %get3A_1321 = arith.constant 0 : index
    %get3A_1322 = vector.load %arg4[%get3A_1320, %get3A_1321] : memref<10000x1xi32, #tpu.memory_space<vmem>>, vector<8x1xi32>
    %eq3A_1323 = arith.constant 22 : i32
    %eq3A_1324 = vector.broadcast %eq3A_1323 : i32 to vector<8x1xi32>
    %eq3A_1325 = arith.cmpi eq, %get3A_1322, %eq3A_1324 : vector<8x1xi32>
    %jit3A_1326 = arith.constant 0xFF800000 : f32
    %broadcast_in_dim3A_1327 = vector.shape_cast %eq3A_1325 : vector<8x1xi1> to vector<8x1xi1>
    %broadcast_in_dim3A_1328 = vector.broadcast %broadcast_in_dim3A_1327 : vector<8x1xi1> to vector<8x128xi1>
    %broadcast_in_dim3A_1329 = vector.broadcast %jit3A_1326 : f32 to vector<8x128xf32>
    %select_n3A_1330 = arith.select %broadcast_in_dim3A_1328, %get3A_1319, %broadcast_in_dim3A_1329 : vector<8x128xi1>, vector<8x128xf32>
    %reduce_max3A_1331 = arith.constant dense<0xFF800000> : vector<128xf32>
    %reduce_max3A_1332 = vector.multi_reduction <maximumf>, %select_n3A_1330, %reduce_max3A_1331 [0] : vector<8x128xf32> to vector<128xf32>
    %broadcast_in_dim3A_1333 = vector.shape_cast %reduce_max3A_1332 : vector<128xf32> to vector<1x128xf32>
    %max3A_1334 = arith.maximumf %broadcast_in_dim3A_1311, %broadcast_in_dim3A_1333 : vector<1x128xf32>
    %get3A_1335 = arith.constant 1 : index
    %get3A_1336 = arith.constant 22 : index
    %get3A_1337 = memref.load %arg6[%get3A_1335, %get3A_1336] : memref<2x32xi32, #tpu.memory_space<smem>>
    %mul3A_1338 = arith.constant 8 : i32
    %mul3A_1339 = arith.muli %get3A_1337, %mul3A_1338 : i32
    %get3A_1340 = arith.index_cast %mul3A_1339 : i32 to index
    %get3A_1341 = arith.constant 0 : index
    %get3A_1342 = vector.load %arg10[%get3A_1340, %get3A_1341] : memref<10000x128xf32, #tpu.memory_space<vmem>>, vector<8x128xf32>
    %get3A_1343 = arith.index_cast %mul3A_1339 : i32 to index
    %get3A_1344 = arith.constant 0 : index
    %get3A_1345 = vector.load %arg4[%get3A_1343, %get3A_1344] : memref<10000x1xi32, #tpu.memory_space<vmem>>, vector<8x1xi32>
    %eq3A_1346 = arith.constant 22 : i32
    %eq3A_1347 = vector.broadcast %eq3A_1346 : i32 to vector<8x1xi32>
    %eq3A_1348 = arith.cmpi eq, %get3A_1345, %eq3A_1347 : vector<8x1xi32>
    %jit3A_1349 = arith.constant 0xFF800000 : f32
    %broadcast_in_dim3A_1350 = vector.shape_cast %eq3A_1348 : vector<8x1xi1> to vector<8x1xi1>
    %broadcast_in_dim3A_1351 = vector.broadcast %broadcast_in_dim3A_1350 : vector<8x1xi1> to vector<8x128xi1>
    %broadcast_in_dim3A_1352 = vector.broadcast %jit3A_1349 : f32 to vector<8x128xf32>
    %select_n3A_1353 = arith.select %broadcast_in_dim3A_1351, %get3A_1342, %broadcast_in_dim3A_1352 : vector<8x128xi1>, vector<8x128xf32>
    %reduce_max3A_1354 = arith.constant dense<0xFF800000> : vector<128xf32>
    %reduce_max3A_1355 = vector.multi_reduction <maximumf>, %select_n3A_1353, %reduce_max3A_1354 [0] : vector<8x128xf32> to vector<128xf32>
    %broadcast_in_dim3A_1356 = vector.shape_cast %reduce_max3A_1355 : vector<128xf32> to vector<1x128xf32>
    %max3A_1357 = arith.maximumf %max3A_1334, %broadcast_in_dim3A_1356 : vector<1x128xf32>
    %eq3A_1358 = arith.constant 23 : i32
    %eq3A_1359 = vector.broadcast %eq3A_1358 : i32 to vector<1250x1xi32>
    %eq3A_1360 = arith.cmpi eq, %slice3A_26, %eq3A_1359 : vector<1250x1xi32>
    %and3A_1361 = arith.andi %eq3A, %eq3A_1360 : vector<1250x1xi1>
    %jit3A_1362 = arith.constant 0xFF800000 : f32
    %broadcast_in_dim3A_1363 = vector.shape_cast %and3A_1361 : vector<1250x1xi1> to vector<1250x1xi1>
    %broadcast_in_dim3A_1364 = vector.broadcast %broadcast_in_dim3A_1363 : vector<1250x1xi1> to vector<1250x128xi1>
    %broadcast_in_dim3A_1365 = vector.broadcast %jit3A_1362 : f32 to vector<1250x128xf32>
    %select_n3A_1366 = arith.select %broadcast_in_dim3A_1364, %reduce_max3A_22, %broadcast_in_dim3A_1365 : vector<1250x128xi1>, vector<1250x128xf32>
    %reduce_max3A_1367 = arith.constant dense<0xFF800000> : vector<128xf32>
    %reduce_max3A_1368 = vector.multi_reduction <maximumf>, %select_n3A_1366, %reduce_max3A_1367 [0] : vector<1250x128xf32> to vector<128xf32>
    %broadcast_in_dim3A_1369 = vector.shape_cast %reduce_max3A_1368 : vector<128xf32> to vector<1x128xf32>
    %get3A_1370 = arith.constant 0 : index
    %get3A_1371 = arith.constant 23 : index
    %get3A_1372 = memref.load %arg6[%get3A_1370, %get3A_1371] : memref<2x32xi32, #tpu.memory_space<smem>>
    %mul3A_1373 = arith.constant 8 : i32
    %mul3A_1374 = arith.muli %get3A_1372, %mul3A_1373 : i32
    %get3A_1375 = arith.index_cast %mul3A_1374 : i32 to index
    %get3A_1376 = arith.constant 0 : index
    %get3A_1377 = vector.load %arg10[%get3A_1375, %get3A_1376] : memref<10000x128xf32, #tpu.memory_space<vmem>>, vector<8x128xf32>
    %get3A_1378 = arith.index_cast %mul3A_1374 : i32 to index
    %get3A_1379 = arith.constant 0 : index
    %get3A_1380 = vector.load %arg4[%get3A_1378, %get3A_1379] : memref<10000x1xi32, #tpu.memory_space<vmem>>, vector<8x1xi32>
    %eq3A_1381 = arith.constant 23 : i32
    %eq3A_1382 = vector.broadcast %eq3A_1381 : i32 to vector<8x1xi32>
    %eq3A_1383 = arith.cmpi eq, %get3A_1380, %eq3A_1382 : vector<8x1xi32>
    %jit3A_1384 = arith.constant 0xFF800000 : f32
    %broadcast_in_dim3A_1385 = vector.shape_cast %eq3A_1383 : vector<8x1xi1> to vector<8x1xi1>
    %broadcast_in_dim3A_1386 = vector.broadcast %broadcast_in_dim3A_1385 : vector<8x1xi1> to vector<8x128xi1>
    %broadcast_in_dim3A_1387 = vector.broadcast %jit3A_1384 : f32 to vector<8x128xf32>
    %select_n3A_1388 = arith.select %broadcast_in_dim3A_1386, %get3A_1377, %broadcast_in_dim3A_1387 : vector<8x128xi1>, vector<8x128xf32>
    %reduce_max3A_1389 = arith.constant dense<0xFF800000> : vector<128xf32>
    %reduce_max3A_1390 = vector.multi_reduction <maximumf>, %select_n3A_1388, %reduce_max3A_1389 [0] : vector<8x128xf32> to vector<128xf32>
    %broadcast_in_dim3A_1391 = vector.shape_cast %reduce_max3A_1390 : vector<128xf32> to vector<1x128xf32>
    %max3A_1392 = arith.maximumf %broadcast_in_dim3A_1369, %broadcast_in_dim3A_1391 : vector<1x128xf32>
    %get3A_1393 = arith.constant 1 : index
    %get3A_1394 = arith.constant 23 : index
    %get3A_1395 = memref.load %arg6[%get3A_1393, %get3A_1394] : memref<2x32xi32, #tpu.memory_space<smem>>
    %mul3A_1396 = arith.constant 8 : i32
    %mul3A_1397 = arith.muli %get3A_1395, %mul3A_1396 : i32
    %get3A_1398 = arith.index_cast %mul3A_1397 : i32 to index
    %get3A_1399 = arith.constant 0 : index
    %get3A_1400 = vector.load %arg10[%get3A_1398, %get3A_1399] : memref<10000x128xf32, #tpu.memory_space<vmem>>, vector<8x128xf32>
    %get3A_1401 = arith.index_cast %mul3A_1397 : i32 to index
    %get3A_1402 = arith.constant 0 : index
    %get3A_1403 = vector.load %arg4[%get3A_1401, %get3A_1402] : memref<10000x1xi32, #tpu.memory_space<vmem>>, vector<8x1xi32>
    %eq3A_1404 = arith.constant 23 : i32
    %eq3A_1405 = vector.broadcast %eq3A_1404 : i32 to vector<8x1xi32>
    %eq3A_1406 = arith.cmpi eq, %get3A_1403, %eq3A_1405 : vector<8x1xi32>
    %jit3A_1407 = arith.constant 0xFF800000 : f32
    %broadcast_in_dim3A_1408 = vector.shape_cast %eq3A_1406 : vector<8x1xi1> to vector<8x1xi1>
    %broadcast_in_dim3A_1409 = vector.broadcast %broadcast_in_dim3A_1408 : vector<8x1xi1> to vector<8x128xi1>
    %broadcast_in_dim3A_1410 = vector.broadcast %jit3A_1407 : f32 to vector<8x128xf32>
    %select_n3A_1411 = arith.select %broadcast_in_dim3A_1409, %get3A_1400, %broadcast_in_dim3A_1410 : vector<8x128xi1>, vector<8x128xf32>
    %reduce_max3A_1412 = arith.constant dense<0xFF800000> : vector<128xf32>
    %reduce_max3A_1413 = vector.multi_reduction <maximumf>, %select_n3A_1411, %reduce_max3A_1412 [0] : vector<8x128xf32> to vector<128xf32>
    %broadcast_in_dim3A_1414 = vector.shape_cast %reduce_max3A_1413 : vector<128xf32> to vector<1x128xf32>
    %max3A_1415 = arith.maximumf %max3A_1392, %broadcast_in_dim3A_1414 : vector<1x128xf32>
    %eq3A_1416 = arith.constant 24 : i32
    %eq3A_1417 = vector.broadcast %eq3A_1416 : i32 to vector<1250x1xi32>
    %eq3A_1418 = arith.cmpi eq, %slice3A_26, %eq3A_1417 : vector<1250x1xi32>
    %and3A_1419 = arith.andi %eq3A, %eq3A_1418 : vector<1250x1xi1>
    %jit3A_1420 = arith.constant 0xFF800000 : f32
    %broadcast_in_dim3A_1421 = vector.shape_cast %and3A_1419 : vector<1250x1xi1> to vector<1250x1xi1>
    %broadcast_in_dim3A_1422 = vector.broadcast %broadcast_in_dim3A_1421 : vector<1250x1xi1> to vector<1250x128xi1>
    %broadcast_in_dim3A_1423 = vector.broadcast %jit3A_1420 : f32 to vector<1250x128xf32>
    %select_n3A_1424 = arith.select %broadcast_in_dim3A_1422, %reduce_max3A_22, %broadcast_in_dim3A_1423 : vector<1250x128xi1>, vector<1250x128xf32>
    %reduce_max3A_1425 = arith.constant dense<0xFF800000> : vector<128xf32>
    %reduce_max3A_1426 = vector.multi_reduction <maximumf>, %select_n3A_1424, %reduce_max3A_1425 [0] : vector<1250x128xf32> to vector<128xf32>
    %broadcast_in_dim3A_1427 = vector.shape_cast %reduce_max3A_1426 : vector<128xf32> to vector<1x128xf32>
    %get3A_1428 = arith.constant 0 : index
    %get3A_1429 = arith.constant 24 : index
    %get3A_1430 = memref.load %arg6[%get3A_1428, %get3A_1429] : memref<2x32xi32, #tpu.memory_space<smem>>
    %mul3A_1431 = arith.constant 8 : i32
    %mul3A_1432 = arith.muli %get3A_1430, %mul3A_1431 : i32
    %get3A_1433 = arith.index_cast %mul3A_1432 : i32 to index
    %get3A_1434 = arith.constant 0 : index
    %get3A_1435 = vector.load %arg10[%get3A_1433, %get3A_1434] : memref<10000x128xf32, #tpu.memory_space<vmem>>, vector<8x128xf32>
    %get3A_1436 = arith.index_cast %mul3A_1432 : i32 to index
    %get3A_1437 = arith.constant 0 : index
    %get3A_1438 = vector.load %arg4[%get3A_1436, %get3A_1437] : memref<10000x1xi32, #tpu.memory_space<vmem>>, vector<8x1xi32>
    %eq3A_1439 = arith.constant 24 : i32
    %eq3A_1440 = vector.broadcast %eq3A_1439 : i32 to vector<8x1xi32>
    %eq3A_1441 = arith.cmpi eq, %get3A_1438, %eq3A_1440 : vector<8x1xi32>
    %jit3A_1442 = arith.constant 0xFF800000 : f32
    %broadcast_in_dim3A_1443 = vector.shape_cast %eq3A_1441 : vector<8x1xi1> to vector<8x1xi1>
    %broadcast_in_dim3A_1444 = vector.broadcast %broadcast_in_dim3A_1443 : vector<8x1xi1> to vector<8x128xi1>
    %broadcast_in_dim3A_1445 = vector.broadcast %jit3A_1442 : f32 to vector<8x128xf32>
    %select_n3A_1446 = arith.select %broadcast_in_dim3A_1444, %get3A_1435, %broadcast_in_dim3A_1445 : vector<8x128xi1>, vector<8x128xf32>
    %reduce_max3A_1447 = arith.constant dense<0xFF800000> : vector<128xf32>
    %reduce_max3A_1448 = vector.multi_reduction <maximumf>, %select_n3A_1446, %reduce_max3A_1447 [0] : vector<8x128xf32> to vector<128xf32>
    %broadcast_in_dim3A_1449 = vector.shape_cast %reduce_max3A_1448 : vector<128xf32> to vector<1x128xf32>
    %max3A_1450 = arith.maximumf %broadcast_in_dim3A_1427, %broadcast_in_dim3A_1449 : vector<1x128xf32>
    %get3A_1451 = arith.constant 1 : index
    %get3A_1452 = arith.constant 24 : index
    %get3A_1453 = memref.load %arg6[%get3A_1451, %get3A_1452] : memref<2x32xi32, #tpu.memory_space<smem>>
    %mul3A_1454 = arith.constant 8 : i32
    %mul3A_1455 = arith.muli %get3A_1453, %mul3A_1454 : i32
    %get3A_1456 = arith.index_cast %mul3A_1455 : i32 to index
    %get3A_1457 = arith.constant 0 : index
    %get3A_1458 = vector.load %arg10[%get3A_1456, %get3A_1457] : memref<10000x128xf32, #tpu.memory_space<vmem>>, vector<8x128xf32>
    %get3A_1459 = arith.index_cast %mul3A_1455 : i32 to index
    %get3A_1460 = arith.constant 0 : index
    %get3A_1461 = vector.load %arg4[%get3A_1459, %get3A_1460] : memref<10000x1xi32, #tpu.memory_space<vmem>>, vector<8x1xi32>
    %eq3A_1462 = arith.constant 24 : i32
    %eq3A_1463 = vector.broadcast %eq3A_1462 : i32 to vector<8x1xi32>
    %eq3A_1464 = arith.cmpi eq, %get3A_1461, %eq3A_1463 : vector<8x1xi32>
    %jit3A_1465 = arith.constant 0xFF800000 : f32
    %broadcast_in_dim3A_1466 = vector.shape_cast %eq3A_1464 : vector<8x1xi1> to vector<8x1xi1>
    %broadcast_in_dim3A_1467 = vector.broadcast %broadcast_in_dim3A_1466 : vector<8x1xi1> to vector<8x128xi1>
    %broadcast_in_dim3A_1468 = vector.broadcast %jit3A_1465 : f32 to vector<8x128xf32>
    %select_n3A_1469 = arith.select %broadcast_in_dim3A_1467, %get3A_1458, %broadcast_in_dim3A_1468 : vector<8x128xi1>, vector<8x128xf32>
    %reduce_max3A_1470 = arith.constant dense<0xFF800000> : vector<128xf32>
    %reduce_max3A_1471 = vector.multi_reduction <maximumf>, %select_n3A_1469, %reduce_max3A_1470 [0] : vector<8x128xf32> to vector<128xf32>
    %broadcast_in_dim3A_1472 = vector.shape_cast %reduce_max3A_1471 : vector<128xf32> to vector<1x128xf32>
    %max3A_1473 = arith.maximumf %max3A_1450, %broadcast_in_dim3A_1472 : vector<1x128xf32>
    %eq3A_1474 = arith.constant 25 : i32
    %eq3A_1475 = vector.broadcast %eq3A_1474 : i32 to vector<1250x1xi32>
    %eq3A_1476 = arith.cmpi eq, %slice3A_26, %eq3A_1475 : vector<1250x1xi32>
    %and3A_1477 = arith.andi %eq3A, %eq3A_1476 : vector<1250x1xi1>
    %jit3A_1478 = arith.constant 0xFF800000 : f32
    %broadcast_in_dim3A_1479 = vector.shape_cast %and3A_1477 : vector<1250x1xi1> to vector<1250x1xi1>
    %broadcast_in_dim3A_1480 = vector.broadcast %broadcast_in_dim3A_1479 : vector<1250x1xi1> to vector<1250x128xi1>
    %broadcast_in_dim3A_1481 = vector.broadcast %jit3A_1478 : f32 to vector<1250x128xf32>
    %select_n3A_1482 = arith.select %broadcast_in_dim3A_1480, %reduce_max3A_22, %broadcast_in_dim3A_1481 : vector<1250x128xi1>, vector<1250x128xf32>
    %reduce_max3A_1483 = arith.constant dense<0xFF800000> : vector<128xf32>
    %reduce_max3A_1484 = vector.multi_reduction <maximumf>, %select_n3A_1482, %reduce_max3A_1483 [0] : vector<1250x128xf32> to vector<128xf32>
    %broadcast_in_dim3A_1485 = vector.shape_cast %reduce_max3A_1484 : vector<128xf32> to vector<1x128xf32>
    %get3A_1486 = arith.constant 0 : index
    %get3A_1487 = arith.constant 25 : index
    %get3A_1488 = memref.load %arg6[%get3A_1486, %get3A_1487] : memref<2x32xi32, #tpu.memory_space<smem>>
    %mul3A_1489 = arith.constant 8 : i32
    %mul3A_1490 = arith.muli %get3A_1488, %mul3A_1489 : i32
    %get3A_1491 = arith.index_cast %mul3A_1490 : i32 to index
    %get3A_1492 = arith.constant 0 : index
    %get3A_1493 = vector.load %arg10[%get3A_1491, %get3A_1492] : memref<10000x128xf32, #tpu.memory_space<vmem>>, vector<8x128xf32>
    %get3A_1494 = arith.index_cast %mul3A_1490 : i32 to index
    %get3A_1495 = arith.constant 0 : index
    %get3A_1496 = vector.load %arg4[%get3A_1494, %get3A_1495] : memref<10000x1xi32, #tpu.memory_space<vmem>>, vector<8x1xi32>
    %eq3A_1497 = arith.constant 25 : i32
    %eq3A_1498 = vector.broadcast %eq3A_1497 : i32 to vector<8x1xi32>
    %eq3A_1499 = arith.cmpi eq, %get3A_1496, %eq3A_1498 : vector<8x1xi32>
    %jit3A_1500 = arith.constant 0xFF800000 : f32
    %broadcast_in_dim3A_1501 = vector.shape_cast %eq3A_1499 : vector<8x1xi1> to vector<8x1xi1>
    %broadcast_in_dim3A_1502 = vector.broadcast %broadcast_in_dim3A_1501 : vector<8x1xi1> to vector<8x128xi1>
    %broadcast_in_dim3A_1503 = vector.broadcast %jit3A_1500 : f32 to vector<8x128xf32>
    %select_n3A_1504 = arith.select %broadcast_in_dim3A_1502, %get3A_1493, %broadcast_in_dim3A_1503 : vector<8x128xi1>, vector<8x128xf32>
    %reduce_max3A_1505 = arith.constant dense<0xFF800000> : vector<128xf32>
    %reduce_max3A_1506 = vector.multi_reduction <maximumf>, %select_n3A_1504, %reduce_max3A_1505 [0] : vector<8x128xf32> to vector<128xf32>
    %broadcast_in_dim3A_1507 = vector.shape_cast %reduce_max3A_1506 : vector<128xf32> to vector<1x128xf32>
    %max3A_1508 = arith.maximumf %broadcast_in_dim3A_1485, %broadcast_in_dim3A_1507 : vector<1x128xf32>
    %get3A_1509 = arith.constant 1 : index
    %get3A_1510 = arith.constant 25 : index
    %get3A_1511 = memref.load %arg6[%get3A_1509, %get3A_1510] : memref<2x32xi32, #tpu.memory_space<smem>>
    %mul3A_1512 = arith.constant 8 : i32
    %mul3A_1513 = arith.muli %get3A_1511, %mul3A_1512 : i32
    %get3A_1514 = arith.index_cast %mul3A_1513 : i32 to index
    %get3A_1515 = arith.constant 0 : index
    %get3A_1516 = vector.load %arg10[%get3A_1514, %get3A_1515] : memref<10000x128xf32, #tpu.memory_space<vmem>>, vector<8x128xf32>
    %get3A_1517 = arith.index_cast %mul3A_1513 : i32 to index
    %get3A_1518 = arith.constant 0 : index
    %get3A_1519 = vector.load %arg4[%get3A_1517, %get3A_1518] : memref<10000x1xi32, #tpu.memory_space<vmem>>, vector<8x1xi32>
    %eq3A_1520 = arith.constant 25 : i32
    %eq3A_1521 = vector.broadcast %eq3A_1520 : i32 to vector<8x1xi32>
    %eq3A_1522 = arith.cmpi eq, %get3A_1519, %eq3A_1521 : vector<8x1xi32>
    %jit3A_1523 = arith.constant 0xFF800000 : f32
    %broadcast_in_dim3A_1524 = vector.shape_cast %eq3A_1522 : vector<8x1xi1> to vector<8x1xi1>
    %broadcast_in_dim3A_1525 = vector.broadcast %broadcast_in_dim3A_1524 : vector<8x1xi1> to vector<8x128xi1>
    %broadcast_in_dim3A_1526 = vector.broadcast %jit3A_1523 : f32 to vector<8x128xf32>
    %select_n3A_1527 = arith.select %broadcast_in_dim3A_1525, %get3A_1516, %broadcast_in_dim3A_1526 : vector<8x128xi1>, vector<8x128xf32>
    %reduce_max3A_1528 = arith.constant dense<0xFF800000> : vector<128xf32>
    %reduce_max3A_1529 = vector.multi_reduction <maximumf>, %select_n3A_1527, %reduce_max3A_1528 [0] : vector<8x128xf32> to vector<128xf32>
    %broadcast_in_dim3A_1530 = vector.shape_cast %reduce_max3A_1529 : vector<128xf32> to vector<1x128xf32>
    %max3A_1531 = arith.maximumf %max3A_1508, %broadcast_in_dim3A_1530 : vector<1x128xf32>
    %eq3A_1532 = arith.constant 26 : i32
    %eq3A_1533 = vector.broadcast %eq3A_1532 : i32 to vector<1250x1xi32>
    %eq3A_1534 = arith.cmpi eq, %slice3A_26, %eq3A_1533 : vector<1250x1xi32>
    %and3A_1535 = arith.andi %eq3A, %eq3A_1534 : vector<1250x1xi1>
    %jit3A_1536 = arith.constant 0xFF800000 : f32
    %broadcast_in_dim3A_1537 = vector.shape_cast %and3A_1535 : vector<1250x1xi1> to vector<1250x1xi1>
    %broadcast_in_dim3A_1538 = vector.broadcast %broadcast_in_dim3A_1537 : vector<1250x1xi1> to vector<1250x128xi1>
    %broadcast_in_dim3A_1539 = vector.broadcast %jit3A_1536 : f32 to vector<1250x128xf32>
    %select_n3A_1540 = arith.select %broadcast_in_dim3A_1538, %reduce_max3A_22, %broadcast_in_dim3A_1539 : vector<1250x128xi1>, vector<1250x128xf32>
    %reduce_max3A_1541 = arith.constant dense<0xFF800000> : vector<128xf32>
    %reduce_max3A_1542 = vector.multi_reduction <maximumf>, %select_n3A_1540, %reduce_max3A_1541 [0] : vector<1250x128xf32> to vector<128xf32>
    %broadcast_in_dim3A_1543 = vector.shape_cast %reduce_max3A_1542 : vector<128xf32> to vector<1x128xf32>
    %get3A_1544 = arith.constant 0 : index
    %get3A_1545 = arith.constant 26 : index
    %get3A_1546 = memref.load %arg6[%get3A_1544, %get3A_1545] : memref<2x32xi32, #tpu.memory_space<smem>>
    %mul3A_1547 = arith.constant 8 : i32
    %mul3A_1548 = arith.muli %get3A_1546, %mul3A_1547 : i32
    %get3A_1549 = arith.index_cast %mul3A_1548 : i32 to index
    %get3A_1550 = arith.constant 0 : index
    %get3A_1551 = vector.load %arg10[%get3A_1549, %get3A_1550] : memref<10000x128xf32, #tpu.memory_space<vmem>>, vector<8x128xf32>
    %get3A_1552 = arith.index_cast %mul3A_1548 : i32 to index
    %get3A_1553 = arith.constant 0 : index
    %get3A_1554 = vector.load %arg4[%get3A_1552, %get3A_1553] : memref<10000x1xi32, #tpu.memory_space<vmem>>, vector<8x1xi32>
    %eq3A_1555 = arith.constant 26 : i32
    %eq3A_1556 = vector.broadcast %eq3A_1555 : i32 to vector<8x1xi32>
    %eq3A_1557 = arith.cmpi eq, %get3A_1554, %eq3A_1556 : vector<8x1xi32>
    %jit3A_1558 = arith.constant 0xFF800000 : f32
    %broadcast_in_dim3A_1559 = vector.shape_cast %eq3A_1557 : vector<8x1xi1> to vector<8x1xi1>
    %broadcast_in_dim3A_1560 = vector.broadcast %broadcast_in_dim3A_1559 : vector<8x1xi1> to vector<8x128xi1>
    %broadcast_in_dim3A_1561 = vector.broadcast %jit3A_1558 : f32 to vector<8x128xf32>
    %select_n3A_1562 = arith.select %broadcast_in_dim3A_1560, %get3A_1551, %broadcast_in_dim3A_1561 : vector<8x128xi1>, vector<8x128xf32>
    %reduce_max3A_1563 = arith.constant dense<0xFF800000> : vector<128xf32>
    %reduce_max3A_1564 = vector.multi_reduction <maximumf>, %select_n3A_1562, %reduce_max3A_1563 [0] : vector<8x128xf32> to vector<128xf32>
    %broadcast_in_dim3A_1565 = vector.shape_cast %reduce_max3A_1564 : vector<128xf32> to vector<1x128xf32>
    %max3A_1566 = arith.maximumf %broadcast_in_dim3A_1543, %broadcast_in_dim3A_1565 : vector<1x128xf32>
    %get3A_1567 = arith.constant 1 : index
    %get3A_1568 = arith.constant 26 : index
    %get3A_1569 = memref.load %arg6[%get3A_1567, %get3A_1568] : memref<2x32xi32, #tpu.memory_space<smem>>
    %mul3A_1570 = arith.constant 8 : i32
    %mul3A_1571 = arith.muli %get3A_1569, %mul3A_1570 : i32
    %get3A_1572 = arith.index_cast %mul3A_1571 : i32 to index
    %get3A_1573 = arith.constant 0 : index
    %get3A_1574 = vector.load %arg10[%get3A_1572, %get3A_1573] : memref<10000x128xf32, #tpu.memory_space<vmem>>, vector<8x128xf32>
    %get3A_1575 = arith.index_cast %mul3A_1571 : i32 to index
    %get3A_1576 = arith.constant 0 : index
    %get3A_1577 = vector.load %arg4[%get3A_1575, %get3A_1576] : memref<10000x1xi32, #tpu.memory_space<vmem>>, vector<8x1xi32>
    %eq3A_1578 = arith.constant 26 : i32
    %eq3A_1579 = vector.broadcast %eq3A_1578 : i32 to vector<8x1xi32>
    %eq3A_1580 = arith.cmpi eq, %get3A_1577, %eq3A_1579 : vector<8x1xi32>
    %jit3A_1581 = arith.constant 0xFF800000 : f32
    %broadcast_in_dim3A_1582 = vector.shape_cast %eq3A_1580 : vector<8x1xi1> to vector<8x1xi1>
    %broadcast_in_dim3A_1583 = vector.broadcast %broadcast_in_dim3A_1582 : vector<8x1xi1> to vector<8x128xi1>
    %broadcast_in_dim3A_1584 = vector.broadcast %jit3A_1581 : f32 to vector<8x128xf32>
    %select_n3A_1585 = arith.select %broadcast_in_dim3A_1583, %get3A_1574, %broadcast_in_dim3A_1584 : vector<8x128xi1>, vector<8x128xf32>
    %reduce_max3A_1586 = arith.constant dense<0xFF800000> : vector<128xf32>
    %reduce_max3A_1587 = vector.multi_reduction <maximumf>, %select_n3A_1585, %reduce_max3A_1586 [0] : vector<8x128xf32> to vector<128xf32>
    %broadcast_in_dim3A_1588 = vector.shape_cast %reduce_max3A_1587 : vector<128xf32> to vector<1x128xf32>
    %max3A_1589 = arith.maximumf %max3A_1566, %broadcast_in_dim3A_1588 : vector<1x128xf32>
    %eq3A_1590 = arith.constant 27 : i32
    %eq3A_1591 = vector.broadcast %eq3A_1590 : i32 to vector<1250x1xi32>
    %eq3A_1592 = arith.cmpi eq, %slice3A_26, %eq3A_1591 : vector<1250x1xi32>
    %and3A_1593 = arith.andi %eq3A, %eq3A_1592 : vector<1250x1xi1>
    %jit3A_1594 = arith.constant 0xFF800000 : f32
    %broadcast_in_dim3A_1595 = vector.shape_cast %and3A_1593 : vector<1250x1xi1> to vector<1250x1xi1>
    %broadcast_in_dim3A_1596 = vector.broadcast %broadcast_in_dim3A_1595 : vector<1250x1xi1> to vector<1250x128xi1>
    %broadcast_in_dim3A_1597 = vector.broadcast %jit3A_1594 : f32 to vector<1250x128xf32>
    %select_n3A_1598 = arith.select %broadcast_in_dim3A_1596, %reduce_max3A_22, %broadcast_in_dim3A_1597 : vector<1250x128xi1>, vector<1250x128xf32>
    %reduce_max3A_1599 = arith.constant dense<0xFF800000> : vector<128xf32>
    %reduce_max3A_1600 = vector.multi_reduction <maximumf>, %select_n3A_1598, %reduce_max3A_1599 [0] : vector<1250x128xf32> to vector<128xf32>
    %broadcast_in_dim3A_1601 = vector.shape_cast %reduce_max3A_1600 : vector<128xf32> to vector<1x128xf32>
    %get3A_1602 = arith.constant 0 : index
    %get3A_1603 = arith.constant 27 : index
    %get3A_1604 = memref.load %arg6[%get3A_1602, %get3A_1603] : memref<2x32xi32, #tpu.memory_space<smem>>
    %mul3A_1605 = arith.constant 8 : i32
    %mul3A_1606 = arith.muli %get3A_1604, %mul3A_1605 : i32
    %get3A_1607 = arith.index_cast %mul3A_1606 : i32 to index
    %get3A_1608 = arith.constant 0 : index
    %get3A_1609 = vector.load %arg10[%get3A_1607, %get3A_1608] : memref<10000x128xf32, #tpu.memory_space<vmem>>, vector<8x128xf32>
    %get3A_1610 = arith.index_cast %mul3A_1606 : i32 to index
    %get3A_1611 = arith.constant 0 : index
    %get3A_1612 = vector.load %arg4[%get3A_1610, %get3A_1611] : memref<10000x1xi32, #tpu.memory_space<vmem>>, vector<8x1xi32>
    %eq3A_1613 = arith.constant 27 : i32
    %eq3A_1614 = vector.broadcast %eq3A_1613 : i32 to vector<8x1xi32>
    %eq3A_1615 = arith.cmpi eq, %get3A_1612, %eq3A_1614 : vector<8x1xi32>
    %jit3A_1616 = arith.constant 0xFF800000 : f32
    %broadcast_in_dim3A_1617 = vector.shape_cast %eq3A_1615 : vector<8x1xi1> to vector<8x1xi1>
    %broadcast_in_dim3A_1618 = vector.broadcast %broadcast_in_dim3A_1617 : vector<8x1xi1> to vector<8x128xi1>
    %broadcast_in_dim3A_1619 = vector.broadcast %jit3A_1616 : f32 to vector<8x128xf32>
    %select_n3A_1620 = arith.select %broadcast_in_dim3A_1618, %get3A_1609, %broadcast_in_dim3A_1619 : vector<8x128xi1>, vector<8x128xf32>
    %reduce_max3A_1621 = arith.constant dense<0xFF800000> : vector<128xf32>
    %reduce_max3A_1622 = vector.multi_reduction <maximumf>, %select_n3A_1620, %reduce_max3A_1621 [0] : vector<8x128xf32> to vector<128xf32>
    %broadcast_in_dim3A_1623 = vector.shape_cast %reduce_max3A_1622 : vector<128xf32> to vector<1x128xf32>
    %max3A_1624 = arith.maximumf %broadcast_in_dim3A_1601, %broadcast_in_dim3A_1623 : vector<1x128xf32>
    %get3A_1625 = arith.constant 1 : index
    %get3A_1626 = arith.constant 27 : index
    %get3A_1627 = memref.load %arg6[%get3A_1625, %get3A_1626] : memref<2x32xi32, #tpu.memory_space<smem>>
    %mul3A_1628 = arith.constant 8 : i32
    %mul3A_1629 = arith.muli %get3A_1627, %mul3A_1628 : i32
    %get3A_1630 = arith.index_cast %mul3A_1629 : i32 to index
    %get3A_1631 = arith.constant 0 : index
    %get3A_1632 = vector.load %arg10[%get3A_1630, %get3A_1631] : memref<10000x128xf32, #tpu.memory_space<vmem>>, vector<8x128xf32>
    %get3A_1633 = arith.index_cast %mul3A_1629 : i32 to index
    %get3A_1634 = arith.constant 0 : index
    %get3A_1635 = vector.load %arg4[%get3A_1633, %get3A_1634] : memref<10000x1xi32, #tpu.memory_space<vmem>>, vector<8x1xi32>
    %eq3A_1636 = arith.constant 27 : i32
    %eq3A_1637 = vector.broadcast %eq3A_1636 : i32 to vector<8x1xi32>
    %eq3A_1638 = arith.cmpi eq, %get3A_1635, %eq3A_1637 : vector<8x1xi32>
    %jit3A_1639 = arith.constant 0xFF800000 : f32
    %broadcast_in_dim3A_1640 = vector.shape_cast %eq3A_1638 : vector<8x1xi1> to vector<8x1xi1>
    %broadcast_in_dim3A_1641 = vector.broadcast %broadcast_in_dim3A_1640 : vector<8x1xi1> to vector<8x128xi1>
    %broadcast_in_dim3A_1642 = vector.broadcast %jit3A_1639 : f32 to vector<8x128xf32>
    %select_n3A_1643 = arith.select %broadcast_in_dim3A_1641, %get3A_1632, %broadcast_in_dim3A_1642 : vector<8x128xi1>, vector<8x128xf32>
    %reduce_max3A_1644 = arith.constant dense<0xFF800000> : vector<128xf32>
    %reduce_max3A_1645 = vector.multi_reduction <maximumf>, %select_n3A_1643, %reduce_max3A_1644 [0] : vector<8x128xf32> to vector<128xf32>
    %broadcast_in_dim3A_1646 = vector.shape_cast %reduce_max3A_1645 : vector<128xf32> to vector<1x128xf32>
    %max3A_1647 = arith.maximumf %max3A_1624, %broadcast_in_dim3A_1646 : vector<1x128xf32>
    %eq3A_1648 = arith.constant 28 : i32
    %eq3A_1649 = vector.broadcast %eq3A_1648 : i32 to vector<1250x1xi32>
    %eq3A_1650 = arith.cmpi eq, %slice3A_26, %eq3A_1649 : vector<1250x1xi32>
    %and3A_1651 = arith.andi %eq3A, %eq3A_1650 : vector<1250x1xi1>
    %jit3A_1652 = arith.constant 0xFF800000 : f32
    %broadcast_in_dim3A_1653 = vector.shape_cast %and3A_1651 : vector<1250x1xi1> to vector<1250x1xi1>
    %broadcast_in_dim3A_1654 = vector.broadcast %broadcast_in_dim3A_1653 : vector<1250x1xi1> to vector<1250x128xi1>
    %broadcast_in_dim3A_1655 = vector.broadcast %jit3A_1652 : f32 to vector<1250x128xf32>
    %select_n3A_1656 = arith.select %broadcast_in_dim3A_1654, %reduce_max3A_22, %broadcast_in_dim3A_1655 : vector<1250x128xi1>, vector<1250x128xf32>
    %reduce_max3A_1657 = arith.constant dense<0xFF800000> : vector<128xf32>
    %reduce_max3A_1658 = vector.multi_reduction <maximumf>, %select_n3A_1656, %reduce_max3A_1657 [0] : vector<1250x128xf32> to vector<128xf32>
    %broadcast_in_dim3A_1659 = vector.shape_cast %reduce_max3A_1658 : vector<128xf32> to vector<1x128xf32>
    %get3A_1660 = arith.constant 0 : index
    %get3A_1661 = arith.constant 28 : index
    %get3A_1662 = memref.load %arg6[%get3A_1660, %get3A_1661] : memref<2x32xi32, #tpu.memory_space<smem>>
    %mul3A_1663 = arith.constant 8 : i32
    %mul3A_1664 = arith.muli %get3A_1662, %mul3A_1663 : i32
    %get3A_1665 = arith.index_cast %mul3A_1664 : i32 to index
    %get3A_1666 = arith.constant 0 : index
    %get3A_1667 = vector.load %arg10[%get3A_1665, %get3A_1666] : memref<10000x128xf32, #tpu.memory_space<vmem>>, vector<8x128xf32>
    %get3A_1668 = arith.index_cast %mul3A_1664 : i32 to index
    %get3A_1669 = arith.constant 0 : index
    %get3A_1670 = vector.load %arg4[%get3A_1668, %get3A_1669] : memref<10000x1xi32, #tpu.memory_space<vmem>>, vector<8x1xi32>
    %eq3A_1671 = arith.constant 28 : i32
    %eq3A_1672 = vector.broadcast %eq3A_1671 : i32 to vector<8x1xi32>
    %eq3A_1673 = arith.cmpi eq, %get3A_1670, %eq3A_1672 : vector<8x1xi32>
    %jit3A_1674 = arith.constant 0xFF800000 : f32
    %broadcast_in_dim3A_1675 = vector.shape_cast %eq3A_1673 : vector<8x1xi1> to vector<8x1xi1>
    %broadcast_in_dim3A_1676 = vector.broadcast %broadcast_in_dim3A_1675 : vector<8x1xi1> to vector<8x128xi1>
    %broadcast_in_dim3A_1677 = vector.broadcast %jit3A_1674 : f32 to vector<8x128xf32>
    %select_n3A_1678 = arith.select %broadcast_in_dim3A_1676, %get3A_1667, %broadcast_in_dim3A_1677 : vector<8x128xi1>, vector<8x128xf32>
    %reduce_max3A_1679 = arith.constant dense<0xFF800000> : vector<128xf32>
    %reduce_max3A_1680 = vector.multi_reduction <maximumf>, %select_n3A_1678, %reduce_max3A_1679 [0] : vector<8x128xf32> to vector<128xf32>
    %broadcast_in_dim3A_1681 = vector.shape_cast %reduce_max3A_1680 : vector<128xf32> to vector<1x128xf32>
    %max3A_1682 = arith.maximumf %broadcast_in_dim3A_1659, %broadcast_in_dim3A_1681 : vector<1x128xf32>
    %get3A_1683 = arith.constant 1 : index
    %get3A_1684 = arith.constant 28 : index
    %get3A_1685 = memref.load %arg6[%get3A_1683, %get3A_1684] : memref<2x32xi32, #tpu.memory_space<smem>>
    %mul3A_1686 = arith.constant 8 : i32
    %mul3A_1687 = arith.muli %get3A_1685, %mul3A_1686 : i32
    %get3A_1688 = arith.index_cast %mul3A_1687 : i32 to index
    %get3A_1689 = arith.constant 0 : index
    %get3A_1690 = vector.load %arg10[%get3A_1688, %get3A_1689] : memref<10000x128xf32, #tpu.memory_space<vmem>>, vector<8x128xf32>
    %get3A_1691 = arith.index_cast %mul3A_1687 : i32 to index
    %get3A_1692 = arith.constant 0 : index
    %get3A_1693 = vector.load %arg4[%get3A_1691, %get3A_1692] : memref<10000x1xi32, #tpu.memory_space<vmem>>, vector<8x1xi32>
    %eq3A_1694 = arith.constant 28 : i32
    %eq3A_1695 = vector.broadcast %eq3A_1694 : i32 to vector<8x1xi32>
    %eq3A_1696 = arith.cmpi eq, %get3A_1693, %eq3A_1695 : vector<8x1xi32>
    %jit3A_1697 = arith.constant 0xFF800000 : f32
    %broadcast_in_dim3A_1698 = vector.shape_cast %eq3A_1696 : vector<8x1xi1> to vector<8x1xi1>
    %broadcast_in_dim3A_1699 = vector.broadcast %broadcast_in_dim3A_1698 : vector<8x1xi1> to vector<8x128xi1>
    %broadcast_in_dim3A_1700 = vector.broadcast %jit3A_1697 : f32 to vector<8x128xf32>
    %select_n3A_1701 = arith.select %broadcast_in_dim3A_1699, %get3A_1690, %broadcast_in_dim3A_1700 : vector<8x128xi1>, vector<8x128xf32>
    %reduce_max3A_1702 = arith.constant dense<0xFF800000> : vector<128xf32>
    %reduce_max3A_1703 = vector.multi_reduction <maximumf>, %select_n3A_1701, %reduce_max3A_1702 [0] : vector<8x128xf32> to vector<128xf32>
    %broadcast_in_dim3A_1704 = vector.shape_cast %reduce_max3A_1703 : vector<128xf32> to vector<1x128xf32>
    %max3A_1705 = arith.maximumf %max3A_1682, %broadcast_in_dim3A_1704 : vector<1x128xf32>
    %eq3A_1706 = arith.constant 29 : i32
    %eq3A_1707 = vector.broadcast %eq3A_1706 : i32 to vector<1250x1xi32>
    %eq3A_1708 = arith.cmpi eq, %slice3A_26, %eq3A_1707 : vector<1250x1xi32>
    %and3A_1709 = arith.andi %eq3A, %eq3A_1708 : vector<1250x1xi1>
    %jit3A_1710 = arith.constant 0xFF800000 : f32
    %broadcast_in_dim3A_1711 = vector.shape_cast %and3A_1709 : vector<1250x1xi1> to vector<1250x1xi1>
    %broadcast_in_dim3A_1712 = vector.broadcast %broadcast_in_dim3A_1711 : vector<1250x1xi1> to vector<1250x128xi1>
    %broadcast_in_dim3A_1713 = vector.broadcast %jit3A_1710 : f32 to vector<1250x128xf32>
    %select_n3A_1714 = arith.select %broadcast_in_dim3A_1712, %reduce_max3A_22, %broadcast_in_dim3A_1713 : vector<1250x128xi1>, vector<1250x128xf32>
    %reduce_max3A_1715 = arith.constant dense<0xFF800000> : vector<128xf32>
    %reduce_max3A_1716 = vector.multi_reduction <maximumf>, %select_n3A_1714, %reduce_max3A_1715 [0] : vector<1250x128xf32> to vector<128xf32>
    %broadcast_in_dim3A_1717 = vector.shape_cast %reduce_max3A_1716 : vector<128xf32> to vector<1x128xf32>
    %get3A_1718 = arith.constant 0 : index
    %get3A_1719 = arith.constant 29 : index
    %get3A_1720 = memref.load %arg6[%get3A_1718, %get3A_1719] : memref<2x32xi32, #tpu.memory_space<smem>>
    %mul3A_1721 = arith.constant 8 : i32
    %mul3A_1722 = arith.muli %get3A_1720, %mul3A_1721 : i32
    %get3A_1723 = arith.index_cast %mul3A_1722 : i32 to index
    %get3A_1724 = arith.constant 0 : index
    %get3A_1725 = vector.load %arg10[%get3A_1723, %get3A_1724] : memref<10000x128xf32, #tpu.memory_space<vmem>>, vector<8x128xf32>
    %get3A_1726 = arith.index_cast %mul3A_1722 : i32 to index
    %get3A_1727 = arith.constant 0 : index
    %get3A_1728 = vector.load %arg4[%get3A_1726, %get3A_1727] : memref<10000x1xi32, #tpu.memory_space<vmem>>, vector<8x1xi32>
    %eq3A_1729 = arith.constant 29 : i32
    %eq3A_1730 = vector.broadcast %eq3A_1729 : i32 to vector<8x1xi32>
    %eq3A_1731 = arith.cmpi eq, %get3A_1728, %eq3A_1730 : vector<8x1xi32>
    %jit3A_1732 = arith.constant 0xFF800000 : f32
    %broadcast_in_dim3A_1733 = vector.shape_cast %eq3A_1731 : vector<8x1xi1> to vector<8x1xi1>
    %broadcast_in_dim3A_1734 = vector.broadcast %broadcast_in_dim3A_1733 : vector<8x1xi1> to vector<8x128xi1>
    %broadcast_in_dim3A_1735 = vector.broadcast %jit3A_1732 : f32 to vector<8x128xf32>
    %select_n3A_1736 = arith.select %broadcast_in_dim3A_1734, %get3A_1725, %broadcast_in_dim3A_1735 : vector<8x128xi1>, vector<8x128xf32>
    %reduce_max3A_1737 = arith.constant dense<0xFF800000> : vector<128xf32>
    %reduce_max3A_1738 = vector.multi_reduction <maximumf>, %select_n3A_1736, %reduce_max3A_1737 [0] : vector<8x128xf32> to vector<128xf32>
    %broadcast_in_dim3A_1739 = vector.shape_cast %reduce_max3A_1738 : vector<128xf32> to vector<1x128xf32>
    %max3A_1740 = arith.maximumf %broadcast_in_dim3A_1717, %broadcast_in_dim3A_1739 : vector<1x128xf32>
    %get3A_1741 = arith.constant 1 : index
    %get3A_1742 = arith.constant 29 : index
    %get3A_1743 = memref.load %arg6[%get3A_1741, %get3A_1742] : memref<2x32xi32, #tpu.memory_space<smem>>
    %mul3A_1744 = arith.constant 8 : i32
    %mul3A_1745 = arith.muli %get3A_1743, %mul3A_1744 : i32
    %get3A_1746 = arith.index_cast %mul3A_1745 : i32 to index
    %get3A_1747 = arith.constant 0 : index
    %get3A_1748 = vector.load %arg10[%get3A_1746, %get3A_1747] : memref<10000x128xf32, #tpu.memory_space<vmem>>, vector<8x128xf32>
    %get3A_1749 = arith.index_cast %mul3A_1745 : i32 to index
    %get3A_1750 = arith.constant 0 : index
    %get3A_1751 = vector.load %arg4[%get3A_1749, %get3A_1750] : memref<10000x1xi32, #tpu.memory_space<vmem>>, vector<8x1xi32>
    %eq3A_1752 = arith.constant 29 : i32
    %eq3A_1753 = vector.broadcast %eq3A_1752 : i32 to vector<8x1xi32>
    %eq3A_1754 = arith.cmpi eq, %get3A_1751, %eq3A_1753 : vector<8x1xi32>
    %jit3A_1755 = arith.constant 0xFF800000 : f32
    %broadcast_in_dim3A_1756 = vector.shape_cast %eq3A_1754 : vector<8x1xi1> to vector<8x1xi1>
    %broadcast_in_dim3A_1757 = vector.broadcast %broadcast_in_dim3A_1756 : vector<8x1xi1> to vector<8x128xi1>
    %broadcast_in_dim3A_1758 = vector.broadcast %jit3A_1755 : f32 to vector<8x128xf32>
    %select_n3A_1759 = arith.select %broadcast_in_dim3A_1757, %get3A_1748, %broadcast_in_dim3A_1758 : vector<8x128xi1>, vector<8x128xf32>
    %reduce_max3A_1760 = arith.constant dense<0xFF800000> : vector<128xf32>
    %reduce_max3A_1761 = vector.multi_reduction <maximumf>, %select_n3A_1759, %reduce_max3A_1760 [0] : vector<8x128xf32> to vector<128xf32>
    %broadcast_in_dim3A_1762 = vector.shape_cast %reduce_max3A_1761 : vector<128xf32> to vector<1x128xf32>
    %max3A_1763 = arith.maximumf %max3A_1740, %broadcast_in_dim3A_1762 : vector<1x128xf32>
    %eq3A_1764 = arith.constant 30 : i32
    %eq3A_1765 = vector.broadcast %eq3A_1764 : i32 to vector<1250x1xi32>
    %eq3A_1766 = arith.cmpi eq, %slice3A_26, %eq3A_1765 : vector<1250x1xi32>
    %and3A_1767 = arith.andi %eq3A, %eq3A_1766 : vector<1250x1xi1>
    %jit3A_1768 = arith.constant 0xFF800000 : f32
    %broadcast_in_dim3A_1769 = vector.shape_cast %and3A_1767 : vector<1250x1xi1> to vector<1250x1xi1>
    %broadcast_in_dim3A_1770 = vector.broadcast %broadcast_in_dim3A_1769 : vector<1250x1xi1> to vector<1250x128xi1>
    %broadcast_in_dim3A_1771 = vector.broadcast %jit3A_1768 : f32 to vector<1250x128xf32>
    %select_n3A_1772 = arith.select %broadcast_in_dim3A_1770, %reduce_max3A_22, %broadcast_in_dim3A_1771 : vector<1250x128xi1>, vector<1250x128xf32>
    %reduce_max3A_1773 = arith.constant dense<0xFF800000> : vector<128xf32>
    %reduce_max3A_1774 = vector.multi_reduction <maximumf>, %select_n3A_1772, %reduce_max3A_1773 [0] : vector<1250x128xf32> to vector<128xf32>
    %broadcast_in_dim3A_1775 = vector.shape_cast %reduce_max3A_1774 : vector<128xf32> to vector<1x128xf32>
    %get3A_1776 = arith.constant 0 : index
    %get3A_1777 = arith.constant 30 : index
    %get3A_1778 = memref.load %arg6[%get3A_1776, %get3A_1777] : memref<2x32xi32, #tpu.memory_space<smem>>
    %mul3A_1779 = arith.constant 8 : i32
    %mul3A_1780 = arith.muli %get3A_1778, %mul3A_1779 : i32
    %get3A_1781 = arith.index_cast %mul3A_1780 : i32 to index
    %get3A_1782 = arith.constant 0 : index
    %get3A_1783 = vector.load %arg10[%get3A_1781, %get3A_1782] : memref<10000x128xf32, #tpu.memory_space<vmem>>, vector<8x128xf32>
    %get3A_1784 = arith.index_cast %mul3A_1780 : i32 to index
    %get3A_1785 = arith.constant 0 : index
    %get3A_1786 = vector.load %arg4[%get3A_1784, %get3A_1785] : memref<10000x1xi32, #tpu.memory_space<vmem>>, vector<8x1xi32>
    %eq3A_1787 = arith.constant 30 : i32
    %eq3A_1788 = vector.broadcast %eq3A_1787 : i32 to vector<8x1xi32>
    %eq3A_1789 = arith.cmpi eq, %get3A_1786, %eq3A_1788 : vector<8x1xi32>
    %jit3A_1790 = arith.constant 0xFF800000 : f32
    %broadcast_in_dim3A_1791 = vector.shape_cast %eq3A_1789 : vector<8x1xi1> to vector<8x1xi1>
    %broadcast_in_dim3A_1792 = vector.broadcast %broadcast_in_dim3A_1791 : vector<8x1xi1> to vector<8x128xi1>
    %broadcast_in_dim3A_1793 = vector.broadcast %jit3A_1790 : f32 to vector<8x128xf32>
    %select_n3A_1794 = arith.select %broadcast_in_dim3A_1792, %get3A_1783, %broadcast_in_dim3A_1793 : vector<8x128xi1>, vector<8x128xf32>
    %reduce_max3A_1795 = arith.constant dense<0xFF800000> : vector<128xf32>
    %reduce_max3A_1796 = vector.multi_reduction <maximumf>, %select_n3A_1794, %reduce_max3A_1795 [0] : vector<8x128xf32> to vector<128xf32>
    %broadcast_in_dim3A_1797 = vector.shape_cast %reduce_max3A_1796 : vector<128xf32> to vector<1x128xf32>
    %max3A_1798 = arith.maximumf %broadcast_in_dim3A_1775, %broadcast_in_dim3A_1797 : vector<1x128xf32>
    %get3A_1799 = arith.constant 1 : index
    %get3A_1800 = arith.constant 30 : index
    %get3A_1801 = memref.load %arg6[%get3A_1799, %get3A_1800] : memref<2x32xi32, #tpu.memory_space<smem>>
    %mul3A_1802 = arith.constant 8 : i32
    %mul3A_1803 = arith.muli %get3A_1801, %mul3A_1802 : i32
    %get3A_1804 = arith.index_cast %mul3A_1803 : i32 to index
    %get3A_1805 = arith.constant 0 : index
    %get3A_1806 = vector.load %arg10[%get3A_1804, %get3A_1805] : memref<10000x128xf32, #tpu.memory_space<vmem>>, vector<8x128xf32>
    %get3A_1807 = arith.index_cast %mul3A_1803 : i32 to index
    %get3A_1808 = arith.constant 0 : index
    %get3A_1809 = vector.load %arg4[%get3A_1807, %get3A_1808] : memref<10000x1xi32, #tpu.memory_space<vmem>>, vector<8x1xi32>
    %eq3A_1810 = arith.constant 30 : i32
    %eq3A_1811 = vector.broadcast %eq3A_1810 : i32 to vector<8x1xi32>
    %eq3A_1812 = arith.cmpi eq, %get3A_1809, %eq3A_1811 : vector<8x1xi32>
    %jit3A_1813 = arith.constant 0xFF800000 : f32
    %broadcast_in_dim3A_1814 = vector.shape_cast %eq3A_1812 : vector<8x1xi1> to vector<8x1xi1>
    %broadcast_in_dim3A_1815 = vector.broadcast %broadcast_in_dim3A_1814 : vector<8x1xi1> to vector<8x128xi1>
    %broadcast_in_dim3A_1816 = vector.broadcast %jit3A_1813 : f32 to vector<8x128xf32>
    %select_n3A_1817 = arith.select %broadcast_in_dim3A_1815, %get3A_1806, %broadcast_in_dim3A_1816 : vector<8x128xi1>, vector<8x128xf32>
    %reduce_max3A_1818 = arith.constant dense<0xFF800000> : vector<128xf32>
    %reduce_max3A_1819 = vector.multi_reduction <maximumf>, %select_n3A_1817, %reduce_max3A_1818 [0] : vector<8x128xf32> to vector<128xf32>
    %broadcast_in_dim3A_1820 = vector.shape_cast %reduce_max3A_1819 : vector<128xf32> to vector<1x128xf32>
    %max3A_1821 = arith.maximumf %max3A_1798, %broadcast_in_dim3A_1820 : vector<1x128xf32>
    %eq3A_1822 = arith.constant 31 : i32
    %eq3A_1823 = vector.broadcast %eq3A_1822 : i32 to vector<1250x1xi32>
    %eq3A_1824 = arith.cmpi eq, %slice3A_26, %eq3A_1823 : vector<1250x1xi32>
    %and3A_1825 = arith.andi %eq3A, %eq3A_1824 : vector<1250x1xi1>
    %jit3A_1826 = arith.constant 0xFF800000 : f32
    %broadcast_in_dim3A_1827 = vector.shape_cast %and3A_1825 : vector<1250x1xi1> to vector<1250x1xi1>
    %broadcast_in_dim3A_1828 = vector.broadcast %broadcast_in_dim3A_1827 : vector<1250x1xi1> to vector<1250x128xi1>
    %broadcast_in_dim3A_1829 = vector.broadcast %jit3A_1826 : f32 to vector<1250x128xf32>
    %select_n3A_1830 = arith.select %broadcast_in_dim3A_1828, %reduce_max3A_22, %broadcast_in_dim3A_1829 : vector<1250x128xi1>, vector<1250x128xf32>
    %reduce_max3A_1831 = arith.constant dense<0xFF800000> : vector<128xf32>
    %reduce_max3A_1832 = vector.multi_reduction <maximumf>, %select_n3A_1830, %reduce_max3A_1831 [0] : vector<1250x128xf32> to vector<128xf32>
    %broadcast_in_dim3A_1833 = vector.shape_cast %reduce_max3A_1832 : vector<128xf32> to vector<1x128xf32>
    %get3A_1834 = arith.constant 0 : index
    %get3A_1835 = arith.constant 31 : index
    %get3A_1836 = memref.load %arg6[%get3A_1834, %get3A_1835] : memref<2x32xi32, #tpu.memory_space<smem>>
    %mul3A_1837 = arith.constant 8 : i32
    %mul3A_1838 = arith.muli %get3A_1836, %mul3A_1837 : i32
    %get3A_1839 = arith.index_cast %mul3A_1838 : i32 to index
    %get3A_1840 = arith.constant 0 : index
    %get3A_1841 = vector.load %arg10[%get3A_1839, %get3A_1840] : memref<10000x128xf32, #tpu.memory_space<vmem>>, vector<8x128xf32>
    %get3A_1842 = arith.index_cast %mul3A_1838 : i32 to index
    %get3A_1843 = arith.constant 0 : index
    %get3A_1844 = vector.load %arg4[%get3A_1842, %get3A_1843] : memref<10000x1xi32, #tpu.memory_space<vmem>>, vector<8x1xi32>
    %eq3A_1845 = arith.constant 31 : i32
    %eq3A_1846 = vector.broadcast %eq3A_1845 : i32 to vector<8x1xi32>
    %eq3A_1847 = arith.cmpi eq, %get3A_1844, %eq3A_1846 : vector<8x1xi32>
    %jit3A_1848 = arith.constant 0xFF800000 : f32
    %broadcast_in_dim3A_1849 = vector.shape_cast %eq3A_1847 : vector<8x1xi1> to vector<8x1xi1>
    %broadcast_in_dim3A_1850 = vector.broadcast %broadcast_in_dim3A_1849 : vector<8x1xi1> to vector<8x128xi1>
    %broadcast_in_dim3A_1851 = vector.broadcast %jit3A_1848 : f32 to vector<8x128xf32>
    %select_n3A_1852 = arith.select %broadcast_in_dim3A_1850, %get3A_1841, %broadcast_in_dim3A_1851 : vector<8x128xi1>, vector<8x128xf32>
    %reduce_max3A_1853 = arith.constant dense<0xFF800000> : vector<128xf32>
    %reduce_max3A_1854 = vector.multi_reduction <maximumf>, %select_n3A_1852, %reduce_max3A_1853 [0] : vector<8x128xf32> to vector<128xf32>
    %broadcast_in_dim3A_1855 = vector.shape_cast %reduce_max3A_1854 : vector<128xf32> to vector<1x128xf32>
    %max3A_1856 = arith.maximumf %broadcast_in_dim3A_1833, %broadcast_in_dim3A_1855 : vector<1x128xf32>
    %get3A_1857 = arith.constant 1 : index
    %get3A_1858 = arith.constant 31 : index
    %get3A_1859 = memref.load %arg6[%get3A_1857, %get3A_1858] : memref<2x32xi32, #tpu.memory_space<smem>>
    %mul3A_1860 = arith.constant 8 : i32
    %mul3A_1861 = arith.muli %get3A_1859, %mul3A_1860 : i32
    %get3A_1862 = arith.index_cast %mul3A_1861 : i32 to index
    %get3A_1863 = arith.constant 0 : index
    %get3A_1864 = vector.load %arg10[%get3A_1862, %get3A_1863] : memref<10000x128xf32, #tpu.memory_space<vmem>>, vector<8x128xf32>
    %get3A_1865 = arith.index_cast %mul3A_1861 : i32 to index
    %get3A_1866 = arith.constant 0 : index
    %get3A_1867 = vector.load %arg4[%get3A_1865, %get3A_1866] : memref<10000x1xi32, #tpu.memory_space<vmem>>, vector<8x1xi32>
    %eq3A_1868 = arith.constant 31 : i32
    %eq3A_1869 = vector.broadcast %eq3A_1868 : i32 to vector<8x1xi32>
    %eq3A_1870 = arith.cmpi eq, %get3A_1867, %eq3A_1869 : vector<8x1xi32>
    %jit3A_1871 = arith.constant 0xFF800000 : f32
    %broadcast_in_dim3A_1872 = vector.shape_cast %eq3A_1870 : vector<8x1xi1> to vector<8x1xi1>
    %broadcast_in_dim3A_1873 = vector.broadcast %broadcast_in_dim3A_1872 : vector<8x1xi1> to vector<8x128xi1>
    %broadcast_in_dim3A_1874 = vector.broadcast %jit3A_1871 : f32 to vector<8x128xf32>
    %select_n3A_1875 = arith.select %broadcast_in_dim3A_1873, %get3A_1864, %broadcast_in_dim3A_1874 : vector<8x128xi1>, vector<8x128xf32>
    %reduce_max3A_1876 = arith.constant dense<0xFF800000> : vector<128xf32>
    %reduce_max3A_1877 = vector.multi_reduction <maximumf>, %select_n3A_1875, %reduce_max3A_1876 [0] : vector<8x128xf32> to vector<128xf32>
    %broadcast_in_dim3A_1878 = vector.shape_cast %reduce_max3A_1877 : vector<128xf32> to vector<1x128xf32>
    %max3A_1879 = arith.maximumf %max3A_1856, %broadcast_in_dim3A_1878 : vector<1x128xf32>
    %concatenate3A = tpu.concatenate %max3A_81, %max3A_139, %max3A_197, %max3A_255, %max3A_313, %max3A_371, %max3A_429, %max3A_487, %max3A_545, %max3A_603, %max3A_661, %max3A_719, %max3A_777, %max3A_835, %max3A_893, %max3A_951, %max3A_1009, %max3A_1067, %max3A_1125, %max3A_1183, %max3A_1241, %max3A_1299, %max3A_1357, %max3A_1415, %max3A_1473, %max3A_1531, %max3A_1589, %max3A_1647, %max3A_1705, %max3A_1763, %max3A_1821, %max3A_1879 in 0 : vector<1x128xf32>, vector<1x128xf32>, vector<1x128xf32>, vector<1x128xf32>, vector<1x128xf32>, vector<1x128xf32>, vector<1x128xf32>, vector<1x128xf32>, vector<1x128xf32>, vector<1x128xf32>, vector<1x128xf32>, vector<1x128xf32>, vector<1x128xf32>, vector<1x128xf32>, vector<1x128xf32>, vector<1x128xf32>, vector<1x128xf32>, vector<1x128xf32>, vector<1x128xf32>, vector<1x128xf32>, vector<1x128xf32>, vector<1x128xf32>, vector<1x128xf32>, vector<1x128xf32>, vector<1x128xf32>, vector<1x128xf32>, vector<1x128xf32>, vector<1x128xf32>, vector<1x128xf32>, vector<1x128xf32>, vector<1x128xf32>, vector<1x128xf32> -> vector<32x128xf32>
    %get3A_1880 = arith.constant 0 : index
    %get3A_1881 = arith.constant 0 : index
    %get3A_1882 = vector.load %arg7[%get3A_1880, %get3A_1881] : memref<10x128xf32, #tpu.memory_space<vmem>>, vector<10x128xf32>
    %dot_general3A = arith.constant dense<0.000000e+00> : vector<32x10xf32>
    %dot_general3A_1883 = tpu.matmul %concatenate3A, %get3A_1882, %dot_general3A {dimension_numbers = #tpu.dot_dimension_numbers<[1], [1], [0], [0], [0, 0, 1, 0], [], []>, precision = #tpu.contract_precision<fp32>, transpose_lhs_hint = false} : vector<32x128xf32>, vector<10x128xf32>, vector<32x10xf32> -> vector<32x10xf32>
    %get3A_1884 = arith.constant 0 : index
    %get3A_1885 = arith.constant 0 : index
    %get3A_1886 = vector.load %arg8[%get3A_1884, %get3A_1885] : memref<1x10xf32, #tpu.memory_space<vmem>>, vector<1x10xf32>
    %add3A_1887 = vector.broadcast %get3A_1886 : vector<1x10xf32> to vector<32x10xf32>
    %add3A_1888 = arith.addf %dot_general3A_1883, %add3A_1887 : vector<32x10xf32>
    %swap3A_1889 = arith.constant 0 : index
    %swap3A_1890 = arith.constant 0 : index
    %swap3A_1891 = vector.load %arg9[%swap3A_1889, %swap3A_1890] : memref<32x10xf32, #tpu.memory_space<vmem>>, vector<32x10xf32>
    tpu.vector_store %arg9[%swap3A_1889, %swap3A_1890], %add3A_1888 {strides = array<i32>} : memref<32x10xf32, #tpu.memory_space<vmem>>, vector<32x10xf32>,
    return
  }
}

</mosaic_0001>

<sc_bundles>
// kernel: kernel.10.cloned.1.call-start
scs
__scs_entry_jumppad:
0x0: {  	(pc) =	sbr.rel $0x88, $3  }
0x1: {  	(tag) =	ssettag $0x0;
	lr =	simm.s32 $0x1  }
0x2: {  	[smem:$0x3F9A] =	sst lr;
	_ =	strace $0xD0000000  }
0x3: {  	_ = 	snop  }
0x4: {  	_ = 	snop  }
0x5: {  	_ = 	snop  }
0x6: {  	_ = 	snop  }
0x7: {  	_ = 	snop  }
__scs_overlays_trampoline_lowered:
0x8: {  	[smem:$0x3FA9] =	sst s0  }
0x9: {  	[smem:$0x3FAA] =	sst s1  }
0xa: {  	[smem:$0x3FAB] =	sst s2  }
0xb: {  	[smem:$0x3FAC] =	sst s3  }
0xc: {  	[smem:$0x3FAD] =	sst s4  }
0xd: {  	[smem:$0x3FAE] =	sst s5  }
0xe: {  	[smem:$0x3FAF] =	sst s6  }
0xf: {  	[smem:$0x3FB0] =	sst s7  }
0x10: {  	[smem:$0x3FB1] =	sst s8  }
0x11: {  	[smem:$0x3FB2] =	sst s9;
	s0 =	simm.s32 @!p0 $0x0  }
0x12: {  	s1 =	sld [smem:$0x3F98];
	s0 =	simm.s32 @p0 $0x1  }
0x13: {  	[smem:$0x3FB3] =	sst s0;
	s0 =	simm.s32 @!p1 $0x0  }
0x14: {  	s2 =	sld [smem:$0x3F97];
	s0 =	simm.s32 @p1 $0x1  }
0x15: {  	[smem:$0x3FB4] =	sst s0;
	s0 =	simm.s32 @!p2 $0x0  }
0x16: {  	s3 =	sld [smem:$0x3FDB];
	s0 =	simm.s32 @p2 $0x1  }
0x17: {  	s4 =	simm.s32 $0x1BF5;
	[smem:$0x3FB6] =	sst s0  }
0x18: {  	s0 =	sld [smem:$0x3F99];
	_ =	swait.ge [sflag:s4], $0x0  }
0x19: {  	s7 =	sld [smem:$0x3F9A]  }
0x1a: {  	s8 =	sadd.s32 $0xFFFFE003, lr  }
0x1b: {  	s9 =	sadd.s32 $0xFFFFFEF7, lr;
	s5 =	simm.s32 $0xFFFFFFFF;
	p2 =	slt.u32 s8, $0xFFFFF086  }
0x1c: {  	p1 =	slt.u32 s9, $0xF7A;
	s5 =	simm.s32 @!p2 $0x0  }
0x1d: {  	s5 =	simm.s32 @p1 $0x1;
	p0 =	seq.s32 s7, s2  }
0x1e: {  	s7 =	smul.u32 @!p0 $0xF7A, s2;
	p2 =	seq.s32 @!p0 s5, $0x0  }
0x1f: {  	s9 =	smul.u32 $0xF7A, s1;
	s8 =	simm.s32 @!p0 $0x1BF5;
	p2 =	por !p2, p0  }
0x20: {  	[sflag:s8] =	ssyncset.s32 @!p0 $0xFFFFF086;
	s6 =	sadd.s32 @!p0 s3, s7;
	s7 =	simm.s32 @!p0 $0x108  }
0x21: {  	s3 =	sadd.s32 s3, s9;
	s6 =	sadd.s32 @!p0 $0x88, s6;
	s7 =	simm.s32 @p2 $0x1082  }
0x22: {  	[simem:s7], [sflag:s8] =	dma.local @!p0 [hbm:s6], $0xF7A  }
0x23: {  	s9 =	sor.u32 $0xD0000000, s2;
	s6 =	simm.s32 $0x108;
	_ =	swait.ge @!p0 [sflag:s8], $0x0  }
0x24: {  	s3 =	sadd.s32 $0x88, s3;
	s6 =	simm.s32 @!p1 $0x1082;
	[sflag:s4] =	ssyncset.s32 $0xFFFFF086  }
0x25: {  	[simem:s6], [sflag:s4] =	dma.local [hbm:s3], $0xF7A  }
0x26: {  	[smem:$0x3F9A] =	sst s1;
	(tag) =	ssettag s2;
	_ =	strace s9  }
0x27: {  	s1 =	sld [smem:$0x3FAA]  }
0x28: {  	s2 =	sld [smem:$0x3FAB]  }
0x29: {  	s4 =	sld [smem:$0x3FAD]  }
0x2a: {  	p0 =	seq.s32 s5, $0x0;
	s5 =	sld [smem:$0x3FAE]  }
0x2b: {  	s6 =	sld [smem:$0x3FAF]  }
0x2c: {  	s7 =	sld [smem:$0x3FB0]  }
0x2d: {  	s3 =	simm.s32 $0x108;
	s8 =	sld [smem:$0x3FB1]  }
0x2e: {  	s3 =	simm.s32 @!p0 $0x1082;
	s9 =	sld [smem:$0x3FB2]  }
0x2f: {  	lr =	sadd.s32 s0, s3;
	s0 =	sld [smem:$0x3FA9]  }
0x30: {  	s3 =	sld [smem:$0x3FAC]  }
0x31: {  	[smem:$0x3FB5] =	sst s10  }
0x32: {  	s10 =	sld [smem:$0x3FB3];
	_ =	sdelay $0x3  }
0x33: {  	p0 =	seq.s32 s10, $0x1;
	s10 =	sld [smem:$0x3FB5];
	_ =	sdelay $0x3  }
0x34: {  	[smem:$0x3FB5] =	sst s10  }
0x35: {  	s10 =	sld [smem:$0x3FB4];
	_ =	sdelay $0x3  }
0x36: {  	p1 =	seq.s32 s10, $0x1;
	s10 =	sld [smem:$0x3FB5];
	_ =	sdelay $0x3  }
0x37: {  	[smem:$0x3FB5] =	sst s10  }
0x38: {  	s10 =	sld [smem:$0x3FB6]  }
0x39: {  	_ = 	snop;
	(pc) =	sbr.ind lr, $3  }
0x3a: {  	_ = 	snop  }
0x3b: {  	_ = 	snop  }
0x3c: {  	p2 =	seq.s32 s10, $0x1;
	s10 =	sld [smem:$0x3FB5]  }
0x3d: {  	_ =	shalt  }
0x3e: {  	_ =	shalt  }
0x3f: {  	_ =	shalt  }
0x40: {  	_ =	shalt  }
0x41: {  	_ =	shalt  }
0x42: {  	_ =	shalt  }
0x43: {  	_ =	shalt  }
0x44: {  	_ =	shalt  }
0x45: {  	_ =	shalt  }
0x46: {  	_ =	shalt  }
0x47: {  	_ =	shalt  }
0x48: {  	_ =	shalt  }
0x49: {  	_ =	shalt  }
0x4a: {  	_ =	shalt  }
0x4b: {  	_ =	shalt  }
0x4c: {  	_ =	shalt  }
0x4d: {  	_ =	shalt  }
0x4e: {  	_ =	shalt  }
0x4f: {  	_ =	shalt  }
0x50: {  	_ =	shalt  }
0x51: {  	_ =	shalt  }
0x52: {  	_ =	shalt  }
0x53: {  	_ =	shalt  }
0x54: {  	_ =	shalt  }
0x55: {  	_ =	shalt  }
0x56: {  	_ =	shalt  }
0x57: {  	_ =	shalt  }
0x58: {  	_ =	shalt  }
0x59: {  	_ =	shalt  }
0x5a: {  	_ =	shalt  }
0x5b: {  	_ =	shalt  }
0x5c: {  	_ =	shalt  }
0x5d: {  	_ =	shalt  }
0x5e: {  	_ =	shalt  }
0x5f: {  	_ =	shalt  }
0x60: {  	_ =	shalt  }
0x61: {  	_ =	shalt  }
0x62: {  	_ =	shalt  }
0x63: {  	_ =	shalt  }
0x64: {  	_ =	shalt  }
0x65: {  	_ =	shalt  }
0x66: {  	_ =	shalt  }
0x67: {  	_ =	shalt  }
0x68: {  	_ =	shalt  }
0x69: {  	_ =	shalt  }
0x6a: {  	_ =	shalt  }
0x6b: {  	_ =	shalt  }
0x6c: {  	_ =	shalt  }
0x6d: {  	_ =	shalt  }
0x6e: {  	_ =	shalt  }
0x6f: {  	_ =	shalt  }
0x70: {  	_ =	shalt  }
0x71: {  	_ =	shalt  }
0x72: {  	_ =	shalt  }
0x73: {  	_ =	shalt  }
0x74: {  	_ =	shalt  }
0x75: {  	_ =	shalt  }
0x76: {  	_ =	shalt  }
0x77: {  	_ =	shalt  }
0x78: {  	_ =	shalt  }
0x79: {  	_ =	shalt  }
0x7a: {  	_ =	shalt  }
0x7b: {  	_ =	shalt  }
0x7c: {  	_ =	shalt  }
0x7d: {  	_ =	shalt  }
0x7e: {  	_ =	shalt  }
0x7f: {  	_ =	shalt  }
0x80: {  	_ =	shalt  }
0x81: {  	_ =	shalt  }
0x82: {  	_ =	shalt  }
0x83: {  	_ =	shalt  }
0x84: {  	_ =	shalt  }
0x85: {  	_ =	shalt  }
0x86: {  	_ =	shalt  }
0x87: {  	_ =	shalt  }
.Lfunc_end0:
.L_simem_size_0:
called_computation.1_lowered:
.L_overlay_start_0:
0x88: {  	s2 =	sld [smem:$0x3FD9]  }
0x89: {  	s3 =	sld [smem:$0x3FFE];
	_ =	sdelay $0x1  }
0x8a: {  	s1 =	srdreg.scid  }
0x8b: {  	s0 =	sand.u32 $0x1, s1  }
0x8c: {  	s16 =	sshll.u32 s0, $0xA;
	s2 =	sadd.s32 s3, s2  }
0x8d: {  	s2 =	sadd.s32 s2, s16  }
0x8e: {  	[smem:$0x3FC1] =	sst s2  }
0x8f: {  	_ = 	snop  }
0x90: {  	(tm) =	ssettm $0x1  }
0x91: {  	s17 =	sld [smem:$0x3FFB];
	_ =	sdelay $0x3  }
0x92: {  	_ =	strace s17  }
0x93: {  	s2 =	sld [smem:$0x3FFC];
	_ =	sdelay $0x3  }
0x94: {  	_ =	strace s2  }
0x95: {  	s2 =	sld [smem:$0x3FFD];
	_ =	sdelay $0x3  }
0x96: {  	_ =	strace s2  }
0x97: {  	_ =	strace $0x8FFFFFFF  }
0x98: {  	s18 =	sld [smem:$0x3FDB];
	_ =	sdelay $0x1  }
0x99: {  	s19 =	simm.s32 $_scs_section_size  }
0x9a: {  	s4 =	simm.s32 $_size__tile_overlayer_lowered;
	s5 =	simm.s32 $_tile_overlayer_lowered  }
0x9b: {  	s22 =	simm.s32 $0x1BFF;
	s21 =	sshll.u32 s5, $0x1;
	s2 =	sadd.s32 s19, s18  }
0x9c: {  	s6 =	simm.s32 $0x0;
	s20 =	sshll.u32 s4, $0x1;
	s4 =	sadd.s32 s21, s2  }
0x9d: {  	[timem:s6], [sflag:s22] =	dma.local [hbm:s4], s20  }
0x9e: {  	_ =	swait.ge [sflag:s22], s20  }
0x9f: {  	s3 =	ssub.s32 $0x0, s20;
	[sflag:s22] =	ssyncset.done $0x0  }
0xa0: {  	[sflag:s22] =	ssyncadd.s32 s3;
	_ =	sdelay $0x1  }
0xa1: {  	s23 =	simm.s32 $0x1B8B  }
0xa2: {  	_ =	swait.ge [sflag:s23], $0x1  }
0xa3: {  	[sflag:s23] =	ssyncset.done $0x0  }
0xa4: {  	s25 =	simm.s32 $0x1B8E;
	s24 =	sld [smem:$0x3FFE];
	[sflag:s23] =	ssyncadd.s32 $0xFFFFFFFF  }
0xa5: {  	s26 =	simm.s32 $execute0_lowered;
	[smem:$0x3FD2] =	sst s25  }
0xa6: {  	s4 =	sshll.u32 s26, $0x1;
	_ =	strace $0x80000049;
	[dreg:$0x1] =	wrdreg $0xFFFFFFFF  }
0xa7: {  	s28 =	simm.s32 $_size_execute0_lowered;
	s2 =	sadd.s32 s2, s4;
	[dreg:$0x0] =	wrdreg $0x0  }
0xa8: {  	s4 =	sshll.u32 s28, $0x1;
	[dreg:$0x2] =	wrdreg s2  }
0xa9: {  	[dreg:$0x3] =	wrdreg s4  }
0xaa: {  	[dreg:$0x4] =	wrdreg $0xC0  }
0xab: {  	_ =	task [dreg:s6], $0x5FFFF  }
0xac: {  	[dreg:$0x1] =	wrdreg $0xFFFFFFFF  }
0xad: {  	[dreg:$0x0] =	wrdreg $0x60  }
0xae: {  	[dreg:$0x2] =	wrdreg s24  }
0xaf: {  	[dreg:$0x3] =	wrdreg $0x78800  }
0xb0: {  	[dreg:$0x4] =	wrdreg $0x9  }
0xb1: {  	_ =	task.clear_ibuf [dreg:s6], $0x5FFFF;
	_ =	strace $0x90000049  }
0xb2: {  	s29 =	simm.s32 $0x9;
	_ =	strace $0x8000004B  }
0xb3: {  	_ =	swait.ge [sflag:s29], $0x1  }
0xb4: {  	[sflag:s29] =	ssyncadd.s32 $0xFFFFFFFF  }
0xb5: {  	_ =	strace $0x9000004B  }
0xb6: {  	_ =	sfence  }
0xb7: {  	s30 =	sld [smem:$0x0];
	_ =	sdelay $0x2  }
0xb8: {  	s31 =	sshll.u32 s1, $0xD;
	s1 =	sshrl.u32 s1, $0x2  }
0xb9: {  	s3 =	sand.u32 $0x4000, s31;
	s1 =	sadd.s32 s1, s30  }
0xba: {  	s0 =	sor.u32 s3, s0;
	s1 =	sshll.u32 s1, $0x11  }
0xbb: {  	s0 =	sor.u32 s1, s0  }
0xbc: {  	s0 =	sadd.s32 $0x8F2B, s0  }
0xbd: {  	[sflag:s0] =	ssyncadd.remote.s32 $0x1  }
0xbe: {  	_ =	sfence.sel $0xFFFF  }
0xbf: {  	[dreg:$0x0] =	wrdreg $0xFFFFFFFF;
	(pc) =	sbr.abs _section_cstart, $3  }
0xc0: {  	[dreg:$0x1] =	wrdreg $0xFFFFFFFF  }
0xc1: {  	_ =	task.clear_ibuf [dreg:s6], $0x2FFFF;
	_ =	strace $0x9FFFFFFF  }
0xc2: {  	(tm) =	ssettm $0x7FFFFFFF  }
0xc3: {  	_ =	shalt  }
tec
execute0_lowered:
.L_overlay_start_1:
0x0: {  	(tag) =	ssettag $0x1  }
0x1: {  	s0 =	srdreg.scid;
	s1 =	rddreg [dreg:$0x0]  }
0x2: {  	s2 =	rddreg [dreg:$0x1];
	s18 =	stileid.u32;
	s3 =	simm.s32 $0x0  }
0x3: {  	s29 =	simm.s32 $0x2880;
	s30 =	simm.s32 $0x4;
	s31 =	simm.s32 $0x3  }
0x4: {  	s28 =	simm.s32 $0x7080;
	s0 =	sand.u32 $0x1, s0;
	s7 =	smul.u32 $0x14000, s18  }
0x5: {  	[smem:$0x7FF] =	sst s3;
	s8 =	sadd.s32 $0x3DC00, s1;
	s9 =	smul.u32 $0x50000, s18  }
0x6: {  	s24 =	smul.u32 $0x2710, s18;
	s4 =	sshll.u32 s0, $0x4;
	s5 =	ssub.s32 $0x2, s0  }
0x7: {  	_ =	strace $0x8000004A;
	s4 =	sor.u32 s18, s4;
	s6 =	sshrl.u32 s5, $0x1  }
0x8: {  	s10 =	sor.u32 $0x2800, s7;
	s11 =	sadd.s32 $0x5000, s7;
	s14 =	sadd.s32 $0x7800, s7  }
0x9: {  	s15 =	sadd.s32 $0xA000, s7;
	s16 =	sadd.s32 $0xC800, s7;
	s4 =	smul.u32 $0x2710, s4  }
0xa: {  	s21 =	sadd.s32 $0xF000, s7;
	s5 =	ssub.s32 s5, s6;
	s6 =	smul.u32 $0x140000, s0  }
0xb: {  	s9 =	sshrl.u32 s9, $0x2;
	s0 =	smul.u32 $0x27100, s0;
	s18 =	sadd.s32 s14, s2  }
0xc: {  	[dreg:$0x11] =	wrdreg s18;
	s4 =	sshrl.u32 s4, $0x3;
	s12 =	sadd.s32 s7, s6  }
0xd: {  	s7 =	sadd.s32 $0x11800, s7;
	s26 =	sadd.s32 s6, s10;
	s13 =	sadd.s32 s6, s11  }
0xe: {  	s17 =	sadd.s32 s6, s14;
	s20 =	sadd.s32 s6, s15;
	s22 =	sadd.s32 s6, s16  }
0xf: {  	s25 =	sadd.s32 s6, s21;
	s0 =	sadd.s32 s24, s0;
	s24 =	sadd.s32 s10, s2  }
0x10: {  	s11 =	sadd.s32 s11, s2;
	s10 =	simm.s32 $0x4880;
	s14 =	simm.s32 $0x5880  }
0x11: {  	s12 =	sshrl.u32 s12, $0x3;
	s13 =	sshrl.u32 s13, $0x3;
	s17 =	sshrl.u32 s17, $0x3  }
0x12: {  	s23 =	sshrl.u32 s22, $0x3;
	s6 =	sadd.s32 s6, s7;
	s22 =	sadd.s32 s15, s2  }
0x13: {  	s12 =	sadd.s32 s8, s12;
	s19 =	sadd.s32 s8, s17;
	[dreg:$0xe] =	wrdreg s22  }
0x14: {  	s6 =	sshrl.u32 s6, $0x3;
	s17 =	sadd.s32 s9, s2;
	[dreg:$0x4] =	wrdreg s12  }
0x15: {  	s9 =	simm.s32 $0x4080;
	[dreg:$0x7] =	wrdreg s19;
	s6 =	sadd.s32 s8, s6  }
0x16: {  	s12 =	sshrl.u32 s26, $0x3;
	s26 =	sadd.s32 $0xA0, s0;
	[dreg:$0xb] =	wrdreg s6  }
0x17: {  	s19 =	sadd.s32 s16, s2;
	s16 =	smov.u32 s11;
	[dreg:$0x3] =	wrdreg s26  }
0x18: {  	s0 =	sadd.s32 $0xF0, s0;
	s12 =	sadd.s32 s8, s12;
	[dreg:$0xd] =	wrdreg s19  }
0x19: {  	s11 =	simm.s32 $0x2;
	[dreg:$0x5] =	wrdreg s12;
	s12 =	sadd.s32 s8, s13  }
0x1a: {  	[dreg:$0x6] =	wrdreg s12;
	s12 =	sshrl.u32 s20, $0x3;
	s20 =	sadd.s32 s21, s2  }
0x1b: {  	s0 =	sshrl.u32 s0, $0x3;
	s21 =	sadd.s32 s7, s2;
	[dreg:$0xf] =	wrdreg s20  }
0x1c: {  	s6 =	simm.s32 $0x1;
	s12 =	sadd.s32 s8, s12;
	[dreg:$0x10] =	wrdreg s21  }
0x1d: {  	s13 =	sadd.s32 $0x16400, s1;
	[dreg:$0x8] =	wrdreg s12;
	s12 =	sadd.s32 s8, s23  }
0x1e: {  	s7 =	simm.s32 $0x3080;
	[dreg:$0x9] =	wrdreg s12;
	s12 =	sshrl.u32 s25, $0x3  }
0x1f: {  	s25 =	smax.u32 s5, $0x1;
	s5 =	simm.s32 $0x5080;
	s12 =	sadd.s32 s8, s12  }
0x20: {  	s8 =	sadd.s32 s4, s1;
	[dreg:$0x14] =	wrdreg s25;
	s25 =	simm.s32 $0x6880  }
0x21: {  	[dreg:$0xa] =	wrdreg s12;
	s12 =	sadd.s32 $0xC600, s1;
	s1 =	sadd.s32 $0x3D600, s1  }
0x22: {  	s15 =	sadd.s32 $0x2800, s8;
	s8 =	simm.s32 $0x3880;
	[dreg:$0xc] =	wrdreg s1  }
0x23: {  	[dreg:$0x12] =	wrdreg s15;
	s23 =	sadd.s32 s12, s4;
	s0 =	sadd.s32 s0, s12  }
0x24: {  	s1 =	simm.s32 $0x2800;
	s4 =	simm.s32 $0x50;
	[dreg:$0x15] =	wrdreg s0  }
0x25: {  	[dreg:$0x13] =	wrdreg s23;
	s26 =	sadd.s32 $0xA, s23;
	s0 =	simm.s32 $0x2780  }
0x26: {  	vm0 =	vmmov $0xffff;
	s23 =	simm.s32 $0x6080;
	[dreg:$0x16] =	wrdreg s26;
	s26 =	simm.s32 $0x0  }
.LBB2_1:
0x27: {  	s15 =	rddreg [dreg:$0xc]  }
0x28: {  	[tilespmem:s29], [sflag:$0x4] =	stream.linear.gather [hbm4b:s15+s3], $0x2800, $0x38;
	[tilespmem:$0x1B880] =	vst v63  }
0x29: {  	_ =	swait.ge [sflag:s30], $0x2800  }
0x2a: {  	[sflag:s30] =	ssyncset.done $0x0  }
0x2b: {  	[sflag:s30] =	ssyncadd.s32 $0xFFFFD800  }
0x2c: {  	[spmem:s17] =	stream.linear.scatter [tilespmem:s29], [sflag:$0x3], $0x2800, $0x38;
	[tilespmem:$0x1B880] =	vst v63  }
0x2d: {  	_ = 	snop  }
0x2e: {  	[spmem:s24] =	stream.linear.scatter [tilespmem:s29], [sflag:$0x3], $0x2800, $0x38;
	[tilespmem:$0x1B880] =	vst v63  }
0x2f: {  	_ = 	snop  }
0x30: {  	[spmem:s16] =	stream.linear.scatter [tilespmem:s29], [sflag:$0x3], $0x2800, $0x38;
	[tilespmem:$0x1B880] =	vst v63  }
0x31: {  	s15 =	smov.u32 s18  }
0x32: {  	[spmem:s15] =	stream.linear.scatter [tilespmem:s29], [sflag:$0x3], $0x2800, $0x38;
	[tilespmem:$0x1B880] =	vst v63  }
0x33: {  	s18 =	smov.u32 s17;
	s17 =	smov.u32 s22  }
0x34: {  	[spmem:s17] =	stream.linear.scatter [tilespmem:s29], [sflag:$0x3], $0x2800, $0x38;
	[tilespmem:$0x1B880] =	vst v63  }
0x35: {  	_ = 	snop  }
0x36: {  	[spmem:s19] =	stream.linear.scatter [tilespmem:s29], [sflag:$0x3], $0x2800, $0x38;
	[tilespmem:$0x1B880] =	vst v63  }
0x37: {  	s22 =	smov.u32 s24;
	s24 =	smov.u32 s20  }
0x38: {  	[spmem:s24] =	stream.linear.scatter [tilespmem:s29], [sflag:$0x3], $0x2800, $0x38;
	[tilespmem:$0x1B880] =	vst v63  }
0x39: {  	_ = 	snop  }
0x3a: {  	[spmem:s21] =	stream.linear.scatter [tilespmem:s29], [sflag:$0x3], $0x2800, $0x38;
	[tilespmem:$0x1B880] =	vst v63  }
0x3b: {  	_ =	swait.ge [sflag:s31], $0x2800  }
0x3c: {  	[sflag:s31] =	ssyncset.done $0x0  }
0x3d: {  	[sflag:s31] =	ssyncadd.s32 $0xFFFFD800  }
0x3e: {  	_ =	swait.ge [sflag:s31], $0x2800  }
0x3f: {  	[sflag:s31] =	ssyncset.done $0x0  }
0x40: {  	[sflag:s31] =	ssyncadd.s32 $0xFFFFD800  }
0x41: {  	_ =	swait.ge [sflag:s31], $0x2800  }
0x42: {  	[sflag:s31] =	ssyncset.done $0x0  }
0x43: {  	[sflag:s31] =	ssyncadd.s32 $0xFFFFD800  }
0x44: {  	_ =	swait.ge [sflag:s31], $0x2800  }
0x45: {  	[sflag:s31] =	ssyncset.done $0x0  }
0x46: {  	[sflag:s31] =	ssyncadd.s32 $0xFFFFD800  }
0x47: {  	_ =	swait.ge [sflag:s31], $0x2800  }
0x48: {  	[sflag:s31] =	ssyncset.done $0x0  }
0x49: {  	[sflag:s31] =	ssyncadd.s32 $0xFFFFD800  }
0x4a: {  	_ =	swait.ge [sflag:s31], $0x2800  }
0x4b: {  	[sflag:s31] =	ssyncset.done $0x0  }
0x4c: {  	[sflag:s31] =	ssyncadd.s32 $0xFFFFD800  }
0x4d: {  	_ =	swait.ge [sflag:s31], $0x2800  }
0x4e: {  	[sflag:s31] =	ssyncset.done $0x0  }
0x4f: {  	[sflag:s31] =	ssyncadd.s32 $0xFFFFD800  }
0x50: {  	_ =	swait.ge [sflag:s31], $0x2800  }
0x51: {  	[sflag:s31] =	ssyncset.done $0x0  }
0x52: {  	s19 =	rddreg [dreg:$0x12];
	[sflag:s31] =	ssyncadd.s32 $0xFFFFD800  }
0x53: {  	[tilespmem:s3], [sflag:$0x4] =	stream.linear.gather [hbm4b:s19+s3], $0x2710, $0x38;
	[tilespmem:$0x1B880] =	vst v63  }
0x54: {  	_ =	swait.ge [sflag:s30], $0x2710  }
0x55: {  	[sflag:s30] =	ssyncset.done $0x0  }
0x56: {  	[sflag:s30] =	ssyncadd.s32 $0xFFFFD8F0  }
0x57: {  	[bflag:$0x0] =	sbarrier.arrive $0xFFFF  }
0x58: {  	s21 =	rddreg [dreg:$0x13]  }
0x59: {  	[tilespmem:s0], [sflag:$0x4] =	stream.linear.gather [hbm4b:s21+s3], $0x50, $0x38;
	[tilespmem:$0x1B880] =	vst v63  }
0x5a: {  	_ =	swait.ge [sflag:s30], $0x50  }
0x5b: {  	[sflag:s30] =	ssyncset.done $0x0  }
0x5c: {  	[sflag:s30] =	ssyncadd.s32 $0xFFFFFFB0  }
0x5d: {  	[tilespmem:s29], [sflag:$0x1] =	stream.indirect.gather [hbm4b:s13+s4], $0x80, s0, s4, $0xb8;
	[tilespmem:$0x1B880] =	vst v63  }
0x5e: {  	s24 =	rddreg [dreg:$0x16]  }
0x5f: {  	[tilespmem:s1], [sflag:$0x4] =	stream.linear.gather [hbm4b:s24+s3], $0x50, $0x38;
	[tilespmem:$0x1B880] =	vst v63  }
0x60: {  	_ =	swait.ge [sflag:s30], $0x50  }
0x61: {  	s20 =	smov.u32 s16;
	s16 =	simm.s32 $0x0;
	[sflag:s30] =	ssyncset.done $0x0  }
0x62: {  	s24 =	simm.s32 $0x50;
	s15 =	rddreg [dreg:$0x15];
	[sflag:s30] =	ssyncadd.s32 $0xFFFFFFB0  }
.LBB2_2:
0x63: {  	[tilespmem:s5], [sflag:$0x2] =	stream.indirect.gather [hbm4b:s13+s4], $0x80, s1, s4, $0xb8;
	[tilespmem:$0x1B880] =	vst v63  }
0x64: {  	_ =	swait.ge [sflag:s6], $0x2800  }
0x65: {  	[sflag:s6] =	ssyncset.done $0x0  }
0x66: {  	[sflag:s6] =	ssyncadd.s32 $0xFFFFD800  }
0x67: {  	v0 =	vld [tilespmem:s24+$0xFFFFFFB0];
	_ =	sdelay $0x7  }
0x68: {  	[spmem:s2] =	stream.indirect_vreg.scatter.add.f32 [tilespmem:s29], [sflag:$0x3], $0x80, v0, vm0, $0xb8;
	[tilespmem:$0x1B880] =	vst v63  }
0x69: {  	v0 =	vld [tilespmem:s24+$0xFFFFFFC0];
	_ =	sdelay $0x7  }
0x6a: {  	[spmem:s2] =	stream.indirect_vreg.scatter.add.f32 [tilespmem:s7], [sflag:$0x3], $0x80, v0, vm0, $0xb8;
	[tilespmem:$0x1B880] =	vst v63  }
0x6b: {  	v0 =	vld [tilespmem:s24+$0xFFFFFFD0];
	_ =	sdelay $0x7  }
0x6c: {  	[spmem:s2] =	stream.indirect_vreg.scatter.add.f32 [tilespmem:s8], [sflag:$0x3], $0x80, v0, vm0, $0xb8;
	[tilespmem:$0x1B880] =	vst v63  }
0x6d: {  	v0 =	vld [tilespmem:s24+$0xFFFFFFE0];
	_ =	sdelay $0x7  }
0x6e: {  	[spmem:s2] =	stream.indirect_vreg.scatter.add.f32 [tilespmem:s9], [sflag:$0x3], $0x80, v0, vm0, $0xb8;
	[tilespmem:$0x1B880] =	vst v63  }
0x6f: {  	v0 =	vld [tilespmem:s24+$0xFFFFFFF0];
	_ =	sdelay $0x7  }
0x70: {  	[spmem:s2] =	stream.indirect_vreg.scatter.add.f32 [tilespmem:s10], [sflag:$0x3], $0x80, v0, vm0, $0xb8;
	[tilespmem:$0x1B880] =	vst v63  }
0x71: {  	_ =	swait.ge [sflag:s31], $0x800  }
0x72: {  	[sflag:s31] =	ssyncset.done $0x0  }
0x73: {  	[sflag:s31] =	ssyncadd.s32 $0xFFFFF800  }
0x74: {  	_ =	swait.ge [sflag:s31], $0x800  }
0x75: {  	[sflag:s31] =	ssyncset.done $0x0  }
0x76: {  	[sflag:s31] =	ssyncadd.s32 $0xFFFFF800  }
0x77: {  	_ =	swait.ge [sflag:s31], $0x800  }
0x78: {  	[sflag:s31] =	ssyncset.done $0x0  }
0x79: {  	[sflag:s31] =	ssyncadd.s32 $0xFFFFF800  }
0x7a: {  	_ =	swait.ge [sflag:s31], $0x800  }
0x7b: {  	[sflag:s31] =	ssyncset.done $0x0  }
0x7c: {  	[sflag:s31] =	ssyncadd.s32 $0xFFFFF800  }
0x7d: {  	_ =	swait.ge [sflag:s31], $0x800  }
0x7e: {  	s17 =	rddreg [dreg:$0x3]  }
0x7f: {  	s17 =	sadd.s32 s16, s17  }
0x80: {  	[sflag:s31] =	ssyncset.done $0x0;
	s17 =	sshrl.u32 s17, $0x3  }
0x81: {  	[sflag:s31] =	ssyncadd.s32 $0xFFFFF800;
	s17 =	sadd.s32 s12, s17  }
0x82: {  	[tilespmem:s0], [sflag:$0x4] =	stream.linear.gather [hbm4b:s17+s3], $0x50, $0x38;
	[tilespmem:$0x1B880] =	vst v63  }
0x83: {  	_ =	swait.ge [sflag:s30], $0x50  }
0x84: {  	[sflag:s30] =	ssyncset.done $0x0  }
0x85: {  	[sflag:s30] =	ssyncadd.s32 $0xFFFFFFB0  }
0x86: {  	[tilespmem:s29], [sflag:$0x1] =	stream.indirect.gather [hbm4b:s13+s4], $0x80, s0, s4, $0xb8;
	[tilespmem:$0x1B880] =	vst v63  }
0x87: {  	_ =	swait.ge [sflag:s11], $0x2800  }
0x88: {  	[sflag:s11] =	ssyncset.done $0x0  }
0x89: {  	[sflag:s11] =	ssyncadd.s32 $0xFFFFD800  }
0x8a: {  	v63 =	vld [tilespmem:s24+$0x0];
	_ =	sdelay $0x7  }
0x8b: {  	[spmem:s2] =	stream.indirect_vreg.scatter.add.f32 [tilespmem:s5], [sflag:$0x3], $0x80, v63, vm0, $0xb8;
	[tilespmem:$0x1B880] =	vst v63  }
0x8c: {  	v0 =	vld [tilespmem:s24+$0x10];
	_ =	sdelay $0x7  }
0x8d: {  	[spmem:s2] =	stream.indirect_vreg.scatter.add.f32 [tilespmem:s14], [sflag:$0x3], $0x80, v0, vm0, $0xb8;
	[tilespmem:$0x1B880] =	vst v63  }
0x8e: {  	v0 =	vld [tilespmem:s24+$0x20];
	_ =	sdelay $0x6  }
0x8f: {  	s21 =	sand.u32 $0x3FE0, s16  }
0x90: {  	[spmem:s2] =	stream.indirect_vreg.scatter.add.f32 [tilespmem:s23], [sflag:$0x3], $0x80, v0, vm0, $0xb8;
	[tilespmem:$0x1B880] =	vst v63  }
0x91: {  	v0 =	vld [tilespmem:s21+$0x80];
	_ =	sdelay $0x7  }
0x92: {  	[spmem:s2] =	stream.indirect_vreg.scatter.add.f32 [tilespmem:s25], [sflag:$0x3], $0x80, v0, vm0, $0xb8;
	[tilespmem:$0x1B880] =	vst v63  }
0x93: {  	v0 =	vld [tilespmem:s24+$0x40];
	_ =	sdelay $0x7  }
0x94: {  	[spmem:s2] =	stream.indirect_vreg.scatter.add.f32 [tilespmem:s28], [sflag:$0x3], $0x80, v0, vm0, $0xb8;
	[tilespmem:$0x1B880] =	vst v63  }
0x95: {  	_ =	swait.ge [sflag:s31], $0x800  }
0x96: {  	[sflag:s31] =	ssyncset.done $0x0  }
0x97: {  	[sflag:s31] =	ssyncadd.s32 $0xFFFFF800  }
0x98: {  	_ =	swait.ge [sflag:s31], $0x800  }
0x99: {  	[sflag:s31] =	ssyncset.done $0x0  }
0x9a: {  	[sflag:s31] =	ssyncadd.s32 $0xFFFFF800  }
0x9b: {  	_ =	swait.ge [sflag:s31], $0x800  }
0x9c: {  	[sflag:s31] =	ssyncset.done $0x0  }
0x9d: {  	[sflag:s31] =	ssyncadd.s32 $0xFFFFF800  }
0x9e: {  	_ =	swait.ge [sflag:s31], $0x800  }
0x9f: {  	[sflag:s31] =	ssyncset.done $0x0  }
0xa0: {  	[sflag:s31] =	ssyncadd.s32 $0xFFFFF800  }
0xa1: {  	_ =	swait.ge [sflag:s31], $0x800  }
0xa2: {  	p0 =	sne.s32 s16, $0x2620;
	[sflag:s31] =	ssyncset.done $0x0  }
.Ltmp0:
0xa3: {  	[sflag:s31] =	ssyncadd.s32 $0xFFFFF800;
	(pc) =	sbr.rel @p0 .LBB2_2-.Ltmp0, $4  }
0xa4: {  	[tilespmem:s1], [sflag:$0x4] =	stream.linear.gather [hbm4b:s15+s3], $0x50, $0x38;
	[tilespmem:$0x1B880] =	vst v63  }
0xa5: {  	_ =	swait.ge [sflag:s30], $0x50  }
0xa6: {  	s16 =	sadd.s32 $0xA0, s16;
	[sflag:s30] =	ssyncset.done $0x0  }
0xa7: {  	s24 =	sadd.s32 $0xA0, s24;
	s15 =	sadd.s32 $0x14, s15;
	[sflag:s30] =	ssyncadd.s32 $0xFFFFFFB0  }
0xa8: {  	_ =	swait.ge [sflag:s6], $0x2800  }
0xa9: {  	[sflag:s6] =	ssyncset.done $0x0  }
0xaa: {  	[sflag:s6] =	ssyncadd.s32 $0xFFFFD800  }
0xab: {  	v0 =	vld [tilespmem:$0x26C0];
	_ =	sdelay $0x7  }
0xac: {  	[spmem:s2] =	stream.indirect_vreg.scatter.add.f32 [tilespmem:s29], [sflag:$0x3], $0x80, v0, vm0, $0xb8;
	[tilespmem:$0x1B880] =	vst v63  }
0xad: {  	v0 =	vld [tilespmem:$0x26D0];
	_ =	sdelay $0x7  }
0xae: {  	[spmem:s2] =	stream.indirect_vreg.scatter.add.f32 [tilespmem:s7], [sflag:$0x3], $0x80, v0, vm0, $0xb8;
	[tilespmem:$0x1B880] =	vst v63  }
0xaf: {  	v0 =	vld [tilespmem:$0x26E0];
	_ =	sdelay $0x7  }
0xb0: {  	[spmem:s2] =	stream.indirect_vreg.scatter.add.f32 [tilespmem:s8], [sflag:$0x3], $0x80, v0, vm0, $0xb8;
	[tilespmem:$0x1B880] =	vst v63  }
0xb1: {  	v0 =	vld [tilespmem:$0x26F0];
	_ =	sdelay $0x7  }
0xb2: {  	[spmem:s2] =	stream.indirect_vreg.scatter.add.f32 [tilespmem:s9], [sflag:$0x3], $0x80, v0, vm0, $0xb8;
	[tilespmem:$0x1B880] =	vst v63  }
0xb3: {  	v0 =	vld [tilespmem:$0x2700];
	_ =	sdelay $0x7  }
0xb4: {  	[spmem:s2] =	stream.indirect_vreg.scatter.add.f32 [tilespmem:s10], [sflag:$0x3], $0x80, v0, vm0, $0xb8;
	[tilespmem:$0x1B880] =	vst v63  }
0xb5: {  	_ =	swait.ge [sflag:s31], $0x800  }
0xb6: {  	[sflag:s31] =	ssyncset.done $0x0  }
0xb7: {  	[sflag:s31] =	ssyncadd.s32 $0xFFFFF800  }
0xb8: {  	_ =	swait.ge [sflag:s31], $0x800  }
0xb9: {  	[sflag:s31] =	ssyncset.done $0x0  }
0xba: {  	[sflag:s31] =	ssyncadd.s32 $0xFFFFF800  }
0xbb: {  	_ =	swait.ge [sflag:s31], $0x800  }
0xbc: {  	[sflag:s31] =	ssyncset.done $0x0  }
0xbd: {  	[sflag:s31] =	ssyncadd.s32 $0xFFFFF800  }
0xbe: {  	_ =	swait.ge [sflag:s31], $0x800  }
0xbf: {  	[sflag:s31] =	ssyncset.done $0x0  }
0xc0: {  	[sflag:s31] =	ssyncadd.s32 $0xFFFFF800  }
0xc1: {  	_ =	swait.ge [sflag:s31], $0x800  }
0xc2: {  	[sflag:s31] =	ssyncset.done $0x0  }
0xc3: {  	[sflag:s31] =	ssyncadd.s32 $0xFFFFF800  }
0xc4: {  	[bflag:$0x0] =	sbarrier.arrive $0xFFFF  }
0xc5: {  	[tilespmem:s29], [sflag:$0x4] =	stream.linear.gather [spmem:s18], $0x2800, $0x38;
	[tilespmem:$0x1B880] =	vst v63  }
0xc6: {  	_ =	swait.ge [sflag:s30], $0x2800  }
0xc7: {  	[sflag:s30] =	ssyncset.done $0x0  }
0xc8: {  	s15 =	rddreg [dreg:$0x4];
	[sflag:s30] =	ssyncadd.s32 $0xFFFFD800  }
0xc9: {  	[hbm4b:s15+s3] =	stream.linear.scatter [tilespmem:s29], [sflag:$0x1], $0x2800, $0x38;
	[tilespmem:$0x1B880] =	vst v63  }
0xca: {  	_ = 	snop  }
0xcb: {  	[tilespmem:s5], [sflag:$0x4] =	stream.linear.gather [spmem:s22], $0x2800, $0x38;
	[tilespmem:$0x1B880] =	vst v63  }
0xcc: {  	_ =	swait.ge [sflag:s30], $0x2800  }
0xcd: {  	[sflag:s30] =	ssyncset.done $0x0  }
0xce: {  	s19 =	rddreg [dreg:$0x5];
	[sflag:s30] =	ssyncadd.s32 $0xFFFFD800  }
0xcf: {  	[hbm4b:s19+s3] =	stream.linear.scatter [tilespmem:s5], [sflag:$0x2], $0x2800, $0x38;
	[tilespmem:$0x1B880] =	vst v63  }
0xd0: {  	_ =	swait.ge [sflag:s6], $0x2800  }
0xd1: {  	[sflag:s6] =	ssyncset.done $0x0  }
0xd2: {  	[sflag:s6] =	ssyncadd.s32 $0xFFFFD800  }
0xd3: {  	[tilespmem:s29], [sflag:$0x4] =	stream.linear.gather [spmem:s20], $0x2800, $0x38;
	[tilespmem:$0x1B880] =	vst v63  }
0xd4: {  	_ =	swait.ge [sflag:s30], $0x2800  }
0xd5: {  	[sflag:s30] =	ssyncset.done $0x0  }
0xd6: {  	s21 =	rddreg [dreg:$0x6];
	[sflag:s30] =	ssyncadd.s32 $0xFFFFD800  }
0xd7: {  	[hbm4b:s21+s3] =	stream.linear.scatter [tilespmem:s29], [sflag:$0x1], $0x2800, $0x38;
	[tilespmem:$0x1B880] =	vst v63  }
0xd8: {  	_ =	swait.ge [sflag:s11], $0x2800  }
0xd9: {  	[sflag:s11] =	ssyncset.done $0x0  }
0xda: {  	s17 =	smov.u32 s18;
	s18 =	rddreg [dreg:$0x11];
	[sflag:s11] =	ssyncadd.s32 $0xFFFFD800  }
0xdb: {  	[tilespmem:s5], [sflag:$0x4] =	stream.linear.gather [spmem:s18], $0x2800, $0x38;
	[tilespmem:$0x1B880] =	vst v63  }
0xdc: {  	_ =	swait.ge [sflag:s30], $0x2800  }
0xdd: {  	[sflag:s30] =	ssyncset.done $0x0  }
0xde: {  	s24 =	smov.u32 s22;
	s22 =	rddreg [dreg:$0x7];
	[sflag:s30] =	ssyncadd.s32 $0xFFFFD800  }
0xdf: {  	[hbm4b:s22+s3] =	stream.linear.scatter [tilespmem:s5], [sflag:$0x2], $0x2800, $0x38;
	[tilespmem:$0x1B880] =	vst v63  }
0xe0: {  	_ =	swait.ge [sflag:s6], $0x2800  }
0xe1: {  	[sflag:s6] =	ssyncset.done $0x0  }
0xe2: {  	s22 =	rddreg [dreg:$0xe];
	[sflag:s6] =	ssyncadd.s32 $0xFFFFD800  }
0xe3: {  	[tilespmem:s29], [sflag:$0x4] =	stream.linear.gather [spmem:s22], $0x2800, $0x38;
	[tilespmem:$0x1B880] =	vst v63  }
0xe4: {  	_ =	swait.ge [sflag:s30], $0x2800  }
0xe5: {  	[sflag:s30] =	ssyncset.done $0x0  }
0xe6: {  	s19 =	rddreg [dreg:$0x8];
	[sflag:s30] =	ssyncadd.s32 $0xFFFFD800  }
0xe7: {  	[hbm4b:s19+s3] =	stream.linear.scatter [tilespmem:s29], [sflag:$0x1], $0x2800, $0x38;
	[tilespmem:$0x1B880] =	vst v63  }
0xe8: {  	_ =	swait.ge [sflag:s11], $0x2800  }
0xe9: {  	[sflag:s11] =	ssyncset.done $0x0  }
0xea: {  	s19 =	rddreg [dreg:$0xd];
	[sflag:s11] =	ssyncadd.s32 $0xFFFFD800  }
0xeb: {  	[tilespmem:s5], [sflag:$0x4] =	stream.linear.gather [spmem:s19], $0x2800, $0x38;
	[tilespmem:$0x1B880] =	vst v63  }
0xec: {  	_ =	swait.ge [sflag:s30], $0x2800  }
0xed: {  	[sflag:s30] =	ssyncset.done $0x0  }
0xee: {  	s16 =	smov.u32 s20;
	s20 =	rddreg [dreg:$0x9];
	[sflag:s30] =	ssyncadd.s32 $0xFFFFD800  }
0xef: {  	[hbm4b:s20+s3] =	stream.linear.scatter [tilespmem:s5], [sflag:$0x2], $0x2800, $0x38;
	[tilespmem:$0x1B880] =	vst v63  }
0xf0: {  	_ =	swait.ge [sflag:s6], $0x2800  }
0xf1: {  	[sflag:s6] =	ssyncset.done $0x0  }
0xf2: {  	s20 =	rddreg [dreg:$0xf];
	[sflag:s6] =	ssyncadd.s32 $0xFFFFD800  }
0xf3: {  	[tilespmem:s29], [sflag:$0x4] =	stream.linear.gather [spmem:s20], $0x2800, $0x38;
	[tilespmem:$0x1B880] =	vst v63  }
0xf4: {  	_ =	swait.ge [sflag:s30], $0x2800  }
0xf5: {  	[sflag:s30] =	ssyncset.done $0x0  }
0xf6: {  	s21 =	rddreg [dreg:$0xa];
	[sflag:s30] =	ssyncadd.s32 $0xFFFFD800  }
0xf7: {  	[hbm4b:s21+s3] =	stream.linear.scatter [tilespmem:s29], [sflag:$0x1], $0x2800, $0x38;
	[tilespmem:$0x1B880] =	vst v63  }
0xf8: {  	_ =	swait.ge [sflag:s11], $0x2800  }
0xf9: {  	[sflag:s11] =	ssyncset.done $0x0  }
0xfa: {  	s21 =	rddreg [dreg:$0x10];
	[sflag:s11] =	ssyncadd.s32 $0xFFFFD800  }
0xfb: {  	[tilespmem:s5], [sflag:$0x4] =	stream.linear.gather [spmem:s21], $0x2800, $0x38;
	[tilespmem:$0x1B880] =	vst v63  }
0xfc: {  	_ =	swait.ge [sflag:s30], $0x2800  }
0xfd: {  	[sflag:s30] =	ssyncset.done $0x0  }
0xfe: {  	s15 =	rddreg [dreg:$0xb];
	[sflag:s30] =	ssyncadd.s32 $0xFFFFD800  }
0xff: {  	[hbm4b:s15+s3] =	stream.linear.scatter [tilespmem:s5], [sflag:$0x2], $0x2800, $0x38;
	[tilespmem:$0x1B880] =	vst v63  }
0x100: {  	_ =	swait.ge [sflag:s6], $0x2800  }
0x101: {  	[sflag:s6] =	ssyncset.done $0x0  }
0x102: {  	[sflag:s6] =	ssyncadd.s32 $0xFFFFD800  }
0x103: {  	_ =	swait.ge [sflag:s11], $0x2800  }
0x104: {  	s26 =	sadd.s32 $0x1, s26;
	s15 =	rddreg [dreg:$0x14]  }
0x105: {  	p0 =	sne.s32 s26, s15  }
.Ltmp1:
0x106: {  	_ = 	snop;
	(pc) =	sbr.rel @p0 .LBB2_1-.Ltmp1, $3  }
0x107: {  	_ =	sdelay $0x1  }
0x108: {  	[sflag:s11] =	ssyncset.done $0x0  }
0x109: {  	[sflag:s11] =	ssyncadd.s32 $0xFFFFD800  }
0x10a: {  	_ =	sfence.sel $0x180000  }
0x10b: {  	[bflag:$0x0] =	sbarrier.arrive $0xFFFF  }
0x10c: {  	_ =	strace $0x9000004A  }
0x10d: {  	s0 =	stileid.u32;
	[bflag:$0x2] =	sbarrier.arrive $0xFFFF  }
0x10e: {  	p0 =	sne.s32 s0, $0x0;
	s0 =	rddreg [dreg:$0x2]  }
0x10f: {  	s0 =	sadd.s32 @!p0 $0x100000, s0  }
0x110: {  	[sflag:s0] =	ssyncadd.tile.s32 @!p0 $0x1;
	_ =	shalt  }
.Lfunc_end2:
_tile_overlayer_lowered:
.L_overlay_start_2:
0x111: {  	(tag) =	ssettag $0x2  }
0x112: {  	s0 =	rddreg [dreg:$0x0];
	s2 =	stileid.u32  }
0x113: {  	s1 =	rddreg [dreg:$0x1];
	p0 =	sne.s32 s2, $0x0  }
0x114: {  	s3 =	rddreg [dreg:$0x2];
	[bflag:$0x3] =	sbarrier.arrive $0xFFFF;
	s2 =	simm.s32 @!p0 $0x1C04  }
0x115: {  	[timem:s3], [sflag:s2] =	dma.local @!p0 [hbm:s0], s1  }
0x116: {  	s0 =	simm.s32 @!p0 $0x4  }
0x117: {  	_ =	swait.ge @!p0 [sflag:s0], s1  }
0x118: {  	s1 =	ssub.s32 @!p0 $0x0, s1;
	[sflag:s0] =	ssyncset.done @!p0 $0x0  }
0x119: {  	[sflag:s0] =	ssyncadd.s32 @!p0 s1  }
0x11a: {  	[bflag:$0x3] =	sbarrier.arrive $0xFFFF  }
0x11b: {  	_ =	shalt  }

// kernel: kernel.7.cloned.1.call-start
scs
__scs_entry_jumppad:
0x0: {  	(pc) =	sbr.rel $0x88, $3  }
0x1: {  	(tag) =	ssettag $0x0;
	lr =	simm.s32 $0x1  }
0x2: {  	[smem:$0x3F9A] =	sst lr;
	_ =	strace $0xD0000000  }
0x3: {  	_ = 	snop  }
0x4: {  	_ = 	snop  }
0x5: {  	_ = 	snop  }
0x6: {  	_ = 	snop  }
0x7: {  	_ = 	snop  }
__scs_overlays_trampoline_lowered:
0x8: {  	[smem:$0x3FA9] =	sst s0  }
0x9: {  	[smem:$0x3FAA] =	sst s1  }
0xa: {  	[smem:$0x3FAB] =	sst s2  }
0xb: {  	[smem:$0x3FAC] =	sst s3  }
0xc: {  	[smem:$0x3FAD] =	sst s4  }
0xd: {  	[smem:$0x3FAE] =	sst s5  }
0xe: {  	[smem:$0x3FAF] =	sst s6  }
0xf: {  	[smem:$0x3FB0] =	sst s7  }
0x10: {  	[smem:$0x3FB1] =	sst s8  }
0x11: {  	[smem:$0x3FB2] =	sst s9;
	s0 =	simm.s32 @!p0 $0x0  }
0x12: {  	s1 =	sld [smem:$0x3F98];
	s0 =	simm.s32 @p0 $0x1  }
0x13: {  	[smem:$0x3FB3] =	sst s0;
	s0 =	simm.s32 @!p1 $0x0  }
0x14: {  	s2 =	sld [smem:$0x3F97];
	s0 =	simm.s32 @p1 $0x1  }
0x15: {  	[smem:$0x3FB4] =	sst s0;
	s0 =	simm.s32 @!p2 $0x0  }
0x16: {  	s3 =	sld [smem:$0x3FDB];
	s0 =	simm.s32 @p2 $0x1  }
0x17: {  	s4 =	simm.s32 $0x1BF5;
	[smem:$0x3FB6] =	sst s0  }
0x18: {  	s0 =	sld [smem:$0x3F99];
	_ =	swait.ge [sflag:s4], $0x0  }
0x19: {  	s7 =	sld [smem:$0x3F9A]  }
0x1a: {  	s8 =	sadd.s32 $0xFFFFE003, lr  }
0x1b: {  	s9 =	sadd.s32 $0xFFFFFEF7, lr;
	s5 =	simm.s32 $0xFFFFFFFF;
	p2 =	slt.u32 s8, $0xFFFFF086  }
0x1c: {  	p1 =	slt.u32 s9, $0xF7A;
	s5 =	simm.s32 @!p2 $0x0  }
0x1d: {  	s5 =	simm.s32 @p1 $0x1;
	p0 =	seq.s32 s7, s2  }
0x1e: {  	s7 =	smul.u32 @!p0 $0xF7A, s2;
	p2 =	seq.s32 @!p0 s5, $0x0  }
0x1f: {  	s9 =	smul.u32 $0xF7A, s1;
	s8 =	simm.s32 @!p0 $0x1BF5;
	p2 =	por !p2, p0  }
0x20: {  	[sflag:s8] =	ssyncset.s32 @!p0 $0xFFFFF086;
	s6 =	sadd.s32 @!p0 s3, s7;
	s7 =	simm.s32 @!p0 $0x108  }
0x21: {  	s3 =	sadd.s32 s3, s9;
	s6 =	sadd.s32 @!p0 $0x88, s6;
	s7 =	simm.s32 @p2 $0x1082  }
0x22: {  	[simem:s7], [sflag:s8] =	dma.local @!p0 [hbm:s6], $0xF7A  }
0x23: {  	s9 =	sor.u32 $0xD0000000, s2;
	s6 =	simm.s32 $0x108;
	_ =	swait.ge @!p0 [sflag:s8], $0x0  }
0x24: {  	s3 =	sadd.s32 $0x88, s3;
	s6 =	simm.s32 @!p1 $0x1082;
	[sflag:s4] =	ssyncset.s32 $0xFFFFF086  }
0x25: {  	[simem:s6], [sflag:s4] =	dma.local [hbm:s3], $0xF7A  }
0x26: {  	[smem:$0x3F9A] =	sst s1;
	(tag) =	ssettag s2;
	_ =	strace s9  }
0x27: {  	s1 =	sld [smem:$0x3FAA]  }
0x28: {  	s2 =	sld [smem:$0x3FAB]  }
0x29: {  	s4 =	sld [smem:$0x3FAD]  }
0x2a: {  	p0 =	seq.s32 s5, $0x0;
	s5 =	sld [smem:$0x3FAE]  }
0x2b: {  	s6 =	sld [smem:$0x3FAF]  }
0x2c: {  	s7 =	sld [smem:$0x3FB0]  }
0x2d: {  	s3 =	simm.s32 $0x108;
	s8 =	sld [smem:$0x3FB1]  }
0x2e: {  	s3 =	simm.s32 @!p0 $0x1082;
	s9 =	sld [smem:$0x3FB2]  }
0x2f: {  	lr =	sadd.s32 s0, s3;
	s0 =	sld [smem:$0x3FA9]  }
0x30: {  	s3 =	sld [smem:$0x3FAC]  }
0x31: {  	[smem:$0x3FB5] =	sst s10  }
0x32: {  	s10 =	sld [smem:$0x3FB3];
	_ =	sdelay $0x3  }
0x33: {  	p0 =	seq.s32 s10, $0x1;
	s10 =	sld [smem:$0x3FB5];
	_ =	sdelay $0x3  }
0x34: {  	[smem:$0x3FB5] =	sst s10  }
0x35: {  	s10 =	sld [smem:$0x3FB4];
	_ =	sdelay $0x3  }
0x36: {  	p1 =	seq.s32 s10, $0x1;
	s10 =	sld [smem:$0x3FB5];
	_ =	sdelay $0x3  }
0x37: {  	[smem:$0x3FB5] =	sst s10  }
0x38: {  	s10 =	sld [smem:$0x3FB6]  }
0x39: {  	_ = 	snop;
	(pc) =	sbr.ind lr, $3  }
0x3a: {  	_ = 	snop  }
0x3b: {  	_ = 	snop  }
0x3c: {  	p2 =	seq.s32 s10, $0x1;
	s10 =	sld [smem:$0x3FB5]  }
0x3d: {  	_ =	shalt  }
0x3e: {  	_ =	shalt  }
0x3f: {  	_ =	shalt  }
0x40: {  	_ =	shalt  }
0x41: {  	_ =	shalt  }
0x42: {  	_ =	shalt  }
0x43: {  	_ =	shalt  }
0x44: {  	_ =	shalt  }
0x45: {  	_ =	shalt  }
0x46: {  	_ =	shalt  }
0x47: {  	_ =	shalt  }
0x48: {  	_ =	shalt  }
0x49: {  	_ =	shalt  }
0x4a: {  	_ =	shalt  }
0x4b: {  	_ =	shalt  }
0x4c: {  	_ =	shalt  }
0x4d: {  	_ =	shalt  }
0x4e: {  	_ =	shalt  }
0x4f: {  	_ =	shalt  }
0x50: {  	_ =	shalt  }
0x51: {  	_ =	shalt  }
0x52: {  	_ =	shalt  }
0x53: {  	_ =	shalt  }
0x54: {  	_ =	shalt  }
0x55: {  	_ =	shalt  }
0x56: {  	_ =	shalt  }
0x57: {  	_ =	shalt  }
0x58: {  	_ =	shalt  }
0x59: {  	_ =	shalt  }
0x5a: {  	_ =	shalt  }
0x5b: {  	_ =	shalt  }
0x5c: {  	_ =	shalt  }
0x5d: {  	_ =	shalt  }
0x5e: {  	_ =	shalt  }
0x5f: {  	_ =	shalt  }
0x60: {  	_ =	shalt  }
0x61: {  	_ =	shalt  }
0x62: {  	_ =	shalt  }
0x63: {  	_ =	shalt  }
0x64: {  	_ =	shalt  }
0x65: {  	_ =	shalt  }
0x66: {  	_ =	shalt  }
0x67: {  	_ =	shalt  }
0x68: {  	_ =	shalt  }
0x69: {  	_ =	shalt  }
0x6a: {  	_ =	shalt  }
0x6b: {  	_ =	shalt  }
0x6c: {  	_ =	shalt  }
0x6d: {  	_ =	shalt  }
0x6e: {  	_ =	shalt  }
0x6f: {  	_ =	shalt  }
0x70: {  	_ =	shalt  }
0x71: {  	_ =	shalt  }
0x72: {  	_ =	shalt  }
0x73: {  	_ =	shalt  }
0x74: {  	_ =	shalt  }
0x75: {  	_ =	shalt  }
0x76: {  	_ =	shalt  }
0x77: {  	_ =	shalt  }
0x78: {  	_ =	shalt  }
0x79: {  	_ =	shalt  }
0x7a: {  	_ =	shalt  }
0x7b: {  	_ =	shalt  }
0x7c: {  	_ =	shalt  }
0x7d: {  	_ =	shalt  }
0x7e: {  	_ =	shalt  }
0x7f: {  	_ =	shalt  }
0x80: {  	_ =	shalt  }
0x81: {  	_ =	shalt  }
0x82: {  	_ =	shalt  }
0x83: {  	_ =	shalt  }
0x84: {  	_ =	shalt  }
0x85: {  	_ =	shalt  }
0x86: {  	_ =	shalt  }
0x87: {  	_ =	shalt  }
.Lfunc_end0:
.L_simem_size_0:
called_computation_lowered:
.L_overlay_start_0:
0x88: {  	s2 =	sld [smem:$0x3FD9]  }
0x89: {  	s3 =	sld [smem:$0x3FFE];
	_ =	sdelay $0x1  }
0x8a: {  	s1 =	srdreg.scid  }
0x8b: {  	s0 =	sand.u32 $0x1, s1  }
0x8c: {  	s16 =	sshll.u32 s0, $0xA;
	s2 =	sadd.s32 s3, s2  }
0x8d: {  	s2 =	sadd.s32 s2, s16  }
0x8e: {  	[smem:$0x3FC1] =	sst s2  }
0x8f: {  	_ = 	snop  }
0x90: {  	(tm) =	ssettm $0x1  }
0x91: {  	s17 =	sld [smem:$0x3FFB];
	_ =	sdelay $0x3  }
0x92: {  	_ =	strace s17  }
0x93: {  	s2 =	sld [smem:$0x3FFC];
	_ =	sdelay $0x3  }
0x94: {  	_ =	strace s2  }
0x95: {  	s2 =	sld [smem:$0x3FFD];
	_ =	sdelay $0x3  }
0x96: {  	_ =	strace s2  }
0x97: {  	_ =	strace $0x8FFFFFFF  }
0x98: {  	s18 =	sld [smem:$0x3FDB];
	_ =	sdelay $0x1  }
0x99: {  	s19 =	simm.s32 $_scs_section_size  }
0x9a: {  	s4 =	simm.s32 $_size__tile_overlayer_lowered;
	s5 =	simm.s32 $_tile_overlayer_lowered  }
0x9b: {  	s22 =	simm.s32 $0x1BFF;
	s21 =	sshll.u32 s5, $0x1;
	s2 =	sadd.s32 s19, s18  }
0x9c: {  	s6 =	simm.s32 $0x0;
	s20 =	sshll.u32 s4, $0x1;
	s4 =	sadd.s32 s21, s2  }
0x9d: {  	[timem:s6], [sflag:s22] =	dma.local [hbm:s4], s20  }
0x9e: {  	_ =	swait.ge [sflag:s22], s20  }
0x9f: {  	s3 =	ssub.s32 $0x0, s20;
	[sflag:s22] =	ssyncset.done $0x0  }
0xa0: {  	[sflag:s22] =	ssyncadd.s32 s3;
	_ =	sdelay $0x1  }
0xa1: {  	s23 =	simm.s32 $0x1B8B  }
0xa2: {  	_ =	swait.ge [sflag:s23], $0x1  }
0xa3: {  	[sflag:s23] =	ssyncset.done $0x0  }
0xa4: {  	s25 =	simm.s32 $0x1B8E;
	s24 =	sld [smem:$0x3FFE];
	[sflag:s23] =	ssyncadd.s32 $0xFFFFFFFF  }
0xa5: {  	s26 =	simm.s32 $execute0_lowered;
	[smem:$0x3FD2] =	sst s25  }
0xa6: {  	s4 =	sshll.u32 s26, $0x1;
	_ =	strace $0x80000046;
	[dreg:$0x1] =	wrdreg $0xFFFFFFFF  }
0xa7: {  	s28 =	simm.s32 $_size_execute0_lowered;
	s2 =	sadd.s32 s2, s4;
	[dreg:$0x0] =	wrdreg $0x0  }
0xa8: {  	s4 =	sshll.u32 s28, $0x1;
	[dreg:$0x2] =	wrdreg s2  }
0xa9: {  	[dreg:$0x3] =	wrdreg s4  }
0xaa: {  	[dreg:$0x4] =	wrdreg $0xC0  }
0xab: {  	_ =	task [dreg:s6], $0x5FFFF  }
0xac: {  	[dreg:$0x1] =	wrdreg $0xFFFFFFFF  }
0xad: {  	[dreg:$0x0] =	wrdreg $0x60  }
0xae: {  	[dreg:$0x2] =	wrdreg s24  }
0xaf: {  	[dreg:$0x3] =	wrdreg $0x2A800  }
0xb0: {  	[dreg:$0x4] =	wrdreg $0x9  }
0xb1: {  	_ =	task.clear_ibuf [dreg:s6], $0x5FFFF;
	_ =	strace $0x90000046  }
0xb2: {  	s29 =	simm.s32 $0x9;
	_ =	strace $0x80000048  }
0xb3: {  	_ =	swait.ge [sflag:s29], $0x1  }
0xb4: {  	[sflag:s29] =	ssyncadd.s32 $0xFFFFFFFF  }
0xb5: {  	_ =	strace $0x90000048  }
0xb6: {  	_ =	sfence  }
0xb7: {  	s30 =	sld [smem:$0x0];
	_ =	sdelay $0x2  }
0xb8: {  	s31 =	sshll.u32 s1, $0xD;
	s1 =	sshrl.u32 s1, $0x2  }
0xb9: {  	s3 =	sand.u32 $0x4000, s31;
	s1 =	sadd.s32 s1, s30  }
0xba: {  	s0 =	sor.u32 s3, s0;
	s1 =	sshll.u32 s1, $0x11  }
0xbb: {  	s0 =	sor.u32 s1, s0  }
0xbc: {  	s0 =	sadd.s32 $0x8F2B, s0  }
0xbd: {  	[sflag:s0] =	ssyncadd.remote.s32 $0x1  }
0xbe: {  	_ =	sfence.sel $0xFFFF  }
0xbf: {  	[dreg:$0x0] =	wrdreg $0xFFFFFFFF;
	(pc) =	sbr.abs _section_cstart, $3  }
0xc0: {  	[dreg:$0x1] =	wrdreg $0xFFFFFFFF  }
0xc1: {  	_ =	task.clear_ibuf [dreg:s6], $0x2FFFF;
	_ =	strace $0x9FFFFFFF  }
0xc2: {  	(tm) =	ssettm $0x7FFFFFFF  }
0xc3: {  	_ =	shalt  }
tec
execute0_lowered:
.L_overlay_start_1:
0x0: {  	(tag) =	ssettag $0x1  }
0x1: {  	s4 =	rddreg [dreg:$0x0];
	s0 =	srdreg.scid  }
0x2: {  	s2 =	rddreg [dreg:$0x1];
	s1 =	stileid.u32  }
0x3: {  	s3 =	simm.s32 $0x0;
	s10 =	simm.s32 $0x2780;
	s11 =	simm.s32 $0x1  }
0x4: {  	s12 =	simm.s32 $0x80;
	s13 =	simm.s32 $0x100;
	s14 =	simm.s32 $0x0  }
0x5: {  	s5 =	sand.u32 $0x1, s0;
	s0 =	rddreg [dreg:$0x2];
	s7 =	smul.u32 $0x500, s1  }
0x6: {  	[smem:$0x7FF] =	sst s3;
	s30 =	smul.u32 $0xA00, s1;
	s6 =	sshll.u32 s5, $0x4  }
0x7: {  	s8 =	sshll.u32 s5, $0x7;
	_ =	strace $0x80000047;
	s6 =	sor.u32 s1, s6  }
0x8: {  	s5 =	ssub.s32 $0x2, s5;
	s7 =	sor.u32 s8, s7;
	s6 =	smul.u32 $0x4E2, s6  }
0x9: {  	s31 =	sshrl.u32 s5, $0x1;
	s8 =	sshrl.u32 s30, $0x2;
	s7 =	sshrl.u32 s7, $0x3  }
0xa: {  	s9 =	ssub.s32 s5, s31;
	s7 =	sadd.s32 s7, s4;
	s6 =	sadd.s32 s6, s4  }
0xb: {  	s4 =	sadd.s32 s8, s2;
	s8 =	simm.s32 $0x2800;
	s5 =	sadd.s32 $0x2800, s6  }
0xc: {  	v0 =	vimm.f32 $1.000000000e+00;
	v1 =	vimm.f32 $0.0e+00;
	vm0 =	vmmov $0xffff;
	s6 =	sadd.s32 $0x16400, s7;
	s7 =	smax.u32 s9, $0x1;
	s9 =	simm.s32 $0x2  }
.LBB2_1:
0xd: {  	[tilespmem:$0x2780] =	vst v0  }
0xe: {  	[tilespmem:$0x2800] =	vst v1  }
0xf: {  	[tilespmem:$0x2810] =	vst v1  }
0x10: {  	[tilespmem:$0x2820] =	vst v1  }
0x11: {  	[tilespmem:$0x2830] =	vst v1  }
0x12: {  	[tilespmem:$0x2840] =	vst v1  }
0x13: {  	[tilespmem:$0x2850] =	vst v1  }
0x14: {  	[tilespmem:$0x2860] =	vst v1  }
0x15: {  	[tilespmem:$0x2870] =	vst v1  }
0x16: {  	[tilespmem:$0x2880] =	vst v1  }
0x17: {  	[tilespmem:$0x2890] =	vst v1  }
0x18: {  	[tilespmem:$0x28A0] =	vst v1  }
0x19: {  	[tilespmem:$0x28B0] =	vst v1  }
0x1a: {  	[tilespmem:$0x28C0] =	vst v1  }
0x1b: {  	[tilespmem:$0x28D0] =	vst v1  }
0x1c: {  	[tilespmem:$0x28E0] =	vst v1  }
0x1d: {  	[tilespmem:$0x28F0] =	vst v1  }
0x1e: {  	[tilespmem:$0x2900] =	vst v1  }
0x1f: {  	[tilespmem:$0x2910] =	vst v1  }
0x20: {  	[tilespmem:$0x2920] =	vst v1  }
0x21: {  	[tilespmem:$0x2930] =	vst v1  }
0x22: {  	[tilespmem:$0x2940] =	vst v1  }
0x23: {  	[tilespmem:$0x2950] =	vst v1  }
0x24: {  	[tilespmem:$0x2960] =	vst v1  }
0x25: {  	[tilespmem:$0x2970] =	vst v1  }
0x26: {  	[tilespmem:$0x2980] =	vst v1  }
0x27: {  	[tilespmem:$0x2990] =	vst v1  }
0x28: {  	[tilespmem:$0x29A0] =	vst v1  }
0x29: {  	[tilespmem:$0x29B0] =	vst v1  }
0x2a: {  	[tilespmem:$0x29C0] =	vst v1  }
0x2b: {  	[tilespmem:$0x29D0] =	vst v1  }
0x2c: {  	[tilespmem:$0x29E0] =	vst v1  }
0x2d: {  	[tilespmem:$0x29F0] =	vst v1  }
0x2e: {  	[tilespmem:$0x2A00] =	vst v1  }
0x2f: {  	[tilespmem:$0x2A10] =	vst v1  }
0x30: {  	[tilespmem:$0x2A20] =	vst v1  }
0x31: {  	[tilespmem:$0x2A30] =	vst v1  }
0x32: {  	[tilespmem:$0x2A40] =	vst v1  }
0x33: {  	[tilespmem:$0x2A50] =	vst v1  }
0x34: {  	[tilespmem:$0x2A60] =	vst v1  }
0x35: {  	[tilespmem:$0x2A70] =	vst v1  }
0x36: {  	[spmem:s4] =	stream.linear.scatter [tilespmem:s8], [sflag:$0x2], $0x280, $0x38;
	[tilespmem:$0x2D00] =	vst v63  }
0x37: {  	_ =	swait.ge [sflag:s9], $0x280  }
0x38: {  	[sflag:s9] =	ssyncset.done $0x0  }
0x39: {  	[sflag:s9] =	ssyncadd.s32 $0xFFFFFD80  }
0x3a: {  	[tilespmem:s3], [sflag:$0x2] =	stream.linear.gather [hbm4b:s5+s3], $0x2710, $0x38;
	[tilespmem:$0x2D00] =	vst v63  }
0x3b: {  	_ =	swait.ge [sflag:s9], $0x2710  }
0x3c: {  	[sflag:s9] =	ssyncset.done $0x0  }
0x3d: {  	[sflag:s9] =	ssyncadd.s32 $0xFFFFD8F0  }
0x3e: {  	s15 =	simm.s32 $0xC0;
	s16 =	simm.s32 $0x0;
	[bflag:$0x0] =	sbarrier.arrive $0xFFFF  }
.LBB2_2:
0x3f: {  	v2 =	vld [tilespmem:s15+$0xFFFFFF40];
	_ =	sdelay $0x7  }
0x40: {  	[spmem:s2] =	stream.indirect_vreg.scatter.add.f32 [tilespmem:s10], [sflag:$0x1], $0x1, v2, vm0, $0xb8;
	[tilespmem:$0x2D00] =	vst v63  }
0x41: {  	v2 =	vld [tilespmem:s15+$0xFFFFFF50];
	_ =	sdelay $0x7  }
0x42: {  	[spmem:s2] =	stream.indirect_vreg.scatter.add.f32 [tilespmem:s10], [sflag:$0x1], $0x1, v2, vm0, $0xb8;
	[tilespmem:$0x2D00] =	vst v63  }
0x43: {  	v2 =	vld [tilespmem:s15+$0xFFFFFF60];
	_ =	sdelay $0x7  }
0x44: {  	[spmem:s2] =	stream.indirect_vreg.scatter.add.f32 [tilespmem:s10], [sflag:$0x1], $0x1, v2, vm0, $0xb8;
	[tilespmem:$0x2D00] =	vst v63  }
0x45: {  	v2 =	vld [tilespmem:s15+$0xFFFFFF70];
	_ =	sdelay $0x7  }
0x46: {  	[spmem:s2] =	stream.indirect_vreg.scatter.add.f32 [tilespmem:s10], [sflag:$0x1], $0x1, v2, vm0, $0xb8;
	[tilespmem:$0x2D00] =	vst v63  }
0x47: {  	v2 =	vld [tilespmem:s15+$0xFFFFFF80];
	_ =	sdelay $0x7  }
0x48: {  	[spmem:s2] =	stream.indirect_vreg.scatter.add.f32 [tilespmem:s10], [sflag:$0x1], $0x1, v2, vm0, $0xb8;
	[tilespmem:$0x2D00] =	vst v63  }
0x49: {  	v2 =	vld [tilespmem:s15+$0xFFFFFF90];
	_ =	sdelay $0x7  }
0x4a: {  	[spmem:s2] =	stream.indirect_vreg.scatter.add.f32 [tilespmem:s10], [sflag:$0x1], $0x1, v2, vm0, $0xb8;
	[tilespmem:$0x2D00] =	vst v63  }
0x4b: {  	v2 =	vld [tilespmem:s15+$0xFFFFFFA0];
	_ =	sdelay $0x7  }
0x4c: {  	[spmem:s2] =	stream.indirect_vreg.scatter.add.f32 [tilespmem:s10], [sflag:$0x1], $0x1, v2, vm0, $0xb8;
	[tilespmem:$0x2D00] =	vst v63  }
0x4d: {  	v2 =	vld [tilespmem:s15+$0xFFFFFFB0];
	_ =	sdelay $0x6  }
0x4e: {  	s17 =	sand.u32 $0x3FF0, s16  }
0x4f: {  	[spmem:s2] =	stream.indirect_vreg.scatter.add.f32 [tilespmem:s10], [sflag:$0x1], $0x1, v2, vm0, $0xb8;
	[tilespmem:$0x2D00] =	vst v63  }
0x50: {  	v2 =	vld [tilespmem:s17+$0x80];
	_ =	sdelay $0x7  }
0x51: {  	[spmem:s2] =	stream.indirect_vreg.scatter.add.f32 [tilespmem:s10], [sflag:$0x1], $0x1, v2, vm0, $0xb8;
	[tilespmem:$0x2D00] =	vst v63  }
0x52: {  	v2 =	vld [tilespmem:s15+$0xFFFFFFD0];
	_ =	sdelay $0x7  }
0x53: {  	[spmem:s2] =	stream.indirect_vreg.scatter.add.f32 [tilespmem:s10], [sflag:$0x1], $0x1, v2, vm0, $0xb8;
	[tilespmem:$0x2D00] =	vst v63  }
0x54: {  	v2 =	vld [tilespmem:s15+$0xFFFFFFE0];
	_ =	sdelay $0x7  }
0x55: {  	[spmem:s2] =	stream.indirect_vreg.scatter.add.f32 [tilespmem:s10], [sflag:$0x1], $0x1, v2, vm0, $0xb8;
	[tilespmem:$0x2D00] =	vst v63  }
0x56: {  	v2 =	vld [tilespmem:s15+$0xFFFFFFF0];
	_ =	sdelay $0x7  }
0x57: {  	[spmem:s2] =	stream.indirect_vreg.scatter.add.f32 [tilespmem:s10], [sflag:$0x1], $0x1, v2, vm0, $0xb8;
	[tilespmem:$0x2D00] =	vst v63  }
0x58: {  	v2 =	vld [tilespmem:s15+$0x0];
	_ =	sdelay $0x7  }
0x59: {  	[spmem:s2] =	stream.indirect_vreg.scatter.add.f32 [tilespmem:s10], [sflag:$0x1], $0x1, v2, vm0, $0xb8;
	[tilespmem:$0x2D00] =	vst v63  }
0x5a: {  	v2 =	vld [tilespmem:s15+$0x10];
	_ =	sdelay $0x7  }
0x5b: {  	[spmem:s2] =	stream.indirect_vreg.scatter.add.f32 [tilespmem:s10], [sflag:$0x1], $0x1, v2, vm0, $0xb8;
	[tilespmem:$0x2D00] =	vst v63  }
0x5c: {  	v2 =	vld [tilespmem:s15+$0x20];
	_ =	sdelay $0x7  }
0x5d: {  	[spmem:s2] =	stream.indirect_vreg.scatter.add.f32 [tilespmem:s10], [sflag:$0x1], $0x1, v2, vm0, $0xb8;
	[tilespmem:$0x2D00] =	vst v63  }
0x5e: {  	v2 =	vld [tilespmem:s15+$0x30];
	_ =	sdelay $0x7  }
0x5f: {  	[spmem:s2] =	stream.indirect_vreg.scatter.add.f32 [tilespmem:s10], [sflag:$0x1], $0x1, v2, vm0, $0xb8;
	[tilespmem:$0x2D00] =	vst v63  }
0x60: {  	v2 =	vld [tilespmem:s17+$0x100];
	_ =	sdelay $0x7  }
0x61: {  	[spmem:s2] =	stream.indirect_vreg.scatter.add.f32 [tilespmem:s10], [sflag:$0x1], $0x1, v2, vm0, $0xb8;
	[tilespmem:$0x2D00] =	vst v63  }
0x62: {  	v2 =	vld [tilespmem:s15+$0x50];
	_ =	sdelay $0x7  }
0x63: {  	[spmem:s2] =	stream.indirect_vreg.scatter.add.f32 [tilespmem:s10], [sflag:$0x1], $0x1, v2, vm0, $0xb8;
	[tilespmem:$0x2D00] =	vst v63  }
0x64: {  	v2 =	vld [tilespmem:s15+$0x60];
	_ =	sdelay $0x7  }
0x65: {  	[spmem:s2] =	stream.indirect_vreg.scatter.add.f32 [tilespmem:s10], [sflag:$0x1], $0x1, v2, vm0, $0xb8;
	[tilespmem:$0x2D00] =	vst v63  }
0x66: {  	v2 =	vld [tilespmem:s15+$0x70];
	_ =	sdelay $0x7  }
0x67: {  	[spmem:s2] =	stream.indirect_vreg.scatter.add.f32 [tilespmem:s10], [sflag:$0x1], $0x1, v2, vm0, $0xb8;
	[tilespmem:$0x2D00] =	vst v63  }
0x68: {  	v2 =	vld [tilespmem:s15+$0x80];
	_ =	sdelay $0x7  }
0x69: {  	[spmem:s2] =	stream.indirect_vreg.scatter.add.f32 [tilespmem:s10], [sflag:$0x1], $0x1, v2, vm0, $0xb8;
	[tilespmem:$0x2D00] =	vst v63  }
0x6a: {  	v2 =	vld [tilespmem:s15+$0x90];
	_ =	sdelay $0x7  }
0x6b: {  	[spmem:s2] =	stream.indirect_vreg.scatter.add.f32 [tilespmem:s10], [sflag:$0x1], $0x1, v2, vm0, $0xb8;
	[tilespmem:$0x2D00] =	vst v63  }
0x6c: {  	v2 =	vld [tilespmem:s15+$0xA0];
	_ =	sdelay $0x7  }
0x6d: {  	[spmem:s2] =	stream.indirect_vreg.scatter.add.f32 [tilespmem:s10], [sflag:$0x1], $0x1, v2, vm0, $0xb8;
	[tilespmem:$0x2D00] =	vst v63  }
0x6e: {  	v2 =	vld [tilespmem:s15+$0xB0];
	_ =	sdelay $0x7  }
0x6f: {  	[spmem:s2] =	stream.indirect_vreg.scatter.add.f32 [tilespmem:s10], [sflag:$0x1], $0x1, v2, vm0, $0xb8;
	[tilespmem:$0x2D00] =	vst v63  }
0x70: {  	v2 =	vld [tilespmem:s17+$0x180];
	_ =	sdelay $0x7  }
0x71: {  	[spmem:s2] =	stream.indirect_vreg.scatter.add.f32 [tilespmem:s10], [sflag:$0x1], $0x1, v2, vm0, $0xb8;
	[tilespmem:$0x2D00] =	vst v63  }
0x72: {  	_ =	swait.ge [sflag:s11], $0x10  }
0x73: {  	[sflag:s11] =	ssyncset.done $0x0  }
0x74: {  	[sflag:s11] =	ssyncadd.s32 $0xFFFFFFF0  }
0x75: {  	_ =	swait.ge [sflag:s11], $0x10  }
0x76: {  	[sflag:s11] =	ssyncset.done $0x0  }
0x77: {  	[sflag:s11] =	ssyncadd.s32 $0xFFFFFFF0  }
0x78: {  	_ =	swait.ge [sflag:s11], $0x10  }
0x79: {  	[sflag:s11] =	ssyncset.done $0x0  }
0x7a: {  	[sflag:s11] =	ssyncadd.s32 $0xFFFFFFF0  }
0x7b: {  	_ =	swait.ge [sflag:s11], $0x10  }
0x7c: {  	[sflag:s11] =	ssyncset.done $0x0  }
0x7d: {  	[sflag:s11] =	ssyncadd.s32 $0xFFFFFFF0  }
0x7e: {  	_ =	swait.ge [sflag:s11], $0x10  }
0x7f: {  	[sflag:s11] =	ssyncset.done $0x0  }
0x80: {  	[sflag:s11] =	ssyncadd.s32 $0xFFFFFFF0  }
0x81: {  	_ =	swait.ge [sflag:s11], $0x10  }
0x82: {  	[sflag:s11] =	ssyncset.done $0x0  }
0x83: {  	[sflag:s11] =	ssyncadd.s32 $0xFFFFFFF0  }
0x84: {  	_ =	swait.ge [sflag:s11], $0x10  }
0x85: {  	[sflag:s11] =	ssyncset.done $0x0  }
0x86: {  	[sflag:s11] =	ssyncadd.s32 $0xFFFFFFF0  }
0x87: {  	_ =	swait.ge [sflag:s11], $0x10  }
0x88: {  	[sflag:s11] =	ssyncset.done $0x0  }
0x89: {  	[sflag:s11] =	ssyncadd.s32 $0xFFFFFFF0  }
0x8a: {  	_ =	swait.ge [sflag:s11], $0x10  }
0x8b: {  	[sflag:s11] =	ssyncset.done $0x0  }
0x8c: {  	[sflag:s11] =	ssyncadd.s32 $0xFFFFFFF0  }
0x8d: {  	_ =	swait.ge [sflag:s11], $0x10  }
0x8e: {  	[sflag:s11] =	ssyncset.done $0x0  }
0x8f: {  	[sflag:s11] =	ssyncadd.s32 $0xFFFFFFF0  }
0x90: {  	_ =	swait.ge [sflag:s11], $0x10  }
0x91: {  	[sflag:s11] =	ssyncset.done $0x0  }
0x92: {  	[sflag:s11] =	ssyncadd.s32 $0xFFFFFFF0  }
0x93: {  	_ =	swait.ge [sflag:s11], $0x10  }
0x94: {  	[sflag:s11] =	ssyncset.done $0x0  }
0x95: {  	[sflag:s11] =	ssyncadd.s32 $0xFFFFFFF0  }
0x96: {  	_ =	swait.ge [sflag:s11], $0x10  }
0x97: {  	[sflag:s11] =	ssyncset.done $0x0  }
0x98: {  	[sflag:s11] =	ssyncadd.s32 $0xFFFFFFF0  }
0x99: {  	_ =	swait.ge [sflag:s11], $0x10  }
0x9a: {  	[sflag:s11] =	ssyncset.done $0x0  }
0x9b: {  	[sflag:s11] =	ssyncadd.s32 $0xFFFFFFF0  }
0x9c: {  	_ =	swait.ge [sflag:s11], $0x10  }
0x9d: {  	[sflag:s11] =	ssyncset.done $0x0  }
0x9e: {  	[sflag:s11] =	ssyncadd.s32 $0xFFFFFFF0  }
0x9f: {  	_ =	swait.ge [sflag:s11], $0x10  }
0xa0: {  	[sflag:s11] =	ssyncset.done $0x0  }
0xa1: {  	[sflag:s11] =	ssyncadd.s32 $0xFFFFFFF0  }
0xa2: {  	_ =	swait.ge [sflag:s11], $0x10  }
0xa3: {  	[sflag:s11] =	ssyncset.done $0x0  }
0xa4: {  	[sflag:s11] =	ssyncadd.s32 $0xFFFFFFF0  }
0xa5: {  	_ =	swait.ge [sflag:s11], $0x10  }
0xa6: {  	[sflag:s11] =	ssyncset.done $0x0  }
0xa7: {  	[sflag:s11] =	ssyncadd.s32 $0xFFFFFFF0  }
0xa8: {  	_ =	swait.ge [sflag:s11], $0x10  }
0xa9: {  	[sflag:s11] =	ssyncset.done $0x0  }
0xaa: {  	[sflag:s11] =	ssyncadd.s32 $0xFFFFFFF0  }
0xab: {  	_ =	swait.ge [sflag:s11], $0x10  }
0xac: {  	[sflag:s11] =	ssyncset.done $0x0  }
0xad: {  	[sflag:s11] =	ssyncadd.s32 $0xFFFFFFF0  }
0xae: {  	_ =	swait.ge [sflag:s11], $0x10  }
0xaf: {  	[sflag:s11] =	ssyncset.done $0x0  }
0xb0: {  	[sflag:s11] =	ssyncadd.s32 $0xFFFFFFF0  }
0xb1: {  	_ =	swait.ge [sflag:s11], $0x10  }
0xb2: {  	[sflag:s11] =	ssyncset.done $0x0  }
0xb3: {  	[sflag:s11] =	ssyncadd.s32 $0xFFFFFFF0  }
0xb4: {  	_ =	swait.ge [sflag:s11], $0x10  }
0xb5: {  	[sflag:s11] =	ssyncset.done $0x0  }
0xb6: {  	[sflag:s11] =	ssyncadd.s32 $0xFFFFFFF0  }
0xb7: {  	p0 =	sne.s32 s16, $0x2580;
	_ =	swait.ge [sflag:s11], $0x10  }
.Ltmp0:
0xb8: {  	[sflag:s11] =	ssyncset.done $0x0;
	(pc) =	sbr.rel @p0 .LBB2_2-.Ltmp0, $4  }
0xb9: {  	[sflag:s11] =	ssyncadd.s32 $0xFFFFFFF0  }
0xba: {  	_ =	swait.ge [sflag:s11], $0x10  }
0xbb: {  	[sflag:s11] =	ssyncset.done $0x0  }
0xbc: {  	s16 =	sadd.s32 $0x190, s16;
	s15 =	sadd.s32 $0x190, s15;
	[sflag:s11] =	ssyncadd.s32 $0xFFFFFFF0  }
0xbd: {  	[bflag:$0x0] =	sbarrier.arrive $0xFFFF  }
0xbe: {  	[tilespmem:s8], [sflag:$0x2] =	stream.linear.gather [spmem:s4], $0x280, $0x38;
	[tilespmem:$0x2D00] =	vst v63  }
0xbf: {  	s14 =	sadd.s32 $0x1, s14;
	_ =	swait.ge [sflag:s9], $0x280  }
0xc0: {  	p0 =	sne.s32 s14, s7;
	[sflag:s9] =	ssyncset.done $0x0  }
.Ltmp1:
0xc1: {  	[sflag:s9] =	ssyncadd.s32 $0xFFFFFD80;
	(pc) =	sbr.rel @p0 .LBB2_1-.Ltmp1, $4  }
0xc2: {  	[hbm4b:s6+s12] =	stream.strided.scatter [tilespmem:s8], [sflag:$0x2], $0x280, s13, s12, $0x38;
	[tilespmem:$0x2D00] =	vst v63  }
0xc3: {  	_ =	swait.ge [sflag:s9], $0x280  }
0xc4: {  	[sflag:s9] =	ssyncset.done $0x0  }
0xc5: {  	[sflag:s9] =	ssyncadd.s32 $0xFFFFFD80  }
0xc6: {  	_ =	sfence.sel $0x180000  }
0xc7: {  	[bflag:$0x0] =	sbarrier.arrive $0xFFFF  }
0xc8: {  	p0 =	sne.s32 s1, $0x0;
	_ =	strace $0x90000047  }
0xc9: {  	s0 =	sadd.s32 @!p0 $0x100000, s0;
	[bflag:$0x2] =	sbarrier.arrive $0xFFFF  }
0xca: {  	[sflag:s0] =	ssyncadd.tile.s32 @!p0 $0x1;
	_ =	shalt  }
.Lfunc_end2:
_tile_overlayer_lowered:
.L_overlay_start_2:
0xcb: {  	(tag) =	ssettag $0x2  }
0xcc: {  	s0 =	rddreg [dreg:$0x0];
	s2 =	stileid.u32  }
0xcd: {  	s1 =	rddreg [dreg:$0x1];
	p0 =	sne.s32 s2, $0x0  }
0xce: {  	s3 =	rddreg [dreg:$0x2];
	[bflag:$0x3] =	sbarrier.arrive $0xFFFF;
	s2 =	simm.s32 @!p0 $0x1C02  }
0xcf: {  	[timem:s3], [sflag:s2] =	dma.local @!p0 [hbm:s0], s1  }
0xd0: {  	s0 =	simm.s32 @!p0 $0x2  }
0xd1: {  	_ =	swait.ge @!p0 [sflag:s0], s1  }
0xd2: {  	s1 =	ssub.s32 @!p0 $0x0, s1;
	[sflag:s0] =	ssyncset.done @!p0 $0x0  }
0xd3: {  	[sflag:s0] =	ssyncadd.s32 @!p0 s1  }
0xd4: {  	[bflag:$0x3] =	sbarrier.arrive $0xFFFF  }
0xd5: {  	_ =	shalt  }

</sc_bundles>
